<compile_context>
chip_gen: v7x
topology: tpu7x:2x2x1
jax: 0.10.2.dev20260603
libtpu: 0.0.44.dev20260713+nightly
codegen_flags: <defaults>
</compile_context>

<pallas_src>
import functools

import jax
import jax.numpy as jnp
from jax import lax
from jax.experimental import pallas as pl
from jax.experimental.pallas import tpu as pltpu
from jax.experimental.pallas import tpu_sc as plsc

N_CH = 64
IN_F = 32
OUT_F = 32
KDIM = N_CH * IN_F
BATCH = 16384
NCORES = 2
NSUB = 16
NW = NCORES * NSUB
SBLK = 4
ROWS_NAT = 2048
ROWS_CPT = BATCH - ROWS_NAT
BLK = 16


def _mlp_body(coord_ref, w1_ref, b1_ref, w2_ref, b2_ref, out_ref):
    h = jnp.dot(coord_ref[...], w1_ref[...], preferred_element_type=jnp.float32)
    h = jnp.maximum(h + b1_ref[...], 0.0)
    w = jnp.dot(h, w2_ref[...], preferred_element_type=jnp.float32)
    out_ref[...] = w + b2_ref[...]


def _mlp_call(coord2, w1, b1, w2, b2):
    return pl.pallas_call(
        _mlp_body,
        out_shape=jax.ShapeDtypeStruct((N_CH * N_CH, 1), jnp.float32),
    )(coord2, w1, b1, w2, b2)


def _mat_body(ws_ref, f_ref, w0_ref, w1_ref, chebb_ref, convw_ref, convb_ref,
              fcb_ref, m_ref, const_ref):
    ws = ws_ref[...]
    ri = lax.broadcasted_iota(jnp.int32, (N_CH, N_CH), 0)
    ci = lax.broadcasted_iota(jnp.int32, (N_CH, N_CH), 1)
    a = jnp.where((ws > 0.1) & (ri != ci), ws, 0.0)
    deg = jnp.sum(a, axis=1, keepdims=True)
    safe = jnp.where(deg > 0.0, deg, 1.0)
    dis = jnp.where(deg > 0.0, lax.rsqrt(safe), 0.0)
    convw = convw_ref[...]
    cvec = convw * chebb_ref[...] + convb_ref[...]
    consts = []
    for c in range(2):
        fc = f_ref[c]
        g0 = lax.dot_general(fc, w0_ref[...], (((1,), (1,)), ((), ())),
                             preferred_element_type=jnp.float32)
        h1 = lax.dot_general(fc, w1_ref[...], (((1,), (1,)), ((), ())),
                             preferred_element_type=jnp.float32)
        t1 = -dis * lax.dot_general(a, dis * h1, (((0,), (0,)), ((), ())),
                                    preferred_element_type=jnp.float32)
        m_ref[c] = convw * (g0 + t1)
        consts.append((jnp.sum(cvec * fc) + fcb_ref[0, c]).reshape(1, 1))
    const_ref[...] = jnp.concatenate(consts, axis=1)


def _mat_call(ws, f, w0, w1, chebb, convw, convb, fcb):
    return pl.pallas_call(
        _mat_body,
        out_shape=(
            jax.ShapeDtypeStruct((2, N_CH, OUT_F), jnp.float32),
            jax.ShapeDtypeStruct((1, 2), jnp.float32),
        ),
    )(ws, f, w0, w1, chebb, convw, convb, fcb)


def _sc_native_call(x3, m2, cpad):
    rows_per_w = ROWS_NAT // NW
    nsb = rows_per_w // SBLK
    mesh = plsc.VectorSubcoreMesh(core_axis_name="c", subcore_axis_name="s")

    @functools.partial(
        pl.kernel,
        mesh=mesh,
        out_type=(jax.ShapeDtypeStruct((ROWS_NAT,), jnp.float32),
                  jax.ShapeDtypeStruct((ROWS_NAT,), jnp.float32)),
        scratch_types=[
            pltpu.VMEM((2, KDIM), jnp.float32),
            pltpu.VMEM((16,), jnp.float32),
            pltpu.VMEM((SBLK, N_CH, IN_F), jnp.float32),
            pltpu.VMEM((SBLK, N_CH, IN_F), jnp.float32),
            pltpu.VMEM((rows_per_w,), jnp.float32),
            pltpu.VMEM((rows_per_w,), jnp.float32),
            pltpu.SemaphoreType.DMA,
            pltpu.SemaphoreType.DMA,
        ],
    )
    def k(x_hbm, m_hbm, c_hbm, out0_hbm, out1_hbm, m_v, c_v, xb0, xb1,
          ov0, ov1, sem0, sem1):
        cid = lax.axis_index("c")
        sid = lax.axis_index("s")
        wid = cid * NSUB + sid
        base = wid * rows_per_w

        pltpu.sync_copy(m_hbm, m_v)
        pltpu.sync_copy(c_hbm, c_v)
        cvals = c_v[...]
        c0 = cvals[0]
        c1 = cvals[1]
        iot = lax.iota(jnp.int32, 16)
        zero = jnp.zeros((16,), jnp.float32)
        pe = (iot % 8) * 2
        po = pe + 1
        mlo = iot < 8

        _gdn = lax.GatherDimensionNumbers(
            offset_dims=(), collapsed_slice_dims=(0,), start_index_map=(0,))

        def _perm(v, idx):
            return lax.gather(
                v, idx[:, None], dimension_numbers=_gdn, slice_sizes=(1,),
                mode=lax.GatherScatterMode.PROMISE_IN_BOUNDS)

        def hadd(a, b):
            lo = _perm(a, pe) + _perm(a, po)
            hi = _perm(b, pe) + _perm(b, po)
            return jnp.where(mlo, lo, hi)

        def hreduce(vs):
            while len(vs) > 1:
                vs = [hadd(vs[2 * i], vs[2 * i + 1])
                      for i in range(len(vs) // 2)]
            return vs[0]

        bufs = (xb0, xb1)
        sems = (sem0, sem1)

        pltpu.async_copy(x_hbm.at[pl.ds(base, SBLK)], xb0, sem0)

        def compute_subblock(buf):
            def jbody(n, accs):
                k0 = n * IN_F
                m0a = m_v[0, pl.ds(k0, 16)]
                m1a = m_v[1, pl.ds(k0, 16)]
                m0b = m_v[0, pl.ds(k0 + 16, 16)]
                m1b = m_v[1, pl.ds(k0 + 16, 16)]
                new = []
                for r in range(SBLK):
                    xa = buf[r, n, pl.ds(0, 16)]
                    xb = buf[r, n, pl.ds(16, 16)]
                    new.append(accs[2 * r] + xa * m0a + xb * m0b)
                    new.append(accs[2 * r + 1] + xa * m1a + xb * m1b)
                return tuple(new)

            return lax.fori_loop(0, N_CH, jbody, (zero,) * (2 * SBLK),
                                 unroll=2)

        def outer(g, _):
            acc0 = []
            acc1 = []
            for i in range(16 // SBLK):
                blk = g * (16 // SBLK) + i
                pltpu.make_async_copy(
                    x_hbm.at[pl.ds(0, SBLK)], bufs[i % 2],
                    sems[i % 2]).wait()
                nxt = lax.rem(blk + 1, nsb)
                pltpu.async_copy(
                    x_hbm.at[pl.ds(base + nxt * SBLK, SBLK)],
                    bufs[(i + 1) % 2], sems[(i + 1) % 2])
                accs = compute_subblock(bufs[i % 2])
                acc0.extend(accs[0::2])
                acc1.extend(accs[1::2])
            res0 = hreduce(acc0)
            res1 = hreduce(acc1)
            row0 = g * 16
            ov0[pl.ds(row0, 16)] = res0 + c0
            ov1[pl.ds(row0, 16)] = res1 + c1
            return 0

        lax.fori_loop(0, rows_per_w // 16, outer, 0)
        pltpu.make_async_copy(x_hbm.at[pl.ds(0, SBLK)], xb0, sem0).wait()

        pltpu.sync_copy(ov0, out0_hbm.at[pl.ds(wid * rows_per_w,
                                               rows_per_w)])
        pltpu.sync_copy(ov1, out1_hbm.at[pl.ds(wid * rows_per_w,
                                               rows_per_w)])

    return k(x3, m2, cpad)


def _sc_compact_call(x2, m2, cpad):
    rows_per_w = ROWS_CPT // NW
    nblk = rows_per_w // BLK
    mesh = plsc.VectorSubcoreMesh(core_axis_name="c", subcore_axis_name="s")

    @functools.partial(
        pl.kernel,
        mesh=mesh,
        out_type=(jax.ShapeDtypeStruct((ROWS_CPT,), jnp.float32),
                  jax.ShapeDtypeStruct((ROWS_CPT,), jnp.float32)),
        scratch_types=[
            pltpu.VMEM((2, KDIM), jnp.float32),
            pltpu.VMEM((16,), jnp.float32),
            pltpu.VMEM((BLK, KDIM), jnp.float32),
            pltpu.VMEM((BLK, KDIM), jnp.float32),
            pltpu.VMEM((rows_per_w,), jnp.float32),
            pltpu.VMEM((rows_per_w,), jnp.float32),
            pltpu.SemaphoreType.DMA,
            pltpu.SemaphoreType.DMA,
        ],
    )
    def k(x_hbm, m_hbm, c_hbm, out0_hbm, out1_hbm, m_v,
          c_v, xb0, xb1, ov0, ov1, sem0, sem1):
        cid = lax.axis_index("c")
        sid = lax.axis_index("s")
        wid = cid * NSUB + sid
        base = wid * rows_per_w

        pltpu.sync_copy(m_hbm, m_v)
        pltpu.sync_copy(c_hbm, c_v)
        cvals = c_v[...]
        c0 = cvals[0]
        c1 = cvals[1]
        iot = lax.iota(jnp.int32, 16)
        zero = jnp.zeros((16,), jnp.float32)
        pe = (iot % 8) * 2
        po = pe + 1
        mlo = iot < 8

        _gdn = lax.GatherDimensionNumbers(
            offset_dims=(), collapsed_slice_dims=(0,), start_index_map=(0,))

        def _perm(v, idx):
            return lax.gather(
                v, idx[:, None], dimension_numbers=_gdn, slice_sizes=(1,),
                mode=lax.GatherScatterMode.PROMISE_IN_BOUNDS)

        def hadd(a, b):
            lo = _perm(a, pe) + _perm(a, po)
            hi = _perm(b, pe) + _perm(b, po)
            return jnp.where(mlo, lo, hi)

        def hreduce(vs):
            while len(vs) > 1:
                vs = [hadd(vs[2 * i], vs[2 * i + 1])
                      for i in range(len(vs) // 2)]
            return vs[0]

        bufs = (xb0, xb1)
        sems = (sem0, sem1)

        pltpu.async_copy(x_hbm.at[pl.ds(base, BLK), :], xb0, sem0)

        def compute_block(buf, blk):
            row0 = blk * BLK

            def jbody(j, accs):
                off = j * 16
                m0 = m_v[0, pl.ds(off, 16)]
                m1 = m_v[1, pl.ds(off, 16)]
                new = []
                for r in range(BLK):
                    xv = buf[r, pl.ds(off, 16)]
                    new.append(accs[2 * r] + xv * m0)
                    new.append(accs[2 * r + 1] + xv * m1)
                return tuple(new)

            init = (zero,) * (2 * BLK)
            accs = lax.fori_loop(0, KDIM // 16, jbody, init, unroll=2)
            res0 = hreduce([accs[2 * r] for r in range(BLK)])
            res1 = hreduce([accs[2 * r + 1] for r in range(BLK)])
            ov0[pl.ds(row0, BLK)] = res0 + c0
            ov1[pl.ds(row0, BLK)] = res1 + c1

        def outer(i, _):
            for b in range(2):
                blk = i * 2 + b
                pltpu.make_async_copy(
                    x_hbm.at[pl.ds(0, BLK), :], bufs[b], sems[b]).wait()
                nxt = lax.rem(blk + 1, nblk)
                pltpu.async_copy(
                    x_hbm.at[pl.ds(base + nxt * BLK, BLK), :],
                    bufs[1 - b], sems[1 - b])
                compute_block(bufs[b], blk)
            return 0

        lax.fori_loop(0, nblk // 2, outer, 0)
        pltpu.make_async_copy(x_hbm.at[pl.ds(0, BLK), :], xb0, sem0).wait()

        pltpu.sync_copy(ov0, out0_hbm.at[pl.ds(base, rows_per_w)])
        pltpu.sync_copy(ov1, out1_hbm.at[pl.ds(base, rows_per_w)])

    return k(x2, m2, cpad)


def kernel(x, coord, adj_w1, adj_b1, adj_w2, adj_b2, cheb_w, cheb_b,
           conv_w, conv_b, fc_w, fc_b):
    coord2 = coord.reshape(N_CH * N_CH, 4)
    ws_flat = _mlp_call(coord2, adj_w1, adj_b1.reshape(1, N_CH),
                        adj_w2, adj_b2.reshape(1, 1))
    ws = ws_flat.reshape(N_CH, N_CH)
    f = fc_w.reshape(N_CH, OUT_F, 2).transpose(2, 0, 1)
    m3, const = _mat_call(ws, f, cheb_w[0], cheb_w[1],
                          cheb_b.reshape(1, OUT_F),
                          conv_w.reshape(1, 1), conv_b.reshape(1, 1),
                          fc_b.reshape(1, 2))
    m2 = m3.reshape(2, KDIM)
    cpad = jnp.concatenate([const.reshape(2),
                            jnp.zeros((14,), jnp.float32)])
    nat0, nat1 = _sc_native_call(x, m2, cpad)
    x2 = x[ROWS_NAT:].reshape(ROWS_CPT, KDIM)
    cpt0, cpt1 = _sc_compact_call(x2, m2, cpad)
    return jnp.stack([jnp.concatenate([nat0, cpt0]),
                      jnp.concatenate([nat1, cpt1])], axis=-1)

# --- scband reference (transcript-rebuilt; emitter-appended) ---
"""Pipeline reference for scband-dcgnn-3487513444705 (READ-ONLY COPY).

The authoritative reference and input builder live on the scoring server;
editing this copy changes nothing except your own understanding.
"""

import jax, jax.numpy as jnp
import numpy as np

BATCH = 16384
N_CH = 64
IN_F = 32
OUT_F = 32
K = 2
N_CLASSES = 2


def setup_inputs(seed: int = 0) -> dict:
    key = jax.random.key(seed)
    ks = jax.random.split(key, 12)
    x = jax.random.normal(ks[0], (BATCH, N_CH, IN_F), dtype=jnp.float32)
    # coord buffer (xavier-uniform-scale init on [N, N, 4])
    coord = jax.random.normal(ks[1], (N_CH, N_CH, 4), dtype=jnp.float32) * 0.1
    # adj_fc: Linear(4, 64) -> ReLU -> Linear(64, 1)
    adj_w1 = jax.random.normal(ks[2], (4, 64), dtype=jnp.float32)
    adj_b1 = jax.random.normal(ks[3], (64,), dtype=jnp.float32) * 0.1
    adj_w2 = jax.random.normal(ks[4], (64, 1), dtype=jnp.float32) * 0.3
    adj_b2 = jax.random.normal(ks[5], (1,), dtype=jnp.float32) * 0.1
    # ChebConv: K bias-free linear maps [IN_F, OUT_F] + one shared bias
    cheb_w = jax.random.normal(ks[6], (K, IN_F, OUT_F), dtype=jnp.float32) * (2.0 / (IN_F + OUT_F)) ** 0.5
    cheb_b = jnp.zeros((OUT_F,), dtype=jnp.float32)
    # conv11: Conv2d(1, 1, kernel_size=(1, 1)) == scalar weight + scalar bias
    conv_w = jax.random.normal(ks[7], (), dtype=jnp.float32)
    conv_b = jax.random.normal(ks[8], (), dtype=jnp.float32) * 0.1
    # fc: Dropout(0.0) -> Linear(OUT_F * N_CH, N_CLASSES)
    fc_w = jax.random.normal(ks[9], (OUT_F * N_CH, N_CLASSES), dtype=jnp.float32) * (1.0 / (OUT_F * N_CH)) ** 0.5
    fc_b = jnp.zeros((N_CLASSES,), dtype=jnp.float32)
    return {"x": x, "coord": coord, "adj_w1": adj_w1, "adj_b1": adj_b1,
            "adj_w2": adj_w2, "adj_b2": adj_b2, "cheb_w": cheb_w, "cheb_b": cheb_b,
            "conv_w": conv_w, "conv_b": conv_b, "fc_w": fc_w, "fc_b": fc_b}


def reference(x, coord, adj_w1, adj_b1, adj_w2, adj_b2, cheb_w, cheb_b, conv_w, conv_b, fc_w, fc_b):
    # W_star = adj_fc(coord).squeeze()
    h = jnp.maximum(jnp.einsum('nmc,cd->nmd', coord, adj_w1) + adj_b1, 0.0)
    w_star = (jnp.einsum('nmd,do->nmo', h, adj_w2) + adj_b2)[..., 0]  # [N, N]
    n = w_star.shape[0]
    # edge_index = (W_star > 0.1).nonzero(); edge_weight = W_star[edges]
    # Dense equivalent of ChebConv 'sym' normalization with lambda_max = 2.0:
    # get_laplacian removes self loops, L = I - D^{-1/2} A D^{-1/2};
    # scale 2/lambda_max = 1; add self loops with fill -1 => L_hat = -D^{-1/2} A D^{-1/2}, zero diagonal.
    a = jnp.where(w_star > 0.1, w_star, 0.0)
    a = a * (1.0 - jnp.eye(n, dtype=a.dtype))
    deg = a.sum(axis=1)
    safe = jnp.where(deg > 0.0, deg, 1.0)
    dis = jnp.where(deg > 0.0, jax.lax.rsqrt(safe), 0.0)
    l_hat = -(dis[:, None] * a * dis[None, :])
    # Chebyshev recurrence: Tx0 = x; Tx1 = L_hat x; Tx_k = 2 L_hat Tx_{k-1} - Tx_{k-2}
    tx0 = x
    out = tx0 @ cheb_w[0]
    tx1 = jnp.einsum('ij,bjf->bif', l_hat, x)
    out = out + tx1 @ cheb_w[1]
    for k in range(2, K):
        tx2 = 2.0 * jnp.einsum('ij,bjf->bif', l_hat, tx1) - tx0
        out = out + tx2 @ cheb_w[k]
        tx0, tx1 = tx1, tx2
    out = out + cheb_b  # [B, N, OUT_F]
    # unsqueeze(1) -> conv11 (1x1 conv, scalar affine) -> reshape
    out = conv_w * out + conv_b
    out = out.reshape(out.shape[0], -1)  # [B, N * OUT_F]
    # fc (dropout p=0 is identity)
    return out @ fc_w + fc_b

if __name__ == "__main__":
    import jax
    _d = setup_inputs()
    print(jax.jit(kernel)(*tuple(_d.values())))

</pallas_src>

<mosaic_0001>
#map = affine_map<(d0, d1) -> (0, 0)>
#map1 = affine_map<(d0, d1) -> (0)>
module attributes {stable_mosaic.version = 14 : i64} {
  func.func @k(%arg0: i32, %arg1: i32, %arg2: memref<14336x2048xf32, #tpu.memory_space<hbm>>, %arg3: memref<2x2048xf32, #tpu.memory_space<hbm>>, %arg4: memref<16xf32, #tpu.memory_space<hbm>>, %arg5: memref<14336xf32, #tpu.memory_space<hbm>>, %arg6: memref<14336xf32, #tpu.memory_space<hbm>>, %arg7: memref<2x2048xf32, #tpu.memory_space<vmem>>, %arg8: memref<16xf32, #tpu.memory_space<vmem>>, %arg9: memref<16x2048xf32, #tpu.memory_space<vmem>>, %arg10: memref<16x2048xf32, #tpu.memory_space<vmem>>, %arg11: memref<448xf32, #tpu.memory_space<vmem>>, %arg12: memref<448xf32, #tpu.memory_space<vmem>>, %arg13: memref<!tpu.dma_semaphore, #tpu.memory_space<semaphore_mem>>, %arg14: memref<!tpu.dma_semaphore, #tpu.memory_space<semaphore_mem>>) attributes {dimension_semantics = [#tpu.dimension_semantics<core_parallel>, #tpu.dimension_semantics<subcore_parallel>], iteration_bounds = array<i64: 2, 16>, scalar_prefetch = 0 : i64, scratch_operands = 8 : i64, tpu.core_type = #tpu.core_type<sc_vector_subcore>, window_params = [{transform_indices = #map}, {transform_indices = #map}, {transform_indices = #map1}, {transform_indices = #map1}, {transform_indices = #map1}]} {
    %mul3A = arith.constant 16 : i32
    %mul3A_0 = arith.muli %arg0, %mul3A : i32
    %add3A = arith.addi %mul3A_0, %arg1 : i32
    %mul3A_1 = arith.constant 448 : i32
    %mul3A_2 = arith.muli %add3A, %mul3A_1 : i32
    "tpu.region"() ({
      %run_scoped3A = tpu.sem_alloc : memref<!tpu.dma_semaphore, #tpu.memory_space<semaphore_mem>>
      tpu.enqueue_dma source(%arg3 : memref<2x2048xf32, #tpu.memory_space<hbm>>) target(%arg7 : memref<2x2048xf32, #tpu.memory_space<vmem>>) target_semaphore(%run_scoped3A : memref<!tpu.dma_semaphore, #tpu.memory_space<semaphore_mem>>)
      tpu.wait_dma2 semaphore(%run_scoped3A : memref<!tpu.dma_semaphore, #tpu.memory_space<semaphore_mem>>) src(%arg3 : memref<2x2048xf32, #tpu.memory_space<hbm>>) dst(%arg7 : memref<2x2048xf32, #tpu.memory_space<vmem>>)
      tpu.yield
    }) : () -> ()
    "tpu.region"() ({
      %run_scoped3A = tpu.sem_alloc : memref<!tpu.dma_semaphore, #tpu.memory_space<semaphore_mem>>
      tpu.enqueue_dma source(%arg4 : memref<16xf32, #tpu.memory_space<hbm>>) target(%arg8 : memref<16xf32, #tpu.memory_space<vmem>>) target_semaphore(%run_scoped3A : memref<!tpu.dma_semaphore, #tpu.memory_space<semaphore_mem>>)
      tpu.wait_dma2 semaphore(%run_scoped3A : memref<!tpu.dma_semaphore, #tpu.memory_space<semaphore_mem>>) src(%arg4 : memref<16xf32, #tpu.memory_space<hbm>>) dst(%arg8 : memref<16xf32, #tpu.memory_space<vmem>>)
      tpu.yield
    }) : () -> ()
    %get3A = arith.constant 0 : index
    %get3A_3 = tpu.vector_load %arg8[%get3A] {strides = array<i32>} : memref<16xf32, #tpu.memory_space<vmem>>, vector<16xf32>,
    %get3A_4 = vector.shape_cast %get3A_3 : vector<16xf32> to vector<16xf32>
    %slice3A = vector.extract_strided_slice %get3A_4 {offsets = [0], sizes = [1], strides = [1]} : vector<16xf32> to vector<1xf32>
    %squeeze3A = vector.extract %slice3A[0] : f32 from vector<1xf32>
    %slice3A_5 = vector.extract_strided_slice %get3A_4 {offsets = [1], sizes = [1], strides = [1]} : vector<16xf32> to vector<1xf32>
    %squeeze3A_6 = vector.extract %slice3A_5[0] : f32 from vector<1xf32>
    %iota3A = tpu.iota {dimensions = array<i32: 0>} : vector<16xi32>
    %broadcast_in_dim3A = arith.constant 0.000000e+00 : f32
    %broadcast_in_dim3A_7 = vector.broadcast %broadcast_in_dim3A : f32 to vector<16xf32>
    %jit3A = arith.constant 8 : i32
    %eq3A = arith.constant 0 : i32
    %eq3A_8 = arith.cmpi eq, %jit3A, %eq3A : i32
    %jit3A_9 = arith.constant 1 : i32
    %select_n3A = arith.select %eq3A_8, %jit3A_9, %jit3A : i32
    %rem3A = vector.broadcast %select_n3A : i32 to vector<16xi32>
    %rem3A_10 = arith.remsi %iota3A, %rem3A : vector<16xi32>
    %ne3A = arith.constant 0 : i32
    %ne3A_11 = vector.broadcast %ne3A : i32 to vector<16xi32>
    %ne3A_12 = arith.cmpi ne, %rem3A_10, %ne3A_11 : vector<16xi32>
    %lt3A = arith.constant 0 : i32
    %lt3A_13 = vector.broadcast %lt3A : i32 to vector<16xi32>
    %lt3A_14 = arith.cmpi slt, %rem3A_10, %lt3A_13 : vector<16xi32>
    %lt3A_15 = arith.constant 0 : i32
    %lt3A_16 = arith.cmpi slt, %select_n3A, %lt3A_15 : i32
    %ne3A_17 = vector.broadcast %lt3A_16 : i1 to vector<16xi1>
    %ne3A_18 = vector.broadcast %ne3A_17 : vector<16xi1> to vector<16xi1>
    %ne3A_19 = arith.xori %lt3A_14, %ne3A_18 : vector<16xi1>
    %and3A = arith.andi %ne3A_19, %ne3A_12 : vector<16xi1>
    %add3A_20 = vector.broadcast %select_n3A : i32 to vector<16xi32>
    %add3A_21 = arith.addi %rem3A_10, %add3A_20 : vector<16xi32>
    %select_n3A_22 = arith.select %and3A, %add3A_21, %rem3A_10 : vector<16xi1>, vector<16xi32>
    %mul3A_23 = arith.constant 2 : i32
    %mul3A_24 = vector.broadcast %mul3A_23 : i32 to vector<16xi32>
    %mul3A_25 = arith.muli %select_n3A_22, %mul3A_24 : vector<16xi32>
    %add3A_26 = arith.constant 1 : i32
    %add3A_27 = vector.broadcast %add3A_26 : i32 to vector<16xi32>
    %add3A_28 = arith.addi %mul3A_25, %add3A_27 : vector<16xi32>
    %lt3A_29 = arith.constant 8 : i32
    %lt3A_30 = vector.broadcast %lt3A_29 : i32 to vector<16xi32>
    %lt3A_31 = arith.cmpi slt, %iota3A, %lt3A_30 : vector<16xi32>
    %dma_start3A = arith.constant 0 : i32
    %dma_start3A_32 = tpu.memref_slice %arg2[%mul3A_2, %dma_start3A] : memref<14336x2048xf32, #tpu.memory_space<hbm>> -> memref<16x2048xf32, #tpu.memory_space<hbm>>
    %dma_start3A_33 = arith.constant 0 : i32
    %dma_start3A_34 = tpu.memref_slice %arg2[%mul3A_2, %dma_start3A_33] : memref<14336x2048xf32, #tpu.memory_space<hbm>> -> memref<16x2048xf32, #tpu.memory_space<hbm>>
    tpu.enqueue_dma source(%dma_start3A_34 : memref<16x2048xf32, #tpu.memory_space<hbm>>) target(%arg9 : memref<16x2048xf32, #tpu.memory_space<vmem>>) target_semaphore(%arg13 : memref<!tpu.dma_semaphore, #tpu.memory_space<semaphore_mem>>)
    %scan3A = arith.constant 0 : i32
    %scan3A_35 = arith.constant 0 : i32
    %scan3A_36 = arith.constant 14 : i32
    %scan3A_37 = arith.addi %scan3A_35, %scan3A_36 : i32
    %scan3A_38 = arith.constant 1 : i32
    %scan3A_39 = scf.for %scan3A_46 = %scan3A_35 to %scan3A_37 step %scan3A_38 iter_args(%scan3A_47 = %scan3A) -> (i32)  : i32 {
      %mul3A_48 = arith.constant 2 : i32
      %mul3A_49 = arith.muli %scan3A_46, %mul3A_48 : i32
      %add3A_50 = arith.constant 0 : i32
      %add3A_51 = arith.addi %mul3A_49, %add3A_50 : i32
      %dma_wait3A_52 = arith.constant 0 : i32
      %dma_wait3A_53 = arith.constant 0 : i32
      %dma_wait3A_54 = tpu.memref_slice %arg2[%dma_wait3A_52, %dma_wait3A_53] : memref<14336x2048xf32, #tpu.memory_space<hbm>> -> memref<16x2048xf32, #tpu.memory_space<hbm>>
      %dma_wait3A_55 = arith.constant 0 : i32
      %dma_wait3A_56 = arith.constant 0 : i32
      %dma_wait3A_57 = tpu.memref_slice %arg2[%dma_wait3A_55, %dma_wait3A_56] : memref<14336x2048xf32, #tpu.memory_space<hbm>> -> memref<16x2048xf32, #tpu.memory_space<hbm>>
      tpu.wait_dma2 semaphore(%arg13 : memref<!tpu.dma_semaphore, #tpu.memory_space<semaphore_mem>>) src(%dma_wait3A_57 : memref<16x2048xf32, #tpu.memory_space<hbm>>) dst(%arg9 : memref<16x2048xf32, #tpu.memory_space<vmem>>)
      %add3A_58 = arith.constant 1 : i32
      %add3A_59 = arith.addi %add3A_51, %add3A_58 : i32
      %rem3A_60 = arith.constant 28 : i32
      %rem3A_61 = arith.remsi %add3A_59, %rem3A_60 : i32
      %mul3A_62 = arith.constant 16 : i32
      %mul3A_63 = arith.muli %rem3A_61, %mul3A_62 : i32
      %add3A_64 = arith.addi %mul3A_2, %mul3A_63 : i32
      %dma_start3A_65 = arith.constant 0 : i32
      %dma_start3A_66 = tpu.memref_slice %arg2[%add3A_64, %dma_start3A_65] : memref<14336x2048xf32, #tpu.memory_space<hbm>> -> memref<16x2048xf32, #tpu.memory_space<hbm>>
      %dma_start3A_67 = arith.constant 0 : i32
      %dma_start3A_68 = tpu.memref_slice %arg2[%add3A_64, %dma_start3A_67] : memref<14336x2048xf32, #tpu.memory_space<hbm>> -> memref<16x2048xf32, #tpu.memory_space<hbm>>
      tpu.enqueue_dma source(%dma_start3A_68 : memref<16x2048xf32, #tpu.memory_space<hbm>>) target(%arg10 : memref<16x2048xf32, #tpu.memory_space<vmem>>) target_semaphore(%arg14 : memref<!tpu.dma_semaphore, #tpu.memory_space<semaphore_mem>>)
      %mul3A_69 = arith.constant 16 : i32
      %mul3A_70 = arith.muli %add3A_51, %mul3A_69 : i32
      %scan3A_71 = arith.constant 0 : i32
      %scan3A_72 = arith.constant 128 : i32
      %scan3A_73 = arith.addi %scan3A_71, %scan3A_72 : i32
      %scan3A_74 = arith.constant 2 : i32
      %scan3A_75:32 = scf.for %scan3A_1029 = %scan3A_71 to %scan3A_73 step %scan3A_74 iter_args(%scan3A_1030 = %broadcast_in_dim3A_7, %scan3A_1031 = %broadcast_in_dim3A_7, %scan3A_1032 = %broadcast_in_dim3A_7, %scan3A_1033 = %broadcast_in_dim3A_7, %scan3A_1034 = %broadcast_in_dim3A_7, %scan3A_1035 = %broadcast_in_dim3A_7, %scan3A_1036 = %broadcast_in_dim3A_7, %scan3A_1037 = %broadcast_in_dim3A_7, %scan3A_1038 = %broadcast_in_dim3A_7, %scan3A_1039 = %broadcast_in_dim3A_7, %scan3A_1040 = %broadcast_in_dim3A_7, %scan3A_1041 = %broadcast_in_dim3A_7, %scan3A_1042 = %broadcast_in_dim3A_7, %scan3A_1043 = %broadcast_in_dim3A_7, %scan3A_1044 = %broadcast_in_dim3A_7, %scan3A_1045 = %broadcast_in_dim3A_7, %scan3A_1046 = %broadcast_in_dim3A_7, %scan3A_1047 = %broadcast_in_dim3A_7, %scan3A_1048 = %broadcast_in_dim3A_7, %scan3A_1049 = %broadcast_in_dim3A_7, %scan3A_1050 = %broadcast_in_dim3A_7, %scan3A_1051 = %broadcast_in_dim3A_7, %scan3A_1052 = %broadcast_in_dim3A_7, %scan3A_1053 = %broadcast_in_dim3A_7, %scan3A_1054 = %broadcast_in_dim3A_7, %scan3A_1055 = %broadcast_in_dim3A_7, %scan3A_1056 = %broadcast_in_dim3A_7, %scan3A_1057 = %broadcast_in_dim3A_7, %scan3A_1058 = %broadcast_in_dim3A_7, %scan3A_1059 = %broadcast_in_dim3A_7, %scan3A_1060 = %broadcast_in_dim3A_7, %scan3A_1061 = %broadcast_in_dim3A_7) -> (vector<16xf32>, vector<16xf32>, vector<16xf32>, vector<16xf32>, vector<16xf32>, vector<16xf32>, vector<16xf32>, vector<16xf32>, vector<16xf32>, vector<16xf32>, vector<16xf32>, vector<16xf32>, vector<16xf32>, vector<16xf32>, vector<16xf32>, vector<16xf32>, vector<16xf32>, vector<16xf32>, vector<16xf32>, vector<16xf32>, vector<16xf32>, vector<16xf32>, vector<16xf32>, vector<16xf32>, vector<16xf32>, vector<16xf32>, vector<16xf32>, vector<16xf32>, vector<16xf32>, vector<16xf32>, vector<16xf32>, vector<16xf32>)  : i32 {
        %mul3A_1062 = arith.constant 16 : i32
        %mul3A_1063 = arith.muli %scan3A_1029, %mul3A_1062 : i32
        %get3A_1064 = arith.constant 0 : i32
        %get3A_1065 = arith.index_cast %get3A_1064 : i32 to index
        %get3A_1066 = arith.index_cast %mul3A_1063 : i32 to index
        %get3A_1067 = tpu.vector_load %arg7[%get3A_1065, %get3A_1066] {strides = array<i32>} : memref<2x2048xf32, #tpu.memory_space<vmem>>, vector<1x16xf32>,
        %get3A_1068 = vector.shape_cast %get3A_1067 : vector<1x16xf32> to vector<16xf32>
        %get3A_1069 = arith.constant 1 : i32
        %get3A_1070 = arith.index_cast %get3A_1069 : i32 to index
        %get3A_1071 = arith.index_cast %mul3A_1063 : i32 to index
        %get3A_1072 = tpu.vector_load %arg7[%get3A_1070, %get3A_1071] {strides = array<i32>} : memref<2x2048xf32, #tpu.memory_space<vmem>>, vector<1x16xf32>,
        %get3A_1073 = vector.shape_cast %get3A_1072 : vector<1x16xf32> to vector<16xf32>
        %get3A_1074 = arith.constant 0 : i32
        %get3A_1075 = arith.index_cast %get3A_1074 : i32 to index
        %get3A_1076 = arith.index_cast %mul3A_1063 : i32 to index
        %get3A_1077 = tpu.vector_load %arg9[%get3A_1075, %get3A_1076] {strides = array<i32>} : memref<16x2048xf32, #tpu.memory_space<vmem>>, vector<1x16xf32>,
        %get3A_1078 = vector.shape_cast %get3A_1077 : vector<1x16xf32> to vector<16xf32>
        %mul3A_1079 = arith.mulf %get3A_1078, %get3A_1068 : vector<16xf32>
        %add3A_1080 = arith.addf %scan3A_1030, %mul3A_1079 : vector<16xf32>
        %mul3A_1081 = arith.mulf %get3A_1078, %get3A_1073 : vector<16xf32>
        %add3A_1082 = arith.addf %scan3A_1031, %mul3A_1081 : vector<16xf32>
        %get3A_1083 = arith.constant 1 : i32
        %get3A_1084 = arith.index_cast %get3A_1083 : i32 to index
        %get3A_1085 = arith.index_cast %mul3A_1063 : i32 to index
        %get3A_1086 = tpu.vector_load %arg9[%get3A_1084, %get3A_1085] {strides = array<i32>} : memref<16x2048xf32, #tpu.memory_space<vmem>>, vector<1x16xf32>,
        %get3A_1087 = vector.shape_cast %get3A_1086 : vector<1x16xf32> to vector<16xf32>
        %mul3A_1088 = arith.mulf %get3A_1087, %get3A_1068 : vector<16xf32>
        %add3A_1089 = arith.addf %scan3A_1032, %mul3A_1088 : vector<16xf32>
        %mul3A_1090 = arith.mulf %get3A_1087, %get3A_1073 : vector<16xf32>
        %add3A_1091 = arith.addf %scan3A_1033, %mul3A_1090 : vector<16xf32>
        %get3A_1092 = arith.constant 2 : i32
        %get3A_1093 = arith.index_cast %get3A_1092 : i32 to index
        %get3A_1094 = arith.index_cast %mul3A_1063 : i32 to index
        %get3A_1095 = tpu.vector_load %arg9[%get3A_1093, %get3A_1094] {strides = array<i32>} : memref<16x2048xf32, #tpu.memory_space<vmem>>, vector<1x16xf32>,
        %get3A_1096 = vector.shape_cast %get3A_1095 : vector<1x16xf32> to vector<16xf32>
        %mul3A_1097 = arith.mulf %get3A_1096, %get3A_1068 : vector<16xf32>
        %add3A_1098 = arith.addf %scan3A_1034, %mul3A_1097 : vector<16xf32>
        %mul3A_1099 = arith.mulf %get3A_1096, %get3A_1073 : vector<16xf32>
        %add3A_1100 = arith.addf %scan3A_1035, %mul3A_1099 : vector<16xf32>
        %get3A_1101 = arith.constant 3 : i32
        %get3A_1102 = arith.index_cast %get3A_1101 : i32 to index
        %get3A_1103 = arith.index_cast %mul3A_1063 : i32 to index
        %get3A_1104 = tpu.vector_load %arg9[%get3A_1102, %get3A_1103] {strides = array<i32>} : memref<16x2048xf32, #tpu.memory_space<vmem>>, vector<1x16xf32>,
        %get3A_1105 = vector.shape_cast %get3A_1104 : vector<1x16xf32> to vector<16xf32>
        %mul3A_1106 = arith.mulf %get3A_1105, %get3A_1068 : vector<16xf32>
        %add3A_1107 = arith.addf %scan3A_1036, %mul3A_1106 : vector<16xf32>
        %mul3A_1108 = arith.mulf %get3A_1105, %get3A_1073 : vector<16xf32>
        %add3A_1109 = arith.addf %scan3A_1037, %mul3A_1108 : vector<16xf32>
        %get3A_1110 = arith.constant 4 : i32
        %get3A_1111 = arith.index_cast %get3A_1110 : i32 to index
        %get3A_1112 = arith.index_cast %mul3A_1063 : i32 to index
        %get3A_1113 = tpu.vector_load %arg9[%get3A_1111, %get3A_1112] {strides = array<i32>} : memref<16x2048xf32, #tpu.memory_space<vmem>>, vector<1x16xf32>,
        %get3A_1114 = vector.shape_cast %get3A_1113 : vector<1x16xf32> to vector<16xf32>
        %mul3A_1115 = arith.mulf %get3A_1114, %get3A_1068 : vector<16xf32>
        %add3A_1116 = arith.addf %scan3A_1038, %mul3A_1115 : vector<16xf32>
        %mul3A_1117 = arith.mulf %get3A_1114, %get3A_1073 : vector<16xf32>
        %add3A_1118 = arith.addf %scan3A_1039, %mul3A_1117 : vector<16xf32>
        %get3A_1119 = arith.constant 5 : i32
        %get3A_1120 = arith.index_cast %get3A_1119 : i32 to index
        %get3A_1121 = arith.index_cast %mul3A_1063 : i32 to index
        %get3A_1122 = tpu.vector_load %arg9[%get3A_1120, %get3A_1121] {strides = array<i32>} : memref<16x2048xf32, #tpu.memory_space<vmem>>, vector<1x16xf32>,
        %get3A_1123 = vector.shape_cast %get3A_1122 : vector<1x16xf32> to vector<16xf32>
        %mul3A_1124 = arith.mulf %get3A_1123, %get3A_1068 : vector<16xf32>
        %add3A_1125 = arith.addf %scan3A_1040, %mul3A_1124 : vector<16xf32>
        %mul3A_1126 = arith.mulf %get3A_1123, %get3A_1073 : vector<16xf32>
        %add3A_1127 = arith.addf %scan3A_1041, %mul3A_1126 : vector<16xf32>
        %get3A_1128 = arith.constant 6 : i32
        %get3A_1129 = arith.index_cast %get3A_1128 : i32 to index
        %get3A_1130 = arith.index_cast %mul3A_1063 : i32 to index
        %get3A_1131 = tpu.vector_load %arg9[%get3A_1129, %get3A_1130] {strides = array<i32>} : memref<16x2048xf32, #tpu.memory_space<vmem>>, vector<1x16xf32>,
        %get3A_1132 = vector.shape_cast %get3A_1131 : vector<1x16xf32> to vector<16xf32>
        %mul3A_1133 = arith.mulf %get3A_1132, %get3A_1068 : vector<16xf32>
        %add3A_1134 = arith.addf %scan3A_1042, %mul3A_1133 : vector<16xf32>
        %mul3A_1135 = arith.mulf %get3A_1132, %get3A_1073 : vector<16xf32>
        %add3A_1136 = arith.addf %scan3A_1043, %mul3A_1135 : vector<16xf32>
        %get3A_1137 = arith.constant 7 : i32
        %get3A_1138 = arith.index_cast %get3A_1137 : i32 to index
        %get3A_1139 = arith.index_cast %mul3A_1063 : i32 to index
        %get3A_1140 = tpu.vector_load %arg9[%get3A_1138, %get3A_1139] {strides = array<i32>} : memref<16x2048xf32, #tpu.memory_space<vmem>>, vector<1x16xf32>,
        %get3A_1141 = vector.shape_cast %get3A_1140 : vector<1x16xf32> to vector<16xf32>
        %mul3A_1142 = arith.mulf %get3A_1141, %get3A_1068 : vector<16xf32>
        %add3A_1143 = arith.addf %scan3A_1044, %mul3A_1142 : vector<16xf32>
        %mul3A_1144 = arith.mulf %get3A_1141, %get3A_1073 : vector<16xf32>
        %add3A_1145 = arith.addf %scan3A_1045, %mul3A_1144 : vector<16xf32>
        %get3A_1146 = arith.constant 8 : i32
        %get3A_1147 = arith.index_cast %get3A_1146 : i32 to index
        %get3A_1148 = arith.index_cast %mul3A_1063 : i32 to index
        %get3A_1149 = tpu.vector_load %arg9[%get3A_1147, %get3A_1148] {strides = array<i32>} : memref<16x2048xf32, #tpu.memory_space<vmem>>, vector<1x16xf32>,
        %get3A_1150 = vector.shape_cast %get3A_1149 : vector<1x16xf32> to vector<16xf32>
        %mul3A_1151 = arith.mulf %get3A_1150, %get3A_1068 : vector<16xf32>
        %add3A_1152 = arith.addf %scan3A_1046, %mul3A_1151 : vector<16xf32>
        %mul3A_1153 = arith.mulf %get3A_1150, %get3A_1073 : vector<16xf32>
        %add3A_1154 = arith.addf %scan3A_1047, %mul3A_1153 : vector<16xf32>
        %get3A_1155 = arith.constant 9 : i32
        %get3A_1156 = arith.index_cast %get3A_1155 : i32 to index
        %get3A_1157 = arith.index_cast %mul3A_1063 : i32 to index
        %get3A_1158 = tpu.vector_load %arg9[%get3A_1156, %get3A_1157] {strides = array<i32>} : memref<16x2048xf32, #tpu.memory_space<vmem>>, vector<1x16xf32>,
        %get3A_1159 = vector.shape_cast %get3A_1158 : vector<1x16xf32> to vector<16xf32>
        %mul3A_1160 = arith.mulf %get3A_1159, %get3A_1068 : vector<16xf32>
        %add3A_1161 = arith.addf %scan3A_1048, %mul3A_1160 : vector<16xf32>
        %mul3A_1162 = arith.mulf %get3A_1159, %get3A_1073 : vector<16xf32>
        %add3A_1163 = arith.addf %scan3A_1049, %mul3A_1162 : vector<16xf32>
        %get3A_1164 = arith.constant 10 : i32
        %get3A_1165 = arith.index_cast %get3A_1164 : i32 to index
        %get3A_1166 = arith.index_cast %mul3A_1063 : i32 to index
        %get3A_1167 = tpu.vector_load %arg9[%get3A_1165, %get3A_1166] {strides = array<i32>} : memref<16x2048xf32, #tpu.memory_space<vmem>>, vector<1x16xf32>,
        %get3A_1168 = vector.shape_cast %get3A_1167 : vector<1x16xf32> to vector<16xf32>
        %mul3A_1169 = arith.mulf %get3A_1168, %get3A_1068 : vector<16xf32>
        %add3A_1170 = arith.addf %scan3A_1050, %mul3A_1169 : vector<16xf32>
        %mul3A_1171 = arith.mulf %get3A_1168, %get3A_1073 : vector<16xf32>
        %add3A_1172 = arith.addf %scan3A_1051, %mul3A_1171 : vector<16xf32>
        %get3A_1173 = arith.constant 11 : i32
        %get3A_1174 = arith.index_cast %get3A_1173 : i32 to index
        %get3A_1175 = arith.index_cast %mul3A_1063 : i32 to index
        %get3A_1176 = tpu.vector_load %arg9[%get3A_1174, %get3A_1175] {strides = array<i32>} : memref<16x2048xf32, #tpu.memory_space<vmem>>, vector<1x16xf32>,
        %get3A_1177 = vector.shape_cast %get3A_1176 : vector<1x16xf32> to vector<16xf32>
        %mul3A_1178 = arith.mulf %get3A_1177, %get3A_1068 : vector<16xf32>
        %add3A_1179 = arith.addf %scan3A_1052, %mul3A_1178 : vector<16xf32>
        %mul3A_1180 = arith.mulf %get3A_1177, %get3A_1073 : vector<16xf32>
        %add3A_1181 = arith.addf %scan3A_1053, %mul3A_1180 : vector<16xf32>
        %get3A_1182 = arith.constant 12 : i32
        %get3A_1183 = arith.index_cast %get3A_1182 : i32 to index
        %get3A_1184 = arith.index_cast %mul3A_1063 : i32 to index
        %get3A_1185 = tpu.vector_load %arg9[%get3A_1183, %get3A_1184] {strides = array<i32>} : memref<16x2048xf32, #tpu.memory_space<vmem>>, vector<1x16xf32>,
        %get3A_1186 = vector.shape_cast %get3A_1185 : vector<1x16xf32> to vector<16xf32>
        %mul3A_1187 = arith.mulf %get3A_1186, %get3A_1068 : vector<16xf32>
        %add3A_1188 = arith.addf %scan3A_1054, %mul3A_1187 : vector<16xf32>
        %mul3A_1189 = arith.mulf %get3A_1186, %get3A_1073 : vector<16xf32>
        %add3A_1190 = arith.addf %scan3A_1055, %mul3A_1189 : vector<16xf32>
        %get3A_1191 = arith.constant 13 : i32
        %get3A_1192 = arith.index_cast %get3A_1191 : i32 to index
        %get3A_1193 = arith.index_cast %mul3A_1063 : i32 to index
        %get3A_1194 = tpu.vector_load %arg9[%get3A_1192, %get3A_1193] {strides = array<i32>} : memref<16x2048xf32, #tpu.memory_space<vmem>>, vector<1x16xf32>,
        %get3A_1195 = vector.shape_cast %get3A_1194 : vector<1x16xf32> to vector<16xf32>
        %mul3A_1196 = arith.mulf %get3A_1195, %get3A_1068 : vector<16xf32>
        %add3A_1197 = arith.addf %scan3A_1056, %mul3A_1196 : vector<16xf32>
        %mul3A_1198 = arith.mulf %get3A_1195, %get3A_1073 : vector<16xf32>
        %add3A_1199 = arith.addf %scan3A_1057, %mul3A_1198 : vector<16xf32>
        %get3A_1200 = arith.constant 14 : i32
        %get3A_1201 = arith.index_cast %get3A_1200 : i32 to index
        %get3A_1202 = arith.index_cast %mul3A_1063 : i32 to index
        %get3A_1203 = tpu.vector_load %arg9[%get3A_1201, %get3A_1202] {strides = array<i32>} : memref<16x2048xf32, #tpu.memory_space<vmem>>, vector<1x16xf32>,
        %get3A_1204 = vector.shape_cast %get3A_1203 : vector<1x16xf32> to vector<16xf32>
        %mul3A_1205 = arith.mulf %get3A_1204, %get3A_1068 : vector<16xf32>
        %add3A_1206 = arith.addf %scan3A_1058, %mul3A_1205 : vector<16xf32>
        %mul3A_1207 = arith.mulf %get3A_1204, %get3A_1073 : vector<16xf32>
        %add3A_1208 = arith.addf %scan3A_1059, %mul3A_1207 : vector<16xf32>
        %get3A_1209 = arith.constant 15 : i32
        %get3A_1210 = arith.index_cast %get3A_1209 : i32 to index
        %get3A_1211 = arith.index_cast %mul3A_1063 : i32 to index
        %get3A_1212 = tpu.vector_load %arg9[%get3A_1210, %get3A_1211] {strides = array<i32>} : memref<16x2048xf32, #tpu.memory_space<vmem>>, vector<1x16xf32>,
        %get3A_1213 = vector.shape_cast %get3A_1212 : vector<1x16xf32> to vector<16xf32>
        %mul3A_1214 = arith.mulf %get3A_1213, %get3A_1068 : vector<16xf32>
        %add3A_1215 = arith.addf %scan3A_1060, %mul3A_1214 : vector<16xf32>
        %mul3A_1216 = arith.mulf %get3A_1213, %get3A_1073 : vector<16xf32>
        %add3A_1217 = arith.addf %scan3A_1061, %mul3A_1216 : vector<16xf32>
        %scan3A_1218 = arith.constant 1 : i32
        %scan3A_1219 = arith.addi %scan3A_1029, %scan3A_1218 : i32
        %mul3A_1220 = arith.constant 16 : i32
        %mul3A_1221 = arith.muli %scan3A_1219, %mul3A_1220 : i32
        %get3A_1222 = arith.constant 0 : i32
        %get3A_1223 = arith.index_cast %get3A_1222 : i32 to index
        %get3A_1224 = arith.index_cast %mul3A_1221 : i32 to index
        %get3A_1225 = tpu.vector_load %arg7[%get3A_1223, %get3A_1224] {strides = array<i32>} : memref<2x2048xf32, #tpu.memory_space<vmem>>, vector<1x16xf32>,
        %get3A_1226 = vector.shape_cast %get3A_1225 : vector<1x16xf32> to vector<16xf32>
        %get3A_1227 = arith.constant 1 : i32
        %get3A_1228 = arith.index_cast %get3A_1227 : i32 to index
        %get3A_1229 = arith.index_cast %mul3A_1221 : i32 to index
        %get3A_1230 = tpu.vector_load %arg7[%get3A_1228, %get3A_1229] {strides = array<i32>} : memref<2x2048xf32, #tpu.memory_space<vmem>>, vector<1x16xf32>,
        %get3A_1231 = vector.shape_cast %get3A_1230 : vector<1x16xf32> to vector<16xf32>
        %get3A_1232 = arith.constant 0 : i32
        %get3A_1233 = arith.index_cast %get3A_1232 : i32 to index
        %get3A_1234 = arith.index_cast %mul3A_1221 : i32 to index
        %get3A_1235 = tpu.vector_load %arg9[%get3A_1233, %get3A_1234] {strides = array<i32>} : memref<16x2048xf32, #tpu.memory_space<vmem>>, vector<1x16xf32>,
        %get3A_1236 = vector.shape_cast %get3A_1235 : vector<1x16xf32> to vector<16xf32>
        %mul3A_1237 = arith.mulf %get3A_1236, %get3A_1226 : vector<16xf32>
        %add3A_1238 = arith.addf %add3A_1080, %mul3A_1237 : vector<16xf32>
        %mul3A_1239 = arith.mulf %get3A_1236, %get3A_1231 : vector<16xf32>
        %add3A_1240 = arith.addf %add3A_1082, %mul3A_1239 : vector<16xf32>
        %get3A_1241 = arith.constant 1 : i32
        %get3A_1242 = arith.index_cast %get3A_1241 : i32 to index
        %get3A_1243 = arith.index_cast %mul3A_1221 : i32 to index
        %get3A_1244 = tpu.vector_load %arg9[%get3A_1242, %get3A_1243] {strides = array<i32>} : memref<16x2048xf32, #tpu.memory_space<vmem>>, vector<1x16xf32>,
        %get3A_1245 = vector.shape_cast %get3A_1244 : vector<1x16xf32> to vector<16xf32>
        %mul3A_1246 = arith.mulf %get3A_1245, %get3A_1226 : vector<16xf32>
        %add3A_1247 = arith.addf %add3A_1089, %mul3A_1246 : vector<16xf32>
        %mul3A_1248 = arith.mulf %get3A_1245, %get3A_1231 : vector<16xf32>
        %add3A_1249 = arith.addf %add3A_1091, %mul3A_1248 : vector<16xf32>
        %get3A_1250 = arith.constant 2 : i32
        %get3A_1251 = arith.index_cast %get3A_1250 : i32 to index
        %get3A_1252 = arith.index_cast %mul3A_1221 : i32 to index
        %get3A_1253 = tpu.vector_load %arg9[%get3A_1251, %get3A_1252] {strides = array<i32>} : memref<16x2048xf32, #tpu.memory_space<vmem>>, vector<1x16xf32>,
        %get3A_1254 = vector.shape_cast %get3A_1253 : vector<1x16xf32> to vector<16xf32>
        %mul3A_1255 = arith.mulf %get3A_1254, %get3A_1226 : vector<16xf32>
        %add3A_1256 = arith.addf %add3A_1098, %mul3A_1255 : vector<16xf32>
        %mul3A_1257 = arith.mulf %get3A_1254, %get3A_1231 : vector<16xf32>
        %add3A_1258 = arith.addf %add3A_1100, %mul3A_1257 : vector<16xf32>
        %get3A_1259 = arith.constant 3 : i32
        %get3A_1260 = arith.index_cast %get3A_1259 : i32 to index
        %get3A_1261 = arith.index_cast %mul3A_1221 : i32 to index
        %get3A_1262 = tpu.vector_load %arg9[%get3A_1260, %get3A_1261] {strides = array<i32>} : memref<16x2048xf32, #tpu.memory_space<vmem>>, vector<1x16xf32>,
        %get3A_1263 = vector.shape_cast %get3A_1262 : vector<1x16xf32> to vector<16xf32>
        %mul3A_1264 = arith.mulf %get3A_1263, %get3A_1226 : vector<16xf32>
        %add3A_1265 = arith.addf %add3A_1107, %mul3A_1264 : vector<16xf32>
        %mul3A_1266 = arith.mulf %get3A_1263, %get3A_1231 : vector<16xf32>
        %add3A_1267 = arith.addf %add3A_1109, %mul3A_1266 : vector<16xf32>
        %get3A_1268 = arith.constant 4 : i32
        %get3A_1269 = arith.index_cast %get3A_1268 : i32 to index
        %get3A_1270 = arith.index_cast %mul3A_1221 : i32 to index
        %get3A_1271 = tpu.vector_load %arg9[%get3A_1269, %get3A_1270] {strides = array<i32>} : memref<16x2048xf32, #tpu.memory_space<vmem>>, vector<1x16xf32>,
        %get3A_1272 = vector.shape_cast %get3A_1271 : vector<1x16xf32> to vector<16xf32>
        %mul3A_1273 = arith.mulf %get3A_1272, %get3A_1226 : vector<16xf32>
        %add3A_1274 = arith.addf %add3A_1116, %mul3A_1273 : vector<16xf32>
        %mul3A_1275 = arith.mulf %get3A_1272, %get3A_1231 : vector<16xf32>
        %add3A_1276 = arith.addf %add3A_1118, %mul3A_1275 : vector<16xf32>
        %get3A_1277 = arith.constant 5 : i32
        %get3A_1278 = arith.index_cast %get3A_1277 : i32 to index
        %get3A_1279 = arith.index_cast %mul3A_1221 : i32 to index
        %get3A_1280 = tpu.vector_load %arg9[%get3A_1278, %get3A_1279] {strides = array<i32>} : memref<16x2048xf32, #tpu.memory_space<vmem>>, vector<1x16xf32>,
        %get3A_1281 = vector.shape_cast %get3A_1280 : vector<1x16xf32> to vector<16xf32>
        %mul3A_1282 = arith.mulf %get3A_1281, %get3A_1226 : vector<16xf32>
        %add3A_1283 = arith.addf %add3A_1125, %mul3A_1282 : vector<16xf32>
        %mul3A_1284 = arith.mulf %get3A_1281, %get3A_1231 : vector<16xf32>
        %add3A_1285 = arith.addf %add3A_1127, %mul3A_1284 : vector<16xf32>
        %get3A_1286 = arith.constant 6 : i32
        %get3A_1287 = arith.index_cast %get3A_1286 : i32 to index
        %get3A_1288 = arith.index_cast %mul3A_1221 : i32 to index
        %get3A_1289 = tpu.vector_load %arg9[%get3A_1287, %get3A_1288] {strides = array<i32>} : memref<16x2048xf32, #tpu.memory_space<vmem>>, vector<1x16xf32>,
        %get3A_1290 = vector.shape_cast %get3A_1289 : vector<1x16xf32> to vector<16xf32>
        %mul3A_1291 = arith.mulf %get3A_1290, %get3A_1226 : vector<16xf32>
        %add3A_1292 = arith.addf %add3A_1134, %mul3A_1291 : vector<16xf32>
        %mul3A_1293 = arith.mulf %get3A_1290, %get3A_1231 : vector<16xf32>
        %add3A_1294 = arith.addf %add3A_1136, %mul3A_1293 : vector<16xf32>
        %get3A_1295 = arith.constant 7 : i32
        %get3A_1296 = arith.index_cast %get3A_1295 : i32 to index
        %get3A_1297 = arith.index_cast %mul3A_1221 : i32 to index
        %get3A_1298 = tpu.vector_load %arg9[%get3A_1296, %get3A_1297] {strides = array<i32>} : memref<16x2048xf32, #tpu.memory_space<vmem>>, vector<1x16xf32>,
        %get3A_1299 = vector.shape_cast %get3A_1298 : vector<1x16xf32> to vector<16xf32>
        %mul3A_1300 = arith.mulf %get3A_1299, %get3A_1226 : vector<16xf32>
        %add3A_1301 = arith.addf %add3A_1143, %mul3A_1300 : vector<16xf32>
        %mul3A_1302 = arith.mulf %get3A_1299, %get3A_1231 : vector<16xf32>
        %add3A_1303 = arith.addf %add3A_1145, %mul3A_1302 : vector<16xf32>
        %get3A_1304 = arith.constant 8 : i32
        %get3A_1305 = arith.index_cast %get3A_1304 : i32 to index
        %get3A_1306 = arith.index_cast %mul3A_1221 : i32 to index
        %get3A_1307 = tpu.vector_load %arg9[%get3A_1305, %get3A_1306] {strides = array<i32>} : memref<16x2048xf32, #tpu.memory_space<vmem>>, vector<1x16xf32>,
        %get3A_1308 = vector.shape_cast %get3A_1307 : vector<1x16xf32> to vector<16xf32>
        %mul3A_1309 = arith.mulf %get3A_1308, %get3A_1226 : vector<16xf32>
        %add3A_1310 = arith.addf %add3A_1152, %mul3A_1309 : vector<16xf32>
        %mul3A_1311 = arith.mulf %get3A_1308, %get3A_1231 : vector<16xf32>
        %add3A_1312 = arith.addf %add3A_1154, %mul3A_1311 : vector<16xf32>
        %get3A_1313 = arith.constant 9 : i32
        %get3A_1314 = arith.index_cast %get3A_1313 : i32 to index
        %get3A_1315 = arith.index_cast %mul3A_1221 : i32 to index
        %get3A_1316 = tpu.vector_load %arg9[%get3A_1314, %get3A_1315] {strides = array<i32>} : memref<16x2048xf32, #tpu.memory_space<vmem>>, vector<1x16xf32>,
        %get3A_1317 = vector.shape_cast %get3A_1316 : vector<1x16xf32> to vector<16xf32>
        %mul3A_1318 = arith.mulf %get3A_1317, %get3A_1226 : vector<16xf32>
        %add3A_1319 = arith.addf %add3A_1161, %mul3A_1318 : vector<16xf32>
        %mul3A_1320 = arith.mulf %get3A_1317, %get3A_1231 : vector<16xf32>
        %add3A_1321 = arith.addf %add3A_1163, %mul3A_1320 : vector<16xf32>
        %get3A_1322 = arith.constant 10 : i32
        %get3A_1323 = arith.index_cast %get3A_1322 : i32 to index
        %get3A_1324 = arith.index_cast %mul3A_1221 : i32 to index
        %get3A_1325 = tpu.vector_load %arg9[%get3A_1323, %get3A_1324] {strides = array<i32>} : memref<16x2048xf32, #tpu.memory_space<vmem>>, vector<1x16xf32>,
        %get3A_1326 = vector.shape_cast %get3A_1325 : vector<1x16xf32> to vector<16xf32>
        %mul3A_1327 = arith.mulf %get3A_1326, %get3A_1226 : vector<16xf32>
        %add3A_1328 = arith.addf %add3A_1170, %mul3A_1327 : vector<16xf32>
        %mul3A_1329 = arith.mulf %get3A_1326, %get3A_1231 : vector<16xf32>
        %add3A_1330 = arith.addf %add3A_1172, %mul3A_1329 : vector<16xf32>
        %get3A_1331 = arith.constant 11 : i32
        %get3A_1332 = arith.index_cast %get3A_1331 : i32 to index
        %get3A_1333 = arith.index_cast %mul3A_1221 : i32 to index
        %get3A_1334 = tpu.vector_load %arg9[%get3A_1332, %get3A_1333] {strides = array<i32>} : memref<16x2048xf32, #tpu.memory_space<vmem>>, vector<1x16xf32>,
        %get3A_1335 = vector.shape_cast %get3A_1334 : vector<1x16xf32> to vector<16xf32>
        %mul3A_1336 = arith.mulf %get3A_1335, %get3A_1226 : vector<16xf32>
        %add3A_1337 = arith.addf %add3A_1179, %mul3A_1336 : vector<16xf32>
        %mul3A_1338 = arith.mulf %get3A_1335, %get3A_1231 : vector<16xf32>
        %add3A_1339 = arith.addf %add3A_1181, %mul3A_1338 : vector<16xf32>
        %get3A_1340 = arith.constant 12 : i32
        %get3A_1341 = arith.index_cast %get3A_1340 : i32 to index
        %get3A_1342 = arith.index_cast %mul3A_1221 : i32 to index
        %get3A_1343 = tpu.vector_load %arg9[%get3A_1341, %get3A_1342] {strides = array<i32>} : memref<16x2048xf32, #tpu.memory_space<vmem>>, vector<1x16xf32>,
        %get3A_1344 = vector.shape_cast %get3A_1343 : vector<1x16xf32> to vector<16xf32>
        %mul3A_1345 = arith.mulf %get3A_1344, %get3A_1226 : vector<16xf32>
        %add3A_1346 = arith.addf %add3A_1188, %mul3A_1345 : vector<16xf32>
        %mul3A_1347 = arith.mulf %get3A_1344, %get3A_1231 : vector<16xf32>
        %add3A_1348 = arith.addf %add3A_1190, %mul3A_1347 : vector<16xf32>
        %get3A_1349 = arith.constant 13 : i32
        %get3A_1350 = arith.index_cast %get3A_1349 : i32 to index
        %get3A_1351 = arith.index_cast %mul3A_1221 : i32 to index
        %get3A_1352 = tpu.vector_load %arg9[%get3A_1350, %get3A_1351] {strides = array<i32>} : memref<16x2048xf32, #tpu.memory_space<vmem>>, vector<1x16xf32>,
        %get3A_1353 = vector.shape_cast %get3A_1352 : vector<1x16xf32> to vector<16xf32>
        %mul3A_1354 = arith.mulf %get3A_1353, %get3A_1226 : vector<16xf32>
        %add3A_1355 = arith.addf %add3A_1197, %mul3A_1354 : vector<16xf32>
        %mul3A_1356 = arith.mulf %get3A_1353, %get3A_1231 : vector<16xf32>
        %add3A_1357 = arith.addf %add3A_1199, %mul3A_1356 : vector<16xf32>
        %get3A_1358 = arith.constant 14 : i32
        %get3A_1359 = arith.index_cast %get3A_1358 : i32 to index
        %get3A_1360 = arith.index_cast %mul3A_1221 : i32 to index
        %get3A_1361 = tpu.vector_load %arg9[%get3A_1359, %get3A_1360] {strides = array<i32>} : memref<16x2048xf32, #tpu.memory_space<vmem>>, vector<1x16xf32>,
        %get3A_1362 = vector.shape_cast %get3A_1361 : vector<1x16xf32> to vector<16xf32>
        %mul3A_1363 = arith.mulf %get3A_1362, %get3A_1226 : vector<16xf32>
        %add3A_1364 = arith.addf %add3A_1206, %mul3A_1363 : vector<16xf32>
        %mul3A_1365 = arith.mulf %get3A_1362, %get3A_1231 : vector<16xf32>
        %add3A_1366 = arith.addf %add3A_1208, %mul3A_1365 : vector<16xf32>
        %get3A_1367 = arith.constant 15 : i32
        %get3A_1368 = arith.index_cast %get3A_1367 : i32 to index
        %get3A_1369 = arith.index_cast %mul3A_1221 : i32 to index
        %get3A_1370 = tpu.vector_load %arg9[%get3A_1368, %get3A_1369] {strides = array<i32>} : memref<16x2048xf32, #tpu.memory_space<vmem>>, vector<1x16xf32>,
        %get3A_1371 = vector.shape_cast %get3A_1370 : vector<1x16xf32> to vector<16xf32>
        %mul3A_1372 = arith.mulf %get3A_1371, %get3A_1226 : vector<16xf32>
        %add3A_1373 = arith.addf %add3A_1215, %mul3A_1372 : vector<16xf32>
        %mul3A_1374 = arith.mulf %get3A_1371, %get3A_1231 : vector<16xf32>
        %add3A_1375 = arith.addf %add3A_1217, %mul3A_1374 : vector<16xf32>
        scf.yield %add3A_1238, %add3A_1240, %add3A_1247, %add3A_1249, %add3A_1256, %add3A_1258, %add3A_1265, %add3A_1267, %add3A_1274, %add3A_1276, %add3A_1283, %add3A_1285, %add3A_1292, %add3A_1294, %add3A_1301, %add3A_1303, %add3A_1310, %add3A_1312, %add3A_1319, %add3A_1321, %add3A_1328, %add3A_1330, %add3A_1337, %add3A_1339, %add3A_1346, %add3A_1348, %add3A_1355, %add3A_1357, %add3A_1364, %add3A_1366, %add3A_1373, %add3A_1375 : vector<16xf32>, vector<16xf32>, vector<16xf32>, vector<16xf32>, vector<16xf32>, vector<16xf32>, vector<16xf32>, vector<16xf32>, vector<16xf32>, vector<16xf32>, vector<16xf32>, vector<16xf32>, vector<16xf32>, vector<16xf32>, vector<16xf32>, vector<16xf32>, vector<16xf32>, vector<16xf32>, vector<16xf32>, vector<16xf32>, vector<16xf32>, vector<16xf32>, vector<16xf32>, vector<16xf32>, vector<16xf32>, vector<16xf32>, vector<16xf32>, vector<16xf32>, vector<16xf32>, vector<16xf32>, vector<16xf32>, vector<16xf32>
      }
      %scan3A_76 = arith.constant 128 : i32
      %broadcast_in_dim3A_77 = vector.shape_cast %mul3A_25 : vector<16xi32> to vector<16x1xi32>
      %gather3A = vector.shape_cast %broadcast_in_dim3A_77 : vector<16x1xi32> to vector<16xi32>
      %gather3A_78 = tpu.dynamic_gather %scan3A_75#0[%gather3A] in [0] : vector<16xf32>, vector<16xi32> -> vector<16xf32>
      %broadcast_in_dim3A_79 = vector.shape_cast %add3A_28 : vector<16xi32> to vector<16x1xi32>
      %gather3A_80 = vector.shape_cast %broadcast_in_dim3A_79 : vector<16x1xi32> to vector<16xi32>
      %gather3A_81 = tpu.dynamic_gather %scan3A_75#0[%gather3A_80] in [0] : vector<16xf32>, vector<16xi32> -> vector<16xf32>
      %add3A_82 = arith.addf %gather3A_78, %gather3A_81 : vector<16xf32>
      %broadcast_in_dim3A_83 = vector.shape_cast %mul3A_25 : vector<16xi32> to vector<16x1xi32>
      %gather3A_84 = vector.shape_cast %broadcast_in_dim3A_83 : vector<16x1xi32> to vector<16xi32>
      %gather3A_85 = tpu.dynamic_gather %scan3A_75#2[%gather3A_84] in [0] : vector<16xf32>, vector<16xi32> -> vector<16xf32>
      %broadcast_in_dim3A_86 = vector.shape_cast %add3A_28 : vector<16xi32> to vector<16x1xi32>
      %gather3A_87 = vector.shape_cast %broadcast_in_dim3A_86 : vector<16x1xi32> to vector<16xi32>
      %gather3A_88 = tpu.dynamic_gather %scan3A_75#2[%gather3A_87] in [0] : vector<16xf32>, vector<16xi32> -> vector<16xf32>
      %add3A_89 = arith.addf %gather3A_85, %gather3A_88 : vector<16xf32>
      %select_n3A_90 = arith.select %lt3A_31, %add3A_82, %add3A_89 : vector<16xi1>, vector<16xf32>
      %broadcast_in_dim3A_91 = vector.shape_cast %mul3A_25 : vector<16xi32> to vector<16x1xi32>
      %gather3A_92 = vector.shape_cast %broadcast_in_dim3A_91 : vector<16x1xi32> to vector<16xi32>
      %gather3A_93 = tpu.dynamic_gather %scan3A_75#4[%gather3A_92] in [0] : vector<16xf32>, vector<16xi32> -> vector<16xf32>
      %broadcast_in_dim3A_94 = vector.shape_cast %add3A_28 : vector<16xi32> to vector<16x1xi32>
      %gather3A_95 = vector.shape_cast %broadcast_in_dim3A_94 : vector<16x1xi32> to vector<16xi32>
      %gather3A_96 = tpu.dynamic_gather %scan3A_75#4[%gather3A_95] in [0] : vector<16xf32>, vector<16xi32> -> vector<16xf32>
      %add3A_97 = arith.addf %gather3A_93, %gather3A_96 : vector<16xf32>
      %broadcast_in_dim3A_98 = vector.shape_cast %mul3A_25 : vector<16xi32> to vector<16x1xi32>
      %gather3A_99 = vector.shape_cast %broadcast_in_dim3A_98 : vector<16x1xi32> to vector<16xi32>
      %gather3A_100 = tpu.dynamic_gather %scan3A_75#6[%gather3A_99] in [0] : vector<16xf32>, vector<16xi32> -> vector<16xf32>
      %broadcast_in_dim3A_101 = vector.shape_cast %add3A_28 : vector<16xi32> to vector<16x1xi32>
      %gather3A_102 = vector.shape_cast %broadcast_in_dim3A_101 : vector<16x1xi32> to vector<16xi32>
      %gather3A_103 = tpu.dynamic_gather %scan3A_75#6[%gather3A_102] in [0] : vector<16xf32>, vector<16xi32> -> vector<16xf32>
      %add3A_104 = arith.addf %gather3A_100, %gather3A_103 : vector<16xf32>
      %select_n3A_105 = arith.select %lt3A_31, %add3A_97, %add3A_104 : vector<16xi1>, vector<16xf32>
      %broadcast_in_dim3A_106 = vector.shape_cast %mul3A_25 : vector<16xi32> to vector<16x1xi32>
      %gather3A_107 = vector.shape_cast %broadcast_in_dim3A_106 : vector<16x1xi32> to vector<16xi32>
      %gather3A_108 = tpu.dynamic_gather %scan3A_75#8[%gather3A_107] in [0] : vector<16xf32>, vector<16xi32> -> vector<16xf32>
      %broadcast_in_dim3A_109 = vector.shape_cast %add3A_28 : vector<16xi32> to vector<16x1xi32>
      %gather3A_110 = vector.shape_cast %broadcast_in_dim3A_109 : vector<16x1xi32> to vector<16xi32>
      %gather3A_111 = tpu.dynamic_gather %scan3A_75#8[%gather3A_110] in [0] : vector<16xf32>, vector<16xi32> -> vector<16xf32>
      %add3A_112 = arith.addf %gather3A_108, %gather3A_111 : vector<16xf32>
      %broadcast_in_dim3A_113 = vector.shape_cast %mul3A_25 : vector<16xi32> to vector<16x1xi32>
      %gather3A_114 = vector.shape_cast %broadcast_in_dim3A_113 : vector<16x1xi32> to vector<16xi32>
      %gather3A_115 = tpu.dynamic_gather %scan3A_75#10[%gather3A_114] in [0] : vector<16xf32>, vector<16xi32> -> vector<16xf32>
      %broadcast_in_dim3A_116 = vector.shape_cast %add3A_28 : vector<16xi32> to vector<16x1xi32>
      %gather3A_117 = vector.shape_cast %broadcast_in_dim3A_116 : vector<16x1xi32> to vector<16xi32>
      %gather3A_118 = tpu.dynamic_gather %scan3A_75#10[%gather3A_117] in [0] : vector<16xf32>, vector<16xi32> -> vector<16xf32>
      %add3A_119 = arith.addf %gather3A_115, %gather3A_118 : vector<16xf32>
      %select_n3A_120 = arith.select %lt3A_31, %add3A_112, %add3A_119 : vector<16xi1>, vector<16xf32>
      %broadcast_in_dim3A_121 = vector.shape_cast %mul3A_25 : vector<16xi32> to vector<16x1xi32>
      %gather3A_122 = vector.shape_cast %broadcast_in_dim3A_121 : vector<16x1xi32> to vector<16xi32>
      %gather3A_123 = tpu.dynamic_gather %scan3A_75#12[%gather3A_122] in [0] : vector<16xf32>, vector<16xi32> -> vector<16xf32>
      %broadcast_in_dim3A_124 = vector.shape_cast %add3A_28 : vector<16xi32> to vector<16x1xi32>
      %gather3A_125 = vector.shape_cast %broadcast_in_dim3A_124 : vector<16x1xi32> to vector<16xi32>
      %gather3A_126 = tpu.dynamic_gather %scan3A_75#12[%gather3A_125] in [0] : vector<16xf32>, vector<16xi32> -> vector<16xf32>
      %add3A_127 = arith.addf %gather3A_123, %gather3A_126 : vector<16xf32>
      %broadcast_in_dim3A_128 = vector.shape_cast %mul3A_25 : vector<16xi32> to vector<16x1xi32>
      %gather3A_129 = vector.shape_cast %broadcast_in_dim3A_128 : vector<16x1xi32> to vector<16xi32>
      %gather3A_130 = tpu.dynamic_gather %scan3A_75#14[%gather3A_129] in [0] : vector<16xf32>, vector<16xi32> -> vector<16xf32>
      %broadcast_in_dim3A_131 = vector.shape_cast %add3A_28 : vector<16xi32> to vector<16x1xi32>
      %gather3A_132 = vector.shape_cast %broadcast_in_dim3A_131 : vector<16x1xi32> to vector<16xi32>
      %gather3A_133 = tpu.dynamic_gather %scan3A_75#14[%gather3A_132] in [0] : vector<16xf32>, vector<16xi32> -> vector<16xf32>
      %add3A_134 = arith.addf %gather3A_130, %gather3A_133 : vector<16xf32>
      %select_n3A_135 = arith.select %lt3A_31, %add3A_127, %add3A_134 : vector<16xi1>, vector<16xf32>
      %broadcast_in_dim3A_136 = vector.shape_cast %mul3A_25 : vector<16xi32> to vector<16x1xi32>
      %gather3A_137 = vector.shape_cast %broadcast_in_dim3A_136 : vector<16x1xi32> to vector<16xi32>
      %gather3A_138 = tpu.dynamic_gather %scan3A_75#16[%gather3A_137] in [0] : vector<16xf32>, vector<16xi32> -> vector<16xf32>
      %broadcast_in_dim3A_139 = vector.shape_cast %add3A_28 : vector<16xi32> to vector<16x1xi32>
      %gather3A_140 = vector.shape_cast %broadcast_in_dim3A_139 : vector<16x1xi32> to vector<16xi32>
      %gather3A_141 = tpu.dynamic_gather %scan3A_75#16[%gather3A_140] in [0] : vector<16xf32>, vector<16xi32> -> vector<16xf32>
      %add3A_142 = arith.addf %gather3A_138, %gather3A_141 : vector<16xf32>
      %broadcast_in_dim3A_143 = vector.shape_cast %mul3A_25 : vector<16xi32> to vector<16x1xi32>
      %gather3A_144 = vector.shape_cast %broadcast_in_dim3A_143 : vector<16x1xi32> to vector<16xi32>
      %gather3A_145 = tpu.dynamic_gather %scan3A_75#18[%gather3A_144] in [0] : vector<16xf32>, vector<16xi32> -> vector<16xf32>
      %broadcast_in_dim3A_146 = vector.shape_cast %add3A_28 : vector<16xi32> to vector<16x1xi32>
      %gather3A_147 = vector.shape_cast %broadcast_in_dim3A_146 : vector<16x1xi32> to vector<16xi32>
      %gather3A_148 = tpu.dynamic_gather %scan3A_75#18[%gather3A_147] in [0] : vector<16xf32>, vector<16xi32> -> vector<16xf32>
      %add3A_149 = arith.addf %gather3A_145, %gather3A_148 : vector<16xf32>
      %select_n3A_150 = arith.select %lt3A_31, %add3A_142, %add3A_149 : vector<16xi1>, vector<16xf32>
      %broadcast_in_dim3A_151 = vector.shape_cast %mul3A_25 : vector<16xi32> to vector<16x1xi32>
      %gather3A_152 = vector.shape_cast %broadcast_in_dim3A_151 : vector<16x1xi32> to vector<16xi32>
      %gather3A_153 = tpu.dynamic_gather %scan3A_75#20[%gather3A_152] in [0] : vector<16xf32>, vector<16xi32> -> vector<16xf32>
      %broadcast_in_dim3A_154 = vector.shape_cast %add3A_28 : vector<16xi32> to vector<16x1xi32>
      %gather3A_155 = vector.shape_cast %broadcast_in_dim3A_154 : vector<16x1xi32> to vector<16xi32>
      %gather3A_156 = tpu.dynamic_gather %scan3A_75#20[%gather3A_155] in [0] : vector<16xf32>, vector<16xi32> -> vector<16xf32>
      %add3A_157 = arith.addf %gather3A_153, %gather3A_156 : vector<16xf32>
      %broadcast_in_dim3A_158 = vector.shape_cast %mul3A_25 : vector<16xi32> to vector<16x1xi32>
      %gather3A_159 = vector.shape_cast %broadcast_in_dim3A_158 : vector<16x1xi32> to vector<16xi32>
      %gather3A_160 = tpu.dynamic_gather %scan3A_75#22[%gather3A_159] in [0] : vector<16xf32>, vector<16xi32> -> vector<16xf32>
      %broadcast_in_dim3A_161 = vector.shape_cast %add3A_28 : vector<16xi32> to vector<16x1xi32>
      %gather3A_162 = vector.shape_cast %broadcast_in_dim3A_161 : vector<16x1xi32> to vector<16xi32>
      %gather3A_163 = tpu.dynamic_gather %scan3A_75#22[%gather3A_162] in [0] : vector<16xf32>, vector<16xi32> -> vector<16xf32>
      %add3A_164 = arith.addf %gather3A_160, %gather3A_163 : vector<16xf32>
      %select_n3A_165 = arith.select %lt3A_31, %add3A_157, %add3A_164 : vector<16xi1>, vector<16xf32>
      %broadcast_in_dim3A_166 = vector.shape_cast %mul3A_25 : vector<16xi32> to vector<16x1xi32>
      %gather3A_167 = vector.shape_cast %broadcast_in_dim3A_166 : vector<16x1xi32> to vector<16xi32>
      %gather3A_168 = tpu.dynamic_gather %scan3A_75#24[%gather3A_167] in [0] : vector<16xf32>, vector<16xi32> -> vector<16xf32>
      %broadcast_in_dim3A_169 = vector.shape_cast %add3A_28 : vector<16xi32> to vector<16x1xi32>
      %gather3A_170 = vector.shape_cast %broadcast_in_dim3A_169 : vector<16x1xi32> to vector<16xi32>
      %gather3A_171 = tpu.dynamic_gather %scan3A_75#24[%gather3A_170] in [0] : vector<16xf32>, vector<16xi32> -> vector<16xf32>
      %add3A_172 = arith.addf %gather3A_168, %gather3A_171 : vector<16xf32>
      %broadcast_in_dim3A_173 = vector.shape_cast %mul3A_25 : vector<16xi32> to vector<16x1xi32>
      %gather3A_174 = vector.shape_cast %broadcast_in_dim3A_173 : vector<16x1xi32> to vector<16xi32>
      %gather3A_175 = tpu.dynamic_gather %scan3A_75#26[%gather3A_174] in [0] : vector<16xf32>, vector<16xi32> -> vector<16xf32>
      %broadcast_in_dim3A_176 = vector.shape_cast %add3A_28 : vector<16xi32> to vector<16x1xi32>
      %gather3A_177 = vector.shape_cast %broadcast_in_dim3A_176 : vector<16x1xi32> to vector<16xi32>
      %gather3A_178 = tpu.dynamic_gather %scan3A_75#26[%gather3A_177] in [0] : vector<16xf32>, vector<16xi32> -> vector<16xf32>
      %add3A_179 = arith.addf %gather3A_175, %gather3A_178 : vector<16xf32>
      %select_n3A_180 = arith.select %lt3A_31, %add3A_172, %add3A_179 : vector<16xi1>, vector<16xf32>
      %broadcast_in_dim3A_181 = vector.shape_cast %mul3A_25 : vector<16xi32> to vector<16x1xi32>
      %gather3A_182 = vector.shape_cast %broadcast_in_dim3A_181 : vector<16x1xi32> to vector<16xi32>
      %gather3A_183 = tpu.dynamic_gather %scan3A_75#28[%gather3A_182] in [0] : vector<16xf32>, vector<16xi32> -> vector<16xf32>
      %broadcast_in_dim3A_184 = vector.shape_cast %add3A_28 : vector<16xi32> to vector<16x1xi32>
      %gather3A_185 = vector.shape_cast %broadcast_in_dim3A_184 : vector<16x1xi32> to vector<16xi32>
      %gather3A_186 = tpu.dynamic_gather %scan3A_75#28[%gather3A_185] in [0] : vector<16xf32>, vector<16xi32> -> vector<16xf32>
      %add3A_187 = arith.addf %gather3A_183, %gather3A_186 : vector<16xf32>
      %broadcast_in_dim3A_188 = vector.shape_cast %mul3A_25 : vector<16xi32> to vector<16x1xi32>
      %gather3A_189 = vector.shape_cast %broadcast_in_dim3A_188 : vector<16x1xi32> to vector<16xi32>
      %gather3A_190 = tpu.dynamic_gather %scan3A_75#30[%gather3A_189] in [0] : vector<16xf32>, vector<16xi32> -> vector<16xf32>
      %broadcast_in_dim3A_191 = vector.shape_cast %add3A_28 : vector<16xi32> to vector<16x1xi32>
      %gather3A_192 = vector.shape_cast %broadcast_in_dim3A_191 : vector<16x1xi32> to vector<16xi32>
      %gather3A_193 = tpu.dynamic_gather %scan3A_75#30[%gather3A_192] in [0] : vector<16xf32>, vector<16xi32> -> vector<16xf32>
      %add3A_194 = arith.addf %gather3A_190, %gather3A_193 : vector<16xf32>
      %select_n3A_195 = arith.select %lt3A_31, %add3A_187, %add3A_194 : vector<16xi1>, vector<16xf32>
      %broadcast_in_dim3A_196 = vector.shape_cast %mul3A_25 : vector<16xi32> to vector<16x1xi32>
      %gather3A_197 = vector.shape_cast %broadcast_in_dim3A_196 : vector<16x1xi32> to vector<16xi32>
      %gather3A_198 = tpu.dynamic_gather %select_n3A_90[%gather3A_197] in [0] : vector<16xf32>, vector<16xi32> -> vector<16xf32>
      %broadcast_in_dim3A_199 = vector.shape_cast %add3A_28 : vector<16xi32> to vector<16x1xi32>
      %gather3A_200 = vector.shape_cast %broadcast_in_dim3A_199 : vector<16x1xi32> to vector<16xi32>
      %gather3A_201 = tpu.dynamic_gather %select_n3A_90[%gather3A_200] in [0] : vector<16xf32>, vector<16xi32> -> vector<16xf32>
      %add3A_202 = arith.addf %gather3A_198, %gather3A_201 : vector<16xf32>
      %broadcast_in_dim3A_203 = vector.shape_cast %mul3A_25 : vector<16xi32> to vector<16x1xi32>
      %gather3A_204 = vector.shape_cast %broadcast_in_dim3A_203 : vector<16x1xi32> to vector<16xi32>
      %gather3A_205 = tpu.dynamic_gather %select_n3A_105[%gather3A_204] in [0] : vector<16xf32>, vector<16xi32> -> vector<16xf32>
      %broadcast_in_dim3A_206 = vector.shape_cast %add3A_28 : vector<16xi32> to vector<16x1xi32>
      %gather3A_207 = vector.shape_cast %broadcast_in_dim3A_206 : vector<16x1xi32> to vector<16xi32>
      %gather3A_208 = tpu.dynamic_gather %select_n3A_105[%gather3A_207] in [0] : vector<16xf32>, vector<16xi32> -> vector<16xf32>
      %add3A_209 = arith.addf %gather3A_205, %gather3A_208 : vector<16xf32>
      %select_n3A_210 = arith.select %lt3A_31, %add3A_202, %add3A_209 : vector<16xi1>, vector<16xf32>
      %broadcast_in_dim3A_211 = vector.shape_cast %mul3A_25 : vector<16xi32> to vector<16x1xi32>
      %gather3A_212 = vector.shape_cast %broadcast_in_dim3A_211 : vector<16x1xi32> to vector<16xi32>
      %gather3A_213 = tpu.dynamic_gather %select_n3A_120[%gather3A_212] in [0] : vector<16xf32>, vector<16xi32> -> vector<16xf32>
      %broadcast_in_dim3A_214 = vector.shape_cast %add3A_28 : vector<16xi32> to vector<16x1xi32>
      %gather3A_215 = vector.shape_cast %broadcast_in_dim3A_214 : vector<16x1xi32> to vector<16xi32>
      %gather3A_216 = tpu.dynamic_gather %select_n3A_120[%gather3A_215] in [0] : vector<16xf32>, vector<16xi32> -> vector<16xf32>
      %add3A_217 = arith.addf %gather3A_213, %gather3A_216 : vector<16xf32>
      %broadcast_in_dim3A_218 = vector.shape_cast %mul3A_25 : vector<16xi32> to vector<16x1xi32>
      %gather3A_219 = vector.shape_cast %broadcast_in_dim3A_218 : vector<16x1xi32> to vector<16xi32>
      %gather3A_220 = tpu.dynamic_gather %select_n3A_135[%gather3A_219] in [0] : vector<16xf32>, vector<16xi32> -> vector<16xf32>
      %broadcast_in_dim3A_221 = vector.shape_cast %add3A_28 : vector<16xi32> to vector<16x1xi32>
      %gather3A_222 = vector.shape_cast %broadcast_in_dim3A_221 : vector<16x1xi32> to vector<16xi32>
      %gather3A_223 = tpu.dynamic_gather %select_n3A_135[%gather3A_222] in [0] : vector<16xf32>, vector<16xi32> -> vector<16xf32>
      %add3A_224 = arith.addf %gather3A_220, %gather3A_223 : vector<16xf32>
      %select_n3A_225 = arith.select %lt3A_31, %add3A_217, %add3A_224 : vector<16xi1>, vector<16xf32>
      %broadcast_in_dim3A_226 = vector.shape_cast %mul3A_25 : vector<16xi32> to vector<16x1xi32>
      %gather3A_227 = vector.shape_cast %broadcast_in_dim3A_226 : vector<16x1xi32> to vector<16xi32>
      %gather3A_228 = tpu.dynamic_gather %select_n3A_150[%gather3A_227] in [0] : vector<16xf32>, vector<16xi32> -> vector<16xf32>
      %broadcast_in_dim3A_229 = vector.shape_cast %add3A_28 : vector<16xi32> to vector<16x1xi32>
      %gather3A_230 = vector.shape_cast %broadcast_in_dim3A_229 : vector<16x1xi32> to vector<16xi32>
      %gather3A_231 = tpu.dynamic_gather %select_n3A_150[%gather3A_230] in [0] : vector<16xf32>, vector<16xi32> -> vector<16xf32>
      %add3A_232 = arith.addf %gather3A_228, %gather3A_231 : vector<16xf32>
      %broadcast_in_dim3A_233 = vector.shape_cast %mul3A_25 : vector<16xi32> to vector<16x1xi32>
      %gather3A_234 = vector.shape_cast %broadcast_in_dim3A_233 : vector<16x1xi32> to vector<16xi32>
      %gather3A_235 = tpu.dynamic_gather %select_n3A_165[%gather3A_234] in [0] : vector<16xf32>, vector<16xi32> -> vector<16xf32>
      %broadcast_in_dim3A_236 = vector.shape_cast %add3A_28 : vector<16xi32> to vector<16x1xi32>
      %gather3A_237 = vector.shape_cast %broadcast_in_dim3A_236 : vector<16x1xi32> to vector<16xi32>
      %gather3A_238 = tpu.dynamic_gather %select_n3A_165[%gather3A_237] in [0] : vector<16xf32>, vector<16xi32> -> vector<16xf32>
      %add3A_239 = arith.addf %gather3A_235, %gather3A_238 : vector<16xf32>
      %select_n3A_240 = arith.select %lt3A_31, %add3A_232, %add3A_239 : vector<16xi1>, vector<16xf32>
      %broadcast_in_dim3A_241 = vector.shape_cast %mul3A_25 : vector<16xi32> to vector<16x1xi32>
      %gather3A_242 = vector.shape_cast %broadcast_in_dim3A_241 : vector<16x1xi32> to vector<16xi32>
      %gather3A_243 = tpu.dynamic_gather %select_n3A_180[%gather3A_242] in [0] : vector<16xf32>, vector<16xi32> -> vector<16xf32>
      %broadcast_in_dim3A_244 = vector.shape_cast %add3A_28 : vector<16xi32> to vector<16x1xi32>
      %gather3A_245 = vector.shape_cast %broadcast_in_dim3A_244 : vector<16x1xi32> to vector<16xi32>
      %gather3A_246 = tpu.dynamic_gather %select_n3A_180[%gather3A_245] in [0] : vector<16xf32>, vector<16xi32> -> vector<16xf32>
      %add3A_247 = arith.addf %gather3A_243, %gather3A_246 : vector<16xf32>
      %broadcast_in_dim3A_248 = vector.shape_cast %mul3A_25 : vector<16xi32> to vector<16x1xi32>
      %gather3A_249 = vector.shape_cast %broadcast_in_dim3A_248 : vector<16x1xi32> to vector<16xi32>
      %gather3A_250 = tpu.dynamic_gather %select_n3A_195[%gather3A_249] in [0] : vector<16xf32>, vector<16xi32> -> vector<16xf32>
      %broadcast_in_dim3A_251 = vector.shape_cast %add3A_28 : vector<16xi32> to vector<16x1xi32>
      %gather3A_252 = vector.shape_cast %broadcast_in_dim3A_251 : vector<16x1xi32> to vector<16xi32>
      %gather3A_253 = tpu.dynamic_gather %select_n3A_195[%gather3A_252] in [0] : vector<16xf32>, vector<16xi32> -> vector<16xf32>
      %add3A_254 = arith.addf %gather3A_250, %gather3A_253 : vector<16xf32>
      %select_n3A_255 = arith.select %lt3A_31, %add3A_247, %add3A_254 : vector<16xi1>, vector<16xf32>
      %broadcast_in_dim3A_256 = vector.shape_cast %mul3A_25 : vector<16xi32> to vector<16x1xi32>
      %gather3A_257 = vector.shape_cast %broadcast_in_dim3A_256 : vector<16x1xi32> to vector<16xi32>
      %gather3A_258 = tpu.dynamic_gather %select_n3A_210[%gather3A_257] in [0] : vector<16xf32>, vector<16xi32> -> vector<16xf32>
      %broadcast_in_dim3A_259 = vector.shape_cast %add3A_28 : vector<16xi32> to vector<16x1xi32>
      %gather3A_260 = vector.shape_cast %broadcast_in_dim3A_259 : vector<16x1xi32> to vector<16xi32>
      %gather3A_261 = tpu.dynamic_gather %select_n3A_210[%gather3A_260] in [0] : vector<16xf32>, vector<16xi32> -> vector<16xf32>
      %add3A_262 = arith.addf %gather3A_258, %gather3A_261 : vector<16xf32>
      %broadcast_in_dim3A_263 = vector.shape_cast %mul3A_25 : vector<16xi32> to vector<16x1xi32>
      %gather3A_264 = vector.shape_cast %broadcast_in_dim3A_263 : vector<16x1xi32> to vector<16xi32>
      %gather3A_265 = tpu.dynamic_gather %select_n3A_225[%gather3A_264] in [0] : vector<16xf32>, vector<16xi32> -> vector<16xf32>
      %broadcast_in_dim3A_266 = vector.shape_cast %add3A_28 : vector<16xi32> to vector<16x1xi32>
      %gather3A_267 = vector.shape_cast %broadcast_in_dim3A_266 : vector<16x1xi32> to vector<16xi32>
      %gather3A_268 = tpu.dynamic_gather %select_n3A_225[%gather3A_267] in [0] : vector<16xf32>, vector<16xi32> -> vector<16xf32>
      %add3A_269 = arith.addf %gather3A_265, %gather3A_268 : vector<16xf32>
      %select_n3A_270 = arith.select %lt3A_31, %add3A_262, %add3A_269 : vector<16xi1>, vector<16xf32>
      %broadcast_in_dim3A_271 = vector.shape_cast %mul3A_25 : vector<16xi32> to vector<16x1xi32>
      %gather3A_272 = vector.shape_cast %broadcast_in_dim3A_271 : vector<16x1xi32> to vector<16xi32>
      %gather3A_273 = tpu.dynamic_gather %select_n3A_240[%gather3A_272] in [0] : vector<16xf32>, vector<16xi32> -> vector<16xf32>
      %broadcast_in_dim3A_274 = vector.shape_cast %add3A_28 : vector<16xi32> to vector<16x1xi32>
      %gather3A_275 = vector.shape_cast %broadcast_in_dim3A_274 : vector<16x1xi32> to vector<16xi32>
      %gather3A_276 = tpu.dynamic_gather %select_n3A_240[%gather3A_275] in [0] : vector<16xf32>, vector<16xi32> -> vector<16xf32>
      %add3A_277 = arith.addf %gather3A_273, %gather3A_276 : vector<16xf32>
      %broadcast_in_dim3A_278 = vector.shape_cast %mul3A_25 : vector<16xi32> to vector<16x1xi32>
      %gather3A_279 = vector.shape_cast %broadcast_in_dim3A_278 : vector<16x1xi32> to vector<16xi32>
      %gather3A_280 = tpu.dynamic_gather %select_n3A_255[%gather3A_279] in [0] : vector<16xf32>, vector<16xi32> -> vector<16xf32>
      %broadcast_in_dim3A_281 = vector.shape_cast %add3A_28 : vector<16xi32> to vector<16x1xi32>
      %gather3A_282 = vector.shape_cast %broadcast_in_dim3A_281 : vector<16x1xi32> to vector<16xi32>
      %gather3A_283 = tpu.dynamic_gather %select_n3A_255[%gather3A_282] in [0] : vector<16xf32>, vector<16xi32> -> vector<16xf32>
      %add3A_284 = arith.addf %gather3A_280, %gather3A_283 : vector<16xf32>
      %select_n3A_285 = arith.select %lt3A_31, %add3A_277, %add3A_284 : vector<16xi1>, vector<16xf32>
      %broadcast_in_dim3A_286 = vector.shape_cast %mul3A_25 : vector<16xi32> to vector<16x1xi32>
      %gather3A_287 = vector.shape_cast %broadcast_in_dim3A_286 : vector<16x1xi32> to vector<16xi32>
      %gather3A_288 = tpu.dynamic_gather %select_n3A_270[%gather3A_287] in [0] : vector<16xf32>, vector<16xi32> -> vector<16xf32>
      %broadcast_in_dim3A_289 = vector.shape_cast %add3A_28 : vector<16xi32> to vector<16x1xi32>
      %gather3A_290 = vector.shape_cast %broadcast_in_dim3A_289 : vector<16x1xi32> to vector<16xi32>
      %gather3A_291 = tpu.dynamic_gather %select_n3A_270[%gather3A_290] in [0] : vector<16xf32>, vector<16xi32> -> vector<16xf32>
      %add3A_292 = arith.addf %gather3A_288, %gather3A_291 : vector<16xf32>
      %broadcast_in_dim3A_293 = vector.shape_cast %mul3A_25 : vector<16xi32> to vector<16x1xi32>
      %gather3A_294 = vector.shape_cast %broadcast_in_dim3A_293 : vector<16x1xi32> to vector<16xi32>
      %gather3A_295 = tpu.dynamic_gather %select_n3A_285[%gather3A_294] in [0] : vector<16xf32>, vector<16xi32> -> vector<16xf32>
      %broadcast_in_dim3A_296 = vector.shape_cast %add3A_28 : vector<16xi32> to vector<16x1xi32>
      %gather3A_297 = vector.shape_cast %broadcast_in_dim3A_296 : vector<16x1xi32> to vector<16xi32>
      %gather3A_298 = tpu.dynamic_gather %select_n3A_285[%gather3A_297] in [0] : vector<16xf32>, vector<16xi32> -> vector<16xf32>
      %add3A_299 = arith.addf %gather3A_295, %gather3A_298 : vector<16xf32>
      %select_n3A_300 = arith.select %lt3A_31, %add3A_292, %add3A_299 : vector<16xi1>, vector<16xf32>
      %broadcast_in_dim3A_301 = vector.shape_cast %mul3A_25 : vector<16xi32> to vector<16x1xi32>
      %gather3A_302 = vector.shape_cast %broadcast_in_dim3A_301 : vector<16x1xi32> to vector<16xi32>
      %gather3A_303 = tpu.dynamic_gather %scan3A_75#1[%gather3A_302] in [0] : vector<16xf32>, vector<16xi32> -> vector<16xf32>
      %broadcast_in_dim3A_304 = vector.shape_cast %add3A_28 : vector<16xi32> to vector<16x1xi32>
      %gather3A_305 = vector.shape_cast %broadcast_in_dim3A_304 : vector<16x1xi32> to vector<16xi32>
      %gather3A_306 = tpu.dynamic_gather %scan3A_75#1[%gather3A_305] in [0] : vector<16xf32>, vector<16xi32> -> vector<16xf32>
      %add3A_307 = arith.addf %gather3A_303, %gather3A_306 : vector<16xf32>
      %broadcast_in_dim3A_308 = vector.shape_cast %mul3A_25 : vector<16xi32> to vector<16x1xi32>
      %gather3A_309 = vector.shape_cast %broadcast_in_dim3A_308 : vector<16x1xi32> to vector<16xi32>
      %gather3A_310 = tpu.dynamic_gather %scan3A_75#3[%gather3A_309] in [0] : vector<16xf32>, vector<16xi32> -> vector<16xf32>
      %broadcast_in_dim3A_311 = vector.shape_cast %add3A_28 : vector<16xi32> to vector<16x1xi32>
      %gather3A_312 = vector.shape_cast %broadcast_in_dim3A_311 : vector<16x1xi32> to vector<16xi32>
      %gather3A_313 = tpu.dynamic_gather %scan3A_75#3[%gather3A_312] in [0] : vector<16xf32>, vector<16xi32> -> vector<16xf32>
      %add3A_314 = arith.addf %gather3A_310, %gather3A_313 : vector<16xf32>
      %select_n3A_315 = arith.select %lt3A_31, %add3A_307, %add3A_314 : vector<16xi1>, vector<16xf32>
      %broadcast_in_dim3A_316 = vector.shape_cast %mul3A_25 : vector<16xi32> to vector<16x1xi32>
      %gather3A_317 = vector.shape_cast %broadcast_in_dim3A_316 : vector<16x1xi32> to vector<16xi32>
      %gather3A_318 = tpu.dynamic_gather %scan3A_75#5[%gather3A_317] in [0] : vector<16xf32>, vector<16xi32> -> vector<16xf32>
      %broadcast_in_dim3A_319 = vector.shape_cast %add3A_28 : vector<16xi32> to vector<16x1xi32>
      %gather3A_320 = vector.shape_cast %broadcast_in_dim3A_319 : vector<16x1xi32> to vector<16xi32>
      %gather3A_321 = tpu.dynamic_gather %scan3A_75#5[%gather3A_320] in [0] : vector<16xf32>, vector<16xi32> -> vector<16xf32>
      %add3A_322 = arith.addf %gather3A_318, %gather3A_321 : vector<16xf32>
      %broadcast_in_dim3A_323 = vector.shape_cast %mul3A_25 : vector<16xi32> to vector<16x1xi32>
      %gather3A_324 = vector.shape_cast %broadcast_in_dim3A_323 : vector<16x1xi32> to vector<16xi32>
      %gather3A_325 = tpu.dynamic_gather %scan3A_75#7[%gather3A_324] in [0] : vector<16xf32>, vector<16xi32> -> vector<16xf32>
      %broadcast_in_dim3A_326 = vector.shape_cast %add3A_28 : vector<16xi32> to vector<16x1xi32>
      %gather3A_327 = vector.shape_cast %broadcast_in_dim3A_326 : vector<16x1xi32> to vector<16xi32>
      %gather3A_328 = tpu.dynamic_gather %scan3A_75#7[%gather3A_327] in [0] : vector<16xf32>, vector<16xi32> -> vector<16xf32>
      %add3A_329 = arith.addf %gather3A_325, %gather3A_328 : vector<16xf32>
      %select_n3A_330 = arith.select %lt3A_31, %add3A_322, %add3A_329 : vector<16xi1>, vector<16xf32>
      %broadcast_in_dim3A_331 = vector.shape_cast %mul3A_25 : vector<16xi32> to vector<16x1xi32>
      %gather3A_332 = vector.shape_cast %broadcast_in_dim3A_331 : vector<16x1xi32> to vector<16xi32>
      %gather3A_333 = tpu.dynamic_gather %scan3A_75#9[%gather3A_332] in [0] : vector<16xf32>, vector<16xi32> -> vector<16xf32>
      %broadcast_in_dim3A_334 = vector.shape_cast %add3A_28 : vector<16xi32> to vector<16x1xi32>
      %gather3A_335 = vector.shape_cast %broadcast_in_dim3A_334 : vector<16x1xi32> to vector<16xi32>
      %gather3A_336 = tpu.dynamic_gather %scan3A_75#9[%gather3A_335] in [0] : vector<16xf32>, vector<16xi32> -> vector<16xf32>
      %add3A_337 = arith.addf %gather3A_333, %gather3A_336 : vector<16xf32>
      %broadcast_in_dim3A_338 = vector.shape_cast %mul3A_25 : vector<16xi32> to vector<16x1xi32>
      %gather3A_339 = vector.shape_cast %broadcast_in_dim3A_338 : vector<16x1xi32> to vector<16xi32>
      %gather3A_340 = tpu.dynamic_gather %scan3A_75#11[%gather3A_339] in [0] : vector<16xf32>, vector<16xi32> -> vector<16xf32>
      %broadcast_in_dim3A_341 = vector.shape_cast %add3A_28 : vector<16xi32> to vector<16x1xi32>
      %gather3A_342 = vector.shape_cast %broadcast_in_dim3A_341 : vector<16x1xi32> to vector<16xi32>
      %gather3A_343 = tpu.dynamic_gather %scan3A_75#11[%gather3A_342] in [0] : vector<16xf32>, vector<16xi32> -> vector<16xf32>
      %add3A_344 = arith.addf %gather3A_340, %gather3A_343 : vector<16xf32>
      %select_n3A_345 = arith.select %lt3A_31, %add3A_337, %add3A_344 : vector<16xi1>, vector<16xf32>
      %broadcast_in_dim3A_346 = vector.shape_cast %mul3A_25 : vector<16xi32> to vector<16x1xi32>
      %gather3A_347 = vector.shape_cast %broadcast_in_dim3A_346 : vector<16x1xi32> to vector<16xi32>
      %gather3A_348 = tpu.dynamic_gather %scan3A_75#13[%gather3A_347] in [0] : vector<16xf32>, vector<16xi32> -> vector<16xf32>
      %broadcast_in_dim3A_349 = vector.shape_cast %add3A_28 : vector<16xi32> to vector<16x1xi32>
      %gather3A_350 = vector.shape_cast %broadcast_in_dim3A_349 : vector<16x1xi32> to vector<16xi32>
      %gather3A_351 = tpu.dynamic_gather %scan3A_75#13[%gather3A_350] in [0] : vector<16xf32>, vector<16xi32> -> vector<16xf32>
      %add3A_352 = arith.addf %gather3A_348, %gather3A_351 : vector<16xf32>
      %broadcast_in_dim3A_353 = vector.shape_cast %mul3A_25 : vector<16xi32> to vector<16x1xi32>
      %gather3A_354 = vector.shape_cast %broadcast_in_dim3A_353 : vector<16x1xi32> to vector<16xi32>
      %gather3A_355 = tpu.dynamic_gather %scan3A_75#15[%gather3A_354] in [0] : vector<16xf32>, vector<16xi32> -> vector<16xf32>
      %broadcast_in_dim3A_356 = vector.shape_cast %add3A_28 : vector<16xi32> to vector<16x1xi32>
      %gather3A_357 = vector.shape_cast %broadcast_in_dim3A_356 : vector<16x1xi32> to vector<16xi32>
      %gather3A_358 = tpu.dynamic_gather %scan3A_75#15[%gather3A_357] in [0] : vector<16xf32>, vector<16xi32> -> vector<16xf32>
      %add3A_359 = arith.addf %gather3A_355, %gather3A_358 : vector<16xf32>
      %select_n3A_360 = arith.select %lt3A_31, %add3A_352, %add3A_359 : vector<16xi1>, vector<16xf32>
      %broadcast_in_dim3A_361 = vector.shape_cast %mul3A_25 : vector<16xi32> to vector<16x1xi32>
      %gather3A_362 = vector.shape_cast %broadcast_in_dim3A_361 : vector<16x1xi32> to vector<16xi32>
      %gather3A_363 = tpu.dynamic_gather %scan3A_75#17[%gather3A_362] in [0] : vector<16xf32>, vector<16xi32> -> vector<16xf32>
      %broadcast_in_dim3A_364 = vector.shape_cast %add3A_28 : vector<16xi32> to vector<16x1xi32>
      %gather3A_365 = vector.shape_cast %broadcast_in_dim3A_364 : vector<16x1xi32> to vector<16xi32>
      %gather3A_366 = tpu.dynamic_gather %scan3A_75#17[%gather3A_365] in [0] : vector<16xf32>, vector<16xi32> -> vector<16xf32>
      %add3A_367 = arith.addf %gather3A_363, %gather3A_366 : vector<16xf32>
      %broadcast_in_dim3A_368 = vector.shape_cast %mul3A_25 : vector<16xi32> to vector<16x1xi32>
      %gather3A_369 = vector.shape_cast %broadcast_in_dim3A_368 : vector<16x1xi32> to vector<16xi32>
      %gather3A_370 = tpu.dynamic_gather %scan3A_75#19[%gather3A_369] in [0] : vector<16xf32>, vector<16xi32> -> vector<16xf32>
      %broadcast_in_dim3A_371 = vector.shape_cast %add3A_28 : vector<16xi32> to vector<16x1xi32>
      %gather3A_372 = vector.shape_cast %broadcast_in_dim3A_371 : vector<16x1xi32> to vector<16xi32>
      %gather3A_373 = tpu.dynamic_gather %scan3A_75#19[%gather3A_372] in [0] : vector<16xf32>, vector<16xi32> -> vector<16xf32>
      %add3A_374 = arith.addf %gather3A_370, %gather3A_373 : vector<16xf32>
      %select_n3A_375 = arith.select %lt3A_31, %add3A_367, %add3A_374 : vector<16xi1>, vector<16xf32>
      %broadcast_in_dim3A_376 = vector.shape_cast %mul3A_25 : vector<16xi32> to vector<16x1xi32>
      %gather3A_377 = vector.shape_cast %broadcast_in_dim3A_376 : vector<16x1xi32> to vector<16xi32>
      %gather3A_378 = tpu.dynamic_gather %scan3A_75#21[%gather3A_377] in [0] : vector<16xf32>, vector<16xi32> -> vector<16xf32>
      %broadcast_in_dim3A_379 = vector.shape_cast %add3A_28 : vector<16xi32> to vector<16x1xi32>
      %gather3A_380 = vector.shape_cast %broadcast_in_dim3A_379 : vector<16x1xi32> to vector<16xi32>
      %gather3A_381 = tpu.dynamic_gather %scan3A_75#21[%gather3A_380] in [0] : vector<16xf32>, vector<16xi32> -> vector<16xf32>
      %add3A_382 = arith.addf %gather3A_378, %gather3A_381 : vector<16xf32>
      %broadcast_in_dim3A_383 = vector.shape_cast %mul3A_25 : vector<16xi32> to vector<16x1xi32>
      %gather3A_384 = vector.shape_cast %broadcast_in_dim3A_383 : vector<16x1xi32> to vector<16xi32>
      %gather3A_385 = tpu.dynamic_gather %scan3A_75#23[%gather3A_384] in [0] : vector<16xf32>, vector<16xi32> -> vector<16xf32>
      %broadcast_in_dim3A_386 = vector.shape_cast %add3A_28 : vector<16xi32> to vector<16x1xi32>
      %gather3A_387 = vector.shape_cast %broadcast_in_dim3A_386 : vector<16x1xi32> to vector<16xi32>
      %gather3A_388 = tpu.dynamic_gather %scan3A_75#23[%gather3A_387] in [0] : vector<16xf32>, vector<16xi32> -> vector<16xf32>
      %add3A_389 = arith.addf %gather3A_385, %gather3A_388 : vector<16xf32>
      %select_n3A_390 = arith.select %lt3A_31, %add3A_382, %add3A_389 : vector<16xi1>, vector<16xf32>
      %broadcast_in_dim3A_391 = vector.shape_cast %mul3A_25 : vector<16xi32> to vector<16x1xi32>
      %gather3A_392 = vector.shape_cast %broadcast_in_dim3A_391 : vector<16x1xi32> to vector<16xi32>
      %gather3A_393 = tpu.dynamic_gather %scan3A_75#25[%gather3A_392] in [0] : vector<16xf32>, vector<16xi32> -> vector<16xf32>
      %broadcast_in_dim3A_394 = vector.shape_cast %add3A_28 : vector<16xi32> to vector<16x1xi32>
      %gather3A_395 = vector.shape_cast %broadcast_in_dim3A_394 : vector<16x1xi32> to vector<16xi32>
      %gather3A_396 = tpu.dynamic_gather %scan3A_75#25[%gather3A_395] in [0] : vector<16xf32>, vector<16xi32> -> vector<16xf32>
      %add3A_397 = arith.addf %gather3A_393, %gather3A_396 : vector<16xf32>
      %broadcast_in_dim3A_398 = vector.shape_cast %mul3A_25 : vector<16xi32> to vector<16x1xi32>
      %gather3A_399 = vector.shape_cast %broadcast_in_dim3A_398 : vector<16x1xi32> to vector<16xi32>
      %gather3A_400 = tpu.dynamic_gather %scan3A_75#27[%gather3A_399] in [0] : vector<16xf32>, vector<16xi32> -> vector<16xf32>
      %broadcast_in_dim3A_401 = vector.shape_cast %add3A_28 : vector<16xi32> to vector<16x1xi32>
      %gather3A_402 = vector.shape_cast %broadcast_in_dim3A_401 : vector<16x1xi32> to vector<16xi32>
      %gather3A_403 = tpu.dynamic_gather %scan3A_75#27[%gather3A_402] in [0] : vector<16xf32>, vector<16xi32> -> vector<16xf32>
      %add3A_404 = arith.addf %gather3A_400, %gather3A_403 : vector<16xf32>
      %select_n3A_405 = arith.select %lt3A_31, %add3A_397, %add3A_404 : vector<16xi1>, vector<16xf32>
      %broadcast_in_dim3A_406 = vector.shape_cast %mul3A_25 : vector<16xi32> to vector<16x1xi32>
      %gather3A_407 = vector.shape_cast %broadcast_in_dim3A_406 : vector<16x1xi32> to vector<16xi32>
      %gather3A_408 = tpu.dynamic_gather %scan3A_75#29[%gather3A_407] in [0] : vector<16xf32>, vector<16xi32> -> vector<16xf32>
      %broadcast_in_dim3A_409 = vector.shape_cast %add3A_28 : vector<16xi32> to vector<16x1xi32>
      %gather3A_410 = vector.shape_cast %broadcast_in_dim3A_409 : vector<16x1xi32> to vector<16xi32>
      %gather3A_411 = tpu.dynamic_gather %scan3A_75#29[%gather3A_410] in [0] : vector<16xf32>, vector<16xi32> -> vector<16xf32>
      %add3A_412 = arith.addf %gather3A_408, %gather3A_411 : vector<16xf32>
      %broadcast_in_dim3A_413 = vector.shape_cast %mul3A_25 : vector<16xi32> to vector<16x1xi32>
      %gather3A_414 = vector.shape_cast %broadcast_in_dim3A_413 : vector<16x1xi32> to vector<16xi32>
      %gather3A_415 = tpu.dynamic_gather %scan3A_75#31[%gather3A_414] in [0] : vector<16xf32>, vector<16xi32> -> vector<16xf32>
      %broadcast_in_dim3A_416 = vector.shape_cast %add3A_28 : vector<16xi32> to vector<16x1xi32>
      %gather3A_417 = vector.shape_cast %broadcast_in_dim3A_416 : vector<16x1xi32> to vector<16xi32>
      %gather3A_418 = tpu.dynamic_gather %scan3A_75#31[%gather3A_417] in [0] : vector<16xf32>, vector<16xi32> -> vector<16xf32>
      %add3A_419 = arith.addf %gather3A_415, %gather3A_418 : vector<16xf32>
      %select_n3A_420 = arith.select %lt3A_31, %add3A_412, %add3A_419 : vector<16xi1>, vector<16xf32>
      %broadcast_in_dim3A_421 = vector.shape_cast %mul3A_25 : vector<16xi32> to vector<16x1xi32>
      %gather3A_422 = vector.shape_cast %broadcast_in_dim3A_421 : vector<16x1xi32> to vector<16xi32>
      %gather3A_423 = tpu.dynamic_gather %select_n3A_315[%gather3A_422] in [0] : vector<16xf32>, vector<16xi32> -> vector<16xf32>
      %broadcast_in_dim3A_424 = vector.shape_cast %add3A_28 : vector<16xi32> to vector<16x1xi32>
      %gather3A_425 = vector.shape_cast %broadcast_in_dim3A_424 : vector<16x1xi32> to vector<16xi32>
      %gather3A_426 = tpu.dynamic_gather %select_n3A_315[%gather3A_425] in [0] : vector<16xf32>, vector<16xi32> -> vector<16xf32>
      %add3A_427 = arith.addf %gather3A_423, %gather3A_426 : vector<16xf32>
      %broadcast_in_dim3A_428 = vector.shape_cast %mul3A_25 : vector<16xi32> to vector<16x1xi32>
      %gather3A_429 = vector.shape_cast %broadcast_in_dim3A_428 : vector<16x1xi32> to vector<16xi32>
      %gather3A_430 = tpu.dynamic_gather %select_n3A_330[%gather3A_429] in [0] : vector<16xf32>, vector<16xi32> -> vector<16xf32>
      %broadcast_in_dim3A_431 = vector.shape_cast %add3A_28 : vector<16xi32> to vector<16x1xi32>
      %gather3A_432 = vector.shape_cast %broadcast_in_dim3A_431 : vector<16x1xi32> to vector<16xi32>
      %gather3A_433 = tpu.dynamic_gather %select_n3A_330[%gather3A_432] in [0] : vector<16xf32>, vector<16xi32> -> vector<16xf32>
      %add3A_434 = arith.addf %gather3A_430, %gather3A_433 : vector<16xf32>
      %select_n3A_435 = arith.select %lt3A_31, %add3A_427, %add3A_434 : vector<16xi1>, vector<16xf32>
      %broadcast_in_dim3A_436 = vector.shape_cast %mul3A_25 : vector<16xi32> to vector<16x1xi32>
      %gather3A_437 = vector.shape_cast %broadcast_in_dim3A_436 : vector<16x1xi32> to vector<16xi32>
      %gather3A_438 = tpu.dynamic_gather %select_n3A_345[%gather3A_437] in [0] : vector<16xf32>, vector<16xi32> -> vector<16xf32>
      %broadcast_in_dim3A_439 = vector.shape_cast %add3A_28 : vector<16xi32> to vector<16x1xi32>
      %gather3A_440 = vector.shape_cast %broadcast_in_dim3A_439 : vector<16x1xi32> to vector<16xi32>
      %gather3A_441 = tpu.dynamic_gather %select_n3A_345[%gather3A_440] in [0] : vector<16xf32>, vector<16xi32> -> vector<16xf32>
      %add3A_442 = arith.addf %gather3A_438, %gather3A_441 : vector<16xf32>
      %broadcast_in_dim3A_443 = vector.shape_cast %mul3A_25 : vector<16xi32> to vector<16x1xi32>
      %gather3A_444 = vector.shape_cast %broadcast_in_dim3A_443 : vector<16x1xi32> to vector<16xi32>
      %gather3A_445 = tpu.dynamic_gather %select_n3A_360[%gather3A_444] in [0] : vector<16xf32>, vector<16xi32> -> vector<16xf32>
      %broadcast_in_dim3A_446 = vector.shape_cast %add3A_28 : vector<16xi32> to vector<16x1xi32>
      %gather3A_447 = vector.shape_cast %broadcast_in_dim3A_446 : vector<16x1xi32> to vector<16xi32>
      %gather3A_448 = tpu.dynamic_gather %select_n3A_360[%gather3A_447] in [0] : vector<16xf32>, vector<16xi32> -> vector<16xf32>
      %add3A_449 = arith.addf %gather3A_445, %gather3A_448 : vector<16xf32>
      %select_n3A_450 = arith.select %lt3A_31, %add3A_442, %add3A_449 : vector<16xi1>, vector<16xf32>
      %broadcast_in_dim3A_451 = vector.shape_cast %mul3A_25 : vector<16xi32> to vector<16x1xi32>
      %gather3A_452 = vector.shape_cast %broadcast_in_dim3A_451 : vector<16x1xi32> to vector<16xi32>
      %gather3A_453 = tpu.dynamic_gather %select_n3A_375[%gather3A_452] in [0] : vector<16xf32>, vector<16xi32> -> vector<16xf32>
      %broadcast_in_dim3A_454 = vector.shape_cast %add3A_28 : vector<16xi32> to vector<16x1xi32>
      %gather3A_455 = vector.shape_cast %broadcast_in_dim3A_454 : vector<16x1xi32> to vector<16xi32>
      %gather3A_456 = tpu.dynamic_gather %select_n3A_375[%gather3A_455] in [0] : vector<16xf32>, vector<16xi32> -> vector<16xf32>
      %add3A_457 = arith.addf %gather3A_453, %gather3A_456 : vector<16xf32>
      %broadcast_in_dim3A_458 = vector.shape_cast %mul3A_25 : vector<16xi32> to vector<16x1xi32>
      %gather3A_459 = vector.shape_cast %broadcast_in_dim3A_458 : vector<16x1xi32> to vector<16xi32>
      %gather3A_460 = tpu.dynamic_gather %select_n3A_390[%gather3A_459] in [0] : vector<16xf32>, vector<16xi32> -> vector<16xf32>
      %broadcast_in_dim3A_461 = vector.shape_cast %add3A_28 : vector<16xi32> to vector<16x1xi32>
      %gather3A_462 = vector.shape_cast %broadcast_in_dim3A_461 : vector<16x1xi32> to vector<16xi32>
      %gather3A_463 = tpu.dynamic_gather %select_n3A_390[%gather3A_462] in [0] : vector<16xf32>, vector<16xi32> -> vector<16xf32>
      %add3A_464 = arith.addf %gather3A_460, %gather3A_463 : vector<16xf32>
      %select_n3A_465 = arith.select %lt3A_31, %add3A_457, %add3A_464 : vector<16xi1>, vector<16xf32>
      %broadcast_in_dim3A_466 = vector.shape_cast %mul3A_25 : vector<16xi32> to vector<16x1xi32>
      %gather3A_467 = vector.shape_cast %broadcast_in_dim3A_466 : vector<16x1xi32> to vector<16xi32>
      %gather3A_468 = tpu.dynamic_gather %select_n3A_405[%gather3A_467] in [0] : vector<16xf32>, vector<16xi32> -> vector<16xf32>
      %broadcast_in_dim3A_469 = vector.shape_cast %add3A_28 : vector<16xi32> to vector<16x1xi32>
      %gather3A_470 = vector.shape_cast %broadcast_in_dim3A_469 : vector<16x1xi32> to vector<16xi32>
      %gather3A_471 = tpu.dynamic_gather %select_n3A_405[%gather3A_470] in [0] : vector<16xf32>, vector<16xi32> -> vector<16xf32>
      %add3A_472 = arith.addf %gather3A_468, %gather3A_471 : vector<16xf32>
      %broadcast_in_dim3A_473 = vector.shape_cast %mul3A_25 : vector<16xi32> to vector<16x1xi32>
      %gather3A_474 = vector.shape_cast %broadcast_in_dim3A_473 : vector<16x1xi32> to vector<16xi32>
      %gather3A_475 = tpu.dynamic_gather %select_n3A_420[%gather3A_474] in [0] : vector<16xf32>, vector<16xi32> -> vector<16xf32>
      %broadcast_in_dim3A_476 = vector.shape_cast %add3A_28 : vector<16xi32> to vector<16x1xi32>
      %gather3A_477 = vector.shape_cast %broadcast_in_dim3A_476 : vector<16x1xi32> to vector<16xi32>
      %gather3A_478 = tpu.dynamic_gather %select_n3A_420[%gather3A_477] in [0] : vector<16xf32>, vector<16xi32> -> vector<16xf32>
      %add3A_479 = arith.addf %gather3A_475, %gather3A_478 : vector<16xf32>
      %select_n3A_480 = arith.select %lt3A_31, %add3A_472, %add3A_479 : vector<16xi1>, vector<16xf32>
      %broadcast_in_dim3A_481 = vector.shape_cast %mul3A_25 : vector<16xi32> to vector<16x1xi32>
      %gather3A_482 = vector.shape_cast %broadcast_in_dim3A_481 : vector<16x1xi32> to vector<16xi32>
      %gather3A_483 = tpu.dynamic_gather %select_n3A_435[%gather3A_482] in [0] : vector<16xf32>, vector<16xi32> -> vector<16xf32>
      %broadcast_in_dim3A_484 = vector.shape_cast %add3A_28 : vector<16xi32> to vector<16x1xi32>
      %gather3A_485 = vector.shape_cast %broadcast_in_dim3A_484 : vector<16x1xi32> to vector<16xi32>
      %gather3A_486 = tpu.dynamic_gather %select_n3A_435[%gather3A_485] in [0] : vector<16xf32>, vector<16xi32> -> vector<16xf32>
      %add3A_487 = arith.addf %gather3A_483, %gather3A_486 : vector<16xf32>
      %broadcast_in_dim3A_488 = vector.shape_cast %mul3A_25 : vector<16xi32> to vector<16x1xi32>
      %gather3A_489 = vector.shape_cast %broadcast_in_dim3A_488 : vector<16x1xi32> to vector<16xi32>
      %gather3A_490 = tpu.dynamic_gather %select_n3A_450[%gather3A_489] in [0] : vector<16xf32>, vector<16xi32> -> vector<16xf32>
      %broadcast_in_dim3A_491 = vector.shape_cast %add3A_28 : vector<16xi32> to vector<16x1xi32>
      %gather3A_492 = vector.shape_cast %broadcast_in_dim3A_491 : vector<16x1xi32> to vector<16xi32>
      %gather3A_493 = tpu.dynamic_gather %select_n3A_450[%gather3A_492] in [0] : vector<16xf32>, vector<16xi32> -> vector<16xf32>
      %add3A_494 = arith.addf %gather3A_490, %gather3A_493 : vector<16xf32>
      %select_n3A_495 = arith.select %lt3A_31, %add3A_487, %add3A_494 : vector<16xi1>, vector<16xf32>
      %broadcast_in_dim3A_496 = vector.shape_cast %mul3A_25 : vector<16xi32> to vector<16x1xi32>
      %gather3A_497 = vector.shape_cast %broadcast_in_dim3A_496 : vector<16x1xi32> to vector<16xi32>
      %gather3A_498 = tpu.dynamic_gather %select_n3A_465[%gather3A_497] in [0] : vector<16xf32>, vector<16xi32> -> vector<16xf32>
      %broadcast_in_dim3A_499 = vector.shape_cast %add3A_28 : vector<16xi32> to vector<16x1xi32>
      %gather3A_500 = vector.shape_cast %broadcast_in_dim3A_499 : vector<16x1xi32> to vector<16xi32>
      %gather3A_501 = tpu.dynamic_gather %select_n3A_465[%gather3A_500] in [0] : vector<16xf32>, vector<16xi32> -> vector<16xf32>
      %add3A_502 = arith.addf %gather3A_498, %gather3A_501 : vector<16xf32>
      %broadcast_in_dim3A_503 = vector.shape_cast %mul3A_25 : vector<16xi32> to vector<16x1xi32>
      %gather3A_504 = vector.shape_cast %broadcast_in_dim3A_503 : vector<16x1xi32> to vector<16xi32>
      %gather3A_505 = tpu.dynamic_gather %select_n3A_480[%gather3A_504] in [0] : vector<16xf32>, vector<16xi32> -> vector<16xf32>
      %broadcast_in_dim3A_506 = vector.shape_cast %add3A_28 : vector<16xi32> to vector<16x1xi32>
      %gather3A_507 = vector.shape_cast %broadcast_in_dim3A_506 : vector<16x1xi32> to vector<16xi32>
      %gather3A_508 = tpu.dynamic_gather %select_n3A_480[%gather3A_507] in [0] : vector<16xf32>, vector<16xi32> -> vector<16xf32>
      %add3A_509 = arith.addf %gather3A_505, %gather3A_508 : vector<16xf32>
      %select_n3A_510 = arith.select %lt3A_31, %add3A_502, %add3A_509 : vector<16xi1>, vector<16xf32>
      %broadcast_in_dim3A_511 = vector.shape_cast %mul3A_25 : vector<16xi32> to vector<16x1xi32>
      %gather3A_512 = vector.shape_cast %broadcast_in_dim3A_511 : vector<16x1xi32> to vector<16xi32>
      %gather3A_513 = tpu.dynamic_gather %select_n3A_495[%gather3A_512] in [0] : vector<16xf32>, vector<16xi32> -> vector<16xf32>
      %broadcast_in_dim3A_514 = vector.shape_cast %add3A_28 : vector<16xi32> to vector<16x1xi32>
      %gather3A_515 = vector.shape_cast %broadcast_in_dim3A_514 : vector<16x1xi32> to vector<16xi32>
      %gather3A_516 = tpu.dynamic_gather %select_n3A_495[%gather3A_515] in [0] : vector<16xf32>, vector<16xi32> -> vector<16xf32>
      %add3A_517 = arith.addf %gather3A_513, %gather3A_516 : vector<16xf32>
      %broadcast_in_dim3A_518 = vector.shape_cast %mul3A_25 : vector<16xi32> to vector<16x1xi32>
      %gather3A_519 = vector.shape_cast %broadcast_in_dim3A_518 : vector<16x1xi32> to vector<16xi32>
      %gather3A_520 = tpu.dynamic_gather %select_n3A_510[%gather3A_519] in [0] : vector<16xf32>, vector<16xi32> -> vector<16xf32>
      %broadcast_in_dim3A_521 = vector.shape_cast %add3A_28 : vector<16xi32> to vector<16x1xi32>
      %gather3A_522 = vector.shape_cast %broadcast_in_dim3A_521 : vector<16x1xi32> to vector<16xi32>
      %gather3A_523 = tpu.dynamic_gather %select_n3A_510[%gather3A_522] in [0] : vector<16xf32>, vector<16xi32> -> vector<16xf32>
      %add3A_524 = arith.addf %gather3A_520, %gather3A_523 : vector<16xf32>
      %select_n3A_525 = arith.select %lt3A_31, %add3A_517, %add3A_524 : vector<16xi1>, vector<16xf32>
      %add3A_526 = vector.broadcast %squeeze3A : f32 to vector<16xf32>
      %add3A_527 = arith.addf %select_n3A_300, %add3A_526 : vector<16xf32>
      %swap3A = arith.index_cast %mul3A_70 : i32 to index
      %swap3A_528 = tpu.vector_load %arg11[%swap3A] {strides = array<i32>} : memref<448xf32, #tpu.memory_space<vmem>>, vector<16xf32>,
      %swap3A_529 = vector.shape_cast %swap3A_528 : vector<16xf32> to vector<16xf32>
      %swap3A_530 = vector.shape_cast %add3A_527 : vector<16xf32> to vector<16xf32>
      tpu.vector_store %arg11[%swap3A], %swap3A_530 {strides = array<i32>} : memref<448xf32, #tpu.memory_space<vmem>>, vector<16xf32>,
      %add3A_531 = vector.broadcast %squeeze3A_6 : f32 to vector<16xf32>
      %add3A_532 = arith.addf %select_n3A_525, %add3A_531 : vector<16xf32>
      %swap3A_533 = arith.index_cast %mul3A_70 : i32 to index
      %swap3A_534 = tpu.vector_load %arg12[%swap3A_533] {strides = array<i32>} : memref<448xf32, #tpu.memory_space<vmem>>, vector<16xf32>,
      %swap3A_535 = vector.shape_cast %swap3A_534 : vector<16xf32> to vector<16xf32>
      %swap3A_536 = vector.shape_cast %add3A_532 : vector<16xf32> to vector<16xf32>
      tpu.vector_store %arg12[%swap3A_533], %swap3A_536 {strides = array<i32>} : memref<448xf32, #tpu.memory_space<vmem>>, vector<16xf32>,
      %mul3A_537 = arith.constant 2 : i32
      %mul3A_538 = arith.muli %scan3A_46, %mul3A_537 : i32
      %add3A_539 = arith.constant 1 : i32
      %add3A_540 = arith.addi %mul3A_538, %add3A_539 : i32
      %dma_wait3A_541 = arith.constant 0 : i32
      %dma_wait3A_542 = arith.constant 0 : i32
      %dma_wait3A_543 = tpu.memref_slice %arg2[%dma_wait3A_541, %dma_wait3A_542] : memref<14336x2048xf32, #tpu.memory_space<hbm>> -> memref<16x2048xf32, #tpu.memory_space<hbm>>
      %dma_wait3A_544 = arith.constant 0 : i32
      %dma_wait3A_545 = arith.constant 0 : i32
      %dma_wait3A_546 = tpu.memref_slice %arg2[%dma_wait3A_544, %dma_wait3A_545] : memref<14336x2048xf32, #tpu.memory_space<hbm>> -> memref<16x2048xf32, #tpu.memory_space<hbm>>
      tpu.wait_dma2 semaphore(%arg14 : memref<!tpu.dma_semaphore, #tpu.memory_space<semaphore_mem>>) src(%dma_wait3A_546 : memref<16x2048xf32, #tpu.memory_space<hbm>>) dst(%arg10 : memref<16x2048xf32, #tpu.memory_space<vmem>>)
      %add3A_547 = arith.constant 1 : i32
      %add3A_548 = arith.addi %add3A_540, %add3A_547 : i32
      %rem3A_549 = arith.constant 28 : i32
      %rem3A_550 = arith.remsi %add3A_548, %rem3A_549 : i32
      %mul3A_551 = arith.constant 16 : i32
      %mul3A_552 = arith.muli %rem3A_550, %mul3A_551 : i32
      %add3A_553 = arith.addi %mul3A_2, %mul3A_552 : i32
      %dma_start3A_554 = arith.constant 0 : i32
      %dma_start3A_555 = tpu.memref_slice %arg2[%add3A_553, %dma_start3A_554] : memref<14336x2048xf32, #tpu.memory_space<hbm>> -> memref<16x2048xf32, #tpu.memory_space<hbm>>
      %dma_start3A_556 = arith.constant 0 : i32
      %dma_start3A_557 = tpu.memref_slice %arg2[%add3A_553, %dma_start3A_556] : memref<14336x2048xf32, #tpu.memory_space<hbm>> -> memref<16x2048xf32, #tpu.memory_space<hbm>>
      tpu.enqueue_dma source(%dma_start3A_557 : memref<16x2048xf32, #tpu.memory_space<hbm>>) target(%arg9 : memref<16x2048xf32, #tpu.memory_space<vmem>>) target_semaphore(%arg13 : memref<!tpu.dma_semaphore, #tpu.memory_space<semaphore_mem>>)
      %mul3A_558 = arith.constant 16 : i32
      %mul3A_559 = arith.muli %add3A_540, %mul3A_558 : i32
      %scan3A_560 = arith.constant 0 : i32
      %scan3A_561 = arith.constant 128 : i32
      %scan3A_562 = arith.addi %scan3A_560, %scan3A_561 : i32
      %scan3A_563 = arith.constant 2 : i32
      %scan3A_564:32 = scf.for %scan3A_1029 = %scan3A_560 to %scan3A_562 step %scan3A_563 iter_args(%scan3A_1030 = %broadcast_in_dim3A_7, %scan3A_1031 = %broadcast_in_dim3A_7, %scan3A_1032 = %broadcast_in_dim3A_7, %scan3A_1033 = %broadcast_in_dim3A_7, %scan3A_1034 = %broadcast_in_dim3A_7, %scan3A_1035 = %broadcast_in_dim3A_7, %scan3A_1036 = %broadcast_in_dim3A_7, %scan3A_1037 = %broadcast_in_dim3A_7, %scan3A_1038 = %broadcast_in_dim3A_7, %scan3A_1039 = %broadcast_in_dim3A_7, %scan3A_1040 = %broadcast_in_dim3A_7, %scan3A_1041 = %broadcast_in_dim3A_7, %scan3A_1042 = %broadcast_in_dim3A_7, %scan3A_1043 = %broadcast_in_dim3A_7, %scan3A_1044 = %broadcast_in_dim3A_7, %scan3A_1045 = %broadcast_in_dim3A_7, %scan3A_1046 = %broadcast_in_dim3A_7, %scan3A_1047 = %broadcast_in_dim3A_7, %scan3A_1048 = %broadcast_in_dim3A_7, %scan3A_1049 = %broadcast_in_dim3A_7, %scan3A_1050 = %broadcast_in_dim3A_7, %scan3A_1051 = %broadcast_in_dim3A_7, %scan3A_1052 = %broadcast_in_dim3A_7, %scan3A_1053 = %broadcast_in_dim3A_7, %scan3A_1054 = %broadcast_in_dim3A_7, %scan3A_1055 = %broadcast_in_dim3A_7, %scan3A_1056 = %broadcast_in_dim3A_7, %scan3A_1057 = %broadcast_in_dim3A_7, %scan3A_1058 = %broadcast_in_dim3A_7, %scan3A_1059 = %broadcast_in_dim3A_7, %scan3A_1060 = %broadcast_in_dim3A_7, %scan3A_1061 = %broadcast_in_dim3A_7) -> (vector<16xf32>, vector<16xf32>, vector<16xf32>, vector<16xf32>, vector<16xf32>, vector<16xf32>, vector<16xf32>, vector<16xf32>, vector<16xf32>, vector<16xf32>, vector<16xf32>, vector<16xf32>, vector<16xf32>, vector<16xf32>, vector<16xf32>, vector<16xf32>, vector<16xf32>, vector<16xf32>, vector<16xf32>, vector<16xf32>, vector<16xf32>, vector<16xf32>, vector<16xf32>, vector<16xf32>, vector<16xf32>, vector<16xf32>, vector<16xf32>, vector<16xf32>, vector<16xf32>, vector<16xf32>, vector<16xf32>, vector<16xf32>)  : i32 {
        %mul3A_1062 = arith.constant 16 : i32
        %mul3A_1063 = arith.muli %scan3A_1029, %mul3A_1062 : i32
        %get3A_1064 = arith.constant 0 : i32
        %get3A_1065 = arith.index_cast %get3A_1064 : i32 to index
        %get3A_1066 = arith.index_cast %mul3A_1063 : i32 to index
        %get3A_1067 = tpu.vector_load %arg7[%get3A_1065, %get3A_1066] {strides = array<i32>} : memref<2x2048xf32, #tpu.memory_space<vmem>>, vector<1x16xf32>,
        %get3A_1068 = vector.shape_cast %get3A_1067 : vector<1x16xf32> to vector<16xf32>
        %get3A_1069 = arith.constant 1 : i32
        %get3A_1070 = arith.index_cast %get3A_1069 : i32 to index
        %get3A_1071 = arith.index_cast %mul3A_1063 : i32 to index
        %get3A_1072 = tpu.vector_load %arg7[%get3A_1070, %get3A_1071] {strides = array<i32>} : memref<2x2048xf32, #tpu.memory_space<vmem>>, vector<1x16xf32>,
        %get3A_1073 = vector.shape_cast %get3A_1072 : vector<1x16xf32> to vector<16xf32>
        %get3A_1074 = arith.constant 0 : i32
        %get3A_1075 = arith.index_cast %get3A_1074 : i32 to index
        %get3A_1076 = arith.index_cast %mul3A_1063 : i32 to index
        %get3A_1077 = tpu.vector_load %arg10[%get3A_1075, %get3A_1076] {strides = array<i32>} : memref<16x2048xf32, #tpu.memory_space<vmem>>, vector<1x16xf32>,
        %get3A_1078 = vector.shape_cast %get3A_1077 : vector<1x16xf32> to vector<16xf32>
        %mul3A_1079 = arith.mulf %get3A_1078, %get3A_1068 : vector<16xf32>
        %add3A_1080 = arith.addf %scan3A_1030, %mul3A_1079 : vector<16xf32>
        %mul3A_1081 = arith.mulf %get3A_1078, %get3A_1073 : vector<16xf32>
        %add3A_1082 = arith.addf %scan3A_1031, %mul3A_1081 : vector<16xf32>
        %get3A_1083 = arith.constant 1 : i32
        %get3A_1084 = arith.index_cast %get3A_1083 : i32 to index
        %get3A_1085 = arith.index_cast %mul3A_1063 : i32 to index
        %get3A_1086 = tpu.vector_load %arg10[%get3A_1084, %get3A_1085] {strides = array<i32>} : memref<16x2048xf32, #tpu.memory_space<vmem>>, vector<1x16xf32>,
        %get3A_1087 = vector.shape_cast %get3A_1086 : vector<1x16xf32> to vector<16xf32>
        %mul3A_1088 = arith.mulf %get3A_1087, %get3A_1068 : vector<16xf32>
        %add3A_1089 = arith.addf %scan3A_1032, %mul3A_1088 : vector<16xf32>
        %mul3A_1090 = arith.mulf %get3A_1087, %get3A_1073 : vector<16xf32>
        %add3A_1091 = arith.addf %scan3A_1033, %mul3A_1090 : vector<16xf32>
        %get3A_1092 = arith.constant 2 : i32
        %get3A_1093 = arith.index_cast %get3A_1092 : i32 to index
        %get3A_1094 = arith.index_cast %mul3A_1063 : i32 to index
        %get3A_1095 = tpu.vector_load %arg10[%get3A_1093, %get3A_1094] {strides = array<i32>} : memref<16x2048xf32, #tpu.memory_space<vmem>>, vector<1x16xf32>,
        %get3A_1096 = vector.shape_cast %get3A_1095 : vector<1x16xf32> to vector<16xf32>
        %mul3A_1097 = arith.mulf %get3A_1096, %get3A_1068 : vector<16xf32>
        %add3A_1098 = arith.addf %scan3A_1034, %mul3A_1097 : vector<16xf32>
        %mul3A_1099 = arith.mulf %get3A_1096, %get3A_1073 : vector<16xf32>
        %add3A_1100 = arith.addf %scan3A_1035, %mul3A_1099 : vector<16xf32>
        %get3A_1101 = arith.constant 3 : i32
        %get3A_1102 = arith.index_cast %get3A_1101 : i32 to index
        %get3A_1103 = arith.index_cast %mul3A_1063 : i32 to index
        %get3A_1104 = tpu.vector_load %arg10[%get3A_1102, %get3A_1103] {strides = array<i32>} : memref<16x2048xf32, #tpu.memory_space<vmem>>, vector<1x16xf32>,
        %get3A_1105 = vector.shape_cast %get3A_1104 : vector<1x16xf32> to vector<16xf32>
        %mul3A_1106 = arith.mulf %get3A_1105, %get3A_1068 : vector<16xf32>
        %add3A_1107 = arith.addf %scan3A_1036, %mul3A_1106 : vector<16xf32>
        %mul3A_1108 = arith.mulf %get3A_1105, %get3A_1073 : vector<16xf32>
        %add3A_1109 = arith.addf %scan3A_1037, %mul3A_1108 : vector<16xf32>
        %get3A_1110 = arith.constant 4 : i32
        %get3A_1111 = arith.index_cast %get3A_1110 : i32 to index
        %get3A_1112 = arith.index_cast %mul3A_1063 : i32 to index
        %get3A_1113 = tpu.vector_load %arg10[%get3A_1111, %get3A_1112] {strides = array<i32>} : memref<16x2048xf32, #tpu.memory_space<vmem>>, vector<1x16xf32>,
        %get3A_1114 = vector.shape_cast %get3A_1113 : vector<1x16xf32> to vector<16xf32>
        %mul3A_1115 = arith.mulf %get3A_1114, %get3A_1068 : vector<16xf32>
        %add3A_1116 = arith.addf %scan3A_1038, %mul3A_1115 : vector<16xf32>
        %mul3A_1117 = arith.mulf %get3A_1114, %get3A_1073 : vector<16xf32>
        %add3A_1118 = arith.addf %scan3A_1039, %mul3A_1117 : vector<16xf32>
        %get3A_1119 = arith.constant 5 : i32
        %get3A_1120 = arith.index_cast %get3A_1119 : i32 to index
        %get3A_1121 = arith.index_cast %mul3A_1063 : i32 to index
        %get3A_1122 = tpu.vector_load %arg10[%get3A_1120, %get3A_1121] {strides = array<i32>} : memref<16x2048xf32, #tpu.memory_space<vmem>>, vector<1x16xf32>,
        %get3A_1123 = vector.shape_cast %get3A_1122 : vector<1x16xf32> to vector<16xf32>
        %mul3A_1124 = arith.mulf %get3A_1123, %get3A_1068 : vector<16xf32>
        %add3A_1125 = arith.addf %scan3A_1040, %mul3A_1124 : vector<16xf32>
        %mul3A_1126 = arith.mulf %get3A_1123, %get3A_1073 : vector<16xf32>
        %add3A_1127 = arith.addf %scan3A_1041, %mul3A_1126 : vector<16xf32>
        %get3A_1128 = arith.constant 6 : i32
        %get3A_1129 = arith.index_cast %get3A_1128 : i32 to index
        %get3A_1130 = arith.index_cast %mul3A_1063 : i32 to index
        %get3A_1131 = tpu.vector_load %arg10[%get3A_1129, %get3A_1130] {strides = array<i32>} : memref<16x2048xf32, #tpu.memory_space<vmem>>, vector<1x16xf32>,
        %get3A_1132 = vector.shape_cast %get3A_1131 : vector<1x16xf32> to vector<16xf32>
        %mul3A_1133 = arith.mulf %get3A_1132, %get3A_1068 : vector<16xf32>
        %add3A_1134 = arith.addf %scan3A_1042, %mul3A_1133 : vector<16xf32>
        %mul3A_1135 = arith.mulf %get3A_1132, %get3A_1073 : vector<16xf32>
        %add3A_1136 = arith.addf %scan3A_1043, %mul3A_1135 : vector<16xf32>
        %get3A_1137 = arith.constant 7 : i32
        %get3A_1138 = arith.index_cast %get3A_1137 : i32 to index
        %get3A_1139 = arith.index_cast %mul3A_1063 : i32 to index
        %get3A_1140 = tpu.vector_load %arg10[%get3A_1138, %get3A_1139] {strides = array<i32>} : memref<16x2048xf32, #tpu.memory_space<vmem>>, vector<1x16xf32>,
        %get3A_1141 = vector.shape_cast %get3A_1140 : vector<1x16xf32> to vector<16xf32>
        %mul3A_1142 = arith.mulf %get3A_1141, %get3A_1068 : vector<16xf32>
        %add3A_1143 = arith.addf %scan3A_1044, %mul3A_1142 : vector<16xf32>
        %mul3A_1144 = arith.mulf %get3A_1141, %get3A_1073 : vector<16xf32>
        %add3A_1145 = arith.addf %scan3A_1045, %mul3A_1144 : vector<16xf32>
        %get3A_1146 = arith.constant 8 : i32
        %get3A_1147 = arith.index_cast %get3A_1146 : i32 to index
        %get3A_1148 = arith.index_cast %mul3A_1063 : i32 to index
        %get3A_1149 = tpu.vector_load %arg10[%get3A_1147, %get3A_1148] {strides = array<i32>} : memref<16x2048xf32, #tpu.memory_space<vmem>>, vector<1x16xf32>,
        %get3A_1150 = vector.shape_cast %get3A_1149 : vector<1x16xf32> to vector<16xf32>
        %mul3A_1151 = arith.mulf %get3A_1150, %get3A_1068 : vector<16xf32>
        %add3A_1152 = arith.addf %scan3A_1046, %mul3A_1151 : vector<16xf32>
        %mul3A_1153 = arith.mulf %get3A_1150, %get3A_1073 : vector<16xf32>
        %add3A_1154 = arith.addf %scan3A_1047, %mul3A_1153 : vector<16xf32>
        %get3A_1155 = arith.constant 9 : i32
        %get3A_1156 = arith.index_cast %get3A_1155 : i32 to index
        %get3A_1157 = arith.index_cast %mul3A_1063 : i32 to index
        %get3A_1158 = tpu.vector_load %arg10[%get3A_1156, %get3A_1157] {strides = array<i32>} : memref<16x2048xf32, #tpu.memory_space<vmem>>, vector<1x16xf32>,
        %get3A_1159 = vector.shape_cast %get3A_1158 : vector<1x16xf32> to vector<16xf32>
        %mul3A_1160 = arith.mulf %get3A_1159, %get3A_1068 : vector<16xf32>
        %add3A_1161 = arith.addf %scan3A_1048, %mul3A_1160 : vector<16xf32>
        %mul3A_1162 = arith.mulf %get3A_1159, %get3A_1073 : vector<16xf32>
        %add3A_1163 = arith.addf %scan3A_1049, %mul3A_1162 : vector<16xf32>
        %get3A_1164 = arith.constant 10 : i32
        %get3A_1165 = arith.index_cast %get3A_1164 : i32 to index
        %get3A_1166 = arith.index_cast %mul3A_1063 : i32 to index
        %get3A_1167 = tpu.vector_load %arg10[%get3A_1165, %get3A_1166] {strides = array<i32>} : memref<16x2048xf32, #tpu.memory_space<vmem>>, vector<1x16xf32>,
        %get3A_1168 = vector.shape_cast %get3A_1167 : vector<1x16xf32> to vector<16xf32>
        %mul3A_1169 = arith.mulf %get3A_1168, %get3A_1068 : vector<16xf32>
        %add3A_1170 = arith.addf %scan3A_1050, %mul3A_1169 : vector<16xf32>
        %mul3A_1171 = arith.mulf %get3A_1168, %get3A_1073 : vector<16xf32>
        %add3A_1172 = arith.addf %scan3A_1051, %mul3A_1171 : vector<16xf32>
        %get3A_1173 = arith.constant 11 : i32
        %get3A_1174 = arith.index_cast %get3A_1173 : i32 to index
        %get3A_1175 = arith.index_cast %mul3A_1063 : i32 to index
        %get3A_1176 = tpu.vector_load %arg10[%get3A_1174, %get3A_1175] {strides = array<i32>} : memref<16x2048xf32, #tpu.memory_space<vmem>>, vector<1x16xf32>,
        %get3A_1177 = vector.shape_cast %get3A_1176 : vector<1x16xf32> to vector<16xf32>
        %mul3A_1178 = arith.mulf %get3A_1177, %get3A_1068 : vector<16xf32>
        %add3A_1179 = arith.addf %scan3A_1052, %mul3A_1178 : vector<16xf32>
        %mul3A_1180 = arith.mulf %get3A_1177, %get3A_1073 : vector<16xf32>
        %add3A_1181 = arith.addf %scan3A_1053, %mul3A_1180 : vector<16xf32>
        %get3A_1182 = arith.constant 12 : i32
        %get3A_1183 = arith.index_cast %get3A_1182 : i32 to index
        %get3A_1184 = arith.index_cast %mul3A_1063 : i32 to index
        %get3A_1185 = tpu.vector_load %arg10[%get3A_1183, %get3A_1184] {strides = array<i32>} : memref<16x2048xf32, #tpu.memory_space<vmem>>, vector<1x16xf32>,
        %get3A_1186 = vector.shape_cast %get3A_1185 : vector<1x16xf32> to vector<16xf32>
        %mul3A_1187 = arith.mulf %get3A_1186, %get3A_1068 : vector<16xf32>
        %add3A_1188 = arith.addf %scan3A_1054, %mul3A_1187 : vector<16xf32>
        %mul3A_1189 = arith.mulf %get3A_1186, %get3A_1073 : vector<16xf32>
        %add3A_1190 = arith.addf %scan3A_1055, %mul3A_1189 : vector<16xf32>
        %get3A_1191 = arith.constant 13 : i32
        %get3A_1192 = arith.index_cast %get3A_1191 : i32 to index
        %get3A_1193 = arith.index_cast %mul3A_1063 : i32 to index
        %get3A_1194 = tpu.vector_load %arg10[%get3A_1192, %get3A_1193] {strides = array<i32>} : memref<16x2048xf32, #tpu.memory_space<vmem>>, vector<1x16xf32>,
        %get3A_1195 = vector.shape_cast %get3A_1194 : vector<1x16xf32> to vector<16xf32>
        %mul3A_1196 = arith.mulf %get3A_1195, %get3A_1068 : vector<16xf32>
        %add3A_1197 = arith.addf %scan3A_1056, %mul3A_1196 : vector<16xf32>
        %mul3A_1198 = arith.mulf %get3A_1195, %get3A_1073 : vector<16xf32>
        %add3A_1199 = arith.addf %scan3A_1057, %mul3A_1198 : vector<16xf32>
        %get3A_1200 = arith.constant 14 : i32
        %get3A_1201 = arith.index_cast %get3A_1200 : i32 to index
        %get3A_1202 = arith.index_cast %mul3A_1063 : i32 to index
        %get3A_1203 = tpu.vector_load %arg10[%get3A_1201, %get3A_1202] {strides = array<i32>} : memref<16x2048xf32, #tpu.memory_space<vmem>>, vector<1x16xf32>,
        %get3A_1204 = vector.shape_cast %get3A_1203 : vector<1x16xf32> to vector<16xf32>
        %mul3A_1205 = arith.mulf %get3A_1204, %get3A_1068 : vector<16xf32>
        %add3A_1206 = arith.addf %scan3A_1058, %mul3A_1205 : vector<16xf32>
        %mul3A_1207 = arith.mulf %get3A_1204, %get3A_1073 : vector<16xf32>
        %add3A_1208 = arith.addf %scan3A_1059, %mul3A_1207 : vector<16xf32>
        %get3A_1209 = arith.constant 15 : i32
        %get3A_1210 = arith.index_cast %get3A_1209 : i32 to index
        %get3A_1211 = arith.index_cast %mul3A_1063 : i32 to index
        %get3A_1212 = tpu.vector_load %arg10[%get3A_1210, %get3A_1211] {strides = array<i32>} : memref<16x2048xf32, #tpu.memory_space<vmem>>, vector<1x16xf32>,
        %get3A_1213 = vector.shape_cast %get3A_1212 : vector<1x16xf32> to vector<16xf32>
        %mul3A_1214 = arith.mulf %get3A_1213, %get3A_1068 : vector<16xf32>
        %add3A_1215 = arith.addf %scan3A_1060, %mul3A_1214 : vector<16xf32>
        %mul3A_1216 = arith.mulf %get3A_1213, %get3A_1073 : vector<16xf32>
        %add3A_1217 = arith.addf %scan3A_1061, %mul3A_1216 : vector<16xf32>
        %scan3A_1218 = arith.constant 1 : i32
        %scan3A_1219 = arith.addi %scan3A_1029, %scan3A_1218 : i32
        %mul3A_1220 = arith.constant 16 : i32
        %mul3A_1221 = arith.muli %scan3A_1219, %mul3A_1220 : i32
        %get3A_1222 = arith.constant 0 : i32
        %get3A_1223 = arith.index_cast %get3A_1222 : i32 to index
        %get3A_1224 = arith.index_cast %mul3A_1221 : i32 to index
        %get3A_1225 = tpu.vector_load %arg7[%get3A_1223, %get3A_1224] {strides = array<i32>} : memref<2x2048xf32, #tpu.memory_space<vmem>>, vector<1x16xf32>,
        %get3A_1226 = vector.shape_cast %get3A_1225 : vector<1x16xf32> to vector<16xf32>
        %get3A_1227 = arith.constant 1 : i32
        %get3A_1228 = arith.index_cast %get3A_1227 : i32 to index
        %get3A_1229 = arith.index_cast %mul3A_1221 : i32 to index
        %get3A_1230 = tpu.vector_load %arg7[%get3A_1228, %get3A_1229] {strides = array<i32>} : memref<2x2048xf32, #tpu.memory_space<vmem>>, vector<1x16xf32>,
        %get3A_1231 = vector.shape_cast %get3A_1230 : vector<1x16xf32> to vector<16xf32>
        %get3A_1232 = arith.constant 0 : i32
        %get3A_1233 = arith.index_cast %get3A_1232 : i32 to index
        %get3A_1234 = arith.index_cast %mul3A_1221 : i32 to index
        %get3A_1235 = tpu.vector_load %arg10[%get3A_1233, %get3A_1234] {strides = array<i32>} : memref<16x2048xf32, #tpu.memory_space<vmem>>, vector<1x16xf32>,
        %get3A_1236 = vector.shape_cast %get3A_1235 : vector<1x16xf32> to vector<16xf32>
        %mul3A_1237 = arith.mulf %get3A_1236, %get3A_1226 : vector<16xf32>
        %add3A_1238 = arith.addf %add3A_1080, %mul3A_1237 : vector<16xf32>
        %mul3A_1239 = arith.mulf %get3A_1236, %get3A_1231 : vector<16xf32>
        %add3A_1240 = arith.addf %add3A_1082, %mul3A_1239 : vector<16xf32>
        %get3A_1241 = arith.constant 1 : i32
        %get3A_1242 = arith.index_cast %get3A_1241 : i32 to index
        %get3A_1243 = arith.index_cast %mul3A_1221 : i32 to index
        %get3A_1244 = tpu.vector_load %arg10[%get3A_1242, %get3A_1243] {strides = array<i32>} : memref<16x2048xf32, #tpu.memory_space<vmem>>, vector<1x16xf32>,
        %get3A_1245 = vector.shape_cast %get3A_1244 : vector<1x16xf32> to vector<16xf32>
        %mul3A_1246 = arith.mulf %get3A_1245, %get3A_1226 : vector<16xf32>
        %add3A_1247 = arith.addf %add3A_1089, %mul3A_1246 : vector<16xf32>
        %mul3A_1248 = arith.mulf %get3A_1245, %get3A_1231 : vector<16xf32>
        %add3A_1249 = arith.addf %add3A_1091, %mul3A_1248 : vector<16xf32>
        %get3A_1250 = arith.constant 2 : i32
        %get3A_1251 = arith.index_cast %get3A_1250 : i32 to index
        %get3A_1252 = arith.index_cast %mul3A_1221 : i32 to index
        %get3A_1253 = tpu.vector_load %arg10[%get3A_1251, %get3A_1252] {strides = array<i32>} : memref<16x2048xf32, #tpu.memory_space<vmem>>, vector<1x16xf32>,
        %get3A_1254 = vector.shape_cast %get3A_1253 : vector<1x16xf32> to vector<16xf32>
        %mul3A_1255 = arith.mulf %get3A_1254, %get3A_1226 : vector<16xf32>
        %add3A_1256 = arith.addf %add3A_1098, %mul3A_1255 : vector<16xf32>
        %mul3A_1257 = arith.mulf %get3A_1254, %get3A_1231 : vector<16xf32>
        %add3A_1258 = arith.addf %add3A_1100, %mul3A_1257 : vector<16xf32>
        %get3A_1259 = arith.constant 3 : i32
        %get3A_1260 = arith.index_cast %get3A_1259 : i32 to index
        %get3A_1261 = arith.index_cast %mul3A_1221 : i32 to index
        %get3A_1262 = tpu.vector_load %arg10[%get3A_1260, %get3A_1261] {strides = array<i32>} : memref<16x2048xf32, #tpu.memory_space<vmem>>, vector<1x16xf32>,
        %get3A_1263 = vector.shape_cast %get3A_1262 : vector<1x16xf32> to vector<16xf32>
        %mul3A_1264 = arith.mulf %get3A_1263, %get3A_1226 : vector<16xf32>
        %add3A_1265 = arith.addf %add3A_1107, %mul3A_1264 : vector<16xf32>
        %mul3A_1266 = arith.mulf %get3A_1263, %get3A_1231 : vector<16xf32>
        %add3A_1267 = arith.addf %add3A_1109, %mul3A_1266 : vector<16xf32>
        %get3A_1268 = arith.constant 4 : i32
        %get3A_1269 = arith.index_cast %get3A_1268 : i32 to index
        %get3A_1270 = arith.index_cast %mul3A_1221 : i32 to index
        %get3A_1271 = tpu.vector_load %arg10[%get3A_1269, %get3A_1270] {strides = array<i32>} : memref<16x2048xf32, #tpu.memory_space<vmem>>, vector<1x16xf32>,
        %get3A_1272 = vector.shape_cast %get3A_1271 : vector<1x16xf32> to vector<16xf32>
        %mul3A_1273 = arith.mulf %get3A_1272, %get3A_1226 : vector<16xf32>
        %add3A_1274 = arith.addf %add3A_1116, %mul3A_1273 : vector<16xf32>
        %mul3A_1275 = arith.mulf %get3A_1272, %get3A_1231 : vector<16xf32>
        %add3A_1276 = arith.addf %add3A_1118, %mul3A_1275 : vector<16xf32>
        %get3A_1277 = arith.constant 5 : i32
        %get3A_1278 = arith.index_cast %get3A_1277 : i32 to index
        %get3A_1279 = arith.index_cast %mul3A_1221 : i32 to index
        %get3A_1280 = tpu.vector_load %arg10[%get3A_1278, %get3A_1279] {strides = array<i32>} : memref<16x2048xf32, #tpu.memory_space<vmem>>, vector<1x16xf32>,
        %get3A_1281 = vector.shape_cast %get3A_1280 : vector<1x16xf32> to vector<16xf32>
        %mul3A_1282 = arith.mulf %get3A_1281, %get3A_1226 : vector<16xf32>
        %add3A_1283 = arith.addf %add3A_1125, %mul3A_1282 : vector<16xf32>
        %mul3A_1284 = arith.mulf %get3A_1281, %get3A_1231 : vector<16xf32>
        %add3A_1285 = arith.addf %add3A_1127, %mul3A_1284 : vector<16xf32>
        %get3A_1286 = arith.constant 6 : i32
        %get3A_1287 = arith.index_cast %get3A_1286 : i32 to index
        %get3A_1288 = arith.index_cast %mul3A_1221 : i32 to index
        %get3A_1289 = tpu.vector_load %arg10[%get3A_1287, %get3A_1288] {strides = array<i32>} : memref<16x2048xf32, #tpu.memory_space<vmem>>, vector<1x16xf32>,
        %get3A_1290 = vector.shape_cast %get3A_1289 : vector<1x16xf32> to vector<16xf32>
        %mul3A_1291 = arith.mulf %get3A_1290, %get3A_1226 : vector<16xf32>
        %add3A_1292 = arith.addf %add3A_1134, %mul3A_1291 : vector<16xf32>
        %mul3A_1293 = arith.mulf %get3A_1290, %get3A_1231 : vector<16xf32>
        %add3A_1294 = arith.addf %add3A_1136, %mul3A_1293 : vector<16xf32>
        %get3A_1295 = arith.constant 7 : i32
        %get3A_1296 = arith.index_cast %get3A_1295 : i32 to index
        %get3A_1297 = arith.index_cast %mul3A_1221 : i32 to index
        %get3A_1298 = tpu.vector_load %arg10[%get3A_1296, %get3A_1297] {strides = array<i32>} : memref<16x2048xf32, #tpu.memory_space<vmem>>, vector<1x16xf32>,
        %get3A_1299 = vector.shape_cast %get3A_1298 : vector<1x16xf32> to vector<16xf32>
        %mul3A_1300 = arith.mulf %get3A_1299, %get3A_1226 : vector<16xf32>
        %add3A_1301 = arith.addf %add3A_1143, %mul3A_1300 : vector<16xf32>
        %mul3A_1302 = arith.mulf %get3A_1299, %get3A_1231 : vector<16xf32>
        %add3A_1303 = arith.addf %add3A_1145, %mul3A_1302 : vector<16xf32>
        %get3A_1304 = arith.constant 8 : i32
        %get3A_1305 = arith.index_cast %get3A_1304 : i32 to index
        %get3A_1306 = arith.index_cast %mul3A_1221 : i32 to index
        %get3A_1307 = tpu.vector_load %arg10[%get3A_1305, %get3A_1306] {strides = array<i32>} : memref<16x2048xf32, #tpu.memory_space<vmem>>, vector<1x16xf32>,
        %get3A_1308 = vector.shape_cast %get3A_1307 : vector<1x16xf32> to vector<16xf32>
        %mul3A_1309 = arith.mulf %get3A_1308, %get3A_1226 : vector<16xf32>
        %add3A_1310 = arith.addf %add3A_1152, %mul3A_1309 : vector<16xf32>
        %mul3A_1311 = arith.mulf %get3A_1308, %get3A_1231 : vector<16xf32>
        %add3A_1312 = arith.addf %add3A_1154, %mul3A_1311 : vector<16xf32>
        %get3A_1313 = arith.constant 9 : i32
        %get3A_1314 = arith.index_cast %get3A_1313 : i32 to index
        %get3A_1315 = arith.index_cast %mul3A_1221 : i32 to index
        %get3A_1316 = tpu.vector_load %arg10[%get3A_1314, %get3A_1315] {strides = array<i32>} : memref<16x2048xf32, #tpu.memory_space<vmem>>, vector<1x16xf32>,
        %get3A_1317 = vector.shape_cast %get3A_1316 : vector<1x16xf32> to vector<16xf32>
        %mul3A_1318 = arith.mulf %get3A_1317, %get3A_1226 : vector<16xf32>
        %add3A_1319 = arith.addf %add3A_1161, %mul3A_1318 : vector<16xf32>
        %mul3A_1320 = arith.mulf %get3A_1317, %get3A_1231 : vector<16xf32>
        %add3A_1321 = arith.addf %add3A_1163, %mul3A_1320 : vector<16xf32>
        %get3A_1322 = arith.constant 10 : i32
        %get3A_1323 = arith.index_cast %get3A_1322 : i32 to index
        %get3A_1324 = arith.index_cast %mul3A_1221 : i32 to index
        %get3A_1325 = tpu.vector_load %arg10[%get3A_1323, %get3A_1324] {strides = array<i32>} : memref<16x2048xf32, #tpu.memory_space<vmem>>, vector<1x16xf32>,
        %get3A_1326 = vector.shape_cast %get3A_1325 : vector<1x16xf32> to vector<16xf32>
        %mul3A_1327 = arith.mulf %get3A_1326, %get3A_1226 : vector<16xf32>
        %add3A_1328 = arith.addf %add3A_1170, %mul3A_1327 : vector<16xf32>
        %mul3A_1329 = arith.mulf %get3A_1326, %get3A_1231 : vector<16xf32>
        %add3A_1330 = arith.addf %add3A_1172, %mul3A_1329 : vector<16xf32>
        %get3A_1331 = arith.constant 11 : i32
        %get3A_1332 = arith.index_cast %get3A_1331 : i32 to index
        %get3A_1333 = arith.index_cast %mul3A_1221 : i32 to index
        %get3A_1334 = tpu.vector_load %arg10[%get3A_1332, %get3A_1333] {strides = array<i32>} : memref<16x2048xf32, #tpu.memory_space<vmem>>, vector<1x16xf32>,
        %get3A_1335 = vector.shape_cast %get3A_1334 : vector<1x16xf32> to vector<16xf32>
        %mul3A_1336 = arith.mulf %get3A_1335, %get3A_1226 : vector<16xf32>
        %add3A_1337 = arith.addf %add3A_1179, %mul3A_1336 : vector<16xf32>
        %mul3A_1338 = arith.mulf %get3A_1335, %get3A_1231 : vector<16xf32>
        %add3A_1339 = arith.addf %add3A_1181, %mul3A_1338 : vector<16xf32>
        %get3A_1340 = arith.constant 12 : i32
        %get3A_1341 = arith.index_cast %get3A_1340 : i32 to index
        %get3A_1342 = arith.index_cast %mul3A_1221 : i32 to index
        %get3A_1343 = tpu.vector_load %arg10[%get3A_1341, %get3A_1342] {strides = array<i32>} : memref<16x2048xf32, #tpu.memory_space<vmem>>, vector<1x16xf32>,
        %get3A_1344 = vector.shape_cast %get3A_1343 : vector<1x16xf32> to vector<16xf32>
        %mul3A_1345 = arith.mulf %get3A_1344, %get3A_1226 : vector<16xf32>
        %add3A_1346 = arith.addf %add3A_1188, %mul3A_1345 : vector<16xf32>
        %mul3A_1347 = arith.mulf %get3A_1344, %get3A_1231 : vector<16xf32>
        %add3A_1348 = arith.addf %add3A_1190, %mul3A_1347 : vector<16xf32>
        %get3A_1349 = arith.constant 13 : i32
        %get3A_1350 = arith.index_cast %get3A_1349 : i32 to index
        %get3A_1351 = arith.index_cast %mul3A_1221 : i32 to index
        %get3A_1352 = tpu.vector_load %arg10[%get3A_1350, %get3A_1351] {strides = array<i32>} : memref<16x2048xf32, #tpu.memory_space<vmem>>, vector<1x16xf32>,
        %get3A_1353 = vector.shape_cast %get3A_1352 : vector<1x16xf32> to vector<16xf32>
        %mul3A_1354 = arith.mulf %get3A_1353, %get3A_1226 : vector<16xf32>
        %add3A_1355 = arith.addf %add3A_1197, %mul3A_1354 : vector<16xf32>
        %mul3A_1356 = arith.mulf %get3A_1353, %get3A_1231 : vector<16xf32>
        %add3A_1357 = arith.addf %add3A_1199, %mul3A_1356 : vector<16xf32>
        %get3A_1358 = arith.constant 14 : i32
        %get3A_1359 = arith.index_cast %get3A_1358 : i32 to index
        %get3A_1360 = arith.index_cast %mul3A_1221 : i32 to index
        %get3A_1361 = tpu.vector_load %arg10[%get3A_1359, %get3A_1360] {strides = array<i32>} : memref<16x2048xf32, #tpu.memory_space<vmem>>, vector<1x16xf32>,
        %get3A_1362 = vector.shape_cast %get3A_1361 : vector<1x16xf32> to vector<16xf32>
        %mul3A_1363 = arith.mulf %get3A_1362, %get3A_1226 : vector<16xf32>
        %add3A_1364 = arith.addf %add3A_1206, %mul3A_1363 : vector<16xf32>
        %mul3A_1365 = arith.mulf %get3A_1362, %get3A_1231 : vector<16xf32>
        %add3A_1366 = arith.addf %add3A_1208, %mul3A_1365 : vector<16xf32>
        %get3A_1367 = arith.constant 15 : i32
        %get3A_1368 = arith.index_cast %get3A_1367 : i32 to index
        %get3A_1369 = arith.index_cast %mul3A_1221 : i32 to index
        %get3A_1370 = tpu.vector_load %arg10[%get3A_1368, %get3A_1369] {strides = array<i32>} : memref<16x2048xf32, #tpu.memory_space<vmem>>, vector<1x16xf32>,
        %get3A_1371 = vector.shape_cast %get3A_1370 : vector<1x16xf32> to vector<16xf32>
        %mul3A_1372 = arith.mulf %get3A_1371, %get3A_1226 : vector<16xf32>
        %add3A_1373 = arith.addf %add3A_1215, %mul3A_1372 : vector<16xf32>
        %mul3A_1374 = arith.mulf %get3A_1371, %get3A_1231 : vector<16xf32>
        %add3A_1375 = arith.addf %add3A_1217, %mul3A_1374 : vector<16xf32>
        scf.yield %add3A_1238, %add3A_1240, %add3A_1247, %add3A_1249, %add3A_1256, %add3A_1258, %add3A_1265, %add3A_1267, %add3A_1274, %add3A_1276, %add3A_1283, %add3A_1285, %add3A_1292, %add3A_1294, %add3A_1301, %add3A_1303, %add3A_1310, %add3A_1312, %add3A_1319, %add3A_1321, %add3A_1328, %add3A_1330, %add3A_1337, %add3A_1339, %add3A_1346, %add3A_1348, %add3A_1355, %add3A_1357, %add3A_1364, %add3A_1366, %add3A_1373, %add3A_1375 : vector<16xf32>, vector<16xf32>, vector<16xf32>, vector<16xf32>, vector<16xf32>, vector<16xf32>, vector<16xf32>, vector<16xf32>, vector<16xf32>, vector<16xf32>, vector<16xf32>, vector<16xf32>, vector<16xf32>, vector<16xf32>, vector<16xf32>, vector<16xf32>, vector<16xf32>, vector<16xf32>, vector<16xf32>, vector<16xf32>, vector<16xf32>, vector<16xf32>, vector<16xf32>, vector<16xf32>, vector<16xf32>, vector<16xf32>, vector<16xf32>, vector<16xf32>, vector<16xf32>, vector<16xf32>, vector<16xf32>, vector<16xf32>
      }
      %scan3A_565 = arith.constant 128 : i32
      %broadcast_in_dim3A_566 = vector.shape_cast %mul3A_25 : vector<16xi32> to vector<16x1xi32>
      %gather3A_567 = vector.shape_cast %broadcast_in_dim3A_566 : vector<16x1xi32> to vector<16xi32>
      %gather3A_568 = tpu.dynamic_gather %scan3A_564#0[%gather3A_567] in [0] : vector<16xf32>, vector<16xi32> -> vector<16xf32>
      %broadcast_in_dim3A_569 = vector.shape_cast %add3A_28 : vector<16xi32> to vector<16x1xi32>
      %gather3A_570 = vector.shape_cast %broadcast_in_dim3A_569 : vector<16x1xi32> to vector<16xi32>
      %gather3A_571 = tpu.dynamic_gather %scan3A_564#0[%gather3A_570] in [0] : vector<16xf32>, vector<16xi32> -> vector<16xf32>
      %add3A_572 = arith.addf %gather3A_568, %gather3A_571 : vector<16xf32>
      %broadcast_in_dim3A_573 = vector.shape_cast %mul3A_25 : vector<16xi32> to vector<16x1xi32>
      %gather3A_574 = vector.shape_cast %broadcast_in_dim3A_573 : vector<16x1xi32> to vector<16xi32>
      %gather3A_575 = tpu.dynamic_gather %scan3A_564#2[%gather3A_574] in [0] : vector<16xf32>, vector<16xi32> -> vector<16xf32>
      %broadcast_in_dim3A_576 = vector.shape_cast %add3A_28 : vector<16xi32> to vector<16x1xi32>
      %gather3A_577 = vector.shape_cast %broadcast_in_dim3A_576 : vector<16x1xi32> to vector<16xi32>
      %gather3A_578 = tpu.dynamic_gather %scan3A_564#2[%gather3A_577] in [0] : vector<16xf32>, vector<16xi32> -> vector<16xf32>
      %add3A_579 = arith.addf %gather3A_575, %gather3A_578 : vector<16xf32>
      %select_n3A_580 = arith.select %lt3A_31, %add3A_572, %add3A_579 : vector<16xi1>, vector<16xf32>
      %broadcast_in_dim3A_581 = vector.shape_cast %mul3A_25 : vector<16xi32> to vector<16x1xi32>
      %gather3A_582 = vector.shape_cast %broadcast_in_dim3A_581 : vector<16x1xi32> to vector<16xi32>
      %gather3A_583 = tpu.dynamic_gather %scan3A_564#4[%gather3A_582] in [0] : vector<16xf32>, vector<16xi32> -> vector<16xf32>
      %broadcast_in_dim3A_584 = vector.shape_cast %add3A_28 : vector<16xi32> to vector<16x1xi32>
      %gather3A_585 = vector.shape_cast %broadcast_in_dim3A_584 : vector<16x1xi32> to vector<16xi32>
      %gather3A_586 = tpu.dynamic_gather %scan3A_564#4[%gather3A_585] in [0] : vector<16xf32>, vector<16xi32> -> vector<16xf32>
      %add3A_587 = arith.addf %gather3A_583, %gather3A_586 : vector<16xf32>
      %broadcast_in_dim3A_588 = vector.shape_cast %mul3A_25 : vector<16xi32> to vector<16x1xi32>
      %gather3A_589 = vector.shape_cast %broadcast_in_dim3A_588 : vector<16x1xi32> to vector<16xi32>
      %gather3A_590 = tpu.dynamic_gather %scan3A_564#6[%gather3A_589] in [0] : vector<16xf32>, vector<16xi32> -> vector<16xf32>
      %broadcast_in_dim3A_591 = vector.shape_cast %add3A_28 : vector<16xi32> to vector<16x1xi32>
      %gather3A_592 = vector.shape_cast %broadcast_in_dim3A_591 : vector<16x1xi32> to vector<16xi32>
      %gather3A_593 = tpu.dynamic_gather %scan3A_564#6[%gather3A_592] in [0] : vector<16xf32>, vector<16xi32> -> vector<16xf32>
      %add3A_594 = arith.addf %gather3A_590, %gather3A_593 : vector<16xf32>
      %select_n3A_595 = arith.select %lt3A_31, %add3A_587, %add3A_594 : vector<16xi1>, vector<16xf32>
      %broadcast_in_dim3A_596 = vector.shape_cast %mul3A_25 : vector<16xi32> to vector<16x1xi32>
      %gather3A_597 = vector.shape_cast %broadcast_in_dim3A_596 : vector<16x1xi32> to vector<16xi32>
      %gather3A_598 = tpu.dynamic_gather %scan3A_564#8[%gather3A_597] in [0] : vector<16xf32>, vector<16xi32> -> vector<16xf32>
      %broadcast_in_dim3A_599 = vector.shape_cast %add3A_28 : vector<16xi32> to vector<16x1xi32>
      %gather3A_600 = vector.shape_cast %broadcast_in_dim3A_599 : vector<16x1xi32> to vector<16xi32>
      %gather3A_601 = tpu.dynamic_gather %scan3A_564#8[%gather3A_600] in [0] : vector<16xf32>, vector<16xi32> -> vector<16xf32>
      %add3A_602 = arith.addf %gather3A_598, %gather3A_601 : vector<16xf32>
      %broadcast_in_dim3A_603 = vector.shape_cast %mul3A_25 : vector<16xi32> to vector<16x1xi32>
      %gather3A_604 = vector.shape_cast %broadcast_in_dim3A_603 : vector<16x1xi32> to vector<16xi32>
      %gather3A_605 = tpu.dynamic_gather %scan3A_564#10[%gather3A_604] in [0] : vector<16xf32>, vector<16xi32> -> vector<16xf32>
      %broadcast_in_dim3A_606 = vector.shape_cast %add3A_28 : vector<16xi32> to vector<16x1xi32>
      %gather3A_607 = vector.shape_cast %broadcast_in_dim3A_606 : vector<16x1xi32> to vector<16xi32>
      %gather3A_608 = tpu.dynamic_gather %scan3A_564#10[%gather3A_607] in [0] : vector<16xf32>, vector<16xi32> -> vector<16xf32>
      %add3A_609 = arith.addf %gather3A_605, %gather3A_608 : vector<16xf32>
      %select_n3A_610 = arith.select %lt3A_31, %add3A_602, %add3A_609 : vector<16xi1>, vector<16xf32>
      %broadcast_in_dim3A_611 = vector.shape_cast %mul3A_25 : vector<16xi32> to vector<16x1xi32>
      %gather3A_612 = vector.shape_cast %broadcast_in_dim3A_611 : vector<16x1xi32> to vector<16xi32>
      %gather3A_613 = tpu.dynamic_gather %scan3A_564#12[%gather3A_612] in [0] : vector<16xf32>, vector<16xi32> -> vector<16xf32>
      %broadcast_in_dim3A_614 = vector.shape_cast %add3A_28 : vector<16xi32> to vector<16x1xi32>
      %gather3A_615 = vector.shape_cast %broadcast_in_dim3A_614 : vector<16x1xi32> to vector<16xi32>
      %gather3A_616 = tpu.dynamic_gather %scan3A_564#12[%gather3A_615] in [0] : vector<16xf32>, vector<16xi32> -> vector<16xf32>
      %add3A_617 = arith.addf %gather3A_613, %gather3A_616 : vector<16xf32>
      %broadcast_in_dim3A_618 = vector.shape_cast %mul3A_25 : vector<16xi32> to vector<16x1xi32>
      %gather3A_619 = vector.shape_cast %broadcast_in_dim3A_618 : vector<16x1xi32> to vector<16xi32>
      %gather3A_620 = tpu.dynamic_gather %scan3A_564#14[%gather3A_619] in [0] : vector<16xf32>, vector<16xi32> -> vector<16xf32>
      %broadcast_in_dim3A_621 = vector.shape_cast %add3A_28 : vector<16xi32> to vector<16x1xi32>
      %gather3A_622 = vector.shape_cast %broadcast_in_dim3A_621 : vector<16x1xi32> to vector<16xi32>
      %gather3A_623 = tpu.dynamic_gather %scan3A_564#14[%gather3A_622] in [0] : vector<16xf32>, vector<16xi32> -> vector<16xf32>
      %add3A_624 = arith.addf %gather3A_620, %gather3A_623 : vector<16xf32>
      %select_n3A_625 = arith.select %lt3A_31, %add3A_617, %add3A_624 : vector<16xi1>, vector<16xf32>
      %broadcast_in_dim3A_626 = vector.shape_cast %mul3A_25 : vector<16xi32> to vector<16x1xi32>
      %gather3A_627 = vector.shape_cast %broadcast_in_dim3A_626 : vector<16x1xi32> to vector<16xi32>
      %gather3A_628 = tpu.dynamic_gather %scan3A_564#16[%gather3A_627] in [0] : vector<16xf32>, vector<16xi32> -> vector<16xf32>
      %broadcast_in_dim3A_629 = vector.shape_cast %add3A_28 : vector<16xi32> to vector<16x1xi32>
      %gather3A_630 = vector.shape_cast %broadcast_in_dim3A_629 : vector<16x1xi32> to vector<16xi32>
      %gather3A_631 = tpu.dynamic_gather %scan3A_564#16[%gather3A_630] in [0] : vector<16xf32>, vector<16xi32> -> vector<16xf32>
      %add3A_632 = arith.addf %gather3A_628, %gather3A_631 : vector<16xf32>
      %broadcast_in_dim3A_633 = vector.shape_cast %mul3A_25 : vector<16xi32> to vector<16x1xi32>
      %gather3A_634 = vector.shape_cast %broadcast_in_dim3A_633 : vector<16x1xi32> to vector<16xi32>
      %gather3A_635 = tpu.dynamic_gather %scan3A_564#18[%gather3A_634] in [0] : vector<16xf32>, vector<16xi32> -> vector<16xf32>
      %broadcast_in_dim3A_636 = vector.shape_cast %add3A_28 : vector<16xi32> to vector<16x1xi32>
      %gather3A_637 = vector.shape_cast %broadcast_in_dim3A_636 : vector<16x1xi32> to vector<16xi32>
      %gather3A_638 = tpu.dynamic_gather %scan3A_564#18[%gather3A_637] in [0] : vector<16xf32>, vector<16xi32> -> vector<16xf32>
      %add3A_639 = arith.addf %gather3A_635, %gather3A_638 : vector<16xf32>
      %select_n3A_640 = arith.select %lt3A_31, %add3A_632, %add3A_639 : vector<16xi1>, vector<16xf32>
      %broadcast_in_dim3A_641 = vector.shape_cast %mul3A_25 : vector<16xi32> to vector<16x1xi32>
      %gather3A_642 = vector.shape_cast %broadcast_in_dim3A_641 : vector<16x1xi32> to vector<16xi32>
      %gather3A_643 = tpu.dynamic_gather %scan3A_564#20[%gather3A_642] in [0] : vector<16xf32>, vector<16xi32> -> vector<16xf32>
      %broadcast_in_dim3A_644 = vector.shape_cast %add3A_28 : vector<16xi32> to vector<16x1xi32>
      %gather3A_645 = vector.shape_cast %broadcast_in_dim3A_644 : vector<16x1xi32> to vector<16xi32>
      %gather3A_646 = tpu.dynamic_gather %scan3A_564#20[%gather3A_645] in [0] : vector<16xf32>, vector<16xi32> -> vector<16xf32>
      %add3A_647 = arith.addf %gather3A_643, %gather3A_646 : vector<16xf32>
      %broadcast_in_dim3A_648 = vector.shape_cast %mul3A_25 : vector<16xi32> to vector<16x1xi32>
      %gather3A_649 = vector.shape_cast %broadcast_in_dim3A_648 : vector<16x1xi32> to vector<16xi32>
      %gather3A_650 = tpu.dynamic_gather %scan3A_564#22[%gather3A_649] in [0] : vector<16xf32>, vector<16xi32> -> vector<16xf32>
      %broadcast_in_dim3A_651 = vector.shape_cast %add3A_28 : vector<16xi32> to vector<16x1xi32>
      %gather3A_652 = vector.shape_cast %broadcast_in_dim3A_651 : vector<16x1xi32> to vector<16xi32>
      %gather3A_653 = tpu.dynamic_gather %scan3A_564#22[%gather3A_652] in [0] : vector<16xf32>, vector<16xi32> -> vector<16xf32>
      %add3A_654 = arith.addf %gather3A_650, %gather3A_653 : vector<16xf32>
      %select_n3A_655 = arith.select %lt3A_31, %add3A_647, %add3A_654 : vector<16xi1>, vector<16xf32>
      %broadcast_in_dim3A_656 = vector.shape_cast %mul3A_25 : vector<16xi32> to vector<16x1xi32>
      %gather3A_657 = vector.shape_cast %broadcast_in_dim3A_656 : vector<16x1xi32> to vector<16xi32>
      %gather3A_658 = tpu.dynamic_gather %scan3A_564#24[%gather3A_657] in [0] : vector<16xf32>, vector<16xi32> -> vector<16xf32>
      %broadcast_in_dim3A_659 = vector.shape_cast %add3A_28 : vector<16xi32> to vector<16x1xi32>
      %gather3A_660 = vector.shape_cast %broadcast_in_dim3A_659 : vector<16x1xi32> to vector<16xi32>
      %gather3A_661 = tpu.dynamic_gather %scan3A_564#24[%gather3A_660] in [0] : vector<16xf32>, vector<16xi32> -> vector<16xf32>
      %add3A_662 = arith.addf %gather3A_658, %gather3A_661 : vector<16xf32>
      %broadcast_in_dim3A_663 = vector.shape_cast %mul3A_25 : vector<16xi32> to vector<16x1xi32>
      %gather3A_664 = vector.shape_cast %broadcast_in_dim3A_663 : vector<16x1xi32> to vector<16xi32>
      %gather3A_665 = tpu.dynamic_gather %scan3A_564#26[%gather3A_664] in [0] : vector<16xf32>, vector<16xi32> -> vector<16xf32>
      %broadcast_in_dim3A_666 = vector.shape_cast %add3A_28 : vector<16xi32> to vector<16x1xi32>
      %gather3A_667 = vector.shape_cast %broadcast_in_dim3A_666 : vector<16x1xi32> to vector<16xi32>
      %gather3A_668 = tpu.dynamic_gather %scan3A_564#26[%gather3A_667] in [0] : vector<16xf32>, vector<16xi32> -> vector<16xf32>
      %add3A_669 = arith.addf %gather3A_665, %gather3A_668 : vector<16xf32>
      %select_n3A_670 = arith.select %lt3A_31, %add3A_662, %add3A_669 : vector<16xi1>, vector<16xf32>
      %broadcast_in_dim3A_671 = vector.shape_cast %mul3A_25 : vector<16xi32> to vector<16x1xi32>
      %gather3A_672 = vector.shape_cast %broadcast_in_dim3A_671 : vector<16x1xi32> to vector<16xi32>
      %gather3A_673 = tpu.dynamic_gather %scan3A_564#28[%gather3A_672] in [0] : vector<16xf32>, vector<16xi32> -> vector<16xf32>
      %broadcast_in_dim3A_674 = vector.shape_cast %add3A_28 : vector<16xi32> to vector<16x1xi32>
      %gather3A_675 = vector.shape_cast %broadcast_in_dim3A_674 : vector<16x1xi32> to vector<16xi32>
      %gather3A_676 = tpu.dynamic_gather %scan3A_564#28[%gather3A_675] in [0] : vector<16xf32>, vector<16xi32> -> vector<16xf32>
      %add3A_677 = arith.addf %gather3A_673, %gather3A_676 : vector<16xf32>
      %broadcast_in_dim3A_678 = vector.shape_cast %mul3A_25 : vector<16xi32> to vector<16x1xi32>
      %gather3A_679 = vector.shape_cast %broadcast_in_dim3A_678 : vector<16x1xi32> to vector<16xi32>
      %gather3A_680 = tpu.dynamic_gather %scan3A_564#30[%gather3A_679] in [0] : vector<16xf32>, vector<16xi32> -> vector<16xf32>
      %broadcast_in_dim3A_681 = vector.shape_cast %add3A_28 : vector<16xi32> to vector<16x1xi32>
      %gather3A_682 = vector.shape_cast %broadcast_in_dim3A_681 : vector<16x1xi32> to vector<16xi32>
      %gather3A_683 = tpu.dynamic_gather %scan3A_564#30[%gather3A_682] in [0] : vector<16xf32>, vector<16xi32> -> vector<16xf32>
      %add3A_684 = arith.addf %gather3A_680, %gather3A_683 : vector<16xf32>
      %select_n3A_685 = arith.select %lt3A_31, %add3A_677, %add3A_684 : vector<16xi1>, vector<16xf32>
      %broadcast_in_dim3A_686 = vector.shape_cast %mul3A_25 : vector<16xi32> to vector<16x1xi32>
      %gather3A_687 = vector.shape_cast %broadcast_in_dim3A_686 : vector<16x1xi32> to vector<16xi32>
      %gather3A_688 = tpu.dynamic_gather %select_n3A_580[%gather3A_687] in [0] : vector<16xf32>, vector<16xi32> -> vector<16xf32>
      %broadcast_in_dim3A_689 = vector.shape_cast %add3A_28 : vector<16xi32> to vector<16x1xi32>
      %gather3A_690 = vector.shape_cast %broadcast_in_dim3A_689 : vector<16x1xi32> to vector<16xi32>
      %gather3A_691 = tpu.dynamic_gather %select_n3A_580[%gather3A_690] in [0] : vector<16xf32>, vector<16xi32> -> vector<16xf32>
      %add3A_692 = arith.addf %gather3A_688, %gather3A_691 : vector<16xf32>
      %broadcast_in_dim3A_693 = vector.shape_cast %mul3A_25 : vector<16xi32> to vector<16x1xi32>
      %gather3A_694 = vector.shape_cast %broadcast_in_dim3A_693 : vector<16x1xi32> to vector<16xi32>
      %gather3A_695 = tpu.dynamic_gather %select_n3A_595[%gather3A_694] in [0] : vector<16xf32>, vector<16xi32> -> vector<16xf32>
      %broadcast_in_dim3A_696 = vector.shape_cast %add3A_28 : vector<16xi32> to vector<16x1xi32>
      %gather3A_697 = vector.shape_cast %broadcast_in_dim3A_696 : vector<16x1xi32> to vector<16xi32>
      %gather3A_698 = tpu.dynamic_gather %select_n3A_595[%gather3A_697] in [0] : vector<16xf32>, vector<16xi32> -> vector<16xf32>
      %add3A_699 = arith.addf %gather3A_695, %gather3A_698 : vector<16xf32>
      %select_n3A_700 = arith.select %lt3A_31, %add3A_692, %add3A_699 : vector<16xi1>, vector<16xf32>
      %broadcast_in_dim3A_701 = vector.shape_cast %mul3A_25 : vector<16xi32> to vector<16x1xi32>
      %gather3A_702 = vector.shape_cast %broadcast_in_dim3A_701 : vector<16x1xi32> to vector<16xi32>
      %gather3A_703 = tpu.dynamic_gather %select_n3A_610[%gather3A_702] in [0] : vector<16xf32>, vector<16xi32> -> vector<16xf32>
      %broadcast_in_dim3A_704 = vector.shape_cast %add3A_28 : vector<16xi32> to vector<16x1xi32>
      %gather3A_705 = vector.shape_cast %broadcast_in_dim3A_704 : vector<16x1xi32> to vector<16xi32>
      %gather3A_706 = tpu.dynamic_gather %select_n3A_610[%gather3A_705] in [0] : vector<16xf32>, vector<16xi32> -> vector<16xf32>
      %add3A_707 = arith.addf %gather3A_703, %gather3A_706 : vector<16xf32>
      %broadcast_in_dim3A_708 = vector.shape_cast %mul3A_25 : vector<16xi32> to vector<16x1xi32>
      %gather3A_709 = vector.shape_cast %broadcast_in_dim3A_708 : vector<16x1xi32> to vector<16xi32>
      %gather3A_710 = tpu.dynamic_gather %select_n3A_625[%gather3A_709] in [0] : vector<16xf32>, vector<16xi32> -> vector<16xf32>
      %broadcast_in_dim3A_711 = vector.shape_cast %add3A_28 : vector<16xi32> to vector<16x1xi32>
      %gather3A_712 = vector.shape_cast %broadcast_in_dim3A_711 : vector<16x1xi32> to vector<16xi32>
      %gather3A_713 = tpu.dynamic_gather %select_n3A_625[%gather3A_712] in [0] : vector<16xf32>, vector<16xi32> -> vector<16xf32>
      %add3A_714 = arith.addf %gather3A_710, %gather3A_713 : vector<16xf32>
      %select_n3A_715 = arith.select %lt3A_31, %add3A_707, %add3A_714 : vector<16xi1>, vector<16xf32>
      %broadcast_in_dim3A_716 = vector.shape_cast %mul3A_25 : vector<16xi32> to vector<16x1xi32>
      %gather3A_717 = vector.shape_cast %broadcast_in_dim3A_716 : vector<16x1xi32> to vector<16xi32>
      %gather3A_718 = tpu.dynamic_gather %select_n3A_640[%gather3A_717] in [0] : vector<16xf32>, vector<16xi32> -> vector<16xf32>
      %broadcast_in_dim3A_719 = vector.shape_cast %add3A_28 : vector<16xi32> to vector<16x1xi32>
      %gather3A_720 = vector.shape_cast %broadcast_in_dim3A_719 : vector<16x1xi32> to vector<16xi32>
      %gather3A_721 = tpu.dynamic_gather %select_n3A_640[%gather3A_720] in [0] : vector<16xf32>, vector<16xi32> -> vector<16xf32>
      %add3A_722 = arith.addf %gather3A_718, %gather3A_721 : vector<16xf32>
      %broadcast_in_dim3A_723 = vector.shape_cast %mul3A_25 : vector<16xi32> to vector<16x1xi32>
      %gather3A_724 = vector.shape_cast %broadcast_in_dim3A_723 : vector<16x1xi32> to vector<16xi32>
      %gather3A_725 = tpu.dynamic_gather %select_n3A_655[%gather3A_724] in [0] : vector<16xf32>, vector<16xi32> -> vector<16xf32>
      %broadcast_in_dim3A_726 = vector.shape_cast %add3A_28 : vector<16xi32> to vector<16x1xi32>
      %gather3A_727 = vector.shape_cast %broadcast_in_dim3A_726 : vector<16x1xi32> to vector<16xi32>
      %gather3A_728 = tpu.dynamic_gather %select_n3A_655[%gather3A_727] in [0] : vector<16xf32>, vector<16xi32> -> vector<16xf32>
      %add3A_729 = arith.addf %gather3A_725, %gather3A_728 : vector<16xf32>
      %select_n3A_730 = arith.select %lt3A_31, %add3A_722, %add3A_729 : vector<16xi1>, vector<16xf32>
      %broadcast_in_dim3A_731 = vector.shape_cast %mul3A_25 : vector<16xi32> to vector<16x1xi32>
      %gather3A_732 = vector.shape_cast %broadcast_in_dim3A_731 : vector<16x1xi32> to vector<16xi32>
      %gather3A_733 = tpu.dynamic_gather %select_n3A_670[%gather3A_732] in [0] : vector<16xf32>, vector<16xi32> -> vector<16xf32>
      %broadcast_in_dim3A_734 = vector.shape_cast %add3A_28 : vector<16xi32> to vector<16x1xi32>
      %gather3A_735 = vector.shape_cast %broadcast_in_dim3A_734 : vector<16x1xi32> to vector<16xi32>
      %gather3A_736 = tpu.dynamic_gather %select_n3A_670[%gather3A_735] in [0] : vector<16xf32>, vector<16xi32> -> vector<16xf32>
      %add3A_737 = arith.addf %gather3A_733, %gather3A_736 : vector<16xf32>
      %broadcast_in_dim3A_738 = vector.shape_cast %mul3A_25 : vector<16xi32> to vector<16x1xi32>
      %gather3A_739 = vector.shape_cast %broadcast_in_dim3A_738 : vector<16x1xi32> to vector<16xi32>
      %gather3A_740 = tpu.dynamic_gather %select_n3A_685[%gather3A_739] in [0] : vector<16xf32>, vector<16xi32> -> vector<16xf32>
      %broadcast_in_dim3A_741 = vector.shape_cast %add3A_28 : vector<16xi32> to vector<16x1xi32>
      %gather3A_742 = vector.shape_cast %broadcast_in_dim3A_741 : vector<16x1xi32> to vector<16xi32>
      %gather3A_743 = tpu.dynamic_gather %select_n3A_685[%gather3A_742] in [0] : vector<16xf32>, vector<16xi32> -> vector<16xf32>
      %add3A_744 = arith.addf %gather3A_740, %gather3A_743 : vector<16xf32>
      %select_n3A_745 = arith.select %lt3A_31, %add3A_737, %add3A_744 : vector<16xi1>, vector<16xf32>
      %broadcast_in_dim3A_746 = vector.shape_cast %mul3A_25 : vector<16xi32> to vector<16x1xi32>
      %gather3A_747 = vector.shape_cast %broadcast_in_dim3A_746 : vector<16x1xi32> to vector<16xi32>
      %gather3A_748 = tpu.dynamic_gather %select_n3A_700[%gather3A_747] in [0] : vector<16xf32>, vector<16xi32> -> vector<16xf32>
      %broadcast_in_dim3A_749 = vector.shape_cast %add3A_28 : vector<16xi32> to vector<16x1xi32>
      %gather3A_750 = vector.shape_cast %broadcast_in_dim3A_749 : vector<16x1xi32> to vector<16xi32>
      %gather3A_751 = tpu.dynamic_gather %select_n3A_700[%gather3A_750] in [0] : vector<16xf32>, vector<16xi32> -> vector<16xf32>
      %add3A_752 = arith.addf %gather3A_748, %gather3A_751 : vector<16xf32>
      %broadcast_in_dim3A_753 = vector.shape_cast %mul3A_25 : vector<16xi32> to vector<16x1xi32>
      %gather3A_754 = vector.shape_cast %broadcast_in_dim3A_753 : vector<16x1xi32> to vector<16xi32>
      %gather3A_755 = tpu.dynamic_gather %select_n3A_715[%gather3A_754] in [0] : vector<16xf32>, vector<16xi32> -> vector<16xf32>
      %broadcast_in_dim3A_756 = vector.shape_cast %add3A_28 : vector<16xi32> to vector<16x1xi32>
      %gather3A_757 = vector.shape_cast %broadcast_in_dim3A_756 : vector<16x1xi32> to vector<16xi32>
      %gather3A_758 = tpu.dynamic_gather %select_n3A_715[%gather3A_757] in [0] : vector<16xf32>, vector<16xi32> -> vector<16xf32>
      %add3A_759 = arith.addf %gather3A_755, %gather3A_758 : vector<16xf32>
      %select_n3A_760 = arith.select %lt3A_31, %add3A_752, %add3A_759 : vector<16xi1>, vector<16xf32>
      %broadcast_in_dim3A_761 = vector.shape_cast %mul3A_25 : vector<16xi32> to vector<16x1xi32>
      %gather3A_762 = vector.shape_cast %broadcast_in_dim3A_761 : vector<16x1xi32> to vector<16xi32>
      %gather3A_763 = tpu.dynamic_gather %select_n3A_730[%gather3A_762] in [0] : vector<16xf32>, vector<16xi32> -> vector<16xf32>
      %broadcast_in_dim3A_764 = vector.shape_cast %add3A_28 : vector<16xi32> to vector<16x1xi32>
      %gather3A_765 = vector.shape_cast %broadcast_in_dim3A_764 : vector<16x1xi32> to vector<16xi32>
      %gather3A_766 = tpu.dynamic_gather %select_n3A_730[%gather3A_765] in [0] : vector<16xf32>, vector<16xi32> -> vector<16xf32>
      %add3A_767 = arith.addf %gather3A_763, %gather3A_766 : vector<16xf32>
      %broadcast_in_dim3A_768 = vector.shape_cast %mul3A_25 : vector<16xi32> to vector<16x1xi32>
      %gather3A_769 = vector.shape_cast %broadcast_in_dim3A_768 : vector<16x1xi32> to vector<16xi32>
      %gather3A_770 = tpu.dynamic_gather %select_n3A_745[%gather3A_769] in [0] : vector<16xf32>, vector<16xi32> -> vector<16xf32>
      %broadcast_in_dim3A_771 = vector.shape_cast %add3A_28 : vector<16xi32> to vector<16x1xi32>
      %gather3A_772 = vector.shape_cast %broadcast_in_dim3A_771 : vector<16x1xi32> to vector<16xi32>
      %gather3A_773 = tpu.dynamic_gather %select_n3A_745[%gather3A_772] in [0] : vector<16xf32>, vector<16xi32> -> vector<16xf32>
      %add3A_774 = arith.addf %gather3A_770, %gather3A_773 : vector<16xf32>
      %select_n3A_775 = arith.select %lt3A_31, %add3A_767, %add3A_774 : vector<16xi1>, vector<16xf32>
      %broadcast_in_dim3A_776 = vector.shape_cast %mul3A_25 : vector<16xi32> to vector<16x1xi32>
      %gather3A_777 = vector.shape_cast %broadcast_in_dim3A_776 : vector<16x1xi32> to vector<16xi32>
      %gather3A_778 = tpu.dynamic_gather %select_n3A_760[%gather3A_777] in [0] : vector<16xf32>, vector<16xi32> -> vector<16xf32>
      %broadcast_in_dim3A_779 = vector.shape_cast %add3A_28 : vector<16xi32> to vector<16x1xi32>
      %gather3A_780 = vector.shape_cast %broadcast_in_dim3A_779 : vector<16x1xi32> to vector<16xi32>
      %gather3A_781 = tpu.dynamic_gather %select_n3A_760[%gather3A_780] in [0] : vector<16xf32>, vector<16xi32> -> vector<16xf32>
      %add3A_782 = arith.addf %gather3A_778, %gather3A_781 : vector<16xf32>
      %broadcast_in_dim3A_783 = vector.shape_cast %mul3A_25 : vector<16xi32> to vector<16x1xi32>
      %gather3A_784 = vector.shape_cast %broadcast_in_dim3A_783 : vector<16x1xi32> to vector<16xi32>
      %gather3A_785 = tpu.dynamic_gather %select_n3A_775[%gather3A_784] in [0] : vector<16xf32>, vector<16xi32> -> vector<16xf32>
      %broadcast_in_dim3A_786 = vector.shape_cast %add3A_28 : vector<16xi32> to vector<16x1xi32>
      %gather3A_787 = vector.shape_cast %broadcast_in_dim3A_786 : vector<16x1xi32> to vector<16xi32>
      %gather3A_788 = tpu.dynamic_gather %select_n3A_775[%gather3A_787] in [0] : vector<16xf32>, vector<16xi32> -> vector<16xf32>
      %add3A_789 = arith.addf %gather3A_785, %gather3A_788 : vector<16xf32>
      %select_n3A_790 = arith.select %lt3A_31, %add3A_782, %add3A_789 : vector<16xi1>, vector<16xf32>
      %broadcast_in_dim3A_791 = vector.shape_cast %mul3A_25 : vector<16xi32> to vector<16x1xi32>
      %gather3A_792 = vector.shape_cast %broadcast_in_dim3A_791 : vector<16x1xi32> to vector<16xi32>
      %gather3A_793 = tpu.dynamic_gather %scan3A_564#1[%gather3A_792] in [0] : vector<16xf32>, vector<16xi32> -> vector<16xf32>
      %broadcast_in_dim3A_794 = vector.shape_cast %add3A_28 : vector<16xi32> to vector<16x1xi32>
      %gather3A_795 = vector.shape_cast %broadcast_in_dim3A_794 : vector<16x1xi32> to vector<16xi32>
      %gather3A_796 = tpu.dynamic_gather %scan3A_564#1[%gather3A_795] in [0] : vector<16xf32>, vector<16xi32> -> vector<16xf32>
      %add3A_797 = arith.addf %gather3A_793, %gather3A_796 : vector<16xf32>
      %broadcast_in_dim3A_798 = vector.shape_cast %mul3A_25 : vector<16xi32> to vector<16x1xi32>
      %gather3A_799 = vector.shape_cast %broadcast_in_dim3A_798 : vector<16x1xi32> to vector<16xi32>
      %gather3A_800 = tpu.dynamic_gather %scan3A_564#3[%gather3A_799] in [0] : vector<16xf32>, vector<16xi32> -> vector<16xf32>
      %broadcast_in_dim3A_801 = vector.shape_cast %add3A_28 : vector<16xi32> to vector<16x1xi32>
      %gather3A_802 = vector.shape_cast %broadcast_in_dim3A_801 : vector<16x1xi32> to vector<16xi32>
      %gather3A_803 = tpu.dynamic_gather %scan3A_564#3[%gather3A_802] in [0] : vector<16xf32>, vector<16xi32> -> vector<16xf32>
      %add3A_804 = arith.addf %gather3A_800, %gather3A_803 : vector<16xf32>
      %select_n3A_805 = arith.select %lt3A_31, %add3A_797, %add3A_804 : vector<16xi1>, vector<16xf32>
      %broadcast_in_dim3A_806 = vector.shape_cast %mul3A_25 : vector<16xi32> to vector<16x1xi32>
      %gather3A_807 = vector.shape_cast %broadcast_in_dim3A_806 : vector<16x1xi32> to vector<16xi32>
      %gather3A_808 = tpu.dynamic_gather %scan3A_564#5[%gather3A_807] in [0] : vector<16xf32>, vector<16xi32> -> vector<16xf32>
      %broadcast_in_dim3A_809 = vector.shape_cast %add3A_28 : vector<16xi32> to vector<16x1xi32>
      %gather3A_810 = vector.shape_cast %broadcast_in_dim3A_809 : vector<16x1xi32> to vector<16xi32>
      %gather3A_811 = tpu.dynamic_gather %scan3A_564#5[%gather3A_810] in [0] : vector<16xf32>, vector<16xi32> -> vector<16xf32>
      %add3A_812 = arith.addf %gather3A_808, %gather3A_811 : vector<16xf32>
      %broadcast_in_dim3A_813 = vector.shape_cast %mul3A_25 : vector<16xi32> to vector<16x1xi32>
      %gather3A_814 = vector.shape_cast %broadcast_in_dim3A_813 : vector<16x1xi32> to vector<16xi32>
      %gather3A_815 = tpu.dynamic_gather %scan3A_564#7[%gather3A_814] in [0] : vector<16xf32>, vector<16xi32> -> vector<16xf32>
      %broadcast_in_dim3A_816 = vector.shape_cast %add3A_28 : vector<16xi32> to vector<16x1xi32>
      %gather3A_817 = vector.shape_cast %broadcast_in_dim3A_816 : vector<16x1xi32> to vector<16xi32>
      %gather3A_818 = tpu.dynamic_gather %scan3A_564#7[%gather3A_817] in [0] : vector<16xf32>, vector<16xi32> -> vector<16xf32>
      %add3A_819 = arith.addf %gather3A_815, %gather3A_818 : vector<16xf32>
      %select_n3A_820 = arith.select %lt3A_31, %add3A_812, %add3A_819 : vector<16xi1>, vector<16xf32>
      %broadcast_in_dim3A_821 = vector.shape_cast %mul3A_25 : vector<16xi32> to vector<16x1xi32>
      %gather3A_822 = vector.shape_cast %broadcast_in_dim3A_821 : vector<16x1xi32> to vector<16xi32>
      %gather3A_823 = tpu.dynamic_gather %scan3A_564#9[%gather3A_822] in [0] : vector<16xf32>, vector<16xi32> -> vector<16xf32>
      %broadcast_in_dim3A_824 = vector.shape_cast %add3A_28 : vector<16xi32> to vector<16x1xi32>
      %gather3A_825 = vector.shape_cast %broadcast_in_dim3A_824 : vector<16x1xi32> to vector<16xi32>
      %gather3A_826 = tpu.dynamic_gather %scan3A_564#9[%gather3A_825] in [0] : vector<16xf32>, vector<16xi32> -> vector<16xf32>
      %add3A_827 = arith.addf %gather3A_823, %gather3A_826 : vector<16xf32>
      %broadcast_in_dim3A_828 = vector.shape_cast %mul3A_25 : vector<16xi32> to vector<16x1xi32>
      %gather3A_829 = vector.shape_cast %broadcast_in_dim3A_828 : vector<16x1xi32> to vector<16xi32>
      %gather3A_830 = tpu.dynamic_gather %scan3A_564#11[%gather3A_829] in [0] : vector<16xf32>, vector<16xi32> -> vector<16xf32>
      %broadcast_in_dim3A_831 = vector.shape_cast %add3A_28 : vector<16xi32> to vector<16x1xi32>
      %gather3A_832 = vector.shape_cast %broadcast_in_dim3A_831 : vector<16x1xi32> to vector<16xi32>
      %gather3A_833 = tpu.dynamic_gather %scan3A_564#11[%gather3A_832] in [0] : vector<16xf32>, vector<16xi32> -> vector<16xf32>
      %add3A_834 = arith.addf %gather3A_830, %gather3A_833 : vector<16xf32>
      %select_n3A_835 = arith.select %lt3A_31, %add3A_827, %add3A_834 : vector<16xi1>, vector<16xf32>
      %broadcast_in_dim3A_836 = vector.shape_cast %mul3A_25 : vector<16xi32> to vector<16x1xi32>
      %gather3A_837 = vector.shape_cast %broadcast_in_dim3A_836 : vector<16x1xi32> to vector<16xi32>
      %gather3A_838 = tpu.dynamic_gather %scan3A_564#13[%gather3A_837] in [0] : vector<16xf32>, vector<16xi32> -> vector<16xf32>
      %broadcast_in_dim3A_839 = vector.shape_cast %add3A_28 : vector<16xi32> to vector<16x1xi32>
      %gather3A_840 = vector.shape_cast %broadcast_in_dim3A_839 : vector<16x1xi32> to vector<16xi32>
      %gather3A_841 = tpu.dynamic_gather %scan3A_564#13[%gather3A_840] in [0] : vector<16xf32>, vector<16xi32> -> vector<16xf32>
      %add3A_842 = arith.addf %gather3A_838, %gather3A_841 : vector<16xf32>
      %broadcast_in_dim3A_843 = vector.shape_cast %mul3A_25 : vector<16xi32> to vector<16x1xi32>
      %gather3A_844 = vector.shape_cast %broadcast_in_dim3A_843 : vector<16x1xi32> to vector<16xi32>
      %gather3A_845 = tpu.dynamic_gather %scan3A_564#15[%gather3A_844] in [0] : vector<16xf32>, vector<16xi32> -> vector<16xf32>
      %broadcast_in_dim3A_846 = vector.shape_cast %add3A_28 : vector<16xi32> to vector<16x1xi32>
      %gather3A_847 = vector.shape_cast %broadcast_in_dim3A_846 : vector<16x1xi32> to vector<16xi32>
      %gather3A_848 = tpu.dynamic_gather %scan3A_564#15[%gather3A_847] in [0] : vector<16xf32>, vector<16xi32> -> vector<16xf32>
      %add3A_849 = arith.addf %gather3A_845, %gather3A_848 : vector<16xf32>
      %select_n3A_850 = arith.select %lt3A_31, %add3A_842, %add3A_849 : vector<16xi1>, vector<16xf32>
      %broadcast_in_dim3A_851 = vector.shape_cast %mul3A_25 : vector<16xi32> to vector<16x1xi32>
      %gather3A_852 = vector.shape_cast %broadcast_in_dim3A_851 : vector<16x1xi32> to vector<16xi32>
      %gather3A_853 = tpu.dynamic_gather %scan3A_564#17[%gather3A_852] in [0] : vector<16xf32>, vector<16xi32> -> vector<16xf32>
      %broadcast_in_dim3A_854 = vector.shape_cast %add3A_28 : vector<16xi32> to vector<16x1xi32>
      %gather3A_855 = vector.shape_cast %broadcast_in_dim3A_854 : vector<16x1xi32> to vector<16xi32>
      %gather3A_856 = tpu.dynamic_gather %scan3A_564#17[%gather3A_855] in [0] : vector<16xf32>, vector<16xi32> -> vector<16xf32>
      %add3A_857 = arith.addf %gather3A_853, %gather3A_856 : vector<16xf32>
      %broadcast_in_dim3A_858 = vector.shape_cast %mul3A_25 : vector<16xi32> to vector<16x1xi32>
      %gather3A_859 = vector.shape_cast %broadcast_in_dim3A_858 : vector<16x1xi32> to vector<16xi32>
      %gather3A_860 = tpu.dynamic_gather %scan3A_564#19[%gather3A_859] in [0] : vector<16xf32>, vector<16xi32> -> vector<16xf32>
      %broadcast_in_dim3A_861 = vector.shape_cast %add3A_28 : vector<16xi32> to vector<16x1xi32>
      %gather3A_862 = vector.shape_cast %broadcast_in_dim3A_861 : vector<16x1xi32> to vector<16xi32>
      %gather3A_863 = tpu.dynamic_gather %scan3A_564#19[%gather3A_862] in [0] : vector<16xf32>, vector<16xi32> -> vector<16xf32>
      %add3A_864 = arith.addf %gather3A_860, %gather3A_863 : vector<16xf32>
      %select_n3A_865 = arith.select %lt3A_31, %add3A_857, %add3A_864 : vector<16xi1>, vector<16xf32>
      %broadcast_in_dim3A_866 = vector.shape_cast %mul3A_25 : vector<16xi32> to vector<16x1xi32>
      %gather3A_867 = vector.shape_cast %broadcast_in_dim3A_866 : vector<16x1xi32> to vector<16xi32>
      %gather3A_868 = tpu.dynamic_gather %scan3A_564#21[%gather3A_867] in [0] : vector<16xf32>, vector<16xi32> -> vector<16xf32>
      %broadcast_in_dim3A_869 = vector.shape_cast %add3A_28 : vector<16xi32> to vector<16x1xi32>
      %gather3A_870 = vector.shape_cast %broadcast_in_dim3A_869 : vector<16x1xi32> to vector<16xi32>
      %gather3A_871 = tpu.dynamic_gather %scan3A_564#21[%gather3A_870] in [0] : vector<16xf32>, vector<16xi32> -> vector<16xf32>
      %add3A_872 = arith.addf %gather3A_868, %gather3A_871 : vector<16xf32>
      %broadcast_in_dim3A_873 = vector.shape_cast %mul3A_25 : vector<16xi32> to vector<16x1xi32>
      %gather3A_874 = vector.shape_cast %broadcast_in_dim3A_873 : vector<16x1xi32> to vector<16xi32>
      %gather3A_875 = tpu.dynamic_gather %scan3A_564#23[%gather3A_874] in [0] : vector<16xf32>, vector<16xi32> -> vector<16xf32>
      %broadcast_in_dim3A_876 = vector.shape_cast %add3A_28 : vector<16xi32> to vector<16x1xi32>
      %gather3A_877 = vector.shape_cast %broadcast_in_dim3A_876 : vector<16x1xi32> to vector<16xi32>
      %gather3A_878 = tpu.dynamic_gather %scan3A_564#23[%gather3A_877] in [0] : vector<16xf32>, vector<16xi32> -> vector<16xf32>
      %add3A_879 = arith.addf %gather3A_875, %gather3A_878 : vector<16xf32>
      %select_n3A_880 = arith.select %lt3A_31, %add3A_872, %add3A_879 : vector<16xi1>, vector<16xf32>
      %broadcast_in_dim3A_881 = vector.shape_cast %mul3A_25 : vector<16xi32> to vector<16x1xi32>
      %gather3A_882 = vector.shape_cast %broadcast_in_dim3A_881 : vector<16x1xi32> to vector<16xi32>
      %gather3A_883 = tpu.dynamic_gather %scan3A_564#25[%gather3A_882] in [0] : vector<16xf32>, vector<16xi32> -> vector<16xf32>
      %broadcast_in_dim3A_884 = vector.shape_cast %add3A_28 : vector<16xi32> to vector<16x1xi32>
      %gather3A_885 = vector.shape_cast %broadcast_in_dim3A_884 : vector<16x1xi32> to vector<16xi32>
      %gather3A_886 = tpu.dynamic_gather %scan3A_564#25[%gather3A_885] in [0] : vector<16xf32>, vector<16xi32> -> vector<16xf32>
      %add3A_887 = arith.addf %gather3A_883, %gather3A_886 : vector<16xf32>
      %broadcast_in_dim3A_888 = vector.shape_cast %mul3A_25 : vector<16xi32> to vector<16x1xi32>
      %gather3A_889 = vector.shape_cast %broadcast_in_dim3A_888 : vector<16x1xi32> to vector<16xi32>
      %gather3A_890 = tpu.dynamic_gather %scan3A_564#27[%gather3A_889] in [0] : vector<16xf32>, vector<16xi32> -> vector<16xf32>
      %broadcast_in_dim3A_891 = vector.shape_cast %add3A_28 : vector<16xi32> to vector<16x1xi32>
      %gather3A_892 = vector.shape_cast %broadcast_in_dim3A_891 : vector<16x1xi32> to vector<16xi32>
      %gather3A_893 = tpu.dynamic_gather %scan3A_564#27[%gather3A_892] in [0] : vector<16xf32>, vector<16xi32> -> vector<16xf32>
      %add3A_894 = arith.addf %gather3A_890, %gather3A_893 : vector<16xf32>
      %select_n3A_895 = arith.select %lt3A_31, %add3A_887, %add3A_894 : vector<16xi1>, vector<16xf32>
      %broadcast_in_dim3A_896 = vector.shape_cast %mul3A_25 : vector<16xi32> to vector<16x1xi32>
      %gather3A_897 = vector.shape_cast %broadcast_in_dim3A_896 : vector<16x1xi32> to vector<16xi32>
      %gather3A_898 = tpu.dynamic_gather %scan3A_564#29[%gather3A_897] in [0] : vector<16xf32>, vector<16xi32> -> vector<16xf32>
      %broadcast_in_dim3A_899 = vector.shape_cast %add3A_28 : vector<16xi32> to vector<16x1xi32>
      %gather3A_900 = vector.shape_cast %broadcast_in_dim3A_899 : vector<16x1xi32> to vector<16xi32>
      %gather3A_901 = tpu.dynamic_gather %scan3A_564#29[%gather3A_900] in [0] : vector<16xf32>, vector<16xi32> -> vector<16xf32>
      %add3A_902 = arith.addf %gather3A_898, %gather3A_901 : vector<16xf32>
      %broadcast_in_dim3A_903 = vector.shape_cast %mul3A_25 : vector<16xi32> to vector<16x1xi32>
      %gather3A_904 = vector.shape_cast %broadcast_in_dim3A_903 : vector<16x1xi32> to vector<16xi32>
      %gather3A_905 = tpu.dynamic_gather %scan3A_564#31[%gather3A_904] in [0] : vector<16xf32>, vector<16xi32> -> vector<16xf32>
      %broadcast_in_dim3A_906 = vector.shape_cast %add3A_28 : vector<16xi32> to vector<16x1xi32>
      %gather3A_907 = vector.shape_cast %broadcast_in_dim3A_906 : vector<16x1xi32> to vector<16xi32>
      %gather3A_908 = tpu.dynamic_gather %scan3A_564#31[%gather3A_907] in [0] : vector<16xf32>, vector<16xi32> -> vector<16xf32>
      %add3A_909 = arith.addf %gather3A_905, %gather3A_908 : vector<16xf32>
      %select_n3A_910 = arith.select %lt3A_31, %add3A_902, %add3A_909 : vector<16xi1>, vector<16xf32>
      %broadcast_in_dim3A_911 = vector.shape_cast %mul3A_25 : vector<16xi32> to vector<16x1xi32>
      %gather3A_912 = vector.shape_cast %broadcast_in_dim3A_911 : vector<16x1xi32> to vector<16xi32>
      %gather3A_913 = tpu.dynamic_gather %select_n3A_805[%gather3A_912] in [0] : vector<16xf32>, vector<16xi32> -> vector<16xf32>
      %broadcast_in_dim3A_914 = vector.shape_cast %add3A_28 : vector<16xi32> to vector<16x1xi32>
      %gather3A_915 = vector.shape_cast %broadcast_in_dim3A_914 : vector<16x1xi32> to vector<16xi32>
      %gather3A_916 = tpu.dynamic_gather %select_n3A_805[%gather3A_915] in [0] : vector<16xf32>, vector<16xi32> -> vector<16xf32>
      %add3A_917 = arith.addf %gather3A_913, %gather3A_916 : vector<16xf32>
      %broadcast_in_dim3A_918 = vector.shape_cast %mul3A_25 : vector<16xi32> to vector<16x1xi32>
      %gather3A_919 = vector.shape_cast %broadcast_in_dim3A_918 : vector<16x1xi32> to vector<16xi32>
      %gather3A_920 = tpu.dynamic_gather %select_n3A_820[%gather3A_919] in [0] : vector<16xf32>, vector<16xi32> -> vector<16xf32>
      %broadcast_in_dim3A_921 = vector.shape_cast %add3A_28 : vector<16xi32> to vector<16x1xi32>
      %gather3A_922 = vector.shape_cast %broadcast_in_dim3A_921 : vector<16x1xi32> to vector<16xi32>
      %gather3A_923 = tpu.dynamic_gather %select_n3A_820[%gather3A_922] in [0] : vector<16xf32>, vector<16xi32> -> vector<16xf32>
      %add3A_924 = arith.addf %gather3A_920, %gather3A_923 : vector<16xf32>
      %select_n3A_925 = arith.select %lt3A_31, %add3A_917, %add3A_924 : vector<16xi1>, vector<16xf32>
      %broadcast_in_dim3A_926 = vector.shape_cast %mul3A_25 : vector<16xi32> to vector<16x1xi32>
      %gather3A_927 = vector.shape_cast %broadcast_in_dim3A_926 : vector<16x1xi32> to vector<16xi32>
      %gather3A_928 = tpu.dynamic_gather %select_n3A_835[%gather3A_927] in [0] : vector<16xf32>, vector<16xi32> -> vector<16xf32>
      %broadcast_in_dim3A_929 = vector.shape_cast %add3A_28 : vector<16xi32> to vector<16x1xi32>
      %gather3A_930 = vector.shape_cast %broadcast_in_dim3A_929 : vector<16x1xi32> to vector<16xi32>
      %gather3A_931 = tpu.dynamic_gather %select_n3A_835[%gather3A_930] in [0] : vector<16xf32>, vector<16xi32> -> vector<16xf32>
      %add3A_932 = arith.addf %gather3A_928, %gather3A_931 : vector<16xf32>
      %broadcast_in_dim3A_933 = vector.shape_cast %mul3A_25 : vector<16xi32> to vector<16x1xi32>
      %gather3A_934 = vector.shape_cast %broadcast_in_dim3A_933 : vector<16x1xi32> to vector<16xi32>
      %gather3A_935 = tpu.dynamic_gather %select_n3A_850[%gather3A_934] in [0] : vector<16xf32>, vector<16xi32> -> vector<16xf32>
      %broadcast_in_dim3A_936 = vector.shape_cast %add3A_28 : vector<16xi32> to vector<16x1xi32>
      %gather3A_937 = vector.shape_cast %broadcast_in_dim3A_936 : vector<16x1xi32> to vector<16xi32>
      %gather3A_938 = tpu.dynamic_gather %select_n3A_850[%gather3A_937] in [0] : vector<16xf32>, vector<16xi32> -> vector<16xf32>
      %add3A_939 = arith.addf %gather3A_935, %gather3A_938 : vector<16xf32>
      %select_n3A_940 = arith.select %lt3A_31, %add3A_932, %add3A_939 : vector<16xi1>, vector<16xf32>
      %broadcast_in_dim3A_941 = vector.shape_cast %mul3A_25 : vector<16xi32> to vector<16x1xi32>
      %gather3A_942 = vector.shape_cast %broadcast_in_dim3A_941 : vector<16x1xi32> to vector<16xi32>
      %gather3A_943 = tpu.dynamic_gather %select_n3A_865[%gather3A_942] in [0] : vector<16xf32>, vector<16xi32> -> vector<16xf32>
      %broadcast_in_dim3A_944 = vector.shape_cast %add3A_28 : vector<16xi32> to vector<16x1xi32>
      %gather3A_945 = vector.shape_cast %broadcast_in_dim3A_944 : vector<16x1xi32> to vector<16xi32>
      %gather3A_946 = tpu.dynamic_gather %select_n3A_865[%gather3A_945] in [0] : vector<16xf32>, vector<16xi32> -> vector<16xf32>
      %add3A_947 = arith.addf %gather3A_943, %gather3A_946 : vector<16xf32>
      %broadcast_in_dim3A_948 = vector.shape_cast %mul3A_25 : vector<16xi32> to vector<16x1xi32>
      %gather3A_949 = vector.shape_cast %broadcast_in_dim3A_948 : vector<16x1xi32> to vector<16xi32>
      %gather3A_950 = tpu.dynamic_gather %select_n3A_880[%gather3A_949] in [0] : vector<16xf32>, vector<16xi32> -> vector<16xf32>
      %broadcast_in_dim3A_951 = vector.shape_cast %add3A_28 : vector<16xi32> to vector<16x1xi32>
      %gather3A_952 = vector.shape_cast %broadcast_in_dim3A_951 : vector<16x1xi32> to vector<16xi32>
      %gather3A_953 = tpu.dynamic_gather %select_n3A_880[%gather3A_952] in [0] : vector<16xf32>, vector<16xi32> -> vector<16xf32>
      %add3A_954 = arith.addf %gather3A_950, %gather3A_953 : vector<16xf32>
      %select_n3A_955 = arith.select %lt3A_31, %add3A_947, %add3A_954 : vector<16xi1>, vector<16xf32>
      %broadcast_in_dim3A_956 = vector.shape_cast %mul3A_25 : vector<16xi32> to vector<16x1xi32>
      %gather3A_957 = vector.shape_cast %broadcast_in_dim3A_956 : vector<16x1xi32> to vector<16xi32>
      %gather3A_958 = tpu.dynamic_gather %select_n3A_895[%gather3A_957] in [0] : vector<16xf32>, vector<16xi32> -> vector<16xf32>
      %broadcast_in_dim3A_959 = vector.shape_cast %add3A_28 : vector<16xi32> to vector<16x1xi32>
      %gather3A_960 = vector.shape_cast %broadcast_in_dim3A_959 : vector<16x1xi32> to vector<16xi32>
      %gather3A_961 = tpu.dynamic_gather %select_n3A_895[%gather3A_960] in [0] : vector<16xf32>, vector<16xi32> -> vector<16xf32>
      %add3A_962 = arith.addf %gather3A_958, %gather3A_961 : vector<16xf32>
      %broadcast_in_dim3A_963 = vector.shape_cast %mul3A_25 : vector<16xi32> to vector<16x1xi32>
      %gather3A_964 = vector.shape_cast %broadcast_in_dim3A_963 : vector<16x1xi32> to vector<16xi32>
      %gather3A_965 = tpu.dynamic_gather %select_n3A_910[%gather3A_964] in [0] : vector<16xf32>, vector<16xi32> -> vector<16xf32>
      %broadcast_in_dim3A_966 = vector.shape_cast %add3A_28 : vector<16xi32> to vector<16x1xi32>
      %gather3A_967 = vector.shape_cast %broadcast_in_dim3A_966 : vector<16x1xi32> to vector<16xi32>
      %gather3A_968 = tpu.dynamic_gather %select_n3A_910[%gather3A_967] in [0] : vector<16xf32>, vector<16xi32> -> vector<16xf32>
      %add3A_969 = arith.addf %gather3A_965, %gather3A_968 : vector<16xf32>
      %select_n3A_970 = arith.select %lt3A_31, %add3A_962, %add3A_969 : vector<16xi1>, vector<16xf32>
      %broadcast_in_dim3A_971 = vector.shape_cast %mul3A_25 : vector<16xi32> to vector<16x1xi32>
      %gather3A_972 = vector.shape_cast %broadcast_in_dim3A_971 : vector<16x1xi32> to vector<16xi32>
      %gather3A_973 = tpu.dynamic_gather %select_n3A_925[%gather3A_972] in [0] : vector<16xf32>, vector<16xi32> -> vector<16xf32>
      %broadcast_in_dim3A_974 = vector.shape_cast %add3A_28 : vector<16xi32> to vector<16x1xi32>
      %gather3A_975 = vector.shape_cast %broadcast_in_dim3A_974 : vector<16x1xi32> to vector<16xi32>
      %gather3A_976 = tpu.dynamic_gather %select_n3A_925[%gather3A_975] in [0] : vector<16xf32>, vector<16xi32> -> vector<16xf32>
      %add3A_977 = arith.addf %gather3A_973, %gather3A_976 : vector<16xf32>
      %broadcast_in_dim3A_978 = vector.shape_cast %mul3A_25 : vector<16xi32> to vector<16x1xi32>
      %gather3A_979 = vector.shape_cast %broadcast_in_dim3A_978 : vector<16x1xi32> to vector<16xi32>
      %gather3A_980 = tpu.dynamic_gather %select_n3A_940[%gather3A_979] in [0] : vector<16xf32>, vector<16xi32> -> vector<16xf32>
      %broadcast_in_dim3A_981 = vector.shape_cast %add3A_28 : vector<16xi32> to vector<16x1xi32>
      %gather3A_982 = vector.shape_cast %broadcast_in_dim3A_981 : vector<16x1xi32> to vector<16xi32>
      %gather3A_983 = tpu.dynamic_gather %select_n3A_940[%gather3A_982] in [0] : vector<16xf32>, vector<16xi32> -> vector<16xf32>
      %add3A_984 = arith.addf %gather3A_980, %gather3A_983 : vector<16xf32>
      %select_n3A_985 = arith.select %lt3A_31, %add3A_977, %add3A_984 : vector<16xi1>, vector<16xf32>
      %broadcast_in_dim3A_986 = vector.shape_cast %mul3A_25 : vector<16xi32> to vector<16x1xi32>
      %gather3A_987 = vector.shape_cast %broadcast_in_dim3A_986 : vector<16x1xi32> to vector<16xi32>
      %gather3A_988 = tpu.dynamic_gather %select_n3A_955[%gather3A_987] in [0] : vector<16xf32>, vector<16xi32> -> vector<16xf32>
      %broadcast_in_dim3A_989 = vector.shape_cast %add3A_28 : vector<16xi32> to vector<16x1xi32>
      %gather3A_990 = vector.shape_cast %broadcast_in_dim3A_989 : vector<16x1xi32> to vector<16xi32>
      %gather3A_991 = tpu.dynamic_gather %select_n3A_955[%gather3A_990] in [0] : vector<16xf32>, vector<16xi32> -> vector<16xf32>
      %add3A_992 = arith.addf %gather3A_988, %gather3A_991 : vector<16xf32>
      %broadcast_in_dim3A_993 = vector.shape_cast %mul3A_25 : vector<16xi32> to vector<16x1xi32>
      %gather3A_994 = vector.shape_cast %broadcast_in_dim3A_993 : vector<16x1xi32> to vector<16xi32>
      %gather3A_995 = tpu.dynamic_gather %select_n3A_970[%gather3A_994] in [0] : vector<16xf32>, vector<16xi32> -> vector<16xf32>
      %broadcast_in_dim3A_996 = vector.shape_cast %add3A_28 : vector<16xi32> to vector<16x1xi32>
      %gather3A_997 = vector.shape_cast %broadcast_in_dim3A_996 : vector<16x1xi32> to vector<16xi32>
      %gather3A_998 = tpu.dynamic_gather %select_n3A_970[%gather3A_997] in [0] : vector<16xf32>, vector<16xi32> -> vector<16xf32>
      %add3A_999 = arith.addf %gather3A_995, %gather3A_998 : vector<16xf32>
      %select_n3A_1000 = arith.select %lt3A_31, %add3A_992, %add3A_999 : vector<16xi1>, vector<16xf32>
      %broadcast_in_dim3A_1001 = vector.shape_cast %mul3A_25 : vector<16xi32> to vector<16x1xi32>
      %gather3A_1002 = vector.shape_cast %broadcast_in_dim3A_1001 : vector<16x1xi32> to vector<16xi32>
      %gather3A_1003 = tpu.dynamic_gather %select_n3A_985[%gather3A_1002] in [0] : vector<16xf32>, vector<16xi32> -> vector<16xf32>
      %broadcast_in_dim3A_1004 = vector.shape_cast %add3A_28 : vector<16xi32> to vector<16x1xi32>
      %gather3A_1005 = vector.shape_cast %broadcast_in_dim3A_1004 : vector<16x1xi32> to vector<16xi32>
      %gather3A_1006 = tpu.dynamic_gather %select_n3A_985[%gather3A_1005] in [0] : vector<16xf32>, vector<16xi32> -> vector<16xf32>
      %add3A_1007 = arith.addf %gather3A_1003, %gather3A_1006 : vector<16xf32>
      %broadcast_in_dim3A_1008 = vector.shape_cast %mul3A_25 : vector<16xi32> to vector<16x1xi32>
      %gather3A_1009 = vector.shape_cast %broadcast_in_dim3A_1008 : vector<16x1xi32> to vector<16xi32>
      %gather3A_1010 = tpu.dynamic_gather %select_n3A_1000[%gather3A_1009] in [0] : vector<16xf32>, vector<16xi32> -> vector<16xf32>
      %broadcast_in_dim3A_1011 = vector.shape_cast %add3A_28 : vector<16xi32> to vector<16x1xi32>
      %gather3A_1012 = vector.shape_cast %broadcast_in_dim3A_1011 : vector<16x1xi32> to vector<16xi32>
      %gather3A_1013 = tpu.dynamic_gather %select_n3A_1000[%gather3A_1012] in [0] : vector<16xf32>, vector<16xi32> -> vector<16xf32>
      %add3A_1014 = arith.addf %gather3A_1010, %gather3A_1013 : vector<16xf32>
      %select_n3A_1015 = arith.select %lt3A_31, %add3A_1007, %add3A_1014 : vector<16xi1>, vector<16xf32>
      %add3A_1016 = vector.broadcast %squeeze3A : f32 to vector<16xf32>
      %add3A_1017 = arith.addf %select_n3A_790, %add3A_1016 : vector<16xf32>
      %swap3A_1018 = arith.index_cast %mul3A_559 : i32 to index
      %swap3A_1019 = tpu.vector_load %arg11[%swap3A_1018] {strides = array<i32>} : memref<448xf32, #tpu.memory_space<vmem>>, vector<16xf32>,
      %swap3A_1020 = vector.shape_cast %swap3A_1019 : vector<16xf32> to vector<16xf32>
      %swap3A_1021 = vector.shape_cast %add3A_1017 : vector<16xf32> to vector<16xf32>
      tpu.vector_store %arg11[%swap3A_1018], %swap3A_1021 {strides = array<i32>} : memref<448xf32, #tpu.memory_space<vmem>>, vector<16xf32>,
      %add3A_1022 = vector.broadcast %squeeze3A_6 : f32 to vector<16xf32>
      %add3A_1023 = arith.addf %select_n3A_1015, %add3A_1022 : vector<16xf32>
      %swap3A_1024 = arith.index_cast %mul3A_559 : i32 to index
      %swap3A_1025 = tpu.vector_load %arg12[%swap3A_1024] {strides = array<i32>} : memref<448xf32, #tpu.memory_space<vmem>>, vector<16xf32>,
      %swap3A_1026 = vector.shape_cast %swap3A_1025 : vector<16xf32> to vector<16xf32>
      %swap3A_1027 = vector.shape_cast %add3A_1023 : vector<16xf32> to vector<16xf32>
      tpu.vector_store %arg12[%swap3A_1024], %swap3A_1027 {strides = array<i32>} : memref<448xf32, #tpu.memory_space<vmem>>, vector<16xf32>,
      %scan3A_1028 = arith.constant 0 : i32
      scf.yield %scan3A_1028 : i32
    }
    %scan3A_40 = arith.constant 14 : i32
    %dma_wait3A = arith.constant 0 : i32
    %dma_wait3A_41 = arith.constant 0 : i32
    %dma_wait3A_42 = tpu.memref_slice %arg2[%dma_wait3A, %dma_wait3A_41] : memref<14336x2048xf32, #tpu.memory_space<hbm>> -> memref<16x2048xf32, #tpu.memory_space<hbm>>
    %dma_wait3A_43 = arith.constant 0 : i32
    %dma_wait3A_44 = arith.constant 0 : i32
    %dma_wait3A_45 = tpu.memref_slice %arg2[%dma_wait3A_43, %dma_wait3A_44] : memref<14336x2048xf32, #tpu.memory_space<hbm>> -> memref<16x2048xf32, #tpu.memory_space<hbm>>
    tpu.wait_dma2 semaphore(%arg13 : memref<!tpu.dma_semaphore, #tpu.memory_space<semaphore_mem>>) src(%dma_wait3A_45 : memref<16x2048xf32, #tpu.memory_space<hbm>>) dst(%arg9 : memref<16x2048xf32, #tpu.memory_space<vmem>>)
    "tpu.region"() ({
      %run_scoped3A = tpu.sem_alloc : memref<!tpu.dma_semaphore, #tpu.memory_space<semaphore_mem>>
      %dma_start3A_46 = tpu.memref_slice %arg5[%mul3A_2] : memref<14336xf32, #tpu.memory_space<hbm>> -> memref<448xf32, #tpu.memory_space<hbm>>
      %dma_start3A_47 = tpu.memref_slice %arg5[%mul3A_2] : memref<14336xf32, #tpu.memory_space<hbm>> -> memref<448xf32, #tpu.memory_space<hbm>>
      tpu.enqueue_dma source(%arg11 : memref<448xf32, #tpu.memory_space<vmem>>) target(%dma_start3A_47 : memref<448xf32, #tpu.memory_space<hbm>>) target_semaphore(%run_scoped3A : memref<!tpu.dma_semaphore, #tpu.memory_space<semaphore_mem>>)
      %dma_wait3A_48 = tpu.memref_slice %arg5[%mul3A_2] : memref<14336xf32, #tpu.memory_space<hbm>> -> memref<448xf32, #tpu.memory_space<hbm>>
      %dma_wait3A_49 = tpu.memref_slice %arg5[%mul3A_2] : memref<14336xf32, #tpu.memory_space<hbm>> -> memref<448xf32, #tpu.memory_space<hbm>>
      tpu.wait_dma2 semaphore(%run_scoped3A : memref<!tpu.dma_semaphore, #tpu.memory_space<semaphore_mem>>) src(%arg11 : memref<448xf32, #tpu.memory_space<vmem>>) dst(%dma_wait3A_49 : memref<448xf32, #tpu.memory_space<hbm>>)
      tpu.yield
    }) : () -> ()
    "tpu.region"() ({
      %run_scoped3A = tpu.sem_alloc : memref<!tpu.dma_semaphore, #tpu.memory_space<semaphore_mem>>
      %dma_start3A_46 = tpu.memref_slice %arg6[%mul3A_2] : memref<14336xf32, #tpu.memory_space<hbm>> -> memref<448xf32, #tpu.memory_space<hbm>>
      %dma_start3A_47 = tpu.memref_slice %arg6[%mul3A_2] : memref<14336xf32, #tpu.memory_space<hbm>> -> memref<448xf32, #tpu.memory_space<hbm>>
      tpu.enqueue_dma source(%arg12 : memref<448xf32, #tpu.memory_space<vmem>>) target(%dma_start3A_47 : memref<448xf32, #tpu.memory_space<hbm>>) target_semaphore(%run_scoped3A : memref<!tpu.dma_semaphore, #tpu.memory_space<semaphore_mem>>)
      %dma_wait3A_48 = tpu.memref_slice %arg6[%mul3A_2] : memref<14336xf32, #tpu.memory_space<hbm>> -> memref<448xf32, #tpu.memory_space<hbm>>
      %dma_wait3A_49 = tpu.memref_slice %arg6[%mul3A_2] : memref<14336xf32, #tpu.memory_space<hbm>> -> memref<448xf32, #tpu.memory_space<hbm>>
      tpu.wait_dma2 semaphore(%run_scoped3A : memref<!tpu.dma_semaphore, #tpu.memory_space<semaphore_mem>>) src(%arg12 : memref<448xf32, #tpu.memory_space<vmem>>) dst(%dma_wait3A_49 : memref<448xf32, #tpu.memory_space<hbm>>)
      tpu.yield
    }) : () -> ()
    return
  }
}

#map = affine_map<(d0, d1) -> (0, 0, 0)>
#map1 = affine_map<(d0, d1) -> (0, 0)>
#map2 = affine_map<(d0, d1) -> (0)>
module attributes {stable_mosaic.version = 14 : i64} {
  func.func @k(%arg0: i32, %arg1: i32, %arg2: memref<16384x64x32xf32, #tpu.memory_space<hbm>>, %arg3: memref<2x2048xf32, #tpu.memory_space<hbm>>, %arg4: memref<16xf32, #tpu.memory_space<hbm>>, %arg5: memref<2048xf32, #tpu.memory_space<hbm>>, %arg6: memref<2048xf32, #tpu.memory_space<hbm>>, %arg7: memref<2x2048xf32, #tpu.memory_space<vmem>>, %arg8: memref<16xf32, #tpu.memory_space<vmem>>, %arg9: memref<4x64x32xf32, #tpu.memory_space<vmem>>, %arg10: memref<4x64x32xf32, #tpu.memory_space<vmem>>, %arg11: memref<64xf32, #tpu.memory_space<vmem>>, %arg12: memref<64xf32, #tpu.memory_space<vmem>>, %arg13: memref<!tpu.dma_semaphore, #tpu.memory_space<semaphore_mem>>, %arg14: memref<!tpu.dma_semaphore, #tpu.memory_space<semaphore_mem>>) attributes {dimension_semantics = [#tpu.dimension_semantics<core_parallel>, #tpu.dimension_semantics<subcore_parallel>], iteration_bounds = array<i64: 2, 16>, scalar_prefetch = 0 : i64, scratch_operands = 8 : i64, tpu.core_type = #tpu.core_type<sc_vector_subcore>, window_params = [{transform_indices = #map}, {transform_indices = #map1}, {transform_indices = #map2}, {transform_indices = #map2}, {transform_indices = #map2}]} {
    %mul3A = arith.constant 16 : i32
    %mul3A_0 = arith.muli %arg0, %mul3A : i32
    %add3A = arith.addi %mul3A_0, %arg1 : i32
    %mul3A_1 = arith.constant 64 : i32
    %mul3A_2 = arith.muli %add3A, %mul3A_1 : i32
    "tpu.region"() ({
      %run_scoped3A = tpu.sem_alloc : memref<!tpu.dma_semaphore, #tpu.memory_space<semaphore_mem>>
      tpu.enqueue_dma source(%arg3 : memref<2x2048xf32, #tpu.memory_space<hbm>>) target(%arg7 : memref<2x2048xf32, #tpu.memory_space<vmem>>) target_semaphore(%run_scoped3A : memref<!tpu.dma_semaphore, #tpu.memory_space<semaphore_mem>>)
      tpu.wait_dma2 semaphore(%run_scoped3A : memref<!tpu.dma_semaphore, #tpu.memory_space<semaphore_mem>>) src(%arg3 : memref<2x2048xf32, #tpu.memory_space<hbm>>) dst(%arg7 : memref<2x2048xf32, #tpu.memory_space<vmem>>)
      tpu.yield
    }) : () -> ()
    "tpu.region"() ({
      %run_scoped3A = tpu.sem_alloc : memref<!tpu.dma_semaphore, #tpu.memory_space<semaphore_mem>>
      tpu.enqueue_dma source(%arg4 : memref<16xf32, #tpu.memory_space<hbm>>) target(%arg8 : memref<16xf32, #tpu.memory_space<vmem>>) target_semaphore(%run_scoped3A : memref<!tpu.dma_semaphore, #tpu.memory_space<semaphore_mem>>)
      tpu.wait_dma2 semaphore(%run_scoped3A : memref<!tpu.dma_semaphore, #tpu.memory_space<semaphore_mem>>) src(%arg4 : memref<16xf32, #tpu.memory_space<hbm>>) dst(%arg8 : memref<16xf32, #tpu.memory_space<vmem>>)
      tpu.yield
    }) : () -> ()
    %get3A = arith.constant 0 : index
    %get3A_3 = tpu.vector_load %arg8[%get3A] {strides = array<i32>} : memref<16xf32, #tpu.memory_space<vmem>>, vector<16xf32>,
    %get3A_4 = vector.shape_cast %get3A_3 : vector<16xf32> to vector<16xf32>
    %slice3A = vector.extract_strided_slice %get3A_4 {offsets = [0], sizes = [1], strides = [1]} : vector<16xf32> to vector<1xf32>
    %squeeze3A = vector.extract %slice3A[0] : f32 from vector<1xf32>
    %slice3A_5 = vector.extract_strided_slice %get3A_4 {offsets = [1], sizes = [1], strides = [1]} : vector<16xf32> to vector<1xf32>
    %squeeze3A_6 = vector.extract %slice3A_5[0] : f32 from vector<1xf32>
    %iota3A = tpu.iota {dimensions = array<i32: 0>} : vector<16xi32>
    %broadcast_in_dim3A = arith.constant 0.000000e+00 : f32
    %broadcast_in_dim3A_7 = vector.broadcast %broadcast_in_dim3A : f32 to vector<16xf32>
    %jit3A = arith.constant 8 : i32
    %eq3A = arith.constant 0 : i32
    %eq3A_8 = arith.cmpi eq, %jit3A, %eq3A : i32
    %jit3A_9 = arith.constant 1 : i32
    %select_n3A = arith.select %eq3A_8, %jit3A_9, %jit3A : i32
    %rem3A = vector.broadcast %select_n3A : i32 to vector<16xi32>
    %rem3A_10 = arith.remsi %iota3A, %rem3A : vector<16xi32>
    %ne3A = arith.constant 0 : i32
    %ne3A_11 = vector.broadcast %ne3A : i32 to vector<16xi32>
    %ne3A_12 = arith.cmpi ne, %rem3A_10, %ne3A_11 : vector<16xi32>
    %lt3A = arith.constant 0 : i32
    %lt3A_13 = vector.broadcast %lt3A : i32 to vector<16xi32>
    %lt3A_14 = arith.cmpi slt, %rem3A_10, %lt3A_13 : vector<16xi32>
    %lt3A_15 = arith.constant 0 : i32
    %lt3A_16 = arith.cmpi slt, %select_n3A, %lt3A_15 : i32
    %ne3A_17 = vector.broadcast %lt3A_16 : i1 to vector<16xi1>
    %ne3A_18 = vector.broadcast %ne3A_17 : vector<16xi1> to vector<16xi1>
    %ne3A_19 = arith.xori %lt3A_14, %ne3A_18 : vector<16xi1>
    %and3A = arith.andi %ne3A_19, %ne3A_12 : vector<16xi1>
    %add3A_20 = vector.broadcast %select_n3A : i32 to vector<16xi32>
    %add3A_21 = arith.addi %rem3A_10, %add3A_20 : vector<16xi32>
    %select_n3A_22 = arith.select %and3A, %add3A_21, %rem3A_10 : vector<16xi1>, vector<16xi32>
    %mul3A_23 = arith.constant 2 : i32
    %mul3A_24 = vector.broadcast %mul3A_23 : i32 to vector<16xi32>
    %mul3A_25 = arith.muli %select_n3A_22, %mul3A_24 : vector<16xi32>
    %add3A_26 = arith.constant 1 : i32
    %add3A_27 = vector.broadcast %add3A_26 : i32 to vector<16xi32>
    %add3A_28 = arith.addi %mul3A_25, %add3A_27 : vector<16xi32>
    %lt3A_29 = arith.constant 8 : i32
    %lt3A_30 = vector.broadcast %lt3A_29 : i32 to vector<16xi32>
    %lt3A_31 = arith.cmpi slt, %iota3A, %lt3A_30 : vector<16xi32>
    %dma_start3A = arith.constant 0 : i32
    %dma_start3A_32 = arith.constant 0 : i32
    %dma_start3A_33 = tpu.memref_slice %arg2[%mul3A_2, %dma_start3A, %dma_start3A_32] : memref<16384x64x32xf32, #tpu.memory_space<hbm>> -> memref<4x64x32xf32, #tpu.memory_space<hbm>>
    %dma_start3A_34 = arith.constant 0 : i32
    %dma_start3A_35 = arith.constant 0 : i32
    %dma_start3A_36 = tpu.memref_slice %arg2[%mul3A_2, %dma_start3A_34, %dma_start3A_35] : memref<16384x64x32xf32, #tpu.memory_space<hbm>> -> memref<4x64x32xf32, #tpu.memory_space<hbm>>
    tpu.enqueue_dma source(%dma_start3A_36 : memref<4x64x32xf32, #tpu.memory_space<hbm>>) target(%arg9 : memref<4x64x32xf32, #tpu.memory_space<vmem>>) target_semaphore(%arg13 : memref<!tpu.dma_semaphore, #tpu.memory_space<semaphore_mem>>)
    %scan3A = arith.constant 0 : i32
    %scan3A_37 = arith.constant 0 : i32
    %scan3A_38 = arith.constant 4 : i32
    %scan3A_39 = arith.addi %scan3A_37, %scan3A_38 : i32
    %scan3A_40 = arith.constant 1 : i32
    %scan3A_41 = scf.for %scan3A_54 = %scan3A_37 to %scan3A_39 step %scan3A_40 iter_args(%scan3A_55 = %scan3A) -> (i32)  : i32 {
      %mul3A_56 = arith.constant 4 : i32
      %mul3A_57 = arith.muli %scan3A_54, %mul3A_56 : i32
      %add3A_58 = arith.constant 0 : i32
      %add3A_59 = arith.addi %mul3A_57, %add3A_58 : i32
      %dma_wait3A_60 = arith.constant 0 : i32
      %dma_wait3A_61 = arith.constant 0 : i32
      %dma_wait3A_62 = arith.constant 0 : i32
      %dma_wait3A_63 = tpu.memref_slice %arg2[%dma_wait3A_60, %dma_wait3A_61, %dma_wait3A_62] : memref<16384x64x32xf32, #tpu.memory_space<hbm>> -> memref<4x64x32xf32, #tpu.memory_space<hbm>>
      %dma_wait3A_64 = arith.constant 0 : i32
      %dma_wait3A_65 = arith.constant 0 : i32
      %dma_wait3A_66 = arith.constant 0 : i32
      %dma_wait3A_67 = tpu.memref_slice %arg2[%dma_wait3A_64, %dma_wait3A_65, %dma_wait3A_66] : memref<16384x64x32xf32, #tpu.memory_space<hbm>> -> memref<4x64x32xf32, #tpu.memory_space<hbm>>
      tpu.wait_dma2 semaphore(%arg13 : memref<!tpu.dma_semaphore, #tpu.memory_space<semaphore_mem>>) src(%dma_wait3A_67 : memref<4x64x32xf32, #tpu.memory_space<hbm>>) dst(%arg9 : memref<4x64x32xf32, #tpu.memory_space<vmem>>)
      %add3A_68 = arith.constant 1 : i32
      %add3A_69 = arith.addi %add3A_59, %add3A_68 : i32
      %rem3A_70 = arith.constant 16 : i32
      %rem3A_71 = arith.remsi %add3A_69, %rem3A_70 : i32
      %mul3A_72 = arith.constant 4 : i32
      %mul3A_73 = arith.muli %rem3A_71, %mul3A_72 : i32
      %add3A_74 = arith.addi %mul3A_2, %mul3A_73 : i32
      %dma_start3A_75 = arith.constant 0 : i32
      %dma_start3A_76 = arith.constant 0 : i32
      %dma_start3A_77 = tpu.memref_slice %arg2[%add3A_74, %dma_start3A_75, %dma_start3A_76] : memref<16384x64x32xf32, #tpu.memory_space<hbm>> -> memref<4x64x32xf32, #tpu.memory_space<hbm>>
      %dma_start3A_78 = arith.constant 0 : i32
      %dma_start3A_79 = arith.constant 0 : i32
      %dma_start3A_80 = tpu.memref_slice %arg2[%add3A_74, %dma_start3A_78, %dma_start3A_79] : memref<16384x64x32xf32, #tpu.memory_space<hbm>> -> memref<4x64x32xf32, #tpu.memory_space<hbm>>
      tpu.enqueue_dma source(%dma_start3A_80 : memref<4x64x32xf32, #tpu.memory_space<hbm>>) target(%arg10 : memref<4x64x32xf32, #tpu.memory_space<vmem>>) target_semaphore(%arg14 : memref<!tpu.dma_semaphore, #tpu.memory_space<semaphore_mem>>)
      %scan3A_81 = arith.constant 0 : i32
      %scan3A_82 = arith.constant 64 : i32
      %scan3A_83 = arith.addi %scan3A_81, %scan3A_82 : i32
      %scan3A_84 = arith.constant 2 : i32
      %scan3A_85:8 = scf.for %scan3A_643 = %scan3A_81 to %scan3A_83 step %scan3A_84 iter_args(%scan3A_644 = %broadcast_in_dim3A_7, %scan3A_645 = %broadcast_in_dim3A_7, %scan3A_646 = %broadcast_in_dim3A_7, %scan3A_647 = %broadcast_in_dim3A_7, %scan3A_648 = %broadcast_in_dim3A_7, %scan3A_649 = %broadcast_in_dim3A_7, %scan3A_650 = %broadcast_in_dim3A_7, %scan3A_651 = %broadcast_in_dim3A_7) -> (vector<16xf32>, vector<16xf32>, vector<16xf32>, vector<16xf32>, vector<16xf32>, vector<16xf32>, vector<16xf32>, vector<16xf32>)  : i32 {
        %mul3A_652 = arith.constant 32 : i32
        %mul3A_653 = arith.muli %scan3A_643, %mul3A_652 : i32
        %get3A_654 = arith.constant 0 : i32
        %get3A_655 = arith.index_cast %get3A_654 : i32 to index
        %get3A_656 = arith.index_cast %mul3A_653 : i32 to index
        %get3A_657 = tpu.vector_load %arg7[%get3A_655, %get3A_656] {strides = array<i32>} : memref<2x2048xf32, #tpu.memory_space<vmem>>, vector<1x16xf32>,
        %get3A_658 = vector.shape_cast %get3A_657 : vector<1x16xf32> to vector<16xf32>
        %get3A_659 = arith.constant 1 : i32
        %get3A_660 = arith.index_cast %get3A_659 : i32 to index
        %get3A_661 = arith.index_cast %mul3A_653 : i32 to index
        %get3A_662 = tpu.vector_load %arg7[%get3A_660, %get3A_661] {strides = array<i32>} : memref<2x2048xf32, #tpu.memory_space<vmem>>, vector<1x16xf32>,
        %get3A_663 = vector.shape_cast %get3A_662 : vector<1x16xf32> to vector<16xf32>
        %add3A_664 = arith.constant 16 : i32
        %add3A_665 = arith.addi %mul3A_653, %add3A_664 : i32
        %get3A_666 = arith.constant 0 : i32
        %get3A_667 = arith.index_cast %get3A_666 : i32 to index
        %get3A_668 = arith.index_cast %add3A_665 : i32 to index
        %get3A_669 = tpu.vector_load %arg7[%get3A_667, %get3A_668] {strides = array<i32>} : memref<2x2048xf32, #tpu.memory_space<vmem>>, vector<1x16xf32>,
        %get3A_670 = vector.shape_cast %get3A_669 : vector<1x16xf32> to vector<16xf32>
        %add3A_671 = arith.constant 16 : i32
        %add3A_672 = arith.addi %mul3A_653, %add3A_671 : i32
        %get3A_673 = arith.constant 1 : i32
        %get3A_674 = arith.index_cast %get3A_673 : i32 to index
        %get3A_675 = arith.index_cast %add3A_672 : i32 to index
        %get3A_676 = tpu.vector_load %arg7[%get3A_674, %get3A_675] {strides = array<i32>} : memref<2x2048xf32, #tpu.memory_space<vmem>>, vector<1x16xf32>,
        %get3A_677 = vector.shape_cast %get3A_676 : vector<1x16xf32> to vector<16xf32>
        %get3A_678 = arith.constant 0 : i32
        %get3A_679 = arith.index_cast %get3A_678 : i32 to index
        %get3A_680 = arith.index_cast %scan3A_643 : i32 to index
        %get3A_681 = arith.constant 0 : index
        %get3A_682 = tpu.vector_load %arg9[%get3A_679, %get3A_680, %get3A_681] {strides = array<i32>} : memref<4x64x32xf32, #tpu.memory_space<vmem>>, vector<1x1x16xf32>,
        %get3A_683 = vector.shape_cast %get3A_682 : vector<1x1x16xf32> to vector<16xf32>
        %get3A_684 = arith.constant 0 : i32
        %get3A_685 = arith.index_cast %get3A_684 : i32 to index
        %get3A_686 = arith.index_cast %scan3A_643 : i32 to index
        %get3A_687 = arith.constant 16 : index
        %get3A_688 = tpu.vector_load %arg9[%get3A_685, %get3A_686, %get3A_687] {strides = array<i32>} : memref<4x64x32xf32, #tpu.memory_space<vmem>>, vector<1x1x16xf32>,
        %get3A_689 = vector.shape_cast %get3A_688 : vector<1x1x16xf32> to vector<16xf32>
        %mul3A_690 = arith.mulf %get3A_683, %get3A_658 : vector<16xf32>
        %add3A_691 = arith.addf %scan3A_644, %mul3A_690 : vector<16xf32>
        %mul3A_692 = arith.mulf %get3A_689, %get3A_670 : vector<16xf32>
        %add3A_693 = arith.addf %add3A_691, %mul3A_692 : vector<16xf32>
        %mul3A_694 = arith.mulf %get3A_683, %get3A_663 : vector<16xf32>
        %add3A_695 = arith.addf %scan3A_645, %mul3A_694 : vector<16xf32>
        %mul3A_696 = arith.mulf %get3A_689, %get3A_677 : vector<16xf32>
        %add3A_697 = arith.addf %add3A_695, %mul3A_696 : vector<16xf32>
        %get3A_698 = arith.constant 1 : i32
        %get3A_699 = arith.index_cast %get3A_698 : i32 to index
        %get3A_700 = arith.index_cast %scan3A_643 : i32 to index
        %get3A_701 = arith.constant 0 : index
        %get3A_702 = tpu.vector_load %arg9[%get3A_699, %get3A_700, %get3A_701] {strides = array<i32>} : memref<4x64x32xf32, #tpu.memory_space<vmem>>, vector<1x1x16xf32>,
        %get3A_703 = vector.shape_cast %get3A_702 : vector<1x1x16xf32> to vector<16xf32>
        %get3A_704 = arith.constant 1 : i32
        %get3A_705 = arith.index_cast %get3A_704 : i32 to index
        %get3A_706 = arith.index_cast %scan3A_643 : i32 to index
        %get3A_707 = arith.constant 16 : index
        %get3A_708 = tpu.vector_load %arg9[%get3A_705, %get3A_706, %get3A_707] {strides = array<i32>} : memref<4x64x32xf32, #tpu.memory_space<vmem>>, vector<1x1x16xf32>,
        %get3A_709 = vector.shape_cast %get3A_708 : vector<1x1x16xf32> to vector<16xf32>
        %mul3A_710 = arith.mulf %get3A_703, %get3A_658 : vector<16xf32>
        %add3A_711 = arith.addf %scan3A_646, %mul3A_710 : vector<16xf32>
        %mul3A_712 = arith.mulf %get3A_709, %get3A_670 : vector<16xf32>
        %add3A_713 = arith.addf %add3A_711, %mul3A_712 : vector<16xf32>
        %mul3A_714 = arith.mulf %get3A_703, %get3A_663 : vector<16xf32>
        %add3A_715 = arith.addf %scan3A_647, %mul3A_714 : vector<16xf32>
        %mul3A_716 = arith.mulf %get3A_709, %get3A_677 : vector<16xf32>
        %add3A_717 = arith.addf %add3A_715, %mul3A_716 : vector<16xf32>
        %get3A_718 = arith.constant 2 : i32
        %get3A_719 = arith.index_cast %get3A_718 : i32 to index
        %get3A_720 = arith.index_cast %scan3A_643 : i32 to index
        %get3A_721 = arith.constant 0 : index
        %get3A_722 = tpu.vector_load %arg9[%get3A_719, %get3A_720, %get3A_721] {strides = array<i32>} : memref<4x64x32xf32, #tpu.memory_space<vmem>>, vector<1x1x16xf32>,
        %get3A_723 = vector.shape_cast %get3A_722 : vector<1x1x16xf32> to vector<16xf32>
        %get3A_724 = arith.constant 2 : i32
        %get3A_725 = arith.index_cast %get3A_724 : i32 to index
        %get3A_726 = arith.index_cast %scan3A_643 : i32 to index
        %get3A_727 = arith.constant 16 : index
        %get3A_728 = tpu.vector_load %arg9[%get3A_725, %get3A_726, %get3A_727] {strides = array<i32>} : memref<4x64x32xf32, #tpu.memory_space<vmem>>, vector<1x1x16xf32>,
        %get3A_729 = vector.shape_cast %get3A_728 : vector<1x1x16xf32> to vector<16xf32>
        %mul3A_730 = arith.mulf %get3A_723, %get3A_658 : vector<16xf32>
        %add3A_731 = arith.addf %scan3A_648, %mul3A_730 : vector<16xf32>
        %mul3A_732 = arith.mulf %get3A_729, %get3A_670 : vector<16xf32>
        %add3A_733 = arith.addf %add3A_731, %mul3A_732 : vector<16xf32>
        %mul3A_734 = arith.mulf %get3A_723, %get3A_663 : vector<16xf32>
        %add3A_735 = arith.addf %scan3A_649, %mul3A_734 : vector<16xf32>
        %mul3A_736 = arith.mulf %get3A_729, %get3A_677 : vector<16xf32>
        %add3A_737 = arith.addf %add3A_735, %mul3A_736 : vector<16xf32>
        %get3A_738 = arith.constant 3 : i32
        %get3A_739 = arith.index_cast %get3A_738 : i32 to index
        %get3A_740 = arith.index_cast %scan3A_643 : i32 to index
        %get3A_741 = arith.constant 0 : index
        %get3A_742 = tpu.vector_load %arg9[%get3A_739, %get3A_740, %get3A_741] {strides = array<i32>} : memref<4x64x32xf32, #tpu.memory_space<vmem>>, vector<1x1x16xf32>,
        %get3A_743 = vector.shape_cast %get3A_742 : vector<1x1x16xf32> to vector<16xf32>
        %get3A_744 = arith.constant 3 : i32
        %get3A_745 = arith.index_cast %get3A_744 : i32 to index
        %get3A_746 = arith.index_cast %scan3A_643 : i32 to index
        %get3A_747 = arith.constant 16 : index
        %get3A_748 = tpu.vector_load %arg9[%get3A_745, %get3A_746, %get3A_747] {strides = array<i32>} : memref<4x64x32xf32, #tpu.memory_space<vmem>>, vector<1x1x16xf32>,
        %get3A_749 = vector.shape_cast %get3A_748 : vector<1x1x16xf32> to vector<16xf32>
        %mul3A_750 = arith.mulf %get3A_743, %get3A_658 : vector<16xf32>
        %add3A_751 = arith.addf %scan3A_650, %mul3A_750 : vector<16xf32>
        %mul3A_752 = arith.mulf %get3A_749, %get3A_670 : vector<16xf32>
        %add3A_753 = arith.addf %add3A_751, %mul3A_752 : vector<16xf32>
        %mul3A_754 = arith.mulf %get3A_743, %get3A_663 : vector<16xf32>
        %add3A_755 = arith.addf %scan3A_651, %mul3A_754 : vector<16xf32>
        %mul3A_756 = arith.mulf %get3A_749, %get3A_677 : vector<16xf32>
        %add3A_757 = arith.addf %add3A_755, %mul3A_756 : vector<16xf32>
        %scan3A_758 = arith.constant 1 : i32
        %scan3A_759 = arith.addi %scan3A_643, %scan3A_758 : i32
        %mul3A_760 = arith.constant 32 : i32
        %mul3A_761 = arith.muli %scan3A_759, %mul3A_760 : i32
        %get3A_762 = arith.constant 0 : i32
        %get3A_763 = arith.index_cast %get3A_762 : i32 to index
        %get3A_764 = arith.index_cast %mul3A_761 : i32 to index
        %get3A_765 = tpu.vector_load %arg7[%get3A_763, %get3A_764] {strides = array<i32>} : memref<2x2048xf32, #tpu.memory_space<vmem>>, vector<1x16xf32>,
        %get3A_766 = vector.shape_cast %get3A_765 : vector<1x16xf32> to vector<16xf32>
        %get3A_767 = arith.constant 1 : i32
        %get3A_768 = arith.index_cast %get3A_767 : i32 to index
        %get3A_769 = arith.index_cast %mul3A_761 : i32 to index
        %get3A_770 = tpu.vector_load %arg7[%get3A_768, %get3A_769] {strides = array<i32>} : memref<2x2048xf32, #tpu.memory_space<vmem>>, vector<1x16xf32>,
        %get3A_771 = vector.shape_cast %get3A_770 : vector<1x16xf32> to vector<16xf32>
        %add3A_772 = arith.constant 16 : i32
        %add3A_773 = arith.addi %mul3A_761, %add3A_772 : i32
        %get3A_774 = arith.constant 0 : i32
        %get3A_775 = arith.index_cast %get3A_774 : i32 to index
        %get3A_776 = arith.index_cast %add3A_773 : i32 to index
        %get3A_777 = tpu.vector_load %arg7[%get3A_775, %get3A_776] {strides = array<i32>} : memref<2x2048xf32, #tpu.memory_space<vmem>>, vector<1x16xf32>,
        %get3A_778 = vector.shape_cast %get3A_777 : vector<1x16xf32> to vector<16xf32>
        %add3A_779 = arith.constant 16 : i32
        %add3A_780 = arith.addi %mul3A_761, %add3A_779 : i32
        %get3A_781 = arith.constant 1 : i32
        %get3A_782 = arith.index_cast %get3A_781 : i32 to index
        %get3A_783 = arith.index_cast %add3A_780 : i32 to index
        %get3A_784 = tpu.vector_load %arg7[%get3A_782, %get3A_783] {strides = array<i32>} : memref<2x2048xf32, #tpu.memory_space<vmem>>, vector<1x16xf32>,
        %get3A_785 = vector.shape_cast %get3A_784 : vector<1x16xf32> to vector<16xf32>
        %get3A_786 = arith.constant 0 : i32
        %get3A_787 = arith.index_cast %get3A_786 : i32 to index
        %get3A_788 = arith.index_cast %scan3A_759 : i32 to index
        %get3A_789 = arith.constant 0 : index
        %get3A_790 = tpu.vector_load %arg9[%get3A_787, %get3A_788, %get3A_789] {strides = array<i32>} : memref<4x64x32xf32, #tpu.memory_space<vmem>>, vector<1x1x16xf32>,
        %get3A_791 = vector.shape_cast %get3A_790 : vector<1x1x16xf32> to vector<16xf32>
        %get3A_792 = arith.constant 0 : i32
        %get3A_793 = arith.index_cast %get3A_792 : i32 to index
        %get3A_794 = arith.index_cast %scan3A_759 : i32 to index
        %get3A_795 = arith.constant 16 : index
        %get3A_796 = tpu.vector_load %arg9[%get3A_793, %get3A_794, %get3A_795] {strides = array<i32>} : memref<4x64x32xf32, #tpu.memory_space<vmem>>, vector<1x1x16xf32>,
        %get3A_797 = vector.shape_cast %get3A_796 : vector<1x1x16xf32> to vector<16xf32>
        %mul3A_798 = arith.mulf %get3A_791, %get3A_766 : vector<16xf32>
        %add3A_799 = arith.addf %add3A_693, %mul3A_798 : vector<16xf32>
        %mul3A_800 = arith.mulf %get3A_797, %get3A_778 : vector<16xf32>
        %add3A_801 = arith.addf %add3A_799, %mul3A_800 : vector<16xf32>
        %mul3A_802 = arith.mulf %get3A_791, %get3A_771 : vector<16xf32>
        %add3A_803 = arith.addf %add3A_697, %mul3A_802 : vector<16xf32>
        %mul3A_804 = arith.mulf %get3A_797, %get3A_785 : vector<16xf32>
        %add3A_805 = arith.addf %add3A_803, %mul3A_804 : vector<16xf32>
        %get3A_806 = arith.constant 1 : i32
        %get3A_807 = arith.index_cast %get3A_806 : i32 to index
        %get3A_808 = arith.index_cast %scan3A_759 : i32 to index
        %get3A_809 = arith.constant 0 : index
        %get3A_810 = tpu.vector_load %arg9[%get3A_807, %get3A_808, %get3A_809] {strides = array<i32>} : memref<4x64x32xf32, #tpu.memory_space<vmem>>, vector<1x1x16xf32>,
        %get3A_811 = vector.shape_cast %get3A_810 : vector<1x1x16xf32> to vector<16xf32>
        %get3A_812 = arith.constant 1 : i32
        %get3A_813 = arith.index_cast %get3A_812 : i32 to index
        %get3A_814 = arith.index_cast %scan3A_759 : i32 to index
        %get3A_815 = arith.constant 16 : index
        %get3A_816 = tpu.vector_load %arg9[%get3A_813, %get3A_814, %get3A_815] {strides = array<i32>} : memref<4x64x32xf32, #tpu.memory_space<vmem>>, vector<1x1x16xf32>,
        %get3A_817 = vector.shape_cast %get3A_816 : vector<1x1x16xf32> to vector<16xf32>
        %mul3A_818 = arith.mulf %get3A_811, %get3A_766 : vector<16xf32>
        %add3A_819 = arith.addf %add3A_713, %mul3A_818 : vector<16xf32>
        %mul3A_820 = arith.mulf %get3A_817, %get3A_778 : vector<16xf32>
        %add3A_821 = arith.addf %add3A_819, %mul3A_820 : vector<16xf32>
        %mul3A_822 = arith.mulf %get3A_811, %get3A_771 : vector<16xf32>
        %add3A_823 = arith.addf %add3A_717, %mul3A_822 : vector<16xf32>
        %mul3A_824 = arith.mulf %get3A_817, %get3A_785 : vector<16xf32>
        %add3A_825 = arith.addf %add3A_823, %mul3A_824 : vector<16xf32>
        %get3A_826 = arith.constant 2 : i32
        %get3A_827 = arith.index_cast %get3A_826 : i32 to index
        %get3A_828 = arith.index_cast %scan3A_759 : i32 to index
        %get3A_829 = arith.constant 0 : index
        %get3A_830 = tpu.vector_load %arg9[%get3A_827, %get3A_828, %get3A_829] {strides = array<i32>} : memref<4x64x32xf32, #tpu.memory_space<vmem>>, vector<1x1x16xf32>,
        %get3A_831 = vector.shape_cast %get3A_830 : vector<1x1x16xf32> to vector<16xf32>
        %get3A_832 = arith.constant 2 : i32
        %get3A_833 = arith.index_cast %get3A_832 : i32 to index
        %get3A_834 = arith.index_cast %scan3A_759 : i32 to index
        %get3A_835 = arith.constant 16 : index
        %get3A_836 = tpu.vector_load %arg9[%get3A_833, %get3A_834, %get3A_835] {strides = array<i32>} : memref<4x64x32xf32, #tpu.memory_space<vmem>>, vector<1x1x16xf32>,
        %get3A_837 = vector.shape_cast %get3A_836 : vector<1x1x16xf32> to vector<16xf32>
        %mul3A_838 = arith.mulf %get3A_831, %get3A_766 : vector<16xf32>
        %add3A_839 = arith.addf %add3A_733, %mul3A_838 : vector<16xf32>
        %mul3A_840 = arith.mulf %get3A_837, %get3A_778 : vector<16xf32>
        %add3A_841 = arith.addf %add3A_839, %mul3A_840 : vector<16xf32>
        %mul3A_842 = arith.mulf %get3A_831, %get3A_771 : vector<16xf32>
        %add3A_843 = arith.addf %add3A_737, %mul3A_842 : vector<16xf32>
        %mul3A_844 = arith.mulf %get3A_837, %get3A_785 : vector<16xf32>
        %add3A_845 = arith.addf %add3A_843, %mul3A_844 : vector<16xf32>
        %get3A_846 = arith.constant 3 : i32
        %get3A_847 = arith.index_cast %get3A_846 : i32 to index
        %get3A_848 = arith.index_cast %scan3A_759 : i32 to index
        %get3A_849 = arith.constant 0 : index
        %get3A_850 = tpu.vector_load %arg9[%get3A_847, %get3A_848, %get3A_849] {strides = array<i32>} : memref<4x64x32xf32, #tpu.memory_space<vmem>>, vector<1x1x16xf32>,
        %get3A_851 = vector.shape_cast %get3A_850 : vector<1x1x16xf32> to vector<16xf32>
        %get3A_852 = arith.constant 3 : i32
        %get3A_853 = arith.index_cast %get3A_852 : i32 to index
        %get3A_854 = arith.index_cast %scan3A_759 : i32 to index
        %get3A_855 = arith.constant 16 : index
        %get3A_856 = tpu.vector_load %arg9[%get3A_853, %get3A_854, %get3A_855] {strides = array<i32>} : memref<4x64x32xf32, #tpu.memory_space<vmem>>, vector<1x1x16xf32>,
        %get3A_857 = vector.shape_cast %get3A_856 : vector<1x1x16xf32> to vector<16xf32>
        %mul3A_858 = arith.mulf %get3A_851, %get3A_766 : vector<16xf32>
        %add3A_859 = arith.addf %add3A_753, %mul3A_858 : vector<16xf32>
        %mul3A_860 = arith.mulf %get3A_857, %get3A_778 : vector<16xf32>
        %add3A_861 = arith.addf %add3A_859, %mul3A_860 : vector<16xf32>
        %mul3A_862 = arith.mulf %get3A_851, %get3A_771 : vector<16xf32>
        %add3A_863 = arith.addf %add3A_757, %mul3A_862 : vector<16xf32>
        %mul3A_864 = arith.mulf %get3A_857, %get3A_785 : vector<16xf32>
        %add3A_865 = arith.addf %add3A_863, %mul3A_864 : vector<16xf32>
        scf.yield %add3A_801, %add3A_805, %add3A_821, %add3A_825, %add3A_841, %add3A_845, %add3A_861, %add3A_865 : vector<16xf32>, vector<16xf32>, vector<16xf32>, vector<16xf32>, vector<16xf32>, vector<16xf32>, vector<16xf32>, vector<16xf32>
      }
      %scan3A_86 = arith.constant 64 : i32
      %mul3A_87 = arith.constant 4 : i32
      %mul3A_88 = arith.muli %scan3A_54, %mul3A_87 : i32
      %add3A_89 = arith.constant 1 : i32
      %add3A_90 = arith.addi %mul3A_88, %add3A_89 : i32
      %dma_wait3A_91 = arith.constant 0 : i32
      %dma_wait3A_92 = arith.constant 0 : i32
      %dma_wait3A_93 = arith.constant 0 : i32
      %dma_wait3A_94 = tpu.memref_slice %arg2[%dma_wait3A_91, %dma_wait3A_92, %dma_wait3A_93] : memref<16384x64x32xf32, #tpu.memory_space<hbm>> -> memref<4x64x32xf32, #tpu.memory_space<hbm>>
      %dma_wait3A_95 = arith.constant 0 : i32
      %dma_wait3A_96 = arith.constant 0 : i32
      %dma_wait3A_97 = arith.constant 0 : i32
      %dma_wait3A_98 = tpu.memref_slice %arg2[%dma_wait3A_95, %dma_wait3A_96, %dma_wait3A_97] : memref<16384x64x32xf32, #tpu.memory_space<hbm>> -> memref<4x64x32xf32, #tpu.memory_space<hbm>>
      tpu.wait_dma2 semaphore(%arg14 : memref<!tpu.dma_semaphore, #tpu.memory_space<semaphore_mem>>) src(%dma_wait3A_98 : memref<4x64x32xf32, #tpu.memory_space<hbm>>) dst(%arg10 : memref<4x64x32xf32, #tpu.memory_space<vmem>>)
      %add3A_99 = arith.constant 1 : i32
      %add3A_100 = arith.addi %add3A_90, %add3A_99 : i32
      %rem3A_101 = arith.constant 16 : i32
      %rem3A_102 = arith.remsi %add3A_100, %rem3A_101 : i32
      %mul3A_103 = arith.constant 4 : i32
      %mul3A_104 = arith.muli %rem3A_102, %mul3A_103 : i32
      %add3A_105 = arith.addi %mul3A_2, %mul3A_104 : i32
      %dma_start3A_106 = arith.constant 0 : i32
      %dma_start3A_107 = arith.constant 0 : i32
      %dma_start3A_108 = tpu.memref_slice %arg2[%add3A_105, %dma_start3A_106, %dma_start3A_107] : memref<16384x64x32xf32, #tpu.memory_space<hbm>> -> memref<4x64x32xf32, #tpu.memory_space<hbm>>
      %dma_start3A_109 = arith.constant 0 : i32
      %dma_start3A_110 = arith.constant 0 : i32
      %dma_start3A_111 = tpu.memref_slice %arg2[%add3A_105, %dma_start3A_109, %dma_start3A_110] : memref<16384x64x32xf32, #tpu.memory_space<hbm>> -> memref<4x64x32xf32, #tpu.memory_space<hbm>>
      tpu.enqueue_dma source(%dma_start3A_111 : memref<4x64x32xf32, #tpu.memory_space<hbm>>) target(%arg9 : memref<4x64x32xf32, #tpu.memory_space<vmem>>) target_semaphore(%arg13 : memref<!tpu.dma_semaphore, #tpu.memory_space<semaphore_mem>>)
      %scan3A_112 = arith.constant 0 : i32
      %scan3A_113 = arith.constant 64 : i32
      %scan3A_114 = arith.addi %scan3A_112, %scan3A_113 : i32
      %scan3A_115 = arith.constant 2 : i32
      %scan3A_116:8 = scf.for %scan3A_643 = %scan3A_112 to %scan3A_114 step %scan3A_115 iter_args(%scan3A_644 = %broadcast_in_dim3A_7, %scan3A_645 = %broadcast_in_dim3A_7, %scan3A_646 = %broadcast_in_dim3A_7, %scan3A_647 = %broadcast_in_dim3A_7, %scan3A_648 = %broadcast_in_dim3A_7, %scan3A_649 = %broadcast_in_dim3A_7, %scan3A_650 = %broadcast_in_dim3A_7, %scan3A_651 = %broadcast_in_dim3A_7) -> (vector<16xf32>, vector<16xf32>, vector<16xf32>, vector<16xf32>, vector<16xf32>, vector<16xf32>, vector<16xf32>, vector<16xf32>)  : i32 {
        %mul3A_652 = arith.constant 32 : i32
        %mul3A_653 = arith.muli %scan3A_643, %mul3A_652 : i32
        %get3A_654 = arith.constant 0 : i32
        %get3A_655 = arith.index_cast %get3A_654 : i32 to index
        %get3A_656 = arith.index_cast %mul3A_653 : i32 to index
        %get3A_657 = tpu.vector_load %arg7[%get3A_655, %get3A_656] {strides = array<i32>} : memref<2x2048xf32, #tpu.memory_space<vmem>>, vector<1x16xf32>,
        %get3A_658 = vector.shape_cast %get3A_657 : vector<1x16xf32> to vector<16xf32>
        %get3A_659 = arith.constant 1 : i32
        %get3A_660 = arith.index_cast %get3A_659 : i32 to index
        %get3A_661 = arith.index_cast %mul3A_653 : i32 to index
        %get3A_662 = tpu.vector_load %arg7[%get3A_660, %get3A_661] {strides = array<i32>} : memref<2x2048xf32, #tpu.memory_space<vmem>>, vector<1x16xf32>,
        %get3A_663 = vector.shape_cast %get3A_662 : vector<1x16xf32> to vector<16xf32>
        %add3A_664 = arith.constant 16 : i32
        %add3A_665 = arith.addi %mul3A_653, %add3A_664 : i32
        %get3A_666 = arith.constant 0 : i32
        %get3A_667 = arith.index_cast %get3A_666 : i32 to index
        %get3A_668 = arith.index_cast %add3A_665 : i32 to index
        %get3A_669 = tpu.vector_load %arg7[%get3A_667, %get3A_668] {strides = array<i32>} : memref<2x2048xf32, #tpu.memory_space<vmem>>, vector<1x16xf32>,
        %get3A_670 = vector.shape_cast %get3A_669 : vector<1x16xf32> to vector<16xf32>
        %add3A_671 = arith.constant 16 : i32
        %add3A_672 = arith.addi %mul3A_653, %add3A_671 : i32
        %get3A_673 = arith.constant 1 : i32
        %get3A_674 = arith.index_cast %get3A_673 : i32 to index
        %get3A_675 = arith.index_cast %add3A_672 : i32 to index
        %get3A_676 = tpu.vector_load %arg7[%get3A_674, %get3A_675] {strides = array<i32>} : memref<2x2048xf32, #tpu.memory_space<vmem>>, vector<1x16xf32>,
        %get3A_677 = vector.shape_cast %get3A_676 : vector<1x16xf32> to vector<16xf32>
        %get3A_678 = arith.constant 0 : i32
        %get3A_679 = arith.index_cast %get3A_678 : i32 to index
        %get3A_680 = arith.index_cast %scan3A_643 : i32 to index
        %get3A_681 = arith.constant 0 : index
        %get3A_682 = tpu.vector_load %arg10[%get3A_679, %get3A_680, %get3A_681] {strides = array<i32>} : memref<4x64x32xf32, #tpu.memory_space<vmem>>, vector<1x1x16xf32>,
        %get3A_683 = vector.shape_cast %get3A_682 : vector<1x1x16xf32> to vector<16xf32>
        %get3A_684 = arith.constant 0 : i32
        %get3A_685 = arith.index_cast %get3A_684 : i32 to index
        %get3A_686 = arith.index_cast %scan3A_643 : i32 to index
        %get3A_687 = arith.constant 16 : index
        %get3A_688 = tpu.vector_load %arg10[%get3A_685, %get3A_686, %get3A_687] {strides = array<i32>} : memref<4x64x32xf32, #tpu.memory_space<vmem>>, vector<1x1x16xf32>,
        %get3A_689 = vector.shape_cast %get3A_688 : vector<1x1x16xf32> to vector<16xf32>
        %mul3A_690 = arith.mulf %get3A_683, %get3A_658 : vector<16xf32>
        %add3A_691 = arith.addf %scan3A_644, %mul3A_690 : vector<16xf32>
        %mul3A_692 = arith.mulf %get3A_689, %get3A_670 : vector<16xf32>
        %add3A_693 = arith.addf %add3A_691, %mul3A_692 : vector<16xf32>
        %mul3A_694 = arith.mulf %get3A_683, %get3A_663 : vector<16xf32>
        %add3A_695 = arith.addf %scan3A_645, %mul3A_694 : vector<16xf32>
        %mul3A_696 = arith.mulf %get3A_689, %get3A_677 : vector<16xf32>
        %add3A_697 = arith.addf %add3A_695, %mul3A_696 : vector<16xf32>
        %get3A_698 = arith.constant 1 : i32
        %get3A_699 = arith.index_cast %get3A_698 : i32 to index
        %get3A_700 = arith.index_cast %scan3A_643 : i32 to index
        %get3A_701 = arith.constant 0 : index
        %get3A_702 = tpu.vector_load %arg10[%get3A_699, %get3A_700, %get3A_701] {strides = array<i32>} : memref<4x64x32xf32, #tpu.memory_space<vmem>>, vector<1x1x16xf32>,
        %get3A_703 = vector.shape_cast %get3A_702 : vector<1x1x16xf32> to vector<16xf32>
        %get3A_704 = arith.constant 1 : i32
        %get3A_705 = arith.index_cast %get3A_704 : i32 to index
        %get3A_706 = arith.index_cast %scan3A_643 : i32 to index
        %get3A_707 = arith.constant 16 : index
        %get3A_708 = tpu.vector_load %arg10[%get3A_705, %get3A_706, %get3A_707] {strides = array<i32>} : memref<4x64x32xf32, #tpu.memory_space<vmem>>, vector<1x1x16xf32>,
        %get3A_709 = vector.shape_cast %get3A_708 : vector<1x1x16xf32> to vector<16xf32>
        %mul3A_710 = arith.mulf %get3A_703, %get3A_658 : vector<16xf32>
        %add3A_711 = arith.addf %scan3A_646, %mul3A_710 : vector<16xf32>
        %mul3A_712 = arith.mulf %get3A_709, %get3A_670 : vector<16xf32>
        %add3A_713 = arith.addf %add3A_711, %mul3A_712 : vector<16xf32>
        %mul3A_714 = arith.mulf %get3A_703, %get3A_663 : vector<16xf32>
        %add3A_715 = arith.addf %scan3A_647, %mul3A_714 : vector<16xf32>
        %mul3A_716 = arith.mulf %get3A_709, %get3A_677 : vector<16xf32>
        %add3A_717 = arith.addf %add3A_715, %mul3A_716 : vector<16xf32>
        %get3A_718 = arith.constant 2 : i32
        %get3A_719 = arith.index_cast %get3A_718 : i32 to index
        %get3A_720 = arith.index_cast %scan3A_643 : i32 to index
        %get3A_721 = arith.constant 0 : index
        %get3A_722 = tpu.vector_load %arg10[%get3A_719, %get3A_720, %get3A_721] {strides = array<i32>} : memref<4x64x32xf32, #tpu.memory_space<vmem>>, vector<1x1x16xf32>,
        %get3A_723 = vector.shape_cast %get3A_722 : vector<1x1x16xf32> to vector<16xf32>
        %get3A_724 = arith.constant 2 : i32
        %get3A_725 = arith.index_cast %get3A_724 : i32 to index
        %get3A_726 = arith.index_cast %scan3A_643 : i32 to index
        %get3A_727 = arith.constant 16 : index
        %get3A_728 = tpu.vector_load %arg10[%get3A_725, %get3A_726, %get3A_727] {strides = array<i32>} : memref<4x64x32xf32, #tpu.memory_space<vmem>>, vector<1x1x16xf32>,
        %get3A_729 = vector.shape_cast %get3A_728 : vector<1x1x16xf32> to vector<16xf32>
        %mul3A_730 = arith.mulf %get3A_723, %get3A_658 : vector<16xf32>
        %add3A_731 = arith.addf %scan3A_648, %mul3A_730 : vector<16xf32>
        %mul3A_732 = arith.mulf %get3A_729, %get3A_670 : vector<16xf32>
        %add3A_733 = arith.addf %add3A_731, %mul3A_732 : vector<16xf32>
        %mul3A_734 = arith.mulf %get3A_723, %get3A_663 : vector<16xf32>
        %add3A_735 = arith.addf %scan3A_649, %mul3A_734 : vector<16xf32>
        %mul3A_736 = arith.mulf %get3A_729, %get3A_677 : vector<16xf32>
        %add3A_737 = arith.addf %add3A_735, %mul3A_736 : vector<16xf32>
        %get3A_738 = arith.constant 3 : i32
        %get3A_739 = arith.index_cast %get3A_738 : i32 to index
        %get3A_740 = arith.index_cast %scan3A_643 : i32 to index
        %get3A_741 = arith.constant 0 : index
        %get3A_742 = tpu.vector_load %arg10[%get3A_739, %get3A_740, %get3A_741] {strides = array<i32>} : memref<4x64x32xf32, #tpu.memory_space<vmem>>, vector<1x1x16xf32>,
        %get3A_743 = vector.shape_cast %get3A_742 : vector<1x1x16xf32> to vector<16xf32>
        %get3A_744 = arith.constant 3 : i32
        %get3A_745 = arith.index_cast %get3A_744 : i32 to index
        %get3A_746 = arith.index_cast %scan3A_643 : i32 to index
        %get3A_747 = arith.constant 16 : index
        %get3A_748 = tpu.vector_load %arg10[%get3A_745, %get3A_746, %get3A_747] {strides = array<i32>} : memref<4x64x32xf32, #tpu.memory_space<vmem>>, vector<1x1x16xf32>,
        %get3A_749 = vector.shape_cast %get3A_748 : vector<1x1x16xf32> to vector<16xf32>
        %mul3A_750 = arith.mulf %get3A_743, %get3A_658 : vector<16xf32>
        %add3A_751 = arith.addf %scan3A_650, %mul3A_750 : vector<16xf32>
        %mul3A_752 = arith.mulf %get3A_749, %get3A_670 : vector<16xf32>
        %add3A_753 = arith.addf %add3A_751, %mul3A_752 : vector<16xf32>
        %mul3A_754 = arith.mulf %get3A_743, %get3A_663 : vector<16xf32>
        %add3A_755 = arith.addf %scan3A_651, %mul3A_754 : vector<16xf32>
        %mul3A_756 = arith.mulf %get3A_749, %get3A_677 : vector<16xf32>
        %add3A_757 = arith.addf %add3A_755, %mul3A_756 : vector<16xf32>
        %scan3A_758 = arith.constant 1 : i32
        %scan3A_759 = arith.addi %scan3A_643, %scan3A_758 : i32
        %mul3A_760 = arith.constant 32 : i32
        %mul3A_761 = arith.muli %scan3A_759, %mul3A_760 : i32
        %get3A_762 = arith.constant 0 : i32
        %get3A_763 = arith.index_cast %get3A_762 : i32 to index
        %get3A_764 = arith.index_cast %mul3A_761 : i32 to index
        %get3A_765 = tpu.vector_load %arg7[%get3A_763, %get3A_764] {strides = array<i32>} : memref<2x2048xf32, #tpu.memory_space<vmem>>, vector<1x16xf32>,
        %get3A_766 = vector.shape_cast %get3A_765 : vector<1x16xf32> to vector<16xf32>
        %get3A_767 = arith.constant 1 : i32
        %get3A_768 = arith.index_cast %get3A_767 : i32 to index
        %get3A_769 = arith.index_cast %mul3A_761 : i32 to index
        %get3A_770 = tpu.vector_load %arg7[%get3A_768, %get3A_769] {strides = array<i32>} : memref<2x2048xf32, #tpu.memory_space<vmem>>, vector<1x16xf32>,
        %get3A_771 = vector.shape_cast %get3A_770 : vector<1x16xf32> to vector<16xf32>
        %add3A_772 = arith.constant 16 : i32
        %add3A_773 = arith.addi %mul3A_761, %add3A_772 : i32
        %get3A_774 = arith.constant 0 : i32
        %get3A_775 = arith.index_cast %get3A_774 : i32 to index
        %get3A_776 = arith.index_cast %add3A_773 : i32 to index
        %get3A_777 = tpu.vector_load %arg7[%get3A_775, %get3A_776] {strides = array<i32>} : memref<2x2048xf32, #tpu.memory_space<vmem>>, vector<1x16xf32>,
        %get3A_778 = vector.shape_cast %get3A_777 : vector<1x16xf32> to vector<16xf32>
        %add3A_779 = arith.constant 16 : i32
        %add3A_780 = arith.addi %mul3A_761, %add3A_779 : i32
        %get3A_781 = arith.constant 1 : i32
        %get3A_782 = arith.index_cast %get3A_781 : i32 to index
        %get3A_783 = arith.index_cast %add3A_780 : i32 to index
        %get3A_784 = tpu.vector_load %arg7[%get3A_782, %get3A_783] {strides = array<i32>} : memref<2x2048xf32, #tpu.memory_space<vmem>>, vector<1x16xf32>,
        %get3A_785 = vector.shape_cast %get3A_784 : vector<1x16xf32> to vector<16xf32>
        %get3A_786 = arith.constant 0 : i32
        %get3A_787 = arith.index_cast %get3A_786 : i32 to index
        %get3A_788 = arith.index_cast %scan3A_759 : i32 to index
        %get3A_789 = arith.constant 0 : index
        %get3A_790 = tpu.vector_load %arg10[%get3A_787, %get3A_788, %get3A_789] {strides = array<i32>} : memref<4x64x32xf32, #tpu.memory_space<vmem>>, vector<1x1x16xf32>,
        %get3A_791 = vector.shape_cast %get3A_790 : vector<1x1x16xf32> to vector<16xf32>
        %get3A_792 = arith.constant 0 : i32
        %get3A_793 = arith.index_cast %get3A_792 : i32 to index
        %get3A_794 = arith.index_cast %scan3A_759 : i32 to index
        %get3A_795 = arith.constant 16 : index
        %get3A_796 = tpu.vector_load %arg10[%get3A_793, %get3A_794, %get3A_795] {strides = array<i32>} : memref<4x64x32xf32, #tpu.memory_space<vmem>>, vector<1x1x16xf32>,
        %get3A_797 = vector.shape_cast %get3A_796 : vector<1x1x16xf32> to vector<16xf32>
        %mul3A_798 = arith.mulf %get3A_791, %get3A_766 : vector<16xf32>
        %add3A_799 = arith.addf %add3A_693, %mul3A_798 : vector<16xf32>
        %mul3A_800 = arith.mulf %get3A_797, %get3A_778 : vector<16xf32>
        %add3A_801 = arith.addf %add3A_799, %mul3A_800 : vector<16xf32>
        %mul3A_802 = arith.mulf %get3A_791, %get3A_771 : vector<16xf32>
        %add3A_803 = arith.addf %add3A_697, %mul3A_802 : vector<16xf32>
        %mul3A_804 = arith.mulf %get3A_797, %get3A_785 : vector<16xf32>
        %add3A_805 = arith.addf %add3A_803, %mul3A_804 : vector<16xf32>
        %get3A_806 = arith.constant 1 : i32
        %get3A_807 = arith.index_cast %get3A_806 : i32 to index
        %get3A_808 = arith.index_cast %scan3A_759 : i32 to index
        %get3A_809 = arith.constant 0 : index
        %get3A_810 = tpu.vector_load %arg10[%get3A_807, %get3A_808, %get3A_809] {strides = array<i32>} : memref<4x64x32xf32, #tpu.memory_space<vmem>>, vector<1x1x16xf32>,
        %get3A_811 = vector.shape_cast %get3A_810 : vector<1x1x16xf32> to vector<16xf32>
        %get3A_812 = arith.constant 1 : i32
        %get3A_813 = arith.index_cast %get3A_812 : i32 to index
        %get3A_814 = arith.index_cast %scan3A_759 : i32 to index
        %get3A_815 = arith.constant 16 : index
        %get3A_816 = tpu.vector_load %arg10[%get3A_813, %get3A_814, %get3A_815] {strides = array<i32>} : memref<4x64x32xf32, #tpu.memory_space<vmem>>, vector<1x1x16xf32>,
        %get3A_817 = vector.shape_cast %get3A_816 : vector<1x1x16xf32> to vector<16xf32>
        %mul3A_818 = arith.mulf %get3A_811, %get3A_766 : vector<16xf32>
        %add3A_819 = arith.addf %add3A_713, %mul3A_818 : vector<16xf32>
        %mul3A_820 = arith.mulf %get3A_817, %get3A_778 : vector<16xf32>
        %add3A_821 = arith.addf %add3A_819, %mul3A_820 : vector<16xf32>
        %mul3A_822 = arith.mulf %get3A_811, %get3A_771 : vector<16xf32>
        %add3A_823 = arith.addf %add3A_717, %mul3A_822 : vector<16xf32>
        %mul3A_824 = arith.mulf %get3A_817, %get3A_785 : vector<16xf32>
        %add3A_825 = arith.addf %add3A_823, %mul3A_824 : vector<16xf32>
        %get3A_826 = arith.constant 2 : i32
        %get3A_827 = arith.index_cast %get3A_826 : i32 to index
        %get3A_828 = arith.index_cast %scan3A_759 : i32 to index
        %get3A_829 = arith.constant 0 : index
        %get3A_830 = tpu.vector_load %arg10[%get3A_827, %get3A_828, %get3A_829] {strides = array<i32>} : memref<4x64x32xf32, #tpu.memory_space<vmem>>, vector<1x1x16xf32>,
        %get3A_831 = vector.shape_cast %get3A_830 : vector<1x1x16xf32> to vector<16xf32>
        %get3A_832 = arith.constant 2 : i32
        %get3A_833 = arith.index_cast %get3A_832 : i32 to index
        %get3A_834 = arith.index_cast %scan3A_759 : i32 to index
        %get3A_835 = arith.constant 16 : index
        %get3A_836 = tpu.vector_load %arg10[%get3A_833, %get3A_834, %get3A_835] {strides = array<i32>} : memref<4x64x32xf32, #tpu.memory_space<vmem>>, vector<1x1x16xf32>,
        %get3A_837 = vector.shape_cast %get3A_836 : vector<1x1x16xf32> to vector<16xf32>
        %mul3A_838 = arith.mulf %get3A_831, %get3A_766 : vector<16xf32>
        %add3A_839 = arith.addf %add3A_733, %mul3A_838 : vector<16xf32>
        %mul3A_840 = arith.mulf %get3A_837, %get3A_778 : vector<16xf32>
        %add3A_841 = arith.addf %add3A_839, %mul3A_840 : vector<16xf32>
        %mul3A_842 = arith.mulf %get3A_831, %get3A_771 : vector<16xf32>
        %add3A_843 = arith.addf %add3A_737, %mul3A_842 : vector<16xf32>
        %mul3A_844 = arith.mulf %get3A_837, %get3A_785 : vector<16xf32>
        %add3A_845 = arith.addf %add3A_843, %mul3A_844 : vector<16xf32>
        %get3A_846 = arith.constant 3 : i32
        %get3A_847 = arith.index_cast %get3A_846 : i32 to index
        %get3A_848 = arith.index_cast %scan3A_759 : i32 to index
        %get3A_849 = arith.constant 0 : index
        %get3A_850 = tpu.vector_load %arg10[%get3A_847, %get3A_848, %get3A_849] {strides = array<i32>} : memref<4x64x32xf32, #tpu.memory_space<vmem>>, vector<1x1x16xf32>,
        %get3A_851 = vector.shape_cast %get3A_850 : vector<1x1x16xf32> to vector<16xf32>
        %get3A_852 = arith.constant 3 : i32
        %get3A_853 = arith.index_cast %get3A_852 : i32 to index
        %get3A_854 = arith.index_cast %scan3A_759 : i32 to index
        %get3A_855 = arith.constant 16 : index
        %get3A_856 = tpu.vector_load %arg10[%get3A_853, %get3A_854, %get3A_855] {strides = array<i32>} : memref<4x64x32xf32, #tpu.memory_space<vmem>>, vector<1x1x16xf32>,
        %get3A_857 = vector.shape_cast %get3A_856 : vector<1x1x16xf32> to vector<16xf32>
        %mul3A_858 = arith.mulf %get3A_851, %get3A_766 : vector<16xf32>
        %add3A_859 = arith.addf %add3A_753, %mul3A_858 : vector<16xf32>
        %mul3A_860 = arith.mulf %get3A_857, %get3A_778 : vector<16xf32>
        %add3A_861 = arith.addf %add3A_859, %mul3A_860 : vector<16xf32>
        %mul3A_862 = arith.mulf %get3A_851, %get3A_771 : vector<16xf32>
        %add3A_863 = arith.addf %add3A_757, %mul3A_862 : vector<16xf32>
        %mul3A_864 = arith.mulf %get3A_857, %get3A_785 : vector<16xf32>
        %add3A_865 = arith.addf %add3A_863, %mul3A_864 : vector<16xf32>
        scf.yield %add3A_801, %add3A_805, %add3A_821, %add3A_825, %add3A_841, %add3A_845, %add3A_861, %add3A_865 : vector<16xf32>, vector<16xf32>, vector<16xf32>, vector<16xf32>, vector<16xf32>, vector<16xf32>, vector<16xf32>, vector<16xf32>
      }
      %scan3A_117 = arith.constant 64 : i32
      %mul3A_118 = arith.constant 4 : i32
      %mul3A_119 = arith.muli %scan3A_54, %mul3A_118 : i32
      %add3A_120 = arith.constant 2 : i32
      %add3A_121 = arith.addi %mul3A_119, %add3A_120 : i32
      %dma_wait3A_122 = arith.constant 0 : i32
      %dma_wait3A_123 = arith.constant 0 : i32
      %dma_wait3A_124 = arith.constant 0 : i32
      %dma_wait3A_125 = tpu.memref_slice %arg2[%dma_wait3A_122, %dma_wait3A_123, %dma_wait3A_124] : memref<16384x64x32xf32, #tpu.memory_space<hbm>> -> memref<4x64x32xf32, #tpu.memory_space<hbm>>
      %dma_wait3A_126 = arith.constant 0 : i32
      %dma_wait3A_127 = arith.constant 0 : i32
      %dma_wait3A_128 = arith.constant 0 : i32
      %dma_wait3A_129 = tpu.memref_slice %arg2[%dma_wait3A_126, %dma_wait3A_127, %dma_wait3A_128] : memref<16384x64x32xf32, #tpu.memory_space<hbm>> -> memref<4x64x32xf32, #tpu.memory_space<hbm>>
      tpu.wait_dma2 semaphore(%arg13 : memref<!tpu.dma_semaphore, #tpu.memory_space<semaphore_mem>>) src(%dma_wait3A_129 : memref<4x64x32xf32, #tpu.memory_space<hbm>>) dst(%arg9 : memref<4x64x32xf32, #tpu.memory_space<vmem>>)
      %add3A_130 = arith.constant 1 : i32
      %add3A_131 = arith.addi %add3A_121, %add3A_130 : i32
      %rem3A_132 = arith.constant 16 : i32
      %rem3A_133 = arith.remsi %add3A_131, %rem3A_132 : i32
      %mul3A_134 = arith.constant 4 : i32
      %mul3A_135 = arith.muli %rem3A_133, %mul3A_134 : i32
      %add3A_136 = arith.addi %mul3A_2, %mul3A_135 : i32
      %dma_start3A_137 = arith.constant 0 : i32
      %dma_start3A_138 = arith.constant 0 : i32
      %dma_start3A_139 = tpu.memref_slice %arg2[%add3A_136, %dma_start3A_137, %dma_start3A_138] : memref<16384x64x32xf32, #tpu.memory_space<hbm>> -> memref<4x64x32xf32, #tpu.memory_space<hbm>>
      %dma_start3A_140 = arith.constant 0 : i32
      %dma_start3A_141 = arith.constant 0 : i32
      %dma_start3A_142 = tpu.memref_slice %arg2[%add3A_136, %dma_start3A_140, %dma_start3A_141] : memref<16384x64x32xf32, #tpu.memory_space<hbm>> -> memref<4x64x32xf32, #tpu.memory_space<hbm>>
      tpu.enqueue_dma source(%dma_start3A_142 : memref<4x64x32xf32, #tpu.memory_space<hbm>>) target(%arg10 : memref<4x64x32xf32, #tpu.memory_space<vmem>>) target_semaphore(%arg14 : memref<!tpu.dma_semaphore, #tpu.memory_space<semaphore_mem>>)
      %scan3A_143 = arith.constant 0 : i32
      %scan3A_144 = arith.constant 64 : i32
      %scan3A_145 = arith.addi %scan3A_143, %scan3A_144 : i32
      %scan3A_146 = arith.constant 2 : i32
      %scan3A_147:8 = scf.for %scan3A_643 = %scan3A_143 to %scan3A_145 step %scan3A_146 iter_args(%scan3A_644 = %broadcast_in_dim3A_7, %scan3A_645 = %broadcast_in_dim3A_7, %scan3A_646 = %broadcast_in_dim3A_7, %scan3A_647 = %broadcast_in_dim3A_7, %scan3A_648 = %broadcast_in_dim3A_7, %scan3A_649 = %broadcast_in_dim3A_7, %scan3A_650 = %broadcast_in_dim3A_7, %scan3A_651 = %broadcast_in_dim3A_7) -> (vector<16xf32>, vector<16xf32>, vector<16xf32>, vector<16xf32>, vector<16xf32>, vector<16xf32>, vector<16xf32>, vector<16xf32>)  : i32 {
        %mul3A_652 = arith.constant 32 : i32
        %mul3A_653 = arith.muli %scan3A_643, %mul3A_652 : i32
        %get3A_654 = arith.constant 0 : i32
        %get3A_655 = arith.index_cast %get3A_654 : i32 to index
        %get3A_656 = arith.index_cast %mul3A_653 : i32 to index
        %get3A_657 = tpu.vector_load %arg7[%get3A_655, %get3A_656] {strides = array<i32>} : memref<2x2048xf32, #tpu.memory_space<vmem>>, vector<1x16xf32>,
        %get3A_658 = vector.shape_cast %get3A_657 : vector<1x16xf32> to vector<16xf32>
        %get3A_659 = arith.constant 1 : i32
        %get3A_660 = arith.index_cast %get3A_659 : i32 to index
        %get3A_661 = arith.index_cast %mul3A_653 : i32 to index
        %get3A_662 = tpu.vector_load %arg7[%get3A_660, %get3A_661] {strides = array<i32>} : memref<2x2048xf32, #tpu.memory_space<vmem>>, vector<1x16xf32>,
        %get3A_663 = vector.shape_cast %get3A_662 : vector<1x16xf32> to vector<16xf32>
        %add3A_664 = arith.constant 16 : i32
        %add3A_665 = arith.addi %mul3A_653, %add3A_664 : i32
        %get3A_666 = arith.constant 0 : i32
        %get3A_667 = arith.index_cast %get3A_666 : i32 to index
        %get3A_668 = arith.index_cast %add3A_665 : i32 to index
        %get3A_669 = tpu.vector_load %arg7[%get3A_667, %get3A_668] {strides = array<i32>} : memref<2x2048xf32, #tpu.memory_space<vmem>>, vector<1x16xf32>,
        %get3A_670 = vector.shape_cast %get3A_669 : vector<1x16xf32> to vector<16xf32>
        %add3A_671 = arith.constant 16 : i32
        %add3A_672 = arith.addi %mul3A_653, %add3A_671 : i32
        %get3A_673 = arith.constant 1 : i32
        %get3A_674 = arith.index_cast %get3A_673 : i32 to index
        %get3A_675 = arith.index_cast %add3A_672 : i32 to index
        %get3A_676 = tpu.vector_load %arg7[%get3A_674, %get3A_675] {strides = array<i32>} : memref<2x2048xf32, #tpu.memory_space<vmem>>, vector<1x16xf32>,
        %get3A_677 = vector.shape_cast %get3A_676 : vector<1x16xf32> to vector<16xf32>
        %get3A_678 = arith.constant 0 : i32
        %get3A_679 = arith.index_cast %get3A_678 : i32 to index
        %get3A_680 = arith.index_cast %scan3A_643 : i32 to index
        %get3A_681 = arith.constant 0 : index
        %get3A_682 = tpu.vector_load %arg9[%get3A_679, %get3A_680, %get3A_681] {strides = array<i32>} : memref<4x64x32xf32, #tpu.memory_space<vmem>>, vector<1x1x16xf32>,
        %get3A_683 = vector.shape_cast %get3A_682 : vector<1x1x16xf32> to vector<16xf32>
        %get3A_684 = arith.constant 0 : i32
        %get3A_685 = arith.index_cast %get3A_684 : i32 to index
        %get3A_686 = arith.index_cast %scan3A_643 : i32 to index
        %get3A_687 = arith.constant 16 : index
        %get3A_688 = tpu.vector_load %arg9[%get3A_685, %get3A_686, %get3A_687] {strides = array<i32>} : memref<4x64x32xf32, #tpu.memory_space<vmem>>, vector<1x1x16xf32>,
        %get3A_689 = vector.shape_cast %get3A_688 : vector<1x1x16xf32> to vector<16xf32>
        %mul3A_690 = arith.mulf %get3A_683, %get3A_658 : vector<16xf32>
        %add3A_691 = arith.addf %scan3A_644, %mul3A_690 : vector<16xf32>
        %mul3A_692 = arith.mulf %get3A_689, %get3A_670 : vector<16xf32>
        %add3A_693 = arith.addf %add3A_691, %mul3A_692 : vector<16xf32>
        %mul3A_694 = arith.mulf %get3A_683, %get3A_663 : vector<16xf32>
        %add3A_695 = arith.addf %scan3A_645, %mul3A_694 : vector<16xf32>
        %mul3A_696 = arith.mulf %get3A_689, %get3A_677 : vector<16xf32>
        %add3A_697 = arith.addf %add3A_695, %mul3A_696 : vector<16xf32>
        %get3A_698 = arith.constant 1 : i32
        %get3A_699 = arith.index_cast %get3A_698 : i32 to index
        %get3A_700 = arith.index_cast %scan3A_643 : i32 to index
        %get3A_701 = arith.constant 0 : index
        %get3A_702 = tpu.vector_load %arg9[%get3A_699, %get3A_700, %get3A_701] {strides = array<i32>} : memref<4x64x32xf32, #tpu.memory_space<vmem>>, vector<1x1x16xf32>,
        %get3A_703 = vector.shape_cast %get3A_702 : vector<1x1x16xf32> to vector<16xf32>
        %get3A_704 = arith.constant 1 : i32
        %get3A_705 = arith.index_cast %get3A_704 : i32 to index
        %get3A_706 = arith.index_cast %scan3A_643 : i32 to index
        %get3A_707 = arith.constant 16 : index
        %get3A_708 = tpu.vector_load %arg9[%get3A_705, %get3A_706, %get3A_707] {strides = array<i32>} : memref<4x64x32xf32, #tpu.memory_space<vmem>>, vector<1x1x16xf32>,
        %get3A_709 = vector.shape_cast %get3A_708 : vector<1x1x16xf32> to vector<16xf32>
        %mul3A_710 = arith.mulf %get3A_703, %get3A_658 : vector<16xf32>
        %add3A_711 = arith.addf %scan3A_646, %mul3A_710 : vector<16xf32>
        %mul3A_712 = arith.mulf %get3A_709, %get3A_670 : vector<16xf32>
        %add3A_713 = arith.addf %add3A_711, %mul3A_712 : vector<16xf32>
        %mul3A_714 = arith.mulf %get3A_703, %get3A_663 : vector<16xf32>
        %add3A_715 = arith.addf %scan3A_647, %mul3A_714 : vector<16xf32>
        %mul3A_716 = arith.mulf %get3A_709, %get3A_677 : vector<16xf32>
        %add3A_717 = arith.addf %add3A_715, %mul3A_716 : vector<16xf32>
        %get3A_718 = arith.constant 2 : i32
        %get3A_719 = arith.index_cast %get3A_718 : i32 to index
        %get3A_720 = arith.index_cast %scan3A_643 : i32 to index
        %get3A_721 = arith.constant 0 : index
        %get3A_722 = tpu.vector_load %arg9[%get3A_719, %get3A_720, %get3A_721] {strides = array<i32>} : memref<4x64x32xf32, #tpu.memory_space<vmem>>, vector<1x1x16xf32>,
        %get3A_723 = vector.shape_cast %get3A_722 : vector<1x1x16xf32> to vector<16xf32>
        %get3A_724 = arith.constant 2 : i32
        %get3A_725 = arith.index_cast %get3A_724 : i32 to index
        %get3A_726 = arith.index_cast %scan3A_643 : i32 to index
        %get3A_727 = arith.constant 16 : index
        %get3A_728 = tpu.vector_load %arg9[%get3A_725, %get3A_726, %get3A_727] {strides = array<i32>} : memref<4x64x32xf32, #tpu.memory_space<vmem>>, vector<1x1x16xf32>,
        %get3A_729 = vector.shape_cast %get3A_728 : vector<1x1x16xf32> to vector<16xf32>
        %mul3A_730 = arith.mulf %get3A_723, %get3A_658 : vector<16xf32>
        %add3A_731 = arith.addf %scan3A_648, %mul3A_730 : vector<16xf32>
        %mul3A_732 = arith.mulf %get3A_729, %get3A_670 : vector<16xf32>
        %add3A_733 = arith.addf %add3A_731, %mul3A_732 : vector<16xf32>
        %mul3A_734 = arith.mulf %get3A_723, %get3A_663 : vector<16xf32>
        %add3A_735 = arith.addf %scan3A_649, %mul3A_734 : vector<16xf32>
        %mul3A_736 = arith.mulf %get3A_729, %get3A_677 : vector<16xf32>
        %add3A_737 = arith.addf %add3A_735, %mul3A_736 : vector<16xf32>
        %get3A_738 = arith.constant 3 : i32
        %get3A_739 = arith.index_cast %get3A_738 : i32 to index
        %get3A_740 = arith.index_cast %scan3A_643 : i32 to index
        %get3A_741 = arith.constant 0 : index
        %get3A_742 = tpu.vector_load %arg9[%get3A_739, %get3A_740, %get3A_741] {strides = array<i32>} : memref<4x64x32xf32, #tpu.memory_space<vmem>>, vector<1x1x16xf32>,
        %get3A_743 = vector.shape_cast %get3A_742 : vector<1x1x16xf32> to vector<16xf32>
        %get3A_744 = arith.constant 3 : i32
        %get3A_745 = arith.index_cast %get3A_744 : i32 to index
        %get3A_746 = arith.index_cast %scan3A_643 : i32 to index
        %get3A_747 = arith.constant 16 : index
        %get3A_748 = tpu.vector_load %arg9[%get3A_745, %get3A_746, %get3A_747] {strides = array<i32>} : memref<4x64x32xf32, #tpu.memory_space<vmem>>, vector<1x1x16xf32>,
        %get3A_749 = vector.shape_cast %get3A_748 : vector<1x1x16xf32> to vector<16xf32>
        %mul3A_750 = arith.mulf %get3A_743, %get3A_658 : vector<16xf32>
        %add3A_751 = arith.addf %scan3A_650, %mul3A_750 : vector<16xf32>
        %mul3A_752 = arith.mulf %get3A_749, %get3A_670 : vector<16xf32>
        %add3A_753 = arith.addf %add3A_751, %mul3A_752 : vector<16xf32>
        %mul3A_754 = arith.mulf %get3A_743, %get3A_663 : vector<16xf32>
        %add3A_755 = arith.addf %scan3A_651, %mul3A_754 : vector<16xf32>
        %mul3A_756 = arith.mulf %get3A_749, %get3A_677 : vector<16xf32>
        %add3A_757 = arith.addf %add3A_755, %mul3A_756 : vector<16xf32>
        %scan3A_758 = arith.constant 1 : i32
        %scan3A_759 = arith.addi %scan3A_643, %scan3A_758 : i32
        %mul3A_760 = arith.constant 32 : i32
        %mul3A_761 = arith.muli %scan3A_759, %mul3A_760 : i32
        %get3A_762 = arith.constant 0 : i32
        %get3A_763 = arith.index_cast %get3A_762 : i32 to index
        %get3A_764 = arith.index_cast %mul3A_761 : i32 to index
        %get3A_765 = tpu.vector_load %arg7[%get3A_763, %get3A_764] {strides = array<i32>} : memref<2x2048xf32, #tpu.memory_space<vmem>>, vector<1x16xf32>,
        %get3A_766 = vector.shape_cast %get3A_765 : vector<1x16xf32> to vector<16xf32>
        %get3A_767 = arith.constant 1 : i32
        %get3A_768 = arith.index_cast %get3A_767 : i32 to index
        %get3A_769 = arith.index_cast %mul3A_761 : i32 to index
        %get3A_770 = tpu.vector_load %arg7[%get3A_768, %get3A_769] {strides = array<i32>} : memref<2x2048xf32, #tpu.memory_space<vmem>>, vector<1x16xf32>,
        %get3A_771 = vector.shape_cast %get3A_770 : vector<1x16xf32> to vector<16xf32>
        %add3A_772 = arith.constant 16 : i32
        %add3A_773 = arith.addi %mul3A_761, %add3A_772 : i32
        %get3A_774 = arith.constant 0 : i32
        %get3A_775 = arith.index_cast %get3A_774 : i32 to index
        %get3A_776 = arith.index_cast %add3A_773 : i32 to index
        %get3A_777 = tpu.vector_load %arg7[%get3A_775, %get3A_776] {strides = array<i32>} : memref<2x2048xf32, #tpu.memory_space<vmem>>, vector<1x16xf32>,
        %get3A_778 = vector.shape_cast %get3A_777 : vector<1x16xf32> to vector<16xf32>
        %add3A_779 = arith.constant 16 : i32
        %add3A_780 = arith.addi %mul3A_761, %add3A_779 : i32
        %get3A_781 = arith.constant 1 : i32
        %get3A_782 = arith.index_cast %get3A_781 : i32 to index
        %get3A_783 = arith.index_cast %add3A_780 : i32 to index
        %get3A_784 = tpu.vector_load %arg7[%get3A_782, %get3A_783] {strides = array<i32>} : memref<2x2048xf32, #tpu.memory_space<vmem>>, vector<1x16xf32>,
        %get3A_785 = vector.shape_cast %get3A_784 : vector<1x16xf32> to vector<16xf32>
        %get3A_786 = arith.constant 0 : i32
        %get3A_787 = arith.index_cast %get3A_786 : i32 to index
        %get3A_788 = arith.index_cast %scan3A_759 : i32 to index
        %get3A_789 = arith.constant 0 : index
        %get3A_790 = tpu.vector_load %arg9[%get3A_787, %get3A_788, %get3A_789] {strides = array<i32>} : memref<4x64x32xf32, #tpu.memory_space<vmem>>, vector<1x1x16xf32>,
        %get3A_791 = vector.shape_cast %get3A_790 : vector<1x1x16xf32> to vector<16xf32>
        %get3A_792 = arith.constant 0 : i32
        %get3A_793 = arith.index_cast %get3A_792 : i32 to index
        %get3A_794 = arith.index_cast %scan3A_759 : i32 to index
        %get3A_795 = arith.constant 16 : index
        %get3A_796 = tpu.vector_load %arg9[%get3A_793, %get3A_794, %get3A_795] {strides = array<i32>} : memref<4x64x32xf32, #tpu.memory_space<vmem>>, vector<1x1x16xf32>,
        %get3A_797 = vector.shape_cast %get3A_796 : vector<1x1x16xf32> to vector<16xf32>
        %mul3A_798 = arith.mulf %get3A_791, %get3A_766 : vector<16xf32>
        %add3A_799 = arith.addf %add3A_693, %mul3A_798 : vector<16xf32>
        %mul3A_800 = arith.mulf %get3A_797, %get3A_778 : vector<16xf32>
        %add3A_801 = arith.addf %add3A_799, %mul3A_800 : vector<16xf32>
        %mul3A_802 = arith.mulf %get3A_791, %get3A_771 : vector<16xf32>
        %add3A_803 = arith.addf %add3A_697, %mul3A_802 : vector<16xf32>
        %mul3A_804 = arith.mulf %get3A_797, %get3A_785 : vector<16xf32>
        %add3A_805 = arith.addf %add3A_803, %mul3A_804 : vector<16xf32>
        %get3A_806 = arith.constant 1 : i32
        %get3A_807 = arith.index_cast %get3A_806 : i32 to index
        %get3A_808 = arith.index_cast %scan3A_759 : i32 to index
        %get3A_809 = arith.constant 0 : index
        %get3A_810 = tpu.vector_load %arg9[%get3A_807, %get3A_808, %get3A_809] {strides = array<i32>} : memref<4x64x32xf32, #tpu.memory_space<vmem>>, vector<1x1x16xf32>,
        %get3A_811 = vector.shape_cast %get3A_810 : vector<1x1x16xf32> to vector<16xf32>
        %get3A_812 = arith.constant 1 : i32
        %get3A_813 = arith.index_cast %get3A_812 : i32 to index
        %get3A_814 = arith.index_cast %scan3A_759 : i32 to index
        %get3A_815 = arith.constant 16 : index
        %get3A_816 = tpu.vector_load %arg9[%get3A_813, %get3A_814, %get3A_815] {strides = array<i32>} : memref<4x64x32xf32, #tpu.memory_space<vmem>>, vector<1x1x16xf32>,
        %get3A_817 = vector.shape_cast %get3A_816 : vector<1x1x16xf32> to vector<16xf32>
        %mul3A_818 = arith.mulf %get3A_811, %get3A_766 : vector<16xf32>
        %add3A_819 = arith.addf %add3A_713, %mul3A_818 : vector<16xf32>
        %mul3A_820 = arith.mulf %get3A_817, %get3A_778 : vector<16xf32>
        %add3A_821 = arith.addf %add3A_819, %mul3A_820 : vector<16xf32>
        %mul3A_822 = arith.mulf %get3A_811, %get3A_771 : vector<16xf32>
        %add3A_823 = arith.addf %add3A_717, %mul3A_822 : vector<16xf32>
        %mul3A_824 = arith.mulf %get3A_817, %get3A_785 : vector<16xf32>
        %add3A_825 = arith.addf %add3A_823, %mul3A_824 : vector<16xf32>
        %get3A_826 = arith.constant 2 : i32
        %get3A_827 = arith.index_cast %get3A_826 : i32 to index
        %get3A_828 = arith.index_cast %scan3A_759 : i32 to index
        %get3A_829 = arith.constant 0 : index
        %get3A_830 = tpu.vector_load %arg9[%get3A_827, %get3A_828, %get3A_829] {strides = array<i32>} : memref<4x64x32xf32, #tpu.memory_space<vmem>>, vector<1x1x16xf32>,
        %get3A_831 = vector.shape_cast %get3A_830 : vector<1x1x16xf32> to vector<16xf32>
        %get3A_832 = arith.constant 2 : i32
        %get3A_833 = arith.index_cast %get3A_832 : i32 to index
        %get3A_834 = arith.index_cast %scan3A_759 : i32 to index
        %get3A_835 = arith.constant 16 : index
        %get3A_836 = tpu.vector_load %arg9[%get3A_833, %get3A_834, %get3A_835] {strides = array<i32>} : memref<4x64x32xf32, #tpu.memory_space<vmem>>, vector<1x1x16xf32>,
        %get3A_837 = vector.shape_cast %get3A_836 : vector<1x1x16xf32> to vector<16xf32>
        %mul3A_838 = arith.mulf %get3A_831, %get3A_766 : vector<16xf32>
        %add3A_839 = arith.addf %add3A_733, %mul3A_838 : vector<16xf32>
        %mul3A_840 = arith.mulf %get3A_837, %get3A_778 : vector<16xf32>
        %add3A_841 = arith.addf %add3A_839, %mul3A_840 : vector<16xf32>
        %mul3A_842 = arith.mulf %get3A_831, %get3A_771 : vector<16xf32>
        %add3A_843 = arith.addf %add3A_737, %mul3A_842 : vector<16xf32>
        %mul3A_844 = arith.mulf %get3A_837, %get3A_785 : vector<16xf32>
        %add3A_845 = arith.addf %add3A_843, %mul3A_844 : vector<16xf32>
        %get3A_846 = arith.constant 3 : i32
        %get3A_847 = arith.index_cast %get3A_846 : i32 to index
        %get3A_848 = arith.index_cast %scan3A_759 : i32 to index
        %get3A_849 = arith.constant 0 : index
        %get3A_850 = tpu.vector_load %arg9[%get3A_847, %get3A_848, %get3A_849] {strides = array<i32>} : memref<4x64x32xf32, #tpu.memory_space<vmem>>, vector<1x1x16xf32>,
        %get3A_851 = vector.shape_cast %get3A_850 : vector<1x1x16xf32> to vector<16xf32>
        %get3A_852 = arith.constant 3 : i32
        %get3A_853 = arith.index_cast %get3A_852 : i32 to index
        %get3A_854 = arith.index_cast %scan3A_759 : i32 to index
        %get3A_855 = arith.constant 16 : index
        %get3A_856 = tpu.vector_load %arg9[%get3A_853, %get3A_854, %get3A_855] {strides = array<i32>} : memref<4x64x32xf32, #tpu.memory_space<vmem>>, vector<1x1x16xf32>,
        %get3A_857 = vector.shape_cast %get3A_856 : vector<1x1x16xf32> to vector<16xf32>
        %mul3A_858 = arith.mulf %get3A_851, %get3A_766 : vector<16xf32>
        %add3A_859 = arith.addf %add3A_753, %mul3A_858 : vector<16xf32>
        %mul3A_860 = arith.mulf %get3A_857, %get3A_778 : vector<16xf32>
        %add3A_861 = arith.addf %add3A_859, %mul3A_860 : vector<16xf32>
        %mul3A_862 = arith.mulf %get3A_851, %get3A_771 : vector<16xf32>
        %add3A_863 = arith.addf %add3A_757, %mul3A_862 : vector<16xf32>
        %mul3A_864 = arith.mulf %get3A_857, %get3A_785 : vector<16xf32>
        %add3A_865 = arith.addf %add3A_863, %mul3A_864 : vector<16xf32>
        scf.yield %add3A_801, %add3A_805, %add3A_821, %add3A_825, %add3A_841, %add3A_845, %add3A_861, %add3A_865 : vector<16xf32>, vector<16xf32>, vector<16xf32>, vector<16xf32>, vector<16xf32>, vector<16xf32>, vector<16xf32>, vector<16xf32>
      }
      %scan3A_148 = arith.constant 64 : i32
      %mul3A_149 = arith.constant 4 : i32
      %mul3A_150 = arith.muli %scan3A_54, %mul3A_149 : i32
      %add3A_151 = arith.constant 3 : i32
      %add3A_152 = arith.addi %mul3A_150, %add3A_151 : i32
      %dma_wait3A_153 = arith.constant 0 : i32
      %dma_wait3A_154 = arith.constant 0 : i32
      %dma_wait3A_155 = arith.constant 0 : i32
      %dma_wait3A_156 = tpu.memref_slice %arg2[%dma_wait3A_153, %dma_wait3A_154, %dma_wait3A_155] : memref<16384x64x32xf32, #tpu.memory_space<hbm>> -> memref<4x64x32xf32, #tpu.memory_space<hbm>>
      %dma_wait3A_157 = arith.constant 0 : i32
      %dma_wait3A_158 = arith.constant 0 : i32
      %dma_wait3A_159 = arith.constant 0 : i32
      %dma_wait3A_160 = tpu.memref_slice %arg2[%dma_wait3A_157, %dma_wait3A_158, %dma_wait3A_159] : memref<16384x64x32xf32, #tpu.memory_space<hbm>> -> memref<4x64x32xf32, #tpu.memory_space<hbm>>
      tpu.wait_dma2 semaphore(%arg14 : memref<!tpu.dma_semaphore, #tpu.memory_space<semaphore_mem>>) src(%dma_wait3A_160 : memref<4x64x32xf32, #tpu.memory_space<hbm>>) dst(%arg10 : memref<4x64x32xf32, #tpu.memory_space<vmem>>)
      %add3A_161 = arith.constant 1 : i32
      %add3A_162 = arith.addi %add3A_152, %add3A_161 : i32
      %rem3A_163 = arith.constant 16 : i32
      %rem3A_164 = arith.remsi %add3A_162, %rem3A_163 : i32
      %mul3A_165 = arith.constant 4 : i32
      %mul3A_166 = arith.muli %rem3A_164, %mul3A_165 : i32
      %add3A_167 = arith.addi %mul3A_2, %mul3A_166 : i32
      %dma_start3A_168 = arith.constant 0 : i32
      %dma_start3A_169 = arith.constant 0 : i32
      %dma_start3A_170 = tpu.memref_slice %arg2[%add3A_167, %dma_start3A_168, %dma_start3A_169] : memref<16384x64x32xf32, #tpu.memory_space<hbm>> -> memref<4x64x32xf32, #tpu.memory_space<hbm>>
      %dma_start3A_171 = arith.constant 0 : i32
      %dma_start3A_172 = arith.constant 0 : i32
      %dma_start3A_173 = tpu.memref_slice %arg2[%add3A_167, %dma_start3A_171, %dma_start3A_172] : memref<16384x64x32xf32, #tpu.memory_space<hbm>> -> memref<4x64x32xf32, #tpu.memory_space<hbm>>
      tpu.enqueue_dma source(%dma_start3A_173 : memref<4x64x32xf32, #tpu.memory_space<hbm>>) target(%arg9 : memref<4x64x32xf32, #tpu.memory_space<vmem>>) target_semaphore(%arg13 : memref<!tpu.dma_semaphore, #tpu.memory_space<semaphore_mem>>)
      %scan3A_174 = arith.constant 0 : i32
      %scan3A_175 = arith.constant 64 : i32
      %scan3A_176 = arith.addi %scan3A_174, %scan3A_175 : i32
      %scan3A_177 = arith.constant 2 : i32
      %scan3A_178:8 = scf.for %scan3A_643 = %scan3A_174 to %scan3A_176 step %scan3A_177 iter_args(%scan3A_644 = %broadcast_in_dim3A_7, %scan3A_645 = %broadcast_in_dim3A_7, %scan3A_646 = %broadcast_in_dim3A_7, %scan3A_647 = %broadcast_in_dim3A_7, %scan3A_648 = %broadcast_in_dim3A_7, %scan3A_649 = %broadcast_in_dim3A_7, %scan3A_650 = %broadcast_in_dim3A_7, %scan3A_651 = %broadcast_in_dim3A_7) -> (vector<16xf32>, vector<16xf32>, vector<16xf32>, vector<16xf32>, vector<16xf32>, vector<16xf32>, vector<16xf32>, vector<16xf32>)  : i32 {
        %mul3A_652 = arith.constant 32 : i32
        %mul3A_653 = arith.muli %scan3A_643, %mul3A_652 : i32
        %get3A_654 = arith.constant 0 : i32
        %get3A_655 = arith.index_cast %get3A_654 : i32 to index
        %get3A_656 = arith.index_cast %mul3A_653 : i32 to index
        %get3A_657 = tpu.vector_load %arg7[%get3A_655, %get3A_656] {strides = array<i32>} : memref<2x2048xf32, #tpu.memory_space<vmem>>, vector<1x16xf32>,
        %get3A_658 = vector.shape_cast %get3A_657 : vector<1x16xf32> to vector<16xf32>
        %get3A_659 = arith.constant 1 : i32
        %get3A_660 = arith.index_cast %get3A_659 : i32 to index
        %get3A_661 = arith.index_cast %mul3A_653 : i32 to index
        %get3A_662 = tpu.vector_load %arg7[%get3A_660, %get3A_661] {strides = array<i32>} : memref<2x2048xf32, #tpu.memory_space<vmem>>, vector<1x16xf32>,
        %get3A_663 = vector.shape_cast %get3A_662 : vector<1x16xf32> to vector<16xf32>
        %add3A_664 = arith.constant 16 : i32
        %add3A_665 = arith.addi %mul3A_653, %add3A_664 : i32
        %get3A_666 = arith.constant 0 : i32
        %get3A_667 = arith.index_cast %get3A_666 : i32 to index
        %get3A_668 = arith.index_cast %add3A_665 : i32 to index
        %get3A_669 = tpu.vector_load %arg7[%get3A_667, %get3A_668] {strides = array<i32>} : memref<2x2048xf32, #tpu.memory_space<vmem>>, vector<1x16xf32>,
        %get3A_670 = vector.shape_cast %get3A_669 : vector<1x16xf32> to vector<16xf32>
        %add3A_671 = arith.constant 16 : i32
        %add3A_672 = arith.addi %mul3A_653, %add3A_671 : i32
        %get3A_673 = arith.constant 1 : i32
        %get3A_674 = arith.index_cast %get3A_673 : i32 to index
        %get3A_675 = arith.index_cast %add3A_672 : i32 to index
        %get3A_676 = tpu.vector_load %arg7[%get3A_674, %get3A_675] {strides = array<i32>} : memref<2x2048xf32, #tpu.memory_space<vmem>>, vector<1x16xf32>,
        %get3A_677 = vector.shape_cast %get3A_676 : vector<1x16xf32> to vector<16xf32>
        %get3A_678 = arith.constant 0 : i32
        %get3A_679 = arith.index_cast %get3A_678 : i32 to index
        %get3A_680 = arith.index_cast %scan3A_643 : i32 to index
        %get3A_681 = arith.constant 0 : index
        %get3A_682 = tpu.vector_load %arg10[%get3A_679, %get3A_680, %get3A_681] {strides = array<i32>} : memref<4x64x32xf32, #tpu.memory_space<vmem>>, vector<1x1x16xf32>,
        %get3A_683 = vector.shape_cast %get3A_682 : vector<1x1x16xf32> to vector<16xf32>
        %get3A_684 = arith.constant 0 : i32
        %get3A_685 = arith.index_cast %get3A_684 : i32 to index
        %get3A_686 = arith.index_cast %scan3A_643 : i32 to index
        %get3A_687 = arith.constant 16 : index
        %get3A_688 = tpu.vector_load %arg10[%get3A_685, %get3A_686, %get3A_687] {strides = array<i32>} : memref<4x64x32xf32, #tpu.memory_space<vmem>>, vector<1x1x16xf32>,
        %get3A_689 = vector.shape_cast %get3A_688 : vector<1x1x16xf32> to vector<16xf32>
        %mul3A_690 = arith.mulf %get3A_683, %get3A_658 : vector<16xf32>
        %add3A_691 = arith.addf %scan3A_644, %mul3A_690 : vector<16xf32>
        %mul3A_692 = arith.mulf %get3A_689, %get3A_670 : vector<16xf32>
        %add3A_693 = arith.addf %add3A_691, %mul3A_692 : vector<16xf32>
        %mul3A_694 = arith.mulf %get3A_683, %get3A_663 : vector<16xf32>
        %add3A_695 = arith.addf %scan3A_645, %mul3A_694 : vector<16xf32>
        %mul3A_696 = arith.mulf %get3A_689, %get3A_677 : vector<16xf32>
        %add3A_697 = arith.addf %add3A_695, %mul3A_696 : vector<16xf32>
        %get3A_698 = arith.constant 1 : i32
        %get3A_699 = arith.index_cast %get3A_698 : i32 to index
        %get3A_700 = arith.index_cast %scan3A_643 : i32 to index
        %get3A_701 = arith.constant 0 : index
        %get3A_702 = tpu.vector_load %arg10[%get3A_699, %get3A_700, %get3A_701] {strides = array<i32>} : memref<4x64x32xf32, #tpu.memory_space<vmem>>, vector<1x1x16xf32>,
        %get3A_703 = vector.shape_cast %get3A_702 : vector<1x1x16xf32> to vector<16xf32>
        %get3A_704 = arith.constant 1 : i32
        %get3A_705 = arith.index_cast %get3A_704 : i32 to index
        %get3A_706 = arith.index_cast %scan3A_643 : i32 to index
        %get3A_707 = arith.constant 16 : index
        %get3A_708 = tpu.vector_load %arg10[%get3A_705, %get3A_706, %get3A_707] {strides = array<i32>} : memref<4x64x32xf32, #tpu.memory_space<vmem>>, vector<1x1x16xf32>,
        %get3A_709 = vector.shape_cast %get3A_708 : vector<1x1x16xf32> to vector<16xf32>
        %mul3A_710 = arith.mulf %get3A_703, %get3A_658 : vector<16xf32>
        %add3A_711 = arith.addf %scan3A_646, %mul3A_710 : vector<16xf32>
        %mul3A_712 = arith.mulf %get3A_709, %get3A_670 : vector<16xf32>
        %add3A_713 = arith.addf %add3A_711, %mul3A_712 : vector<16xf32>
        %mul3A_714 = arith.mulf %get3A_703, %get3A_663 : vector<16xf32>
        %add3A_715 = arith.addf %scan3A_647, %mul3A_714 : vector<16xf32>
        %mul3A_716 = arith.mulf %get3A_709, %get3A_677 : vector<16xf32>
        %add3A_717 = arith.addf %add3A_715, %mul3A_716 : vector<16xf32>
        %get3A_718 = arith.constant 2 : i32
        %get3A_719 = arith.index_cast %get3A_718 : i32 to index
        %get3A_720 = arith.index_cast %scan3A_643 : i32 to index
        %get3A_721 = arith.constant 0 : index
        %get3A_722 = tpu.vector_load %arg10[%get3A_719, %get3A_720, %get3A_721] {strides = array<i32>} : memref<4x64x32xf32, #tpu.memory_space<vmem>>, vector<1x1x16xf32>,
        %get3A_723 = vector.shape_cast %get3A_722 : vector<1x1x16xf32> to vector<16xf32>
        %get3A_724 = arith.constant 2 : i32
        %get3A_725 = arith.index_cast %get3A_724 : i32 to index
        %get3A_726 = arith.index_cast %scan3A_643 : i32 to index
        %get3A_727 = arith.constant 16 : index
        %get3A_728 = tpu.vector_load %arg10[%get3A_725, %get3A_726, %get3A_727] {strides = array<i32>} : memref<4x64x32xf32, #tpu.memory_space<vmem>>, vector<1x1x16xf32>,
        %get3A_729 = vector.shape_cast %get3A_728 : vector<1x1x16xf32> to vector<16xf32>
        %mul3A_730 = arith.mulf %get3A_723, %get3A_658 : vector<16xf32>
        %add3A_731 = arith.addf %scan3A_648, %mul3A_730 : vector<16xf32>
        %mul3A_732 = arith.mulf %get3A_729, %get3A_670 : vector<16xf32>
        %add3A_733 = arith.addf %add3A_731, %mul3A_732 : vector<16xf32>
        %mul3A_734 = arith.mulf %get3A_723, %get3A_663 : vector<16xf32>
        %add3A_735 = arith.addf %scan3A_649, %mul3A_734 : vector<16xf32>
        %mul3A_736 = arith.mulf %get3A_729, %get3A_677 : vector<16xf32>
        %add3A_737 = arith.addf %add3A_735, %mul3A_736 : vector<16xf32>
        %get3A_738 = arith.constant 3 : i32
        %get3A_739 = arith.index_cast %get3A_738 : i32 to index
        %get3A_740 = arith.index_cast %scan3A_643 : i32 to index
        %get3A_741 = arith.constant 0 : index
        %get3A_742 = tpu.vector_load %arg10[%get3A_739, %get3A_740, %get3A_741] {strides = array<i32>} : memref<4x64x32xf32, #tpu.memory_space<vmem>>, vector<1x1x16xf32>,
        %get3A_743 = vector.shape_cast %get3A_742 : vector<1x1x16xf32> to vector<16xf32>
        %get3A_744 = arith.constant 3 : i32
        %get3A_745 = arith.index_cast %get3A_744 : i32 to index
        %get3A_746 = arith.index_cast %scan3A_643 : i32 to index
        %get3A_747 = arith.constant 16 : index
        %get3A_748 = tpu.vector_load %arg10[%get3A_745, %get3A_746, %get3A_747] {strides = array<i32>} : memref<4x64x32xf32, #tpu.memory_space<vmem>>, vector<1x1x16xf32>,
        %get3A_749 = vector.shape_cast %get3A_748 : vector<1x1x16xf32> to vector<16xf32>
        %mul3A_750 = arith.mulf %get3A_743, %get3A_658 : vector<16xf32>
        %add3A_751 = arith.addf %scan3A_650, %mul3A_750 : vector<16xf32>
        %mul3A_752 = arith.mulf %get3A_749, %get3A_670 : vector<16xf32>
        %add3A_753 = arith.addf %add3A_751, %mul3A_752 : vector<16xf32>
        %mul3A_754 = arith.mulf %get3A_743, %get3A_663 : vector<16xf32>
        %add3A_755 = arith.addf %scan3A_651, %mul3A_754 : vector<16xf32>
        %mul3A_756 = arith.mulf %get3A_749, %get3A_677 : vector<16xf32>
        %add3A_757 = arith.addf %add3A_755, %mul3A_756 : vector<16xf32>
        %scan3A_758 = arith.constant 1 : i32
        %scan3A_759 = arith.addi %scan3A_643, %scan3A_758 : i32
        %mul3A_760 = arith.constant 32 : i32
        %mul3A_761 = arith.muli %scan3A_759, %mul3A_760 : i32
        %get3A_762 = arith.constant 0 : i32
        %get3A_763 = arith.index_cast %get3A_762 : i32 to index
        %get3A_764 = arith.index_cast %mul3A_761 : i32 to index
        %get3A_765 = tpu.vector_load %arg7[%get3A_763, %get3A_764] {strides = array<i32>} : memref<2x2048xf32, #tpu.memory_space<vmem>>, vector<1x16xf32>,
        %get3A_766 = vector.shape_cast %get3A_765 : vector<1x16xf32> to vector<16xf32>
        %get3A_767 = arith.constant 1 : i32
        %get3A_768 = arith.index_cast %get3A_767 : i32 to index
        %get3A_769 = arith.index_cast %mul3A_761 : i32 to index
        %get3A_770 = tpu.vector_load %arg7[%get3A_768, %get3A_769] {strides = array<i32>} : memref<2x2048xf32, #tpu.memory_space<vmem>>, vector<1x16xf32>,
        %get3A_771 = vector.shape_cast %get3A_770 : vector<1x16xf32> to vector<16xf32>
        %add3A_772 = arith.constant 16 : i32
        %add3A_773 = arith.addi %mul3A_761, %add3A_772 : i32
        %get3A_774 = arith.constant 0 : i32
        %get3A_775 = arith.index_cast %get3A_774 : i32 to index
        %get3A_776 = arith.index_cast %add3A_773 : i32 to index
        %get3A_777 = tpu.vector_load %arg7[%get3A_775, %get3A_776] {strides = array<i32>} : memref<2x2048xf32, #tpu.memory_space<vmem>>, vector<1x16xf32>,
        %get3A_778 = vector.shape_cast %get3A_777 : vector<1x16xf32> to vector<16xf32>
        %add3A_779 = arith.constant 16 : i32
        %add3A_780 = arith.addi %mul3A_761, %add3A_779 : i32
        %get3A_781 = arith.constant 1 : i32
        %get3A_782 = arith.index_cast %get3A_781 : i32 to index
        %get3A_783 = arith.index_cast %add3A_780 : i32 to index
        %get3A_784 = tpu.vector_load %arg7[%get3A_782, %get3A_783] {strides = array<i32>} : memref<2x2048xf32, #tpu.memory_space<vmem>>, vector<1x16xf32>,
        %get3A_785 = vector.shape_cast %get3A_784 : vector<1x16xf32> to vector<16xf32>
        %get3A_786 = arith.constant 0 : i32
        %get3A_787 = arith.index_cast %get3A_786 : i32 to index
        %get3A_788 = arith.index_cast %scan3A_759 : i32 to index
        %get3A_789 = arith.constant 0 : index
        %get3A_790 = tpu.vector_load %arg10[%get3A_787, %get3A_788, %get3A_789] {strides = array<i32>} : memref<4x64x32xf32, #tpu.memory_space<vmem>>, vector<1x1x16xf32>,
        %get3A_791 = vector.shape_cast %get3A_790 : vector<1x1x16xf32> to vector<16xf32>
        %get3A_792 = arith.constant 0 : i32
        %get3A_793 = arith.index_cast %get3A_792 : i32 to index
        %get3A_794 = arith.index_cast %scan3A_759 : i32 to index
        %get3A_795 = arith.constant 16 : index
        %get3A_796 = tpu.vector_load %arg10[%get3A_793, %get3A_794, %get3A_795] {strides = array<i32>} : memref<4x64x32xf32, #tpu.memory_space<vmem>>, vector<1x1x16xf32>,
        %get3A_797 = vector.shape_cast %get3A_796 : vector<1x1x16xf32> to vector<16xf32>
        %mul3A_798 = arith.mulf %get3A_791, %get3A_766 : vector<16xf32>
        %add3A_799 = arith.addf %add3A_693, %mul3A_798 : vector<16xf32>
        %mul3A_800 = arith.mulf %get3A_797, %get3A_778 : vector<16xf32>
        %add3A_801 = arith.addf %add3A_799, %mul3A_800 : vector<16xf32>
        %mul3A_802 = arith.mulf %get3A_791, %get3A_771 : vector<16xf32>
        %add3A_803 = arith.addf %add3A_697, %mul3A_802 : vector<16xf32>
        %mul3A_804 = arith.mulf %get3A_797, %get3A_785 : vector<16xf32>
        %add3A_805 = arith.addf %add3A_803, %mul3A_804 : vector<16xf32>
        %get3A_806 = arith.constant 1 : i32
        %get3A_807 = arith.index_cast %get3A_806 : i32 to index
        %get3A_808 = arith.index_cast %scan3A_759 : i32 to index
        %get3A_809 = arith.constant 0 : index
        %get3A_810 = tpu.vector_load %arg10[%get3A_807, %get3A_808, %get3A_809] {strides = array<i32>} : memref<4x64x32xf32, #tpu.memory_space<vmem>>, vector<1x1x16xf32>,
        %get3A_811 = vector.shape_cast %get3A_810 : vector<1x1x16xf32> to vector<16xf32>
        %get3A_812 = arith.constant 1 : i32
        %get3A_813 = arith.index_cast %get3A_812 : i32 to index
        %get3A_814 = arith.index_cast %scan3A_759 : i32 to index
        %get3A_815 = arith.constant 16 : index
        %get3A_816 = tpu.vector_load %arg10[%get3A_813, %get3A_814, %get3A_815] {strides = array<i32>} : memref<4x64x32xf32, #tpu.memory_space<vmem>>, vector<1x1x16xf32>,
        %get3A_817 = vector.shape_cast %get3A_816 : vector<1x1x16xf32> to vector<16xf32>
        %mul3A_818 = arith.mulf %get3A_811, %get3A_766 : vector<16xf32>
        %add3A_819 = arith.addf %add3A_713, %mul3A_818 : vector<16xf32>
        %mul3A_820 = arith.mulf %get3A_817, %get3A_778 : vector<16xf32>
        %add3A_821 = arith.addf %add3A_819, %mul3A_820 : vector<16xf32>
        %mul3A_822 = arith.mulf %get3A_811, %get3A_771 : vector<16xf32>
        %add3A_823 = arith.addf %add3A_717, %mul3A_822 : vector<16xf32>
        %mul3A_824 = arith.mulf %get3A_817, %get3A_785 : vector<16xf32>
        %add3A_825 = arith.addf %add3A_823, %mul3A_824 : vector<16xf32>
        %get3A_826 = arith.constant 2 : i32
        %get3A_827 = arith.index_cast %get3A_826 : i32 to index
        %get3A_828 = arith.index_cast %scan3A_759 : i32 to index
        %get3A_829 = arith.constant 0 : index
        %get3A_830 = tpu.vector_load %arg10[%get3A_827, %get3A_828, %get3A_829] {strides = array<i32>} : memref<4x64x32xf32, #tpu.memory_space<vmem>>, vector<1x1x16xf32>,
        %get3A_831 = vector.shape_cast %get3A_830 : vector<1x1x16xf32> to vector<16xf32>
        %get3A_832 = arith.constant 2 : i32
        %get3A_833 = arith.index_cast %get3A_832 : i32 to index
        %get3A_834 = arith.index_cast %scan3A_759 : i32 to index
        %get3A_835 = arith.constant 16 : index
        %get3A_836 = tpu.vector_load %arg10[%get3A_833, %get3A_834, %get3A_835] {strides = array<i32>} : memref<4x64x32xf32, #tpu.memory_space<vmem>>, vector<1x1x16xf32>,
        %get3A_837 = vector.shape_cast %get3A_836 : vector<1x1x16xf32> to vector<16xf32>
        %mul3A_838 = arith.mulf %get3A_831, %get3A_766 : vector<16xf32>
        %add3A_839 = arith.addf %add3A_733, %mul3A_838 : vector<16xf32>
        %mul3A_840 = arith.mulf %get3A_837, %get3A_778 : vector<16xf32>
        %add3A_841 = arith.addf %add3A_839, %mul3A_840 : vector<16xf32>
        %mul3A_842 = arith.mulf %get3A_831, %get3A_771 : vector<16xf32>
        %add3A_843 = arith.addf %add3A_737, %mul3A_842 : vector<16xf32>
        %mul3A_844 = arith.mulf %get3A_837, %get3A_785 : vector<16xf32>
        %add3A_845 = arith.addf %add3A_843, %mul3A_844 : vector<16xf32>
        %get3A_846 = arith.constant 3 : i32
        %get3A_847 = arith.index_cast %get3A_846 : i32 to index
        %get3A_848 = arith.index_cast %scan3A_759 : i32 to index
        %get3A_849 = arith.constant 0 : index
        %get3A_850 = tpu.vector_load %arg10[%get3A_847, %get3A_848, %get3A_849] {strides = array<i32>} : memref<4x64x32xf32, #tpu.memory_space<vmem>>, vector<1x1x16xf32>,
        %get3A_851 = vector.shape_cast %get3A_850 : vector<1x1x16xf32> to vector<16xf32>
        %get3A_852 = arith.constant 3 : i32
        %get3A_853 = arith.index_cast %get3A_852 : i32 to index
        %get3A_854 = arith.index_cast %scan3A_759 : i32 to index
        %get3A_855 = arith.constant 16 : index
        %get3A_856 = tpu.vector_load %arg10[%get3A_853, %get3A_854, %get3A_855] {strides = array<i32>} : memref<4x64x32xf32, #tpu.memory_space<vmem>>, vector<1x1x16xf32>,
        %get3A_857 = vector.shape_cast %get3A_856 : vector<1x1x16xf32> to vector<16xf32>
        %mul3A_858 = arith.mulf %get3A_851, %get3A_766 : vector<16xf32>
        %add3A_859 = arith.addf %add3A_753, %mul3A_858 : vector<16xf32>
        %mul3A_860 = arith.mulf %get3A_857, %get3A_778 : vector<16xf32>
        %add3A_861 = arith.addf %add3A_859, %mul3A_860 : vector<16xf32>
        %mul3A_862 = arith.mulf %get3A_851, %get3A_771 : vector<16xf32>
        %add3A_863 = arith.addf %add3A_757, %mul3A_862 : vector<16xf32>
        %mul3A_864 = arith.mulf %get3A_857, %get3A_785 : vector<16xf32>
        %add3A_865 = arith.addf %add3A_863, %mul3A_864 : vector<16xf32>
        scf.yield %add3A_801, %add3A_805, %add3A_821, %add3A_825, %add3A_841, %add3A_845, %add3A_861, %add3A_865 : vector<16xf32>, vector<16xf32>, vector<16xf32>, vector<16xf32>, vector<16xf32>, vector<16xf32>, vector<16xf32>, vector<16xf32>
      }
      %scan3A_179 = arith.constant 64 : i32
      %broadcast_in_dim3A_180 = vector.shape_cast %mul3A_25 : vector<16xi32> to vector<16x1xi32>
      %gather3A = vector.shape_cast %broadcast_in_dim3A_180 : vector<16x1xi32> to vector<16xi32>
      %gather3A_181 = tpu.dynamic_gather %scan3A_85#0[%gather3A] in [0] : vector<16xf32>, vector<16xi32> -> vector<16xf32>
      %broadcast_in_dim3A_182 = vector.shape_cast %add3A_28 : vector<16xi32> to vector<16x1xi32>
      %gather3A_183 = vector.shape_cast %broadcast_in_dim3A_182 : vector<16x1xi32> to vector<16xi32>
      %gather3A_184 = tpu.dynamic_gather %scan3A_85#0[%gather3A_183] in [0] : vector<16xf32>, vector<16xi32> -> vector<16xf32>
      %add3A_185 = arith.addf %gather3A_181, %gather3A_184 : vector<16xf32>
      %broadcast_in_dim3A_186 = vector.shape_cast %mul3A_25 : vector<16xi32> to vector<16x1xi32>
      %gather3A_187 = vector.shape_cast %broadcast_in_dim3A_186 : vector<16x1xi32> to vector<16xi32>
      %gather3A_188 = tpu.dynamic_gather %scan3A_85#2[%gather3A_187] in [0] : vector<16xf32>, vector<16xi32> -> vector<16xf32>
      %broadcast_in_dim3A_189 = vector.shape_cast %add3A_28 : vector<16xi32> to vector<16x1xi32>
      %gather3A_190 = vector.shape_cast %broadcast_in_dim3A_189 : vector<16x1xi32> to vector<16xi32>
      %gather3A_191 = tpu.dynamic_gather %scan3A_85#2[%gather3A_190] in [0] : vector<16xf32>, vector<16xi32> -> vector<16xf32>
      %add3A_192 = arith.addf %gather3A_188, %gather3A_191 : vector<16xf32>
      %select_n3A_193 = arith.select %lt3A_31, %add3A_185, %add3A_192 : vector<16xi1>, vector<16xf32>
      %broadcast_in_dim3A_194 = vector.shape_cast %mul3A_25 : vector<16xi32> to vector<16x1xi32>
      %gather3A_195 = vector.shape_cast %broadcast_in_dim3A_194 : vector<16x1xi32> to vector<16xi32>
      %gather3A_196 = tpu.dynamic_gather %scan3A_85#4[%gather3A_195] in [0] : vector<16xf32>, vector<16xi32> -> vector<16xf32>
      %broadcast_in_dim3A_197 = vector.shape_cast %add3A_28 : vector<16xi32> to vector<16x1xi32>
      %gather3A_198 = vector.shape_cast %broadcast_in_dim3A_197 : vector<16x1xi32> to vector<16xi32>
      %gather3A_199 = tpu.dynamic_gather %scan3A_85#4[%gather3A_198] in [0] : vector<16xf32>, vector<16xi32> -> vector<16xf32>
      %add3A_200 = arith.addf %gather3A_196, %gather3A_199 : vector<16xf32>
      %broadcast_in_dim3A_201 = vector.shape_cast %mul3A_25 : vector<16xi32> to vector<16x1xi32>
      %gather3A_202 = vector.shape_cast %broadcast_in_dim3A_201 : vector<16x1xi32> to vector<16xi32>
      %gather3A_203 = tpu.dynamic_gather %scan3A_85#6[%gather3A_202] in [0] : vector<16xf32>, vector<16xi32> -> vector<16xf32>
      %broadcast_in_dim3A_204 = vector.shape_cast %add3A_28 : vector<16xi32> to vector<16x1xi32>
      %gather3A_205 = vector.shape_cast %broadcast_in_dim3A_204 : vector<16x1xi32> to vector<16xi32>
      %gather3A_206 = tpu.dynamic_gather %scan3A_85#6[%gather3A_205] in [0] : vector<16xf32>, vector<16xi32> -> vector<16xf32>
      %add3A_207 = arith.addf %gather3A_203, %gather3A_206 : vector<16xf32>
      %select_n3A_208 = arith.select %lt3A_31, %add3A_200, %add3A_207 : vector<16xi1>, vector<16xf32>
      %broadcast_in_dim3A_209 = vector.shape_cast %mul3A_25 : vector<16xi32> to vector<16x1xi32>
      %gather3A_210 = vector.shape_cast %broadcast_in_dim3A_209 : vector<16x1xi32> to vector<16xi32>
      %gather3A_211 = tpu.dynamic_gather %scan3A_116#0[%gather3A_210] in [0] : vector<16xf32>, vector<16xi32> -> vector<16xf32>
      %broadcast_in_dim3A_212 = vector.shape_cast %add3A_28 : vector<16xi32> to vector<16x1xi32>
      %gather3A_213 = vector.shape_cast %broadcast_in_dim3A_212 : vector<16x1xi32> to vector<16xi32>
      %gather3A_214 = tpu.dynamic_gather %scan3A_116#0[%gather3A_213] in [0] : vector<16xf32>, vector<16xi32> -> vector<16xf32>
      %add3A_215 = arith.addf %gather3A_211, %gather3A_214 : vector<16xf32>
      %broadcast_in_dim3A_216 = vector.shape_cast %mul3A_25 : vector<16xi32> to vector<16x1xi32>
      %gather3A_217 = vector.shape_cast %broadcast_in_dim3A_216 : vector<16x1xi32> to vector<16xi32>
      %gather3A_218 = tpu.dynamic_gather %scan3A_116#2[%gather3A_217] in [0] : vector<16xf32>, vector<16xi32> -> vector<16xf32>
      %broadcast_in_dim3A_219 = vector.shape_cast %add3A_28 : vector<16xi32> to vector<16x1xi32>
      %gather3A_220 = vector.shape_cast %broadcast_in_dim3A_219 : vector<16x1xi32> to vector<16xi32>
      %gather3A_221 = tpu.dynamic_gather %scan3A_116#2[%gather3A_220] in [0] : vector<16xf32>, vector<16xi32> -> vector<16xf32>
      %add3A_222 = arith.addf %gather3A_218, %gather3A_221 : vector<16xf32>
      %select_n3A_223 = arith.select %lt3A_31, %add3A_215, %add3A_222 : vector<16xi1>, vector<16xf32>
      %broadcast_in_dim3A_224 = vector.shape_cast %mul3A_25 : vector<16xi32> to vector<16x1xi32>
      %gather3A_225 = vector.shape_cast %broadcast_in_dim3A_224 : vector<16x1xi32> to vector<16xi32>
      %gather3A_226 = tpu.dynamic_gather %scan3A_116#4[%gather3A_225] in [0] : vector<16xf32>, vector<16xi32> -> vector<16xf32>
      %broadcast_in_dim3A_227 = vector.shape_cast %add3A_28 : vector<16xi32> to vector<16x1xi32>
      %gather3A_228 = vector.shape_cast %broadcast_in_dim3A_227 : vector<16x1xi32> to vector<16xi32>
      %gather3A_229 = tpu.dynamic_gather %scan3A_116#4[%gather3A_228] in [0] : vector<16xf32>, vector<16xi32> -> vector<16xf32>
      %add3A_230 = arith.addf %gather3A_226, %gather3A_229 : vector<16xf32>
      %broadcast_in_dim3A_231 = vector.shape_cast %mul3A_25 : vector<16xi32> to vector<16x1xi32>
      %gather3A_232 = vector.shape_cast %broadcast_in_dim3A_231 : vector<16x1xi32> to vector<16xi32>
      %gather3A_233 = tpu.dynamic_gather %scan3A_116#6[%gather3A_232] in [0] : vector<16xf32>, vector<16xi32> -> vector<16xf32>
      %broadcast_in_dim3A_234 = vector.shape_cast %add3A_28 : vector<16xi32> to vector<16x1xi32>
      %gather3A_235 = vector.shape_cast %broadcast_in_dim3A_234 : vector<16x1xi32> to vector<16xi32>
      %gather3A_236 = tpu.dynamic_gather %scan3A_116#6[%gather3A_235] in [0] : vector<16xf32>, vector<16xi32> -> vector<16xf32>
      %add3A_237 = arith.addf %gather3A_233, %gather3A_236 : vector<16xf32>
      %select_n3A_238 = arith.select %lt3A_31, %add3A_230, %add3A_237 : vector<16xi1>, vector<16xf32>
      %broadcast_in_dim3A_239 = vector.shape_cast %mul3A_25 : vector<16xi32> to vector<16x1xi32>
      %gather3A_240 = vector.shape_cast %broadcast_in_dim3A_239 : vector<16x1xi32> to vector<16xi32>
      %gather3A_241 = tpu.dynamic_gather %scan3A_147#0[%gather3A_240] in [0] : vector<16xf32>, vector<16xi32> -> vector<16xf32>
      %broadcast_in_dim3A_242 = vector.shape_cast %add3A_28 : vector<16xi32> to vector<16x1xi32>
      %gather3A_243 = vector.shape_cast %broadcast_in_dim3A_242 : vector<16x1xi32> to vector<16xi32>
      %gather3A_244 = tpu.dynamic_gather %scan3A_147#0[%gather3A_243] in [0] : vector<16xf32>, vector<16xi32> -> vector<16xf32>
      %add3A_245 = arith.addf %gather3A_241, %gather3A_244 : vector<16xf32>
      %broadcast_in_dim3A_246 = vector.shape_cast %mul3A_25 : vector<16xi32> to vector<16x1xi32>
      %gather3A_247 = vector.shape_cast %broadcast_in_dim3A_246 : vector<16x1xi32> to vector<16xi32>
      %gather3A_248 = tpu.dynamic_gather %scan3A_147#2[%gather3A_247] in [0] : vector<16xf32>, vector<16xi32> -> vector<16xf32>
      %broadcast_in_dim3A_249 = vector.shape_cast %add3A_28 : vector<16xi32> to vector<16x1xi32>
      %gather3A_250 = vector.shape_cast %broadcast_in_dim3A_249 : vector<16x1xi32> to vector<16xi32>
      %gather3A_251 = tpu.dynamic_gather %scan3A_147#2[%gather3A_250] in [0] : vector<16xf32>, vector<16xi32> -> vector<16xf32>
      %add3A_252 = arith.addf %gather3A_248, %gather3A_251 : vector<16xf32>
      %select_n3A_253 = arith.select %lt3A_31, %add3A_245, %add3A_252 : vector<16xi1>, vector<16xf32>
      %broadcast_in_dim3A_254 = vector.shape_cast %mul3A_25 : vector<16xi32> to vector<16x1xi32>
      %gather3A_255 = vector.shape_cast %broadcast_in_dim3A_254 : vector<16x1xi32> to vector<16xi32>
      %gather3A_256 = tpu.dynamic_gather %scan3A_147#4[%gather3A_255] in [0] : vector<16xf32>, vector<16xi32> -> vector<16xf32>
      %broadcast_in_dim3A_257 = vector.shape_cast %add3A_28 : vector<16xi32> to vector<16x1xi32>
      %gather3A_258 = vector.shape_cast %broadcast_in_dim3A_257 : vector<16x1xi32> to vector<16xi32>
      %gather3A_259 = tpu.dynamic_gather %scan3A_147#4[%gather3A_258] in [0] : vector<16xf32>, vector<16xi32> -> vector<16xf32>
      %add3A_260 = arith.addf %gather3A_256, %gather3A_259 : vector<16xf32>
      %broadcast_in_dim3A_261 = vector.shape_cast %mul3A_25 : vector<16xi32> to vector<16x1xi32>
      %gather3A_262 = vector.shape_cast %broadcast_in_dim3A_261 : vector<16x1xi32> to vector<16xi32>
      %gather3A_263 = tpu.dynamic_gather %scan3A_147#6[%gather3A_262] in [0] : vector<16xf32>, vector<16xi32> -> vector<16xf32>
      %broadcast_in_dim3A_264 = vector.shape_cast %add3A_28 : vector<16xi32> to vector<16x1xi32>
      %gather3A_265 = vector.shape_cast %broadcast_in_dim3A_264 : vector<16x1xi32> to vector<16xi32>
      %gather3A_266 = tpu.dynamic_gather %scan3A_147#6[%gather3A_265] in [0] : vector<16xf32>, vector<16xi32> -> vector<16xf32>
      %add3A_267 = arith.addf %gather3A_263, %gather3A_266 : vector<16xf32>
      %select_n3A_268 = arith.select %lt3A_31, %add3A_260, %add3A_267 : vector<16xi1>, vector<16xf32>
      %broadcast_in_dim3A_269 = vector.shape_cast %mul3A_25 : vector<16xi32> to vector<16x1xi32>
      %gather3A_270 = vector.shape_cast %broadcast_in_dim3A_269 : vector<16x1xi32> to vector<16xi32>
      %gather3A_271 = tpu.dynamic_gather %scan3A_178#0[%gather3A_270] in [0] : vector<16xf32>, vector<16xi32> -> vector<16xf32>
      %broadcast_in_dim3A_272 = vector.shape_cast %add3A_28 : vector<16xi32> to vector<16x1xi32>
      %gather3A_273 = vector.shape_cast %broadcast_in_dim3A_272 : vector<16x1xi32> to vector<16xi32>
      %gather3A_274 = tpu.dynamic_gather %scan3A_178#0[%gather3A_273] in [0] : vector<16xf32>, vector<16xi32> -> vector<16xf32>
      %add3A_275 = arith.addf %gather3A_271, %gather3A_274 : vector<16xf32>
      %broadcast_in_dim3A_276 = vector.shape_cast %mul3A_25 : vector<16xi32> to vector<16x1xi32>
      %gather3A_277 = vector.shape_cast %broadcast_in_dim3A_276 : vector<16x1xi32> to vector<16xi32>
      %gather3A_278 = tpu.dynamic_gather %scan3A_178#2[%gather3A_277] in [0] : vector<16xf32>, vector<16xi32> -> vector<16xf32>
      %broadcast_in_dim3A_279 = vector.shape_cast %add3A_28 : vector<16xi32> to vector<16x1xi32>
      %gather3A_280 = vector.shape_cast %broadcast_in_dim3A_279 : vector<16x1xi32> to vector<16xi32>
      %gather3A_281 = tpu.dynamic_gather %scan3A_178#2[%gather3A_280] in [0] : vector<16xf32>, vector<16xi32> -> vector<16xf32>
      %add3A_282 = arith.addf %gather3A_278, %gather3A_281 : vector<16xf32>
      %select_n3A_283 = arith.select %lt3A_31, %add3A_275, %add3A_282 : vector<16xi1>, vector<16xf32>
      %broadcast_in_dim3A_284 = vector.shape_cast %mul3A_25 : vector<16xi32> to vector<16x1xi32>
      %gather3A_285 = vector.shape_cast %broadcast_in_dim3A_284 : vector<16x1xi32> to vector<16xi32>
      %gather3A_286 = tpu.dynamic_gather %scan3A_178#4[%gather3A_285] in [0] : vector<16xf32>, vector<16xi32> -> vector<16xf32>
      %broadcast_in_dim3A_287 = vector.shape_cast %add3A_28 : vector<16xi32> to vector<16x1xi32>
      %gather3A_288 = vector.shape_cast %broadcast_in_dim3A_287 : vector<16x1xi32> to vector<16xi32>
      %gather3A_289 = tpu.dynamic_gather %scan3A_178#4[%gather3A_288] in [0] : vector<16xf32>, vector<16xi32> -> vector<16xf32>
      %add3A_290 = arith.addf %gather3A_286, %gather3A_289 : vector<16xf32>
      %broadcast_in_dim3A_291 = vector.shape_cast %mul3A_25 : vector<16xi32> to vector<16x1xi32>
      %gather3A_292 = vector.shape_cast %broadcast_in_dim3A_291 : vector<16x1xi32> to vector<16xi32>
      %gather3A_293 = tpu.dynamic_gather %scan3A_178#6[%gather3A_292] in [0] : vector<16xf32>, vector<16xi32> -> vector<16xf32>
      %broadcast_in_dim3A_294 = vector.shape_cast %add3A_28 : vector<16xi32> to vector<16x1xi32>
      %gather3A_295 = vector.shape_cast %broadcast_in_dim3A_294 : vector<16x1xi32> to vector<16xi32>
      %gather3A_296 = tpu.dynamic_gather %scan3A_178#6[%gather3A_295] in [0] : vector<16xf32>, vector<16xi32> -> vector<16xf32>
      %add3A_297 = arith.addf %gather3A_293, %gather3A_296 : vector<16xf32>
      %select_n3A_298 = arith.select %lt3A_31, %add3A_290, %add3A_297 : vector<16xi1>, vector<16xf32>
      %broadcast_in_dim3A_299 = vector.shape_cast %mul3A_25 : vector<16xi32> to vector<16x1xi32>
      %gather3A_300 = vector.shape_cast %broadcast_in_dim3A_299 : vector<16x1xi32> to vector<16xi32>
      %gather3A_301 = tpu.dynamic_gather %select_n3A_193[%gather3A_300] in [0] : vector<16xf32>, vector<16xi32> -> vector<16xf32>
      %broadcast_in_dim3A_302 = vector.shape_cast %add3A_28 : vector<16xi32> to vector<16x1xi32>
      %gather3A_303 = vector.shape_cast %broadcast_in_dim3A_302 : vector<16x1xi32> to vector<16xi32>
      %gather3A_304 = tpu.dynamic_gather %select_n3A_193[%gather3A_303] in [0] : vector<16xf32>, vector<16xi32> -> vector<16xf32>
      %add3A_305 = arith.addf %gather3A_301, %gather3A_304 : vector<16xf32>
      %broadcast_in_dim3A_306 = vector.shape_cast %mul3A_25 : vector<16xi32> to vector<16x1xi32>
      %gather3A_307 = vector.shape_cast %broadcast_in_dim3A_306 : vector<16x1xi32> to vector<16xi32>
      %gather3A_308 = tpu.dynamic_gather %select_n3A_208[%gather3A_307] in [0] : vector<16xf32>, vector<16xi32> -> vector<16xf32>
      %broadcast_in_dim3A_309 = vector.shape_cast %add3A_28 : vector<16xi32> to vector<16x1xi32>
      %gather3A_310 = vector.shape_cast %broadcast_in_dim3A_309 : vector<16x1xi32> to vector<16xi32>
      %gather3A_311 = tpu.dynamic_gather %select_n3A_208[%gather3A_310] in [0] : vector<16xf32>, vector<16xi32> -> vector<16xf32>
      %add3A_312 = arith.addf %gather3A_308, %gather3A_311 : vector<16xf32>
      %select_n3A_313 = arith.select %lt3A_31, %add3A_305, %add3A_312 : vector<16xi1>, vector<16xf32>
      %broadcast_in_dim3A_314 = vector.shape_cast %mul3A_25 : vector<16xi32> to vector<16x1xi32>
      %gather3A_315 = vector.shape_cast %broadcast_in_dim3A_314 : vector<16x1xi32> to vector<16xi32>
      %gather3A_316 = tpu.dynamic_gather %select_n3A_223[%gather3A_315] in [0] : vector<16xf32>, vector<16xi32> -> vector<16xf32>
      %broadcast_in_dim3A_317 = vector.shape_cast %add3A_28 : vector<16xi32> to vector<16x1xi32>
      %gather3A_318 = vector.shape_cast %broadcast_in_dim3A_317 : vector<16x1xi32> to vector<16xi32>
      %gather3A_319 = tpu.dynamic_gather %select_n3A_223[%gather3A_318] in [0] : vector<16xf32>, vector<16xi32> -> vector<16xf32>
      %add3A_320 = arith.addf %gather3A_316, %gather3A_319 : vector<16xf32>
      %broadcast_in_dim3A_321 = vector.shape_cast %mul3A_25 : vector<16xi32> to vector<16x1xi32>
      %gather3A_322 = vector.shape_cast %broadcast_in_dim3A_321 : vector<16x1xi32> to vector<16xi32>
      %gather3A_323 = tpu.dynamic_gather %select_n3A_238[%gather3A_322] in [0] : vector<16xf32>, vector<16xi32> -> vector<16xf32>
      %broadcast_in_dim3A_324 = vector.shape_cast %add3A_28 : vector<16xi32> to vector<16x1xi32>
      %gather3A_325 = vector.shape_cast %broadcast_in_dim3A_324 : vector<16x1xi32> to vector<16xi32>
      %gather3A_326 = tpu.dynamic_gather %select_n3A_238[%gather3A_325] in [0] : vector<16xf32>, vector<16xi32> -> vector<16xf32>
      %add3A_327 = arith.addf %gather3A_323, %gather3A_326 : vector<16xf32>
      %select_n3A_328 = arith.select %lt3A_31, %add3A_320, %add3A_327 : vector<16xi1>, vector<16xf32>
      %broadcast_in_dim3A_329 = vector.shape_cast %mul3A_25 : vector<16xi32> to vector<16x1xi32>
      %gather3A_330 = vector.shape_cast %broadcast_in_dim3A_329 : vector<16x1xi32> to vector<16xi32>
      %gather3A_331 = tpu.dynamic_gather %select_n3A_253[%gather3A_330] in [0] : vector<16xf32>, vector<16xi32> -> vector<16xf32>
      %broadcast_in_dim3A_332 = vector.shape_cast %add3A_28 : vector<16xi32> to vector<16x1xi32>
      %gather3A_333 = vector.shape_cast %broadcast_in_dim3A_332 : vector<16x1xi32> to vector<16xi32>
      %gather3A_334 = tpu.dynamic_gather %select_n3A_253[%gather3A_333] in [0] : vector<16xf32>, vector<16xi32> -> vector<16xf32>
      %add3A_335 = arith.addf %gather3A_331, %gather3A_334 : vector<16xf32>
      %broadcast_in_dim3A_336 = vector.shape_cast %mul3A_25 : vector<16xi32> to vector<16x1xi32>
      %gather3A_337 = vector.shape_cast %broadcast_in_dim3A_336 : vector<16x1xi32> to vector<16xi32>
      %gather3A_338 = tpu.dynamic_gather %select_n3A_268[%gather3A_337] in [0] : vector<16xf32>, vector<16xi32> -> vector<16xf32>
      %broadcast_in_dim3A_339 = vector.shape_cast %add3A_28 : vector<16xi32> to vector<16x1xi32>
      %gather3A_340 = vector.shape_cast %broadcast_in_dim3A_339 : vector<16x1xi32> to vector<16xi32>
      %gather3A_341 = tpu.dynamic_gather %select_n3A_268[%gather3A_340] in [0] : vector<16xf32>, vector<16xi32> -> vector<16xf32>
      %add3A_342 = arith.addf %gather3A_338, %gather3A_341 : vector<16xf32>
      %select_n3A_343 = arith.select %lt3A_31, %add3A_335, %add3A_342 : vector<16xi1>, vector<16xf32>
      %broadcast_in_dim3A_344 = vector.shape_cast %mul3A_25 : vector<16xi32> to vector<16x1xi32>
      %gather3A_345 = vector.shape_cast %broadcast_in_dim3A_344 : vector<16x1xi32> to vector<16xi32>
      %gather3A_346 = tpu.dynamic_gather %select_n3A_283[%gather3A_345] in [0] : vector<16xf32>, vector<16xi32> -> vector<16xf32>
      %broadcast_in_dim3A_347 = vector.shape_cast %add3A_28 : vector<16xi32> to vector<16x1xi32>
      %gather3A_348 = vector.shape_cast %broadcast_in_dim3A_347 : vector<16x1xi32> to vector<16xi32>
      %gather3A_349 = tpu.dynamic_gather %select_n3A_283[%gather3A_348] in [0] : vector<16xf32>, vector<16xi32> -> vector<16xf32>
      %add3A_350 = arith.addf %gather3A_346, %gather3A_349 : vector<16xf32>
      %broadcast_in_dim3A_351 = vector.shape_cast %mul3A_25 : vector<16xi32> to vector<16x1xi32>
      %gather3A_352 = vector.shape_cast %broadcast_in_dim3A_351 : vector<16x1xi32> to vector<16xi32>
      %gather3A_353 = tpu.dynamic_gather %select_n3A_298[%gather3A_352] in [0] : vector<16xf32>, vector<16xi32> -> vector<16xf32>
      %broadcast_in_dim3A_354 = vector.shape_cast %add3A_28 : vector<16xi32> to vector<16x1xi32>
      %gather3A_355 = vector.shape_cast %broadcast_in_dim3A_354 : vector<16x1xi32> to vector<16xi32>
      %gather3A_356 = tpu.dynamic_gather %select_n3A_298[%gather3A_355] in [0] : vector<16xf32>, vector<16xi32> -> vector<16xf32>
      %add3A_357 = arith.addf %gather3A_353, %gather3A_356 : vector<16xf32>
      %select_n3A_358 = arith.select %lt3A_31, %add3A_350, %add3A_357 : vector<16xi1>, vector<16xf32>
      %broadcast_in_dim3A_359 = vector.shape_cast %mul3A_25 : vector<16xi32> to vector<16x1xi32>
      %gather3A_360 = vector.shape_cast %broadcast_in_dim3A_359 : vector<16x1xi32> to vector<16xi32>
      %gather3A_361 = tpu.dynamic_gather %select_n3A_313[%gather3A_360] in [0] : vector<16xf32>, vector<16xi32> -> vector<16xf32>
      %broadcast_in_dim3A_362 = vector.shape_cast %add3A_28 : vector<16xi32> to vector<16x1xi32>
      %gather3A_363 = vector.shape_cast %broadcast_in_dim3A_362 : vector<16x1xi32> to vector<16xi32>
      %gather3A_364 = tpu.dynamic_gather %select_n3A_313[%gather3A_363] in [0] : vector<16xf32>, vector<16xi32> -> vector<16xf32>
      %add3A_365 = arith.addf %gather3A_361, %gather3A_364 : vector<16xf32>
      %broadcast_in_dim3A_366 = vector.shape_cast %mul3A_25 : vector<16xi32> to vector<16x1xi32>
      %gather3A_367 = vector.shape_cast %broadcast_in_dim3A_366 : vector<16x1xi32> to vector<16xi32>
      %gather3A_368 = tpu.dynamic_gather %select_n3A_328[%gather3A_367] in [0] : vector<16xf32>, vector<16xi32> -> vector<16xf32>
      %broadcast_in_dim3A_369 = vector.shape_cast %add3A_28 : vector<16xi32> to vector<16x1xi32>
      %gather3A_370 = vector.shape_cast %broadcast_in_dim3A_369 : vector<16x1xi32> to vector<16xi32>
      %gather3A_371 = tpu.dynamic_gather %select_n3A_328[%gather3A_370] in [0] : vector<16xf32>, vector<16xi32> -> vector<16xf32>
      %add3A_372 = arith.addf %gather3A_368, %gather3A_371 : vector<16xf32>
      %select_n3A_373 = arith.select %lt3A_31, %add3A_365, %add3A_372 : vector<16xi1>, vector<16xf32>
      %broadcast_in_dim3A_374 = vector.shape_cast %mul3A_25 : vector<16xi32> to vector<16x1xi32>
      %gather3A_375 = vector.shape_cast %broadcast_in_dim3A_374 : vector<16x1xi32> to vector<16xi32>
      %gather3A_376 = tpu.dynamic_gather %select_n3A_343[%gather3A_375] in [0] : vector<16xf32>, vector<16xi32> -> vector<16xf32>
      %broadcast_in_dim3A_377 = vector.shape_cast %add3A_28 : vector<16xi32> to vector<16x1xi32>
      %gather3A_378 = vector.shape_cast %broadcast_in_dim3A_377 : vector<16x1xi32> to vector<16xi32>
      %gather3A_379 = tpu.dynamic_gather %select_n3A_343[%gather3A_378] in [0] : vector<16xf32>, vector<16xi32> -> vector<16xf32>
      %add3A_380 = arith.addf %gather3A_376, %gather3A_379 : vector<16xf32>
      %broadcast_in_dim3A_381 = vector.shape_cast %mul3A_25 : vector<16xi32> to vector<16x1xi32>
      %gather3A_382 = vector.shape_cast %broadcast_in_dim3A_381 : vector<16x1xi32> to vector<16xi32>
      %gather3A_383 = tpu.dynamic_gather %select_n3A_358[%gather3A_382] in [0] : vector<16xf32>, vector<16xi32> -> vector<16xf32>
      %broadcast_in_dim3A_384 = vector.shape_cast %add3A_28 : vector<16xi32> to vector<16x1xi32>
      %gather3A_385 = vector.shape_cast %broadcast_in_dim3A_384 : vector<16x1xi32> to vector<16xi32>
      %gather3A_386 = tpu.dynamic_gather %select_n3A_358[%gather3A_385] in [0] : vector<16xf32>, vector<16xi32> -> vector<16xf32>
      %add3A_387 = arith.addf %gather3A_383, %gather3A_386 : vector<16xf32>
      %select_n3A_388 = arith.select %lt3A_31, %add3A_380, %add3A_387 : vector<16xi1>, vector<16xf32>
      %broadcast_in_dim3A_389 = vector.shape_cast %mul3A_25 : vector<16xi32> to vector<16x1xi32>
      %gather3A_390 = vector.shape_cast %broadcast_in_dim3A_389 : vector<16x1xi32> to vector<16xi32>
      %gather3A_391 = tpu.dynamic_gather %select_n3A_373[%gather3A_390] in [0] : vector<16xf32>, vector<16xi32> -> vector<16xf32>
      %broadcast_in_dim3A_392 = vector.shape_cast %add3A_28 : vector<16xi32> to vector<16x1xi32>
      %gather3A_393 = vector.shape_cast %broadcast_in_dim3A_392 : vector<16x1xi32> to vector<16xi32>
      %gather3A_394 = tpu.dynamic_gather %select_n3A_373[%gather3A_393] in [0] : vector<16xf32>, vector<16xi32> -> vector<16xf32>
      %add3A_395 = arith.addf %gather3A_391, %gather3A_394 : vector<16xf32>
      %broadcast_in_dim3A_396 = vector.shape_cast %mul3A_25 : vector<16xi32> to vector<16x1xi32>
      %gather3A_397 = vector.shape_cast %broadcast_in_dim3A_396 : vector<16x1xi32> to vector<16xi32>
      %gather3A_398 = tpu.dynamic_gather %select_n3A_388[%gather3A_397] in [0] : vector<16xf32>, vector<16xi32> -> vector<16xf32>
      %broadcast_in_dim3A_399 = vector.shape_cast %add3A_28 : vector<16xi32> to vector<16x1xi32>
      %gather3A_400 = vector.shape_cast %broadcast_in_dim3A_399 : vector<16x1xi32> to vector<16xi32>
      %gather3A_401 = tpu.dynamic_gather %select_n3A_388[%gather3A_400] in [0] : vector<16xf32>, vector<16xi32> -> vector<16xf32>
      %add3A_402 = arith.addf %gather3A_398, %gather3A_401 : vector<16xf32>
      %select_n3A_403 = arith.select %lt3A_31, %add3A_395, %add3A_402 : vector<16xi1>, vector<16xf32>
      %broadcast_in_dim3A_404 = vector.shape_cast %mul3A_25 : vector<16xi32> to vector<16x1xi32>
      %gather3A_405 = vector.shape_cast %broadcast_in_dim3A_404 : vector<16x1xi32> to vector<16xi32>
      %gather3A_406 = tpu.dynamic_gather %scan3A_85#1[%gather3A_405] in [0] : vector<16xf32>, vector<16xi32> -> vector<16xf32>
      %broadcast_in_dim3A_407 = vector.shape_cast %add3A_28 : vector<16xi32> to vector<16x1xi32>
      %gather3A_408 = vector.shape_cast %broadcast_in_dim3A_407 : vector<16x1xi32> to vector<16xi32>
      %gather3A_409 = tpu.dynamic_gather %scan3A_85#1[%gather3A_408] in [0] : vector<16xf32>, vector<16xi32> -> vector<16xf32>
      %add3A_410 = arith.addf %gather3A_406, %gather3A_409 : vector<16xf32>
      %broadcast_in_dim3A_411 = vector.shape_cast %mul3A_25 : vector<16xi32> to vector<16x1xi32>
      %gather3A_412 = vector.shape_cast %broadcast_in_dim3A_411 : vector<16x1xi32> to vector<16xi32>
      %gather3A_413 = tpu.dynamic_gather %scan3A_85#3[%gather3A_412] in [0] : vector<16xf32>, vector<16xi32> -> vector<16xf32>
      %broadcast_in_dim3A_414 = vector.shape_cast %add3A_28 : vector<16xi32> to vector<16x1xi32>
      %gather3A_415 = vector.shape_cast %broadcast_in_dim3A_414 : vector<16x1xi32> to vector<16xi32>
      %gather3A_416 = tpu.dynamic_gather %scan3A_85#3[%gather3A_415] in [0] : vector<16xf32>, vector<16xi32> -> vector<16xf32>
      %add3A_417 = arith.addf %gather3A_413, %gather3A_416 : vector<16xf32>
      %select_n3A_418 = arith.select %lt3A_31, %add3A_410, %add3A_417 : vector<16xi1>, vector<16xf32>
      %broadcast_in_dim3A_419 = vector.shape_cast %mul3A_25 : vector<16xi32> to vector<16x1xi32>
      %gather3A_420 = vector.shape_cast %broadcast_in_dim3A_419 : vector<16x1xi32> to vector<16xi32>
      %gather3A_421 = tpu.dynamic_gather %scan3A_85#5[%gather3A_420] in [0] : vector<16xf32>, vector<16xi32> -> vector<16xf32>
      %broadcast_in_dim3A_422 = vector.shape_cast %add3A_28 : vector<16xi32> to vector<16x1xi32>
      %gather3A_423 = vector.shape_cast %broadcast_in_dim3A_422 : vector<16x1xi32> to vector<16xi32>
      %gather3A_424 = tpu.dynamic_gather %scan3A_85#5[%gather3A_423] in [0] : vector<16xf32>, vector<16xi32> -> vector<16xf32>
      %add3A_425 = arith.addf %gather3A_421, %gather3A_424 : vector<16xf32>
      %broadcast_in_dim3A_426 = vector.shape_cast %mul3A_25 : vector<16xi32> to vector<16x1xi32>
      %gather3A_427 = vector.shape_cast %broadcast_in_dim3A_426 : vector<16x1xi32> to vector<16xi32>
      %gather3A_428 = tpu.dynamic_gather %scan3A_85#7[%gather3A_427] in [0] : vector<16xf32>, vector<16xi32> -> vector<16xf32>
      %broadcast_in_dim3A_429 = vector.shape_cast %add3A_28 : vector<16xi32> to vector<16x1xi32>
      %gather3A_430 = vector.shape_cast %broadcast_in_dim3A_429 : vector<16x1xi32> to vector<16xi32>
      %gather3A_431 = tpu.dynamic_gather %scan3A_85#7[%gather3A_430] in [0] : vector<16xf32>, vector<16xi32> -> vector<16xf32>
      %add3A_432 = arith.addf %gather3A_428, %gather3A_431 : vector<16xf32>
      %select_n3A_433 = arith.select %lt3A_31, %add3A_425, %add3A_432 : vector<16xi1>, vector<16xf32>
      %broadcast_in_dim3A_434 = vector.shape_cast %mul3A_25 : vector<16xi32> to vector<16x1xi32>
      %gather3A_435 = vector.shape_cast %broadcast_in_dim3A_434 : vector<16x1xi32> to vector<16xi32>
      %gather3A_436 = tpu.dynamic_gather %scan3A_116#1[%gather3A_435] in [0] : vector<16xf32>, vector<16xi32> -> vector<16xf32>
      %broadcast_in_dim3A_437 = vector.shape_cast %add3A_28 : vector<16xi32> to vector<16x1xi32>
      %gather3A_438 = vector.shape_cast %broadcast_in_dim3A_437 : vector<16x1xi32> to vector<16xi32>
      %gather3A_439 = tpu.dynamic_gather %scan3A_116#1[%gather3A_438] in [0] : vector<16xf32>, vector<16xi32> -> vector<16xf32>
      %add3A_440 = arith.addf %gather3A_436, %gather3A_439 : vector<16xf32>
      %broadcast_in_dim3A_441 = vector.shape_cast %mul3A_25 : vector<16xi32> to vector<16x1xi32>
      %gather3A_442 = vector.shape_cast %broadcast_in_dim3A_441 : vector<16x1xi32> to vector<16xi32>
      %gather3A_443 = tpu.dynamic_gather %scan3A_116#3[%gather3A_442] in [0] : vector<16xf32>, vector<16xi32> -> vector<16xf32>
      %broadcast_in_dim3A_444 = vector.shape_cast %add3A_28 : vector<16xi32> to vector<16x1xi32>
      %gather3A_445 = vector.shape_cast %broadcast_in_dim3A_444 : vector<16x1xi32> to vector<16xi32>
      %gather3A_446 = tpu.dynamic_gather %scan3A_116#3[%gather3A_445] in [0] : vector<16xf32>, vector<16xi32> -> vector<16xf32>
      %add3A_447 = arith.addf %gather3A_443, %gather3A_446 : vector<16xf32>
      %select_n3A_448 = arith.select %lt3A_31, %add3A_440, %add3A_447 : vector<16xi1>, vector<16xf32>
      %broadcast_in_dim3A_449 = vector.shape_cast %mul3A_25 : vector<16xi32> to vector<16x1xi32>
      %gather3A_450 = vector.shape_cast %broadcast_in_dim3A_449 : vector<16x1xi32> to vector<16xi32>
      %gather3A_451 = tpu.dynamic_gather %scan3A_116#5[%gather3A_450] in [0] : vector<16xf32>, vector<16xi32> -> vector<16xf32>
      %broadcast_in_dim3A_452 = vector.shape_cast %add3A_28 : vector<16xi32> to vector<16x1xi32>
      %gather3A_453 = vector.shape_cast %broadcast_in_dim3A_452 : vector<16x1xi32> to vector<16xi32>
      %gather3A_454 = tpu.dynamic_gather %scan3A_116#5[%gather3A_453] in [0] : vector<16xf32>, vector<16xi32> -> vector<16xf32>
      %add3A_455 = arith.addf %gather3A_451, %gather3A_454 : vector<16xf32>
      %broadcast_in_dim3A_456 = vector.shape_cast %mul3A_25 : vector<16xi32> to vector<16x1xi32>
      %gather3A_457 = vector.shape_cast %broadcast_in_dim3A_456 : vector<16x1xi32> to vector<16xi32>
      %gather3A_458 = tpu.dynamic_gather %scan3A_116#7[%gather3A_457] in [0] : vector<16xf32>, vector<16xi32> -> vector<16xf32>
      %broadcast_in_dim3A_459 = vector.shape_cast %add3A_28 : vector<16xi32> to vector<16x1xi32>
      %gather3A_460 = vector.shape_cast %broadcast_in_dim3A_459 : vector<16x1xi32> to vector<16xi32>
      %gather3A_461 = tpu.dynamic_gather %scan3A_116#7[%gather3A_460] in [0] : vector<16xf32>, vector<16xi32> -> vector<16xf32>
      %add3A_462 = arith.addf %gather3A_458, %gather3A_461 : vector<16xf32>
      %select_n3A_463 = arith.select %lt3A_31, %add3A_455, %add3A_462 : vector<16xi1>, vector<16xf32>
      %broadcast_in_dim3A_464 = vector.shape_cast %mul3A_25 : vector<16xi32> to vector<16x1xi32>
      %gather3A_465 = vector.shape_cast %broadcast_in_dim3A_464 : vector<16x1xi32> to vector<16xi32>
      %gather3A_466 = tpu.dynamic_gather %scan3A_147#1[%gather3A_465] in [0] : vector<16xf32>, vector<16xi32> -> vector<16xf32>
      %broadcast_in_dim3A_467 = vector.shape_cast %add3A_28 : vector<16xi32> to vector<16x1xi32>
      %gather3A_468 = vector.shape_cast %broadcast_in_dim3A_467 : vector<16x1xi32> to vector<16xi32>
      %gather3A_469 = tpu.dynamic_gather %scan3A_147#1[%gather3A_468] in [0] : vector<16xf32>, vector<16xi32> -> vector<16xf32>
      %add3A_470 = arith.addf %gather3A_466, %gather3A_469 : vector<16xf32>
      %broadcast_in_dim3A_471 = vector.shape_cast %mul3A_25 : vector<16xi32> to vector<16x1xi32>
      %gather3A_472 = vector.shape_cast %broadcast_in_dim3A_471 : vector<16x1xi32> to vector<16xi32>
      %gather3A_473 = tpu.dynamic_gather %scan3A_147#3[%gather3A_472] in [0] : vector<16xf32>, vector<16xi32> -> vector<16xf32>
      %broadcast_in_dim3A_474 = vector.shape_cast %add3A_28 : vector<16xi32> to vector<16x1xi32>
      %gather3A_475 = vector.shape_cast %broadcast_in_dim3A_474 : vector<16x1xi32> to vector<16xi32>
      %gather3A_476 = tpu.dynamic_gather %scan3A_147#3[%gather3A_475] in [0] : vector<16xf32>, vector<16xi32> -> vector<16xf32>
      %add3A_477 = arith.addf %gather3A_473, %gather3A_476 : vector<16xf32>
      %select_n3A_478 = arith.select %lt3A_31, %add3A_470, %add3A_477 : vector<16xi1>, vector<16xf32>
      %broadcast_in_dim3A_479 = vector.shape_cast %mul3A_25 : vector<16xi32> to vector<16x1xi32>
      %gather3A_480 = vector.shape_cast %broadcast_in_dim3A_479 : vector<16x1xi32> to vector<16xi32>
      %gather3A_481 = tpu.dynamic_gather %scan3A_147#5[%gather3A_480] in [0] : vector<16xf32>, vector<16xi32> -> vector<16xf32>
      %broadcast_in_dim3A_482 = vector.shape_cast %add3A_28 : vector<16xi32> to vector<16x1xi32>
      %gather3A_483 = vector.shape_cast %broadcast_in_dim3A_482 : vector<16x1xi32> to vector<16xi32>
      %gather3A_484 = tpu.dynamic_gather %scan3A_147#5[%gather3A_483] in [0] : vector<16xf32>, vector<16xi32> -> vector<16xf32>
      %add3A_485 = arith.addf %gather3A_481, %gather3A_484 : vector<16xf32>
      %broadcast_in_dim3A_486 = vector.shape_cast %mul3A_25 : vector<16xi32> to vector<16x1xi32>
      %gather3A_487 = vector.shape_cast %broadcast_in_dim3A_486 : vector<16x1xi32> to vector<16xi32>
      %gather3A_488 = tpu.dynamic_gather %scan3A_147#7[%gather3A_487] in [0] : vector<16xf32>, vector<16xi32> -> vector<16xf32>
      %broadcast_in_dim3A_489 = vector.shape_cast %add3A_28 : vector<16xi32> to vector<16x1xi32>
      %gather3A_490 = vector.shape_cast %broadcast_in_dim3A_489 : vector<16x1xi32> to vector<16xi32>
      %gather3A_491 = tpu.dynamic_gather %scan3A_147#7[%gather3A_490] in [0] : vector<16xf32>, vector<16xi32> -> vector<16xf32>
      %add3A_492 = arith.addf %gather3A_488, %gather3A_491 : vector<16xf32>
      %select_n3A_493 = arith.select %lt3A_31, %add3A_485, %add3A_492 : vector<16xi1>, vector<16xf32>
      %broadcast_in_dim3A_494 = vector.shape_cast %mul3A_25 : vector<16xi32> to vector<16x1xi32>
      %gather3A_495 = vector.shape_cast %broadcast_in_dim3A_494 : vector<16x1xi32> to vector<16xi32>
      %gather3A_496 = tpu.dynamic_gather %scan3A_178#1[%gather3A_495] in [0] : vector<16xf32>, vector<16xi32> -> vector<16xf32>
      %broadcast_in_dim3A_497 = vector.shape_cast %add3A_28 : vector<16xi32> to vector<16x1xi32>
      %gather3A_498 = vector.shape_cast %broadcast_in_dim3A_497 : vector<16x1xi32> to vector<16xi32>
      %gather3A_499 = tpu.dynamic_gather %scan3A_178#1[%gather3A_498] in [0] : vector<16xf32>, vector<16xi32> -> vector<16xf32>
      %add3A_500 = arith.addf %gather3A_496, %gather3A_499 : vector<16xf32>
      %broadcast_in_dim3A_501 = vector.shape_cast %mul3A_25 : vector<16xi32> to vector<16x1xi32>
      %gather3A_502 = vector.shape_cast %broadcast_in_dim3A_501 : vector<16x1xi32> to vector<16xi32>
      %gather3A_503 = tpu.dynamic_gather %scan3A_178#3[%gather3A_502] in [0] : vector<16xf32>, vector<16xi32> -> vector<16xf32>
      %broadcast_in_dim3A_504 = vector.shape_cast %add3A_28 : vector<16xi32> to vector<16x1xi32>
      %gather3A_505 = vector.shape_cast %broadcast_in_dim3A_504 : vector<16x1xi32> to vector<16xi32>
      %gather3A_506 = tpu.dynamic_gather %scan3A_178#3[%gather3A_505] in [0] : vector<16xf32>, vector<16xi32> -> vector<16xf32>
      %add3A_507 = arith.addf %gather3A_503, %gather3A_506 : vector<16xf32>
      %select_n3A_508 = arith.select %lt3A_31, %add3A_500, %add3A_507 : vector<16xi1>, vector<16xf32>
      %broadcast_in_dim3A_509 = vector.shape_cast %mul3A_25 : vector<16xi32> to vector<16x1xi32>
      %gather3A_510 = vector.shape_cast %broadcast_in_dim3A_509 : vector<16x1xi32> to vector<16xi32>
      %gather3A_511 = tpu.dynamic_gather %scan3A_178#5[%gather3A_510] in [0] : vector<16xf32>, vector<16xi32> -> vector<16xf32>
      %broadcast_in_dim3A_512 = vector.shape_cast %add3A_28 : vector<16xi32> to vector<16x1xi32>
      %gather3A_513 = vector.shape_cast %broadcast_in_dim3A_512 : vector<16x1xi32> to vector<16xi32>
      %gather3A_514 = tpu.dynamic_gather %scan3A_178#5[%gather3A_513] in [0] : vector<16xf32>, vector<16xi32> -> vector<16xf32>
      %add3A_515 = arith.addf %gather3A_511, %gather3A_514 : vector<16xf32>
      %broadcast_in_dim3A_516 = vector.shape_cast %mul3A_25 : vector<16xi32> to vector<16x1xi32>
      %gather3A_517 = vector.shape_cast %broadcast_in_dim3A_516 : vector<16x1xi32> to vector<16xi32>
      %gather3A_518 = tpu.dynamic_gather %scan3A_178#7[%gather3A_517] in [0] : vector<16xf32>, vector<16xi32> -> vector<16xf32>
      %broadcast_in_dim3A_519 = vector.shape_cast %add3A_28 : vector<16xi32> to vector<16x1xi32>
      %gather3A_520 = vector.shape_cast %broadcast_in_dim3A_519 : vector<16x1xi32> to vector<16xi32>
      %gather3A_521 = tpu.dynamic_gather %scan3A_178#7[%gather3A_520] in [0] : vector<16xf32>, vector<16xi32> -> vector<16xf32>
      %add3A_522 = arith.addf %gather3A_518, %gather3A_521 : vector<16xf32>
      %select_n3A_523 = arith.select %lt3A_31, %add3A_515, %add3A_522 : vector<16xi1>, vector<16xf32>
      %broadcast_in_dim3A_524 = vector.shape_cast %mul3A_25 : vector<16xi32> to vector<16x1xi32>
      %gather3A_525 = vector.shape_cast %broadcast_in_dim3A_524 : vector<16x1xi32> to vector<16xi32>
      %gather3A_526 = tpu.dynamic_gather %select_n3A_418[%gather3A_525] in [0] : vector<16xf32>, vector<16xi32> -> vector<16xf32>
      %broadcast_in_dim3A_527 = vector.shape_cast %add3A_28 : vector<16xi32> to vector<16x1xi32>
      %gather3A_528 = vector.shape_cast %broadcast_in_dim3A_527 : vector<16x1xi32> to vector<16xi32>
      %gather3A_529 = tpu.dynamic_gather %select_n3A_418[%gather3A_528] in [0] : vector<16xf32>, vector<16xi32> -> vector<16xf32>
      %add3A_530 = arith.addf %gather3A_526, %gather3A_529 : vector<16xf32>
      %broadcast_in_dim3A_531 = vector.shape_cast %mul3A_25 : vector<16xi32> to vector<16x1xi32>
      %gather3A_532 = vector.shape_cast %broadcast_in_dim3A_531 : vector<16x1xi32> to vector<16xi32>
      %gather3A_533 = tpu.dynamic_gather %select_n3A_433[%gather3A_532] in [0] : vector<16xf32>, vector<16xi32> -> vector<16xf32>
      %broadcast_in_dim3A_534 = vector.shape_cast %add3A_28 : vector<16xi32> to vector<16x1xi32>
      %gather3A_535 = vector.shape_cast %broadcast_in_dim3A_534 : vector<16x1xi32> to vector<16xi32>
      %gather3A_536 = tpu.dynamic_gather %select_n3A_433[%gather3A_535] in [0] : vector<16xf32>, vector<16xi32> -> vector<16xf32>
      %add3A_537 = arith.addf %gather3A_533, %gather3A_536 : vector<16xf32>
      %select_n3A_538 = arith.select %lt3A_31, %add3A_530, %add3A_537 : vector<16xi1>, vector<16xf32>
      %broadcast_in_dim3A_539 = vector.shape_cast %mul3A_25 : vector<16xi32> to vector<16x1xi32>
      %gather3A_540 = vector.shape_cast %broadcast_in_dim3A_539 : vector<16x1xi32> to vector<16xi32>
      %gather3A_541 = tpu.dynamic_gather %select_n3A_448[%gather3A_540] in [0] : vector<16xf32>, vector<16xi32> -> vector<16xf32>
      %broadcast_in_dim3A_542 = vector.shape_cast %add3A_28 : vector<16xi32> to vector<16x1xi32>
      %gather3A_543 = vector.shape_cast %broadcast_in_dim3A_542 : vector<16x1xi32> to vector<16xi32>
      %gather3A_544 = tpu.dynamic_gather %select_n3A_448[%gather3A_543] in [0] : vector<16xf32>, vector<16xi32> -> vector<16xf32>
      %add3A_545 = arith.addf %gather3A_541, %gather3A_544 : vector<16xf32>
      %broadcast_in_dim3A_546 = vector.shape_cast %mul3A_25 : vector<16xi32> to vector<16x1xi32>
      %gather3A_547 = vector.shape_cast %broadcast_in_dim3A_546 : vector<16x1xi32> to vector<16xi32>
      %gather3A_548 = tpu.dynamic_gather %select_n3A_463[%gather3A_547] in [0] : vector<16xf32>, vector<16xi32> -> vector<16xf32>
      %broadcast_in_dim3A_549 = vector.shape_cast %add3A_28 : vector<16xi32> to vector<16x1xi32>
      %gather3A_550 = vector.shape_cast %broadcast_in_dim3A_549 : vector<16x1xi32> to vector<16xi32>
      %gather3A_551 = tpu.dynamic_gather %select_n3A_463[%gather3A_550] in [0] : vector<16xf32>, vector<16xi32> -> vector<16xf32>
      %add3A_552 = arith.addf %gather3A_548, %gather3A_551 : vector<16xf32>
      %select_n3A_553 = arith.select %lt3A_31, %add3A_545, %add3A_552 : vector<16xi1>, vector<16xf32>
      %broadcast_in_dim3A_554 = vector.shape_cast %mul3A_25 : vector<16xi32> to vector<16x1xi32>
      %gather3A_555 = vector.shape_cast %broadcast_in_dim3A_554 : vector<16x1xi32> to vector<16xi32>
      %gather3A_556 = tpu.dynamic_gather %select_n3A_478[%gather3A_555] in [0] : vector<16xf32>, vector<16xi32> -> vector<16xf32>
      %broadcast_in_dim3A_557 = vector.shape_cast %add3A_28 : vector<16xi32> to vector<16x1xi32>
      %gather3A_558 = vector.shape_cast %broadcast_in_dim3A_557 : vector<16x1xi32> to vector<16xi32>
      %gather3A_559 = tpu.dynamic_gather %select_n3A_478[%gather3A_558] in [0] : vector<16xf32>, vector<16xi32> -> vector<16xf32>
      %add3A_560 = arith.addf %gather3A_556, %gather3A_559 : vector<16xf32>
      %broadcast_in_dim3A_561 = vector.shape_cast %mul3A_25 : vector<16xi32> to vector<16x1xi32>
      %gather3A_562 = vector.shape_cast %broadcast_in_dim3A_561 : vector<16x1xi32> to vector<16xi32>
      %gather3A_563 = tpu.dynamic_gather %select_n3A_493[%gather3A_562] in [0] : vector<16xf32>, vector<16xi32> -> vector<16xf32>
      %broadcast_in_dim3A_564 = vector.shape_cast %add3A_28 : vector<16xi32> to vector<16x1xi32>
      %gather3A_565 = vector.shape_cast %broadcast_in_dim3A_564 : vector<16x1xi32> to vector<16xi32>
      %gather3A_566 = tpu.dynamic_gather %select_n3A_493[%gather3A_565] in [0] : vector<16xf32>, vector<16xi32> -> vector<16xf32>
      %add3A_567 = arith.addf %gather3A_563, %gather3A_566 : vector<16xf32>
      %select_n3A_568 = arith.select %lt3A_31, %add3A_560, %add3A_567 : vector<16xi1>, vector<16xf32>
      %broadcast_in_dim3A_569 = vector.shape_cast %mul3A_25 : vector<16xi32> to vector<16x1xi32>
      %gather3A_570 = vector.shape_cast %broadcast_in_dim3A_569 : vector<16x1xi32> to vector<16xi32>
      %gather3A_571 = tpu.dynamic_gather %select_n3A_508[%gather3A_570] in [0] : vector<16xf32>, vector<16xi32> -> vector<16xf32>
      %broadcast_in_dim3A_572 = vector.shape_cast %add3A_28 : vector<16xi32> to vector<16x1xi32>
      %gather3A_573 = vector.shape_cast %broadcast_in_dim3A_572 : vector<16x1xi32> to vector<16xi32>
      %gather3A_574 = tpu.dynamic_gather %select_n3A_508[%gather3A_573] in [0] : vector<16xf32>, vector<16xi32> -> vector<16xf32>
      %add3A_575 = arith.addf %gather3A_571, %gather3A_574 : vector<16xf32>
      %broadcast_in_dim3A_576 = vector.shape_cast %mul3A_25 : vector<16xi32> to vector<16x1xi32>
      %gather3A_577 = vector.shape_cast %broadcast_in_dim3A_576 : vector<16x1xi32> to vector<16xi32>
      %gather3A_578 = tpu.dynamic_gather %select_n3A_523[%gather3A_577] in [0] : vector<16xf32>, vector<16xi32> -> vector<16xf32>
      %broadcast_in_dim3A_579 = vector.shape_cast %add3A_28 : vector<16xi32> to vector<16x1xi32>
      %gather3A_580 = vector.shape_cast %broadcast_in_dim3A_579 : vector<16x1xi32> to vector<16xi32>
      %gather3A_581 = tpu.dynamic_gather %select_n3A_523[%gather3A_580] in [0] : vector<16xf32>, vector<16xi32> -> vector<16xf32>
      %add3A_582 = arith.addf %gather3A_578, %gather3A_581 : vector<16xf32>
      %select_n3A_583 = arith.select %lt3A_31, %add3A_575, %add3A_582 : vector<16xi1>, vector<16xf32>
      %broadcast_in_dim3A_584 = vector.shape_cast %mul3A_25 : vector<16xi32> to vector<16x1xi32>
      %gather3A_585 = vector.shape_cast %broadcast_in_dim3A_584 : vector<16x1xi32> to vector<16xi32>
      %gather3A_586 = tpu.dynamic_gather %select_n3A_538[%gather3A_585] in [0] : vector<16xf32>, vector<16xi32> -> vector<16xf32>
      %broadcast_in_dim3A_587 = vector.shape_cast %add3A_28 : vector<16xi32> to vector<16x1xi32>
      %gather3A_588 = vector.shape_cast %broadcast_in_dim3A_587 : vector<16x1xi32> to vector<16xi32>
      %gather3A_589 = tpu.dynamic_gather %select_n3A_538[%gather3A_588] in [0] : vector<16xf32>, vector<16xi32> -> vector<16xf32>
      %add3A_590 = arith.addf %gather3A_586, %gather3A_589 : vector<16xf32>
      %broadcast_in_dim3A_591 = vector.shape_cast %mul3A_25 : vector<16xi32> to vector<16x1xi32>
      %gather3A_592 = vector.shape_cast %broadcast_in_dim3A_591 : vector<16x1xi32> to vector<16xi32>
      %gather3A_593 = tpu.dynamic_gather %select_n3A_553[%gather3A_592] in [0] : vector<16xf32>, vector<16xi32> -> vector<16xf32>
      %broadcast_in_dim3A_594 = vector.shape_cast %add3A_28 : vector<16xi32> to vector<16x1xi32>
      %gather3A_595 = vector.shape_cast %broadcast_in_dim3A_594 : vector<16x1xi32> to vector<16xi32>
      %gather3A_596 = tpu.dynamic_gather %select_n3A_553[%gather3A_595] in [0] : vector<16xf32>, vector<16xi32> -> vector<16xf32>
      %add3A_597 = arith.addf %gather3A_593, %gather3A_596 : vector<16xf32>
      %select_n3A_598 = arith.select %lt3A_31, %add3A_590, %add3A_597 : vector<16xi1>, vector<16xf32>
      %broadcast_in_dim3A_599 = vector.shape_cast %mul3A_25 : vector<16xi32> to vector<16x1xi32>
      %gather3A_600 = vector.shape_cast %broadcast_in_dim3A_599 : vector<16x1xi32> to vector<16xi32>
      %gather3A_601 = tpu.dynamic_gather %select_n3A_568[%gather3A_600] in [0] : vector<16xf32>, vector<16xi32> -> vector<16xf32>
      %broadcast_in_dim3A_602 = vector.shape_cast %add3A_28 : vector<16xi32> to vector<16x1xi32>
      %gather3A_603 = vector.shape_cast %broadcast_in_dim3A_602 : vector<16x1xi32> to vector<16xi32>
      %gather3A_604 = tpu.dynamic_gather %select_n3A_568[%gather3A_603] in [0] : vector<16xf32>, vector<16xi32> -> vector<16xf32>
      %add3A_605 = arith.addf %gather3A_601, %gather3A_604 : vector<16xf32>
      %broadcast_in_dim3A_606 = vector.shape_cast %mul3A_25 : vector<16xi32> to vector<16x1xi32>
      %gather3A_607 = vector.shape_cast %broadcast_in_dim3A_606 : vector<16x1xi32> to vector<16xi32>
      %gather3A_608 = tpu.dynamic_gather %select_n3A_583[%gather3A_607] in [0] : vector<16xf32>, vector<16xi32> -> vector<16xf32>
      %broadcast_in_dim3A_609 = vector.shape_cast %add3A_28 : vector<16xi32> to vector<16x1xi32>
      %gather3A_610 = vector.shape_cast %broadcast_in_dim3A_609 : vector<16x1xi32> to vector<16xi32>
      %gather3A_611 = tpu.dynamic_gather %select_n3A_583[%gather3A_610] in [0] : vector<16xf32>, vector<16xi32> -> vector<16xf32>
      %add3A_612 = arith.addf %gather3A_608, %gather3A_611 : vector<16xf32>
      %select_n3A_613 = arith.select %lt3A_31, %add3A_605, %add3A_612 : vector<16xi1>, vector<16xf32>
      %broadcast_in_dim3A_614 = vector.shape_cast %mul3A_25 : vector<16xi32> to vector<16x1xi32>
      %gather3A_615 = vector.shape_cast %broadcast_in_dim3A_614 : vector<16x1xi32> to vector<16xi32>
      %gather3A_616 = tpu.dynamic_gather %select_n3A_598[%gather3A_615] in [0] : vector<16xf32>, vector<16xi32> -> vector<16xf32>
      %broadcast_in_dim3A_617 = vector.shape_cast %add3A_28 : vector<16xi32> to vector<16x1xi32>
      %gather3A_618 = vector.shape_cast %broadcast_in_dim3A_617 : vector<16x1xi32> to vector<16xi32>
      %gather3A_619 = tpu.dynamic_gather %select_n3A_598[%gather3A_618] in [0] : vector<16xf32>, vector<16xi32> -> vector<16xf32>
      %add3A_620 = arith.addf %gather3A_616, %gather3A_619 : vector<16xf32>
      %broadcast_in_dim3A_621 = vector.shape_cast %mul3A_25 : vector<16xi32> to vector<16x1xi32>
      %gather3A_622 = vector.shape_cast %broadcast_in_dim3A_621 : vector<16x1xi32> to vector<16xi32>
      %gather3A_623 = tpu.dynamic_gather %select_n3A_613[%gather3A_622] in [0] : vector<16xf32>, vector<16xi32> -> vector<16xf32>
      %broadcast_in_dim3A_624 = vector.shape_cast %add3A_28 : vector<16xi32> to vector<16x1xi32>
      %gather3A_625 = vector.shape_cast %broadcast_in_dim3A_624 : vector<16x1xi32> to vector<16xi32>
      %gather3A_626 = tpu.dynamic_gather %select_n3A_613[%gather3A_625] in [0] : vector<16xf32>, vector<16xi32> -> vector<16xf32>
      %add3A_627 = arith.addf %gather3A_623, %gather3A_626 : vector<16xf32>
      %select_n3A_628 = arith.select %lt3A_31, %add3A_620, %add3A_627 : vector<16xi1>, vector<16xf32>
      %mul3A_629 = arith.constant 16 : i32
      %mul3A_630 = arith.muli %scan3A_54, %mul3A_629 : i32
      %add3A_631 = vector.broadcast %squeeze3A : f32 to vector<16xf32>
      %add3A_632 = arith.addf %select_n3A_403, %add3A_631 : vector<16xf32>
      %swap3A = arith.index_cast %mul3A_630 : i32 to index
      %swap3A_633 = tpu.vector_load %arg11[%swap3A] {strides = array<i32>} : memref<64xf32, #tpu.memory_space<vmem>>, vector<16xf32>,
      %swap3A_634 = vector.shape_cast %swap3A_633 : vector<16xf32> to vector<16xf32>
      %swap3A_635 = vector.shape_cast %add3A_632 : vector<16xf32> to vector<16xf32>
      tpu.vector_store %arg11[%swap3A], %swap3A_635 {strides = array<i32>} : memref<64xf32, #tpu.memory_space<vmem>>, vector<16xf32>,
      %add3A_636 = vector.broadcast %squeeze3A_6 : f32 to vector<16xf32>
      %add3A_637 = arith.addf %select_n3A_628, %add3A_636 : vector<16xf32>
      %swap3A_638 = arith.index_cast %mul3A_630 : i32 to index
      %swap3A_639 = tpu.vector_load %arg12[%swap3A_638] {strides = array<i32>} : memref<64xf32, #tpu.memory_space<vmem>>, vector<16xf32>,
      %swap3A_640 = vector.shape_cast %swap3A_639 : vector<16xf32> to vector<16xf32>
      %swap3A_641 = vector.shape_cast %add3A_637 : vector<16xf32> to vector<16xf32>
      tpu.vector_store %arg12[%swap3A_638], %swap3A_641 {strides = array<i32>} : memref<64xf32, #tpu.memory_space<vmem>>, vector<16xf32>,
      %scan3A_642 = arith.constant 0 : i32
      scf.yield %scan3A_642 : i32
    }
    %scan3A_42 = arith.constant 4 : i32
    %dma_wait3A = arith.constant 0 : i32
    %dma_wait3A_43 = arith.constant 0 : i32
    %dma_wait3A_44 = arith.constant 0 : i32
    %dma_wait3A_45 = tpu.memref_slice %arg2[%dma_wait3A, %dma_wait3A_43, %dma_wait3A_44] : memref<16384x64x32xf32, #tpu.memory_space<hbm>> -> memref<4x64x32xf32, #tpu.memory_space<hbm>>
    %dma_wait3A_46 = arith.constant 0 : i32
    %dma_wait3A_47 = arith.constant 0 : i32
    %dma_wait3A_48 = arith.constant 0 : i32
    %dma_wait3A_49 = tpu.memref_slice %arg2[%dma_wait3A_46, %dma_wait3A_47, %dma_wait3A_48] : memref<16384x64x32xf32, #tpu.memory_space<hbm>> -> memref<4x64x32xf32, #tpu.memory_space<hbm>>
    tpu.wait_dma2 semaphore(%arg13 : memref<!tpu.dma_semaphore, #tpu.memory_space<semaphore_mem>>) src(%dma_wait3A_49 : memref<4x64x32xf32, #tpu.memory_space<hbm>>) dst(%arg9 : memref<4x64x32xf32, #tpu.memory_space<vmem>>)
    %mul3A_50 = arith.constant 64 : i32
    %mul3A_51 = arith.muli %add3A, %mul3A_50 : i32
    "tpu.region"() ({
      %run_scoped3A = tpu.sem_alloc : memref<!tpu.dma_semaphore, #tpu.memory_space<semaphore_mem>>
      %dma_start3A_54 = tpu.memref_slice %arg5[%mul3A_51] : memref<2048xf32, #tpu.memory_space<hbm>> -> memref<64xf32, #tpu.memory_space<hbm>>
      %dma_start3A_55 = tpu.memref_slice %arg5[%mul3A_51] : memref<2048xf32, #tpu.memory_space<hbm>> -> memref<64xf32, #tpu.memory_space<hbm>>
      tpu.enqueue_dma source(%arg11 : memref<64xf32, #tpu.memory_space<vmem>>) target(%dma_start3A_55 : memref<64xf32, #tpu.memory_space<hbm>>) target_semaphore(%run_scoped3A : memref<!tpu.dma_semaphore, #tpu.memory_space<semaphore_mem>>)
      %dma_wait3A_56 = tpu.memref_slice %arg5[%mul3A_51] : memref<2048xf32, #tpu.memory_space<hbm>> -> memref<64xf32, #tpu.memory_space<hbm>>
      %dma_wait3A_57 = tpu.memref_slice %arg5[%mul3A_51] : memref<2048xf32, #tpu.memory_space<hbm>> -> memref<64xf32, #tpu.memory_space<hbm>>
      tpu.wait_dma2 semaphore(%run_scoped3A : memref<!tpu.dma_semaphore, #tpu.memory_space<semaphore_mem>>) src(%arg11 : memref<64xf32, #tpu.memory_space<vmem>>) dst(%dma_wait3A_57 : memref<64xf32, #tpu.memory_space<hbm>>)
      tpu.yield
    }) : () -> ()
    %mul3A_52 = arith.constant 64 : i32
    %mul3A_53 = arith.muli %add3A, %mul3A_52 : i32
    "tpu.region"() ({
      %run_scoped3A = tpu.sem_alloc : memref<!tpu.dma_semaphore, #tpu.memory_space<semaphore_mem>>
      %dma_start3A_54 = tpu.memref_slice %arg6[%mul3A_53] : memref<2048xf32, #tpu.memory_space<hbm>> -> memref<64xf32, #tpu.memory_space<hbm>>
      %dma_start3A_55 = tpu.memref_slice %arg6[%mul3A_53] : memref<2048xf32, #tpu.memory_space<hbm>> -> memref<64xf32, #tpu.memory_space<hbm>>
      tpu.enqueue_dma source(%arg12 : memref<64xf32, #tpu.memory_space<vmem>>) target(%dma_start3A_55 : memref<64xf32, #tpu.memory_space<hbm>>) target_semaphore(%run_scoped3A : memref<!tpu.dma_semaphore, #tpu.memory_space<semaphore_mem>>)
      %dma_wait3A_56 = tpu.memref_slice %arg6[%mul3A_53] : memref<2048xf32, #tpu.memory_space<hbm>> -> memref<64xf32, #tpu.memory_space<hbm>>
      %dma_wait3A_57 = tpu.memref_slice %arg6[%mul3A_53] : memref<2048xf32, #tpu.memory_space<hbm>> -> memref<64xf32, #tpu.memory_space<hbm>>
      tpu.wait_dma2 semaphore(%run_scoped3A : memref<!tpu.dma_semaphore, #tpu.memory_space<semaphore_mem>>) src(%arg12 : memref<64xf32, #tpu.memory_space<vmem>>) dst(%dma_wait3A_57 : memref<64xf32, #tpu.memory_space<hbm>>)
      tpu.yield
    }) : () -> ()
    return
  }
}

module attributes {stable_mosaic.version = 14 : i64} {
  func.func @_mlp_body(%arg0: memref<4096x4xf32, #tpu.memory_space<vmem>>, %arg1: memref<4x64xf32, #tpu.memory_space<vmem>>, %arg2: memref<1x64xf32, #tpu.memory_space<vmem>>, %arg3: memref<64x1xf32, #tpu.memory_space<vmem>>, %arg4: memref<1x1xf32, #tpu.memory_space<vmem>>, %arg5: memref<4096x1xf32, #tpu.memory_space<vmem>>) attributes {dimension_semantics = [], scalar_prefetch = 0 : i64, scratch_operands = 0 : i64, tpu.core_type = #tpu.core_type<tc>} {
    %get3A = arith.constant 0 : index
    %get3A_0 = arith.constant 0 : index
    %get3A_1 = vector.load %arg0[%get3A, %get3A_0] : memref<4096x4xf32, #tpu.memory_space<vmem>>, vector<4096x4xf32>
    %get3A_2 = arith.constant 0 : index
    %get3A_3 = arith.constant 0 : index
    %get3A_4 = vector.load %arg1[%get3A_2, %get3A_3] : memref<4x64xf32, #tpu.memory_space<vmem>>, vector<4x64xf32>
    %dot_general3A = arith.constant dense<0.000000e+00> : vector<4096x64xf32>
    %dot_general3A_5 = tpu.matmul %get3A_1, %get3A_4, %dot_general3A {dimension_numbers = #tpu.dot_dimension_numbers<[1], [0], [0], [1], [0, 0, 1, 1], [], []>, transpose_lhs_hint = false} : vector<4096x4xf32>, vector<4x64xf32>, vector<4096x64xf32> -> vector<4096x64xf32>
    %get3A_6 = arith.constant 0 : index
    %get3A_7 = arith.constant 0 : index
    %get3A_8 = vector.load %arg2[%get3A_6, %get3A_7] : memref<1x64xf32, #tpu.memory_space<vmem>>, vector<1x64xf32>
    %add3A = vector.broadcast %get3A_8 : vector<1x64xf32> to vector<4096x64xf32>
    %add3A_9 = arith.addf %dot_general3A_5, %add3A : vector<4096x64xf32>
    %max3A = arith.constant 0.000000e+00 : f32
    %max3A_10 = vector.broadcast %max3A : f32 to vector<4096x64xf32>
    %max3A_11 = arith.maximumf %add3A_9, %max3A_10 : vector<4096x64xf32>
    %get3A_12 = arith.constant 0 : index
    %get3A_13 = arith.constant 0 : index
    %get3A_14 = vector.load %arg3[%get3A_12, %get3A_13] : memref<64x1xf32, #tpu.memory_space<vmem>>, vector<64x1xf32>
    %dot_general3A_15 = arith.constant dense<0.000000e+00> : vector<4096x1xf32>
    %dot_general3A_16 = tpu.matmul %max3A_11, %get3A_14, %dot_general3A_15 {dimension_numbers = #tpu.dot_dimension_numbers<[1], [0], [0], [1], [0, 0, 1, 1], [], []>, transpose_lhs_hint = false} : vector<4096x64xf32>, vector<64x1xf32>, vector<4096x1xf32> -> vector<4096x1xf32>
    %get3A_17 = arith.constant 0 : index
    %get3A_18 = arith.constant 0 : index
    %get3A_19 = vector.load %arg4[%get3A_17, %get3A_18] : memref<1x1xf32, #tpu.memory_space<vmem>>, vector<1x1xf32>
    %add3A_20 = vector.broadcast %get3A_19 : vector<1x1xf32> to vector<4096x1xf32>
    %add3A_21 = arith.addf %dot_general3A_16, %add3A_20 : vector<4096x1xf32>
    %swap3A = arith.constant 0 : index
    %swap3A_22 = arith.constant 0 : index
    %swap3A_23 = vector.load %arg5[%swap3A, %swap3A_22] : memref<4096x1xf32, #tpu.memory_space<vmem>>, vector<4096x1xf32>
    tpu.vector_store %arg5[%swap3A, %swap3A_22], %add3A_21 {strides = array<i32>} : memref<4096x1xf32, #tpu.memory_space<vmem>>, vector<4096x1xf32>,
    return
  }
}

module attributes {stable_mosaic.version = 14 : i64} {
  func.func @_mat_body(%arg0: memref<64x64xf32, #tpu.memory_space<vmem>>, %arg1: memref<2x64x32xf32, #tpu.memory_space<vmem>>, %arg2: memref<32x32xf32, #tpu.memory_space<vmem>>, %arg3: memref<32x32xf32, #tpu.memory_space<vmem>>, %arg4: memref<1x32xf32, #tpu.memory_space<vmem>>, %arg5: memref<1x1xf32, #tpu.memory_space<vmem>>, %arg6: memref<1x1xf32, #tpu.memory_space<vmem>>, %arg7: memref<1x2xf32, #tpu.memory_space<vmem>>, %arg8: memref<2x64x32xf32, #tpu.memory_space<vmem>>, %arg9: memref<1x2xf32, #tpu.memory_space<vmem>>) attributes {dimension_semantics = [], scalar_prefetch = 0 : i64, scratch_operands = 0 : i64, tpu.core_type = #tpu.core_type<tc>} {
    %get3A = arith.constant 0 : index
    %get3A_0 = arith.constant 0 : index
    %get3A_1 = vector.load %arg0[%get3A, %get3A_0] : memref<64x64xf32, #tpu.memory_space<vmem>>, vector<64x64xf32>
    %iota3A = tpu.iota {dimensions = array<i32: 0>} : vector<64x64xi32>
    %iota3A_2 = tpu.iota {dimensions = array<i32: 1>} : vector<64x64xi32>
    %gt3A = arith.constant 1.000000e-01 : f32
    %gt3A_3 = vector.broadcast %gt3A : f32 to vector<64x64xf32>
    %gt3A_4 = arith.cmpf ogt, %get3A_1, %gt3A_3 : vector<64x64xf32>
    %ne3A = arith.cmpi ne, %iota3A, %iota3A_2 : vector<64x64xi32>
    %and3A = arith.andi %gt3A_4, %ne3A : vector<64x64xi1>
    %jit3A = arith.constant 0.000000e+00 : f32
    %broadcast_in_dim3A = vector.broadcast %jit3A : f32 to vector<64x64xf32>
    %select_n3A = arith.select %and3A, %get3A_1, %broadcast_in_dim3A : vector<64x64xi1>, vector<64x64xf32>
    %reduce_sum3A = arith.constant dense<0.000000e+00> : vector<64xf32>
    %reduce_sum3A_5 = vector.multi_reduction <add>, %select_n3A, %reduce_sum3A [1] : vector<64x64xf32> to vector<64xf32>
    %broadcast_in_dim3A_6 = vector.shape_cast %reduce_sum3A_5 : vector<64xf32> to vector<64x1xf32>
    %gt3A_7 = arith.constant 0.000000e+00 : f32
    %gt3A_8 = vector.broadcast %gt3A_7 : f32 to vector<64x1xf32>
    %gt3A_9 = arith.cmpf ogt, %broadcast_in_dim3A_6, %gt3A_8 : vector<64x1xf32>
    %jit3A_10 = arith.constant 1.000000e+00 : f32
    %broadcast_in_dim3A_11 = vector.broadcast %jit3A_10 : f32 to vector<64x1xf32>
    %select_n3A_12 = arith.select %gt3A_9, %broadcast_in_dim3A_6, %broadcast_in_dim3A_11 : vector<64x1xi1>, vector<64x1xf32>
    %gt3A_13 = arith.constant 0.000000e+00 : f32
    %gt3A_14 = vector.broadcast %gt3A_13 : f32 to vector<64x1xf32>
    %gt3A_15 = arith.cmpf ogt, %broadcast_in_dim3A_6, %gt3A_14 : vector<64x1xf32>
    %rsqrt3A = math.rsqrt %select_n3A_12 : vector<64x1xf32>
    %jit3A_16 = arith.constant 0.000000e+00 : f32
    %broadcast_in_dim3A_17 = vector.broadcast %jit3A_16 : f32 to vector<64x1xf32>
    %select_n3A_18 = arith.select %gt3A_15, %rsqrt3A, %broadcast_in_dim3A_17 : vector<64x1xi1>, vector<64x1xf32>
    %get3A_19 = arith.constant 0 : index
    %get3A_20 = arith.constant 0 : index
    %get3A_21 = vector.load %arg5[%get3A_19, %get3A_20] : memref<1x1xf32, #tpu.memory_space<vmem>>, vector<1x1xf32>
    %get3A_22 = arith.constant 0 : index
    %get3A_23 = arith.constant 0 : index
    %get3A_24 = vector.load %arg4[%get3A_22, %get3A_23] : memref<1x32xf32, #tpu.memory_space<vmem>>, vector<1x32xf32>
    %mul3A = vector.broadcast %get3A_21 : vector<1x1xf32> to vector<1x32xf32>
    %mul3A_25 = arith.mulf %mul3A, %get3A_24 : vector<1x32xf32>
    %get3A_26 = arith.constant 0 : index
    %get3A_27 = arith.constant 0 : index
    %get3A_28 = vector.load %arg6[%get3A_26, %get3A_27] : memref<1x1xf32, #tpu.memory_space<vmem>>, vector<1x1xf32>
    %add3A = vector.broadcast %get3A_28 : vector<1x1xf32> to vector<1x32xf32>
    %add3A_29 = arith.addf %mul3A_25, %add3A : vector<1x32xf32>
    %get3A_30 = arith.constant 0 : index
    %get3A_31 = arith.constant 0 : index
    %get3A_32 = arith.constant 0 : index
    %get3A_33 = vector.load %arg1[%get3A_30, %get3A_31, %get3A_32] : memref<2x64x32xf32, #tpu.memory_space<vmem>>, vector<1x64x32xf32>
    %get3A_34 = vector.shape_cast %get3A_33 : vector<1x64x32xf32> to vector<64x32xf32>
    %get3A_35 = arith.constant 0 : index
    %get3A_36 = arith.constant 0 : index
    %get3A_37 = vector.load %arg2[%get3A_35, %get3A_36] : memref<32x32xf32, #tpu.memory_space<vmem>>, vector<32x32xf32>
    %dot_general3A = arith.constant dense<0.000000e+00> : vector<64x32xf32>
    %dot_general3A_38 = tpu.matmul %get3A_34, %get3A_37, %dot_general3A {dimension_numbers = #tpu.dot_dimension_numbers<[1], [1], [0], [0], [0, 0, 1, 0], [], []>, transpose_lhs_hint = false} : vector<64x32xf32>, vector<32x32xf32>, vector<64x32xf32> -> vector<64x32xf32>
    %get3A_39 = arith.constant 0 : index
    %get3A_40 = arith.constant 0 : index
    %get3A_41 = vector.load %arg3[%get3A_39, %get3A_40] : memref<32x32xf32, #tpu.memory_space<vmem>>, vector<32x32xf32>
    %dot_general3A_42 = arith.constant dense<0.000000e+00> : vector<64x32xf32>
    %dot_general3A_43 = tpu.matmul %get3A_34, %get3A_41, %dot_general3A_42 {dimension_numbers = #tpu.dot_dimension_numbers<[1], [1], [0], [0], [0, 0, 1, 0], [], []>, transpose_lhs_hint = false} : vector<64x32xf32>, vector<32x32xf32>, vector<64x32xf32> -> vector<64x32xf32>
    %neg3A = arith.constant 0.000000e+00 : f32
    %neg3A_44 = vector.broadcast %neg3A : f32 to vector<64x1xf32>
    %neg3A_45 = arith.subf %neg3A_44, %select_n3A_18 : vector<64x1xf32>
    %mul3A_46 = vector.broadcast %select_n3A_18 : vector<64x1xf32> to vector<64x32xf32>
    %mul3A_47 = arith.mulf %mul3A_46, %dot_general3A_43 : vector<64x32xf32>
    %dot_general3A_48 = arith.constant dense<0.000000e+00> : vector<64x32xf32>
    %dot_general3A_49 = tpu.matmul %select_n3A, %mul3A_47, %dot_general3A_48 {dimension_numbers = #tpu.dot_dimension_numbers<[0], [0], [1], [1], [0, 1, 1, 1], [], []>, transpose_lhs_hint = false} : vector<64x64xf32>, vector<64x32xf32>, vector<64x32xf32> -> vector<64x32xf32>
    %mul3A_50 = vector.broadcast %neg3A_45 : vector<64x1xf32> to vector<64x32xf32>
    %mul3A_51 = arith.mulf %mul3A_50, %dot_general3A_49 : vector<64x32xf32>
    %add3A_52 = arith.addf %dot_general3A_38, %mul3A_51 : vector<64x32xf32>
    %mul3A_53 = vector.broadcast %get3A_21 : vector<1x1xf32> to vector<64x32xf32>
    %mul3A_54 = arith.mulf %mul3A_53, %add3A_52 : vector<64x32xf32>
    %swap3A = arith.constant 0 : index
    %swap3A_55 = arith.constant 0 : index
    %swap3A_56 = arith.constant 0 : index
    %swap3A_57 = vector.load %arg8[%swap3A, %swap3A_55, %swap3A_56] : memref<2x64x32xf32, #tpu.memory_space<vmem>>, vector<1x64x32xf32>
    %swap3A_58 = vector.shape_cast %swap3A_57 : vector<1x64x32xf32> to vector<64x32xf32>
    %swap3A_59 = vector.shape_cast %mul3A_54 : vector<64x32xf32> to vector<1x64x32xf32>
    tpu.vector_store %arg8[%swap3A, %swap3A_55, %swap3A_56], %swap3A_59 {strides = array<i32>} : memref<2x64x32xf32, #tpu.memory_space<vmem>>, vector<1x64x32xf32>,
    %mul3A_60 = vector.broadcast %add3A_29 : vector<1x32xf32> to vector<64x32xf32>
    %mul3A_61 = arith.mulf %mul3A_60, %get3A_34 : vector<64x32xf32>
    %reduce_sum3A_62 = vector.shape_cast %mul3A_61 : vector<64x32xf32> to vector<1x64x32xf32>
    %reduce_sum3A_63 = arith.constant dense<0.000000e+00> : vector<1xf32>
    %reduce_sum3A_64 = vector.multi_reduction <add>, %reduce_sum3A_62, %reduce_sum3A_63 [1, 2] : vector<1x64x32xf32> to vector<1xf32>
    %reduce_sum3A_65 = vector.shape_cast %reduce_sum3A_64 : vector<1xf32> to vector<1x1x1xf32>
    %reduce_sum3A_66 = vector.extract %reduce_sum3A_65[0, 0, 0] : f32 from vector<1x1x1xf32>
    %get3A_67 = arith.constant 0 : index
    %get3A_68 = arith.constant 0 : index
    %get3A_69 = vector.load %arg7[%get3A_67, %get3A_68] : memref<1x2xf32, #tpu.memory_space<vmem>>, vector<1x1xf32>
    %get3A_70 = vector.extract %get3A_69[0, 0] : f32 from vector<1x1xf32>
    %add3A_71 = arith.addf %reduce_sum3A_66, %get3A_70 : f32
    %reshape3A = vector.broadcast %add3A_71 : f32 to vector<1x1xf32>
    %get3A_72 = arith.constant 1 : index
    %get3A_73 = arith.constant 0 : index
    %get3A_74 = arith.constant 0 : index
    %get3A_75 = vector.load %arg1[%get3A_72, %get3A_73, %get3A_74] : memref<2x64x32xf32, #tpu.memory_space<vmem>>, vector<1x64x32xf32>
    %get3A_76 = vector.shape_cast %get3A_75 : vector<1x64x32xf32> to vector<64x32xf32>
    %get3A_77 = arith.constant 0 : index
    %get3A_78 = arith.constant 0 : index
    %get3A_79 = vector.load %arg2[%get3A_77, %get3A_78] : memref<32x32xf32, #tpu.memory_space<vmem>>, vector<32x32xf32>
    %dot_general3A_80 = arith.constant dense<0.000000e+00> : vector<64x32xf32>
    %dot_general3A_81 = tpu.matmul %get3A_76, %get3A_79, %dot_general3A_80 {dimension_numbers = #tpu.dot_dimension_numbers<[1], [1], [0], [0], [0, 0, 1, 0], [], []>, transpose_lhs_hint = false} : vector<64x32xf32>, vector<32x32xf32>, vector<64x32xf32> -> vector<64x32xf32>
    %get3A_82 = arith.constant 0 : index
    %get3A_83 = arith.constant 0 : index
    %get3A_84 = vector.load %arg3[%get3A_82, %get3A_83] : memref<32x32xf32, #tpu.memory_space<vmem>>, vector<32x32xf32>
    %dot_general3A_85 = arith.constant dense<0.000000e+00> : vector<64x32xf32>
    %dot_general3A_86 = tpu.matmul %get3A_76, %get3A_84, %dot_general3A_85 {dimension_numbers = #tpu.dot_dimension_numbers<[1], [1], [0], [0], [0, 0, 1, 0], [], []>, transpose_lhs_hint = false} : vector<64x32xf32>, vector<32x32xf32>, vector<64x32xf32> -> vector<64x32xf32>
    %neg3A_87 = arith.constant 0.000000e+00 : f32
    %neg3A_88 = vector.broadcast %neg3A_87 : f32 to vector<64x1xf32>
    %neg3A_89 = arith.subf %neg3A_88, %select_n3A_18 : vector<64x1xf32>
    %mul3A_90 = vector.broadcast %select_n3A_18 : vector<64x1xf32> to vector<64x32xf32>
    %mul3A_91 = arith.mulf %mul3A_90, %dot_general3A_86 : vector<64x32xf32>
    %dot_general3A_92 = arith.constant dense<0.000000e+00> : vector<64x32xf32>
    %dot_general3A_93 = tpu.matmul %select_n3A, %mul3A_91, %dot_general3A_92 {dimension_numbers = #tpu.dot_dimension_numbers<[0], [0], [1], [1], [0, 1, 1, 1], [], []>, transpose_lhs_hint = false} : vector<64x64xf32>, vector<64x32xf32>, vector<64x32xf32> -> vector<64x32xf32>
    %mul3A_94 = vector.broadcast %neg3A_89 : vector<64x1xf32> to vector<64x32xf32>
    %mul3A_95 = arith.mulf %mul3A_94, %dot_general3A_93 : vector<64x32xf32>
    %add3A_96 = arith.addf %dot_general3A_81, %mul3A_95 : vector<64x32xf32>
    %mul3A_97 = vector.broadcast %get3A_21 : vector<1x1xf32> to vector<64x32xf32>
    %mul3A_98 = arith.mulf %mul3A_97, %add3A_96 : vector<64x32xf32>
    %swap3A_99 = arith.constant 1 : index
    %swap3A_100 = arith.constant 0 : index
    %swap3A_101 = arith.constant 0 : index
    %swap3A_102 = vector.load %arg8[%swap3A_99, %swap3A_100, %swap3A_101] : memref<2x64x32xf32, #tpu.memory_space<vmem>>, vector<1x64x32xf32>
    %swap3A_103 = vector.shape_cast %swap3A_102 : vector<1x64x32xf32> to vector<64x32xf32>
    %swap3A_104 = vector.shape_cast %mul3A_98 : vector<64x32xf32> to vector<1x64x32xf32>
    tpu.vector_store %arg8[%swap3A_99, %swap3A_100, %swap3A_101], %swap3A_104 {strides = array<i32>} : memref<2x64x32xf32, #tpu.memory_space<vmem>>, vector<1x64x32xf32>,
    %mul3A_105 = vector.broadcast %add3A_29 : vector<1x32xf32> to vector<64x32xf32>
    %mul3A_106 = arith.mulf %mul3A_105, %get3A_76 : vector<64x32xf32>
    %reduce_sum3A_107 = vector.shape_cast %mul3A_106 : vector<64x32xf32> to vector<1x64x32xf32>
    %reduce_sum3A_108 = arith.constant dense<0.000000e+00> : vector<1xf32>
    %reduce_sum3A_109 = vector.multi_reduction <add>, %reduce_sum3A_107, %reduce_sum3A_108 [1, 2] : vector<1x64x32xf32> to vector<1xf32>
    %reduce_sum3A_110 = vector.shape_cast %reduce_sum3A_109 : vector<1xf32> to vector<1x1x1xf32>
    %reduce_sum3A_111 = vector.extract %reduce_sum3A_110[0, 0, 0] : f32 from vector<1x1x1xf32>
    %get3A_112 = arith.constant 0 : index
    %get3A_113 = arith.constant 1 : index
    %get3A_114 = vector.load %arg7[%get3A_112, %get3A_113] : memref<1x2xf32, #tpu.memory_space<vmem>>, vector<1x1xf32>
    %get3A_115 = vector.extract %get3A_114[0, 0] : f32 from vector<1x1xf32>
    %add3A_116 = arith.addf %reduce_sum3A_111, %get3A_115 : f32
    %reshape3A_117 = vector.broadcast %add3A_116 : f32 to vector<1x1xf32>
    %concatenate3A = tpu.concatenate %reshape3A, %reshape3A_117 in 1 : vector<1x1xf32>, vector<1x1xf32> -> vector<1x2xf32>
    %swap3A_118 = arith.constant 0 : index
    %swap3A_119 = arith.constant 0 : index
    %swap3A_120 = vector.load %arg9[%swap3A_118, %swap3A_119] : memref<1x2xf32, #tpu.memory_space<vmem>>, vector<1x2xf32>
    tpu.vector_store %arg9[%swap3A_118, %swap3A_119], %concatenate3A {strides = array<i32>} : memref<1x2xf32, #tpu.memory_space<vmem>>, vector<1x2xf32>,
    return
  }
}

</mosaic_0001>

<sc_bundles>
// kernel: kernel.6.cloned.1.call-start
scs
__scs_entry_jumppad:
0x0: {  	(pc) =	sbr.rel $0x88, $3  }
0x1: {  	(tag) =	ssettag $0x0;
	lr =	simm.s32 $0x1  }
0x2: {  	[smem:$0x3F95] =	sst lr;
	_ =	strace $0xD0000000  }
0x3: {  	_ = 	snop  }
0x4: {  	_ = 	snop  }
0x5: {  	_ = 	snop  }
0x6: {  	_ = 	snop  }
0x7: {  	_ = 	snop  }
__scs_overlays_trampoline_lowered:
0x8: {  	[smem:$0x3FA4] =	sst s0  }
0x9: {  	[smem:$0x3FA5] =	sst s1  }
0xa: {  	[smem:$0x3FA6] =	sst s2  }
0xb: {  	[smem:$0x3FA7] =	sst s3  }
0xc: {  	[smem:$0x3FA8] =	sst s4  }
0xd: {  	[smem:$0x3FA9] =	sst s5  }
0xe: {  	[smem:$0x3FAA] =	sst s6  }
0xf: {  	[smem:$0x3FAB] =	sst s7  }
0x10: {  	[smem:$0x3FAC] =	sst s8  }
0x11: {  	[smem:$0x3FAD] =	sst s9;
	s0 =	simm.s32 @!p0 $0x0  }
0x12: {  	s1 =	sld [smem:$0x3F93];
	s0 =	simm.s32 @p0 $0x1  }
0x13: {  	[smem:$0x3FAE] =	sst s0;
	s0 =	simm.s32 @!p1 $0x0  }
0x14: {  	s2 =	sld [smem:$0x3F92];
	s0 =	simm.s32 @p1 $0x1  }
0x15: {  	[smem:$0x3FAF] =	sst s0;
	s0 =	simm.s32 @!p2 $0x0  }
0x16: {  	s3 =	sld [smem:$0x3FDB];
	s0 =	simm.s32 @p2 $0x1  }
0x17: {  	s4 =	simm.s32 $0x1BF5;
	[smem:$0x3FB1] =	sst s0  }
0x18: {  	s0 =	sld [smem:$0x3F94];
	_ =	swait.ge [sflag:s4], $0x0  }
0x19: {  	s7 =	sld [smem:$0x3F95]  }
0x1a: {  	s8 =	sadd.s32 $0xFFFFE003, lr  }
0x1b: {  	s9 =	sadd.s32 $0xFFFFFEF7, lr;
	s5 =	simm.s32 $0xFFFFFFFF;
	p2 =	slt.u32 s8, $0xFFFFF086  }
0x1c: {  	p1 =	slt.u32 s9, $0xF7A;
	s5 =	simm.s32 @!p2 $0x0  }
0x1d: {  	s5 =	simm.s32 @p1 $0x1;
	p0 =	seq.s32 s7, s2  }
0x1e: {  	s7 =	smul.u32 @!p0 $0xF7A, s2;
	p2 =	seq.s32 @!p0 s5, $0x0  }
0x1f: {  	s9 =	smul.u32 $0xF7A, s1;
	s8 =	simm.s32 @!p0 $0x1BF5;
	p2 =	por !p2, p0  }
0x20: {  	[sflag:s8] =	ssyncset.s32 @!p0 $0xFFFFF086;
	s6 =	sadd.s32 @!p0 s3, s7;
	s7 =	simm.s32 @!p0 $0x108  }
0x21: {  	s3 =	sadd.s32 s3, s9;
	s6 =	sadd.s32 @!p0 $0x88, s6;
	s7 =	simm.s32 @p2 $0x1082  }
0x22: {  	[simem:s7], [sflag:s8] =	dma.local @!p0 [hbm:s6], $0xF7A  }
0x23: {  	s9 =	sor.u32 $0xD0000000, s2;
	s6 =	simm.s32 $0x108;
	_ =	swait.ge @!p0 [sflag:s8], $0x0  }
0x24: {  	s3 =	sadd.s32 $0x88, s3;
	s6 =	simm.s32 @!p1 $0x1082;
	[sflag:s4] =	ssyncset.s32 $0xFFFFF086  }
0x25: {  	[simem:s6], [sflag:s4] =	dma.local [hbm:s3], $0xF7A  }
0x26: {  	[smem:$0x3F95] =	sst s1;
	(tag) =	ssettag s2;
	_ =	strace s9  }
0x27: {  	s1 =	sld [smem:$0x3FA5]  }
0x28: {  	s2 =	sld [smem:$0x3FA6]  }
0x29: {  	s4 =	sld [smem:$0x3FA8]  }
0x2a: {  	p0 =	seq.s32 s5, $0x0;
	s5 =	sld [smem:$0x3FA9]  }
0x2b: {  	s6 =	sld [smem:$0x3FAA]  }
0x2c: {  	s7 =	sld [smem:$0x3FAB]  }
0x2d: {  	s3 =	simm.s32 $0x108;
	s8 =	sld [smem:$0x3FAC]  }
0x2e: {  	s3 =	simm.s32 @!p0 $0x1082;
	s9 =	sld [smem:$0x3FAD]  }
0x2f: {  	lr =	sadd.s32 s0, s3;
	s0 =	sld [smem:$0x3FA4]  }
0x30: {  	s3 =	sld [smem:$0x3FA7]  }
0x31: {  	[smem:$0x3FB0] =	sst s10  }
0x32: {  	s10 =	sld [smem:$0x3FAE];
	_ =	sdelay $0x3  }
0x33: {  	p0 =	seq.s32 s10, $0x1;
	s10 =	sld [smem:$0x3FB0];
	_ =	sdelay $0x3  }
0x34: {  	[smem:$0x3FB0] =	sst s10  }
0x35: {  	s10 =	sld [smem:$0x3FAF];
	_ =	sdelay $0x3  }
0x36: {  	p1 =	seq.s32 s10, $0x1;
	s10 =	sld [smem:$0x3FB0];
	_ =	sdelay $0x3  }
0x37: {  	[smem:$0x3FB0] =	sst s10  }
0x38: {  	s10 =	sld [smem:$0x3FB1]  }
0x39: {  	_ = 	snop;
	(pc) =	sbr.ind lr, $3  }
0x3a: {  	_ = 	snop  }
0x3b: {  	_ = 	snop  }
0x3c: {  	p2 =	seq.s32 s10, $0x1;
	s10 =	sld [smem:$0x3FB0]  }
0x3d: {  	_ =	shalt  }
0x3e: {  	_ =	shalt  }
0x3f: {  	_ =	shalt  }
0x40: {  	_ =	shalt  }
0x41: {  	_ =	shalt  }
0x42: {  	_ =	shalt  }
0x43: {  	_ =	shalt  }
0x44: {  	_ =	shalt  }
0x45: {  	_ =	shalt  }
0x46: {  	_ =	shalt  }
0x47: {  	_ =	shalt  }
0x48: {  	_ =	shalt  }
0x49: {  	_ =	shalt  }
0x4a: {  	_ =	shalt  }
0x4b: {  	_ =	shalt  }
0x4c: {  	_ =	shalt  }
0x4d: {  	_ =	shalt  }
0x4e: {  	_ =	shalt  }
0x4f: {  	_ =	shalt  }
0x50: {  	_ =	shalt  }
0x51: {  	_ =	shalt  }
0x52: {  	_ =	shalt  }
0x53: {  	_ =	shalt  }
0x54: {  	_ =	shalt  }
0x55: {  	_ =	shalt  }
0x56: {  	_ =	shalt  }
0x57: {  	_ =	shalt  }
0x58: {  	_ =	shalt  }
0x59: {  	_ =	shalt  }
0x5a: {  	_ =	shalt  }
0x5b: {  	_ =	shalt  }
0x5c: {  	_ =	shalt  }
0x5d: {  	_ =	shalt  }
0x5e: {  	_ =	shalt  }
0x5f: {  	_ =	shalt  }
0x60: {  	_ =	shalt  }
0x61: {  	_ =	shalt  }
0x62: {  	_ =	shalt  }
0x63: {  	_ =	shalt  }
0x64: {  	_ =	shalt  }
0x65: {  	_ =	shalt  }
0x66: {  	_ =	shalt  }
0x67: {  	_ =	shalt  }
0x68: {  	_ =	shalt  }
0x69: {  	_ =	shalt  }
0x6a: {  	_ =	shalt  }
0x6b: {  	_ =	shalt  }
0x6c: {  	_ =	shalt  }
0x6d: {  	_ =	shalt  }
0x6e: {  	_ =	shalt  }
0x6f: {  	_ =	shalt  }
0x70: {  	_ =	shalt  }
0x71: {  	_ =	shalt  }
0x72: {  	_ =	shalt  }
0x73: {  	_ =	shalt  }
0x74: {  	_ =	shalt  }
0x75: {  	_ =	shalt  }
0x76: {  	_ =	shalt  }
0x77: {  	_ =	shalt  }
0x78: {  	_ =	shalt  }
0x79: {  	_ =	shalt  }
0x7a: {  	_ =	shalt  }
0x7b: {  	_ =	shalt  }
0x7c: {  	_ =	shalt  }
0x7d: {  	_ =	shalt  }
0x7e: {  	_ =	shalt  }
0x7f: {  	_ =	shalt  }
0x80: {  	_ =	shalt  }
0x81: {  	_ =	shalt  }
0x82: {  	_ =	shalt  }
0x83: {  	_ =	shalt  }
0x84: {  	_ =	shalt  }
0x85: {  	_ =	shalt  }
0x86: {  	_ =	shalt  }
0x87: {  	_ =	shalt  }
.Lfunc_end0:
.L_simem_size_0:
called_computation_lowered:
.L_overlay_start_0:
0x88: {  	s2 =	sld [smem:$0x3FD9]  }
0x89: {  	s3 =	sld [smem:$0x3FFE];
	_ =	sdelay $0x1  }
0x8a: {  	s1 =	srdreg.scid  }
0x8b: {  	s0 =	sand.u32 $0x1, s1  }
0x8c: {  	s16 =	sshll.u32 s0, $0xA;
	s2 =	sadd.s32 s3, s2  }
0x8d: {  	s2 =	sadd.s32 s2, s16  }
0x8e: {  	[smem:$0x3FBC] =	sst s2  }
0x8f: {  	_ = 	snop  }
0x90: {  	(tm) =	ssettm $0x1  }
0x91: {  	s17 =	sld [smem:$0x3FFB];
	_ =	sdelay $0x3  }
0x92: {  	_ =	strace s17  }
0x93: {  	s2 =	sld [smem:$0x3FFC];
	_ =	sdelay $0x3  }
0x94: {  	_ =	strace s2  }
0x95: {  	s2 =	sld [smem:$0x3FFD];
	_ =	sdelay $0x3  }
0x96: {  	_ =	strace s2  }
0x97: {  	_ =	strace $0x8FFFFFFF  }
0x98: {  	s18 =	sld [smem:$0x3FDB];
	_ =	sdelay $0x1  }
0x99: {  	s19 =	simm.s32 $_scs_section_size  }
0x9a: {  	s4 =	simm.s32 $_size__tile_overlayer_lowered;
	s5 =	simm.s32 $_tile_overlayer_lowered  }
0x9b: {  	s22 =	simm.s32 $0x1BFF;
	s21 =	sshll.u32 s5, $0x1;
	s2 =	sadd.s32 s19, s18  }
0x9c: {  	s6 =	simm.s32 $0x0;
	s20 =	sshll.u32 s4, $0x1;
	s4 =	sadd.s32 s21, s2  }
0x9d: {  	[timem:s6], [sflag:s22] =	dma.local [hbm:s4], s20  }
0x9e: {  	_ =	swait.ge [sflag:s22], s20  }
0x9f: {  	s3 =	ssub.s32 $0x0, s20;
	[sflag:s22] =	ssyncset.done $0x0  }
0xa0: {  	[sflag:s22] =	ssyncadd.s32 s3;
	_ =	sdelay $0x1  }
0xa1: {  	s23 =	simm.s32 $0x1B8B  }
0xa2: {  	_ =	swait.ge [sflag:s23], $0x1  }
0xa3: {  	[sflag:s23] =	ssyncset.done $0x0  }
0xa4: {  	s25 =	simm.s32 $0x1B8E;
	s24 =	sld [smem:$0x3FFE];
	[sflag:s23] =	ssyncadd.s32 $0xFFFFFFFF  }
0xa5: {  	s26 =	simm.s32 $execute0_lowered;
	[smem:$0x3FD2] =	sst s25  }
0xa6: {  	s4 =	sshll.u32 s26, $0x1;
	_ =	strace $0x80000046;
	[dreg:$0x1] =	wrdreg $0xFFFFFFFF  }
0xa7: {  	s28 =	simm.s32 $_size_execute0_lowered;
	s2 =	sadd.s32 s2, s4;
	[dreg:$0x0] =	wrdreg $0x0  }
0xa8: {  	s4 =	sshll.u32 s28, $0x1;
	[dreg:$0x2] =	wrdreg s2  }
0xa9: {  	[dreg:$0x3] =	wrdreg s4  }
0xaa: {  	[dreg:$0x4] =	wrdreg $0xC0  }
0xab: {  	_ =	task [dreg:s6], $0x5FFFF  }
0xac: {  	[dreg:$0x1] =	wrdreg $0xFFFFFFFF  }
0xad: {  	[dreg:$0x0] =	wrdreg $0x60  }
0xae: {  	[dreg:$0x2] =	wrdreg s24  }
0xaf: {  	[dreg:$0x3] =	wrdreg $0x9  }
0xb0: {  	_ =	task.clear_ibuf [dreg:s6], $0x4FFFF;
	_ =	strace $0x90000046  }
0xb1: {  	s29 =	simm.s32 $0x9;
	_ =	strace $0x80000048  }
0xb2: {  	_ =	swait.ge [sflag:s29], $0x1  }
0xb3: {  	[sflag:s29] =	ssyncadd.s32 $0xFFFFFFFF  }
0xb4: {  	_ =	strace $0x90000048  }
0xb5: {  	_ =	sfence  }
0xb6: {  	s30 =	sld [smem:$0x0];
	_ =	sdelay $0x2  }
0xb7: {  	s31 =	sshll.u32 s1, $0xD;
	s1 =	sshrl.u32 s1, $0x2  }
0xb8: {  	s3 =	sand.u32 $0x4000, s31;
	s1 =	sadd.s32 s1, s30  }
0xb9: {  	s0 =	sor.u32 s3, s0;
	s1 =	sshll.u32 s1, $0x11  }
0xba: {  	s0 =	sor.u32 s1, s0  }
0xbb: {  	s0 =	sadd.s32 $0x8F2B, s0  }
0xbc: {  	[sflag:s0] =	ssyncadd.remote.s32 $0x1  }
0xbd: {  	_ =	sfence.sel $0xFFFF  }
0xbe: {  	[dreg:$0x0] =	wrdreg $0xFFFFFFFF;
	(pc) =	sbr.abs _section_cstart, $3  }
0xbf: {  	[dreg:$0x1] =	wrdreg $0xFFFFFFFF  }
0xc0: {  	_ =	task.clear_ibuf [dreg:s6], $0x2FFFF;
	_ =	strace $0x9FFFFFFF  }
0xc1: {  	(tm) =	ssettm $0x7FFFFFFF  }
tec
execute0_lowered:
.L_overlay_start_1:
0x0: {  	(tag) =	ssettag $0x1  }
0x1: {  	s0 =	rddreg [dreg:$0x0];
	s1 =	srdreg.scid  }
0x2: {  	s4 =	stileid.u32;
	s2 =	simm.s32 $0x0;
	s13 =	simm.s32 $0x3  }
0x3: {  	s15 =	simm.s32 $0x1080;
	s16 =	simm.s32 $0x1;
	s17 =	simm.s32 $0x9080  }
0x4: {  	s18 =	simm.s32 $0x2;
	s21 =	simm.s32 $0x0;
	s1 =	sand.u32 $0x1, s1  }
0x5: {  	s4 =	sshll.u32 s4, $0x6;
	[smem:$0x7FF] =	sst s2;
	s5 =	sadd.s32 $0x1001E00, s0  }
0x6: {  	s9 =	sadd.s32 $0x4E00, s0;
	s3 =	sshll.u32 s1, $0xA;
	_ =	strace $0x80000047  }
0x7: {  	s1 =	ssub.s32 $0x2, s1;
	s6 =	sor.u32 s4, s3;
	s4 =	sadd.s32 $0x1C00, s0  }
0x8: {  	s8 =	sshrl.u32 s1, $0x1;
	s3 =	sshll.u32 s6, $0xA;
	s6 =	sshrl.u32 s6, $0x3  }
0x9: {  	v0 =	vlaneseq.u32;
	s1 =	ssub.s32 s1, s8;
	s8 =	sadd.s32 $0x3E00, s0;
	s7 =	sadd.s32 s3, s0  }
0xa: {  	v0 =	vand.u32 $0x7, v0;
	s11 =	sadd.s32 s6, s0;
	s12 =	smax.u32 s1, $0x1;
	s6 =	sadd.s32 $0x1E00, s7  }
0xb: {  	vm0 =	vmmov $0xff;
	v0 =	vmul.u32 $0x2, v0;
	s7 =	sadd.s32 $0x2E00, s0;
	s10 =	sadd.s32 $0x1002000, s11;
	s11 =	sadd.s32 $0x1002200, s11  }
.LBB2_1:
0xc: {  	[tilespmem:s2], [sflag:$0x3] =	stream.linear.gather [hbm4b:s4+s2], $0x1000, $0x38;
	[tilespmem:$0x11180] =	vst v63  }
0xd: {  	_ =	swait.ge [sflag:s13], $0x1000  }
0xe: {  	[sflag:s13] =	ssyncset.done $0x0  }
0xf: {  	s0 =	simm.s32 $0x1000;
	[sflag:s13] =	ssyncadd.s32 $0xFFFFF000  }
0x10: {  	[tilespmem:s0], [sflag:$0x3] =	stream.linear.gather [hbm4b:s5+s2], $0x80, $0x38;
	[tilespmem:$0x11180] =	vst v63  }
0x11: {  	_ =	swait.ge [sflag:s13], $0x80  }
0x12: {  	[sflag:s13] =	ssyncset.done $0x0  }
0x13: {  	[sflag:s13] =	ssyncadd.s32 $0xFFFFFF80  }
0x14: {  	v1 =	vld [tilespmem:$0x1000];
	_ =	sdelay $0x4  }
0x15: {  	v2 =	vbroadcast v1, $0x0  }
0x16: {  	[tilespmem:s15], [sflag:$0x1] =	stream.linear.gather [hbm4b:s6+s2], $0x8000, $0x38;
	v1 =	vbroadcast v1, $0x1;
	[tilespmem:$0x11180] =	vst v63  }
0x17: {  	[tilespmem:$0x1FFE0] =	vst v2  }
0x18: {  	s22 =	simm.s32 $0x0;
	[tilespmem:$0x1FFF0] =	vst v1  }
.LBB2_2:
0x19: {  	s23 =	sshll.u32 s22, $0xE;
	_ =	swait.ge [sflag:s16], $0x8000  }
0x1a: {  	[sflag:s16] =	ssyncset.done $0x0;
	s24 =	sor.u32 s3, s23  }
0x1b: {  	s1 =	simm.s32 $0x0;
	[sflag:s16] =	ssyncadd.s32 $0xFFFF8000;
	s0 =	sadd.s32 s24, s7  }
0x1c: {  	[tilespmem:s17], [sflag:$0x2] =	stream.linear.gather [hbm4b:s0+s1], $0x8000, $0x38;
	[tilespmem:$0x11180] =	vst v63  }
0x1d: {  	s0 =	simm.s32 $0x7110  }
0x1e: {  	v11 =	vld [tilespmem:s0+$0xFFFFFF70]  }
0x1f: {  	v8 =	vld [tilespmem:s0+$0xFFFFDFF0]  }
0x20: {  	v4 =	vld [tilespmem:s0+$0xFFFFC000]  }
0x21: {  	v5 =	vld [tilespmem:s0+$0xFFFFA000]  }
0x22: {  	v10 =	vld [tilespmem:s0+$0xFFFFFF80]  }
0x23: {  	s14 =	simm.s32 $0x0;
	v1 =	vld [tilespmem:s0+$0xFFFFDF80]  }
0x24: {  	s14 =	sand.u32 $0x40, s14;
	s25 =	sand.u32 $0xF00, s1;
	v12 =	vld [tilespmem:s0+$0xFFFFFFF0]  }
0x25: {  	s14 =	sor.u32 s14, s25;
	v2 =	vld [tilespmem:s0+$0xFFFF9F80]  }
0x26: {  	v7 =	vld [tilespmem:s14+$0x10]  }
0x27: {  	p0 =	por $0x0, $0x0;
	s26 =	simm.s32 $0x1;
	v16 =	vld [tilespmem:s0+$0xFFFFBF80]  }
0x28: {  	s26 =	simm.s32 @!p0 $0x0;
	s1 =	sand.u32 $0x3, s1;
	v20 =	vld [tilespmem:s0+$0xFFFFBF70]  }
0x29: {  	s26 =	sshll.u32 s26, $0x6;
	s1 =	sshll.u32 s1, $0x5;
	v21 =	vld [tilespmem:s0+$0xFFFF9F70]  }
0x2a: {  	s26 =	sadd.s32 $0x0, s26;
	v13 =	vld [tilespmem:s14+$0x0];
	s1 =	sadd.s32 $0x0, s1  }
0x2b: {  	s19 =	sor.u32 $0x80, s26;
	v3 =	vld [tilespmem:s0+$0xFFFF9FF0];
	s28 =	sadd.s32 $0x20, s1  }
0x2c: {  	s29 =	sadd.s32 $0x10, s26;
	v34 =	vld [tilespmem:s19+$0x0];
	s28 =	sor.u32 $0x80, s28  }
0x2d: {  	v6 =	vld [tilespmem:s28+$0x0];
	s28 =	sor.u32 $0x80, s29  }
0x2e: {  	s20 =	simm.s32 $0x20;
	v38 =	vimm.f32 $0.0e+00;
	v28 =	vld [tilespmem:s28+$0x0]  }
0x2f: {  	v36 =	vimm.f32 $0.0e+00;
	s31 =	sand.u32 $0x60, s20;
	v23 =	vld [tilespmem:s0+$0xFFFFE000];
	v15 =	vmul.f32 v10, v7;
	v19 =	vmul.f32 v1, v7  }
0x30: {  	v31 =	vimm.f32 $0.0e+00;
	s14 =	sor.u32 s31, s25;
	v37 =	vld [tilespmem:s0+$0xFFFFDF70];
	s1 =	sadd.s32 $0x30, s1;
	v33 =	vmul.f32 v2, v7;
	v26 =	vmul.f32 v16, v7  }
0x31: {  	v35 =	vimm.f32 $0.0e+00;
	v27 =	vld [tilespmem:s14+$0x0];
	s1 =	sor.u32 $0x80, s1;
	v41 =	vmul.f32 v21, v13;
	v40 =	vmul.f32 v11, v13  }
0x32: {  	v30 =	vimm.f32 $0.0e+00;
	v18 =	vld [tilespmem:s1+$0x0];
	v24 =	vmul.f32 v21, v34;
	v39 =	vmul.f32 v20, v34  }
0x33: {  	v22 =	vimm.f32 $0.0e+00;
	v7 =	vld [tilespmem:s0+$0xFFFFBFF0];
	v17 =	vmul.f32 v2, v28;
	v2 =	vmul.f32 v20, v13  }
0x34: {  	s30 =	simm.s32 $0x60;
	p0 =	por !p0, !p0;
	s25 =	simm.s32 $0x0;
	v21 =	vld [tilespmem:s14+$0x10];
	v14 =	vmul.f32 v8, v6;
	v25 =	vmul.f32 v16, v28;
	v16 =	vimm.f32 $0.0e+00  }
0x35: {  	s26 =	simm.s32 $0x80;
	s29 =	simm.s32 $0x7210;
	s28 =	simm.s32 $0x2;
	v9 =	vmul.f32 v12, v6;
	v29 =	vmul.f32 v1, v28;
	v20 =	vld [tilespmem:s0+$0x0];
	v32 =	vadd.f32 v2, v16  }
.LBB2_3:
0x36: {  	s0 =	simm.s32 $0x1  }
0x37: {  	s1 =	sadd.s32 $0xFFFFFFE0, s30;
	v1 =	vld [tilespmem:s29+$0xFFFFFF70];
	s14 =	sand.u32 $0x60, s30;
	v2 =	vadd.f32 v41, v16;
	v16 =	vmul.f32 v8, v27;
	v41 =	vmul.f32 v12, v27;
	s0 =	simm.s32 @!p0 $0x0  }
0x38: {  	s31 =	sand.u32 $0xF00, s26;
	v12 =	vadd.f32 v40, v38;
	v38 =	vmul.f32 v11, v34;
	v40 =	vmul.f32 v3, v27;
	s1 =	sand.u32 $0x40, s1;
	s0 =	sshll.u32 s0, $0x6;
	v8 =	vld [tilespmem:s29+$0xFFFFDFF0]  }
0x39: {  	v36 =	vadd.f32 v39, v36;
	s1 =	sor.u32 s1, s31;
	s31 =	sor.u32 s14, s31;
	v44 =	vmul.f32 v37, v13;
	v13 =	vmul.f32 v37, v34;
	s19 =	sadd.s32 s0, s26;
	v42 =	vld [tilespmem:s29+$0xFFFFC000]  }
0x3a: {  	v28 =	vmul.f32 v10, v28;
	s14 =	sand.u32 $0x3, s28;
	v2 =	vadd.f32 v33, v2;
	v33 =	vmul.f32 v23, v18;
	s0 =	sor.u32 $0x80, s19;
	s19 =	sadd.s32 $0x10, s19;
	v34 =	vld [tilespmem:s29+$0xFFFFA000]  }
0x3b: {  	s25 =	sadd.s32 $0x2, s25;
	v39 =	vmul.f32 v5, v18;
	s20 =	sshll.u32 s14, $0x5;
	v31 =	vadd.f32 v44, v31;
	v13 =	vadd.f32 v13, v35;
	s14 =	sor.u32 $0x80, s19;
	v37 =	vld [tilespmem:s29+$0xFFFF9FF0]  }
0x3c: {  	v27 =	vmul.f32 v7, v27;
	v43 =	vmul.f32 v4, v18;
	p1 =	slt.u32 s25, $0x3E;
	v15 =	vadd.f32 v15, v12;
	s19 =	sadd.s32 s20, s26;
	v11 =	vmovc v1;
	v35 =	vld [tilespmem:s29+$0xFFFFBFF0]  }
0x3d: {  	v2 =	vadd.f32 v40, v2;
	s20 =	sadd.s32 $0x20, s19;
	s19 =	sadd.s32 $0x30, s19;
	v1 =	vadd.f32 v19, v31;
	v19 =	vmul.f32 v5, v21;
	v10 =	vld [tilespmem:s29+$0xFFFFFF80]  }
0x3e: {  	v26 =	vadd.f32 v26, v32;
	v30 =	vadd.f32 v38, v30;
	v18 =	vmul.f32 v20, v18;
	s20 =	sor.u32 $0x80, s20;
	v40 =	vld [tilespmem:s29+$0xFFFFDF80]  }
0x3f: {  	v13 =	vadd.f32 v29, v13;
	v29 =	vmul.f32 v3, v6;
	v1 =	vadd.f32 v16, v1;
	v12 =	vld [tilespmem:s29+$0xFFFFFFF0];
	v5 =	vmovc v34  }
0x40: {  	v25 =	vadd.f32 v25, v36;
	v28 =	vadd.f32 v28, v30;
	v6 =	vmul.f32 v7, v6;
	v32 =	vld [tilespmem:s29+$0xFFFF9F80];
	v3 =	vmovc v37  }
0x41: {  	v16 =	vadd.f32 v19, v2;
	v2 =	vmul.f32 v23, v21;
	v13 =	vadd.f32 v14, v13;
	v37 =	vld [tilespmem:s1+$0x10];
	v7 =	vmovc v35  }
0x42: {  	v20 =	vmul.f32 v20, v21;
	v14 =	vadd.f32 v24, v22;
	v19 =	vadd.f32 v6, v25;
	v23 =	vld [tilespmem:s29+$0xFFFFBF80]  }
0x43: {  	s19 =	sor.u32 $0x80, s19;
	v21 =	vmul.f32 v4, v21;
	v4 =	vmovc v42;
	v31 =	vadd.f32 v2, v1;
	v1 =	vadd.f32 v41, v15;
	v44 =	vld [tilespmem:s29+$0xFFFFBF70]  }
0x44: {  	v2 =	vadd.f32 v17, v14;
	v36 =	vadd.f32 v43, v19;
	v6 =	vld [tilespmem:s20+$0x0]  }
0x45: {  	v9 =	vadd.f32 v9, v28;
	v14 =	vadd.f32 v27, v26;
	v24 =	vld [tilespmem:s29+$0xFFFF9F70]  }
0x46: {  	v35 =	vadd.f32 v33, v13;
	v2 =	vadd.f32 v29, v2;
	v28 =	vld [tilespmem:s14+$0x0];
	v15 =	vmul.f32 v10, v37  }
0x47: {  	v30 =	vadd.f32 v18, v9;
	v21 =	vadd.f32 v21, v14;
	v19 =	vmul.f32 v40, v37;
	v13 =	vld [tilespmem:s1+$0x0]  }
0x48: {  	v38 =	vadd.f32 v20, v1;
	v22 =	vadd.f32 v39, v2;
	v18 =	vld [tilespmem:s19+$0x0]  }
0x49: {  	v33 =	vmul.f32 v32, v37;
	v26 =	vmul.f32 v23, v37;
	v34 =	vld [tilespmem:s0+$0x0]  }
.Ltmp0:
0x4a: {  	v14 =	vmul.f32 v8, v6;
	v9 =	vmul.f32 v12, v6;
	v27 =	vld [tilespmem:s31+$0x0];
	(pc) =	sbr.rel @p1 .LBB2_3-.Ltmp0, $4  }
0x4b: {  	v17 =	vmul.f32 v32, v28;
	v25 =	vmul.f32 v23, v28;
	v23 =	vld [tilespmem:s29+$0xFFFFE000]  }
0x4c: {  	v41 =	vmul.f32 v24, v13;
	v1 =	vmul.f32 v44, v13;
	v37 =	vld [tilespmem:s29+$0xFFFFDF70]  }
0x4d: {  	s28 =	sadd.s32 $0x2, s28;
	s26 =	sadd.s32 $0x80, s26;
	v29 =	vmul.f32 v40, v28;
	v40 =	vmul.f32 v11, v13;
	v20 =	vld [tilespmem:s29+$0x0]  }
0x4e: {  	s30 =	sadd.s32 $0x40, s30;
	p0 =	por !p0, !p0;
	s29 =	sadd.s32 $0x100, s29;
	v24 =	vmul.f32 v24, v34;
	v32 =	vadd.f32 v1, v21;
	v39 =	vmul.f32 v44, v34;
	v21 =	vld [tilespmem:s31+$0x10]  }
0x4f: {  	_ =	swait.ge [sflag:s18], $0x8000  }
0x50: {  	s0 =	sadd.s32 s24, s8;
	[sflag:s18] =	ssyncset.done $0x0  }
0x51: {  	s1 =	simm.s32 $0x0;
	s26 =	simm.s32 $0xF110;
	[sflag:s18] =	ssyncadd.s32 $0xFFFF8000  }
0x52: {  	v2 =	vmul.f32 v8, v27;
	[tilespmem:s15], [sflag:$0x1] =	stream.linear.gather [hbm4b:s0+s1], $0x8000, $0x38;
	[tilespmem:$0x11180] =	vst v63  }
0x53: {  	v1 =	vadd.f32 v41, v16;
	v49 =	vmul.f32 v12, v27;
	v51 =	vmul.f32 v11, v34;
	v16 =	vld [tilespmem:s26+$0xFFFFFF70]  }
0x54: {  	v53 =	vmul.f32 v3, v27;
	v50 =	vmul.f32 v37, v13;
	v13 =	vld [tilespmem:s26+$0xFFFFDFF0]  }
0x55: {  	v8 =	vadd.f32 v40, v38;
	v10 =	vmul.f32 v10, v28;
	v56 =	vmul.f32 v5, v18;
	v12 =	vld [tilespmem:s26+$0xFFFFC000]  }
0x56: {  	v27 =	vmul.f32 v7, v27;
	v59 =	vmul.f32 v4, v18;
	v11 =	vld [tilespmem:s26+$0xFFFFA000]  }
0x57: {  	v47 =	vimm.f32 $0.0e+00;
	v22 =	vadd.f32 v24, v22;
	v54 =	vadd.f32 v15, v8;
	v15 =	vld [tilespmem:s26+$0xFFFFFF80]  }
0x58: {  	v45 =	vimm.f32 $0.0e+00;
	v40 =	vimm.f32 $0.0e+00;
	v1 =	vadd.f32 v33, v1;
	v58 =	vld [tilespmem:s26+$0xFFFFBF80]  }
0x59: {  	s25 =	simm.s32 $0x0;
	v36 =	vadd.f32 v39, v36;
	v52 =	vmul.f32 v37, v34;
	v61 =	vadd.f32 v17, v22;
	v60 =	vld [tilespmem:s26+$0xFFFFBF70]  }
0x5a: {  	p0 =	por $0x0, $0x0;
	s14 =	sand.u32 $0x40, s25;
	s0 =	sand.u32 $0xF00, s1;
	v31 =	vadd.f32 v50, v31;
	v1 =	vadd.f32 v53, v1;
	v57 =	vmul.f32 v5, v21;
	v17 =	vld [tilespmem:s26+$0xFFFF9FF0]  }
0x5b: {  	s19 =	simm.s32 $0x1;
	v55 =	vmul.f32 v23, v18;
	s1 =	sand.u32 $0x3, s1;
	v18 =	vmul.f32 v20, v18;
	v28 =	vadd.f32 v52, v35;
	s14 =	sor.u32 s14, s0;
	v22 =	vld [tilespmem:s26+$0xFFFFBFF0]  }
0x5c: {  	s19 =	simm.s32 @!p0 $0x0;
	s1 =	sshll.u32 s1, $0x5;
	v62 =	vmul.f32 v20, v21;
	v20 =	vld [tilespmem:s14+$0x0];
	v8 =	vadd.f32 v19, v31;
	v1 =	vadd.f32 v57, v1  }
0x5d: {  	v44 =	vimm.f32 $0.0e+00;
	v26 =	vadd.f32 v26, v32;
	v30 =	vadd.f32 v51, v30;
	s19 =	sshll.u32 s19, $0x6;
	s1 =	sadd.s32 $0x0, s1;
	v31 =	vld [tilespmem:s26+$0xFFFFDF80]  }
0x5e: {  	s19 =	sadd.s32 $0x0, s19;
	v28 =	vadd.f32 v29, v28;
	v29 =	vld [tilespmem:s26+$0xFFFF9F80];
	s20 =	sadd.s32 $0x20, s1;
	v2 =	vadd.f32 v2, v8;
	[tilespmem:$0x1FF80] =	vst v1;
	v1 =	vmul.f32 v23, v21  }
0x5f: {  	v10 =	vadd.f32 v10, v30;
	v30 =	vmul.f32 v7, v6;
	s25 =	sadd.s32 $0x10, s19;
	s20 =	sor.u32 $0x80, s20;
	v8 =	vadd.f32 v25, v36;
	v25 =	vld [tilespmem:s14+$0x10]  }
0x60: {  	v39 =	vimm.f32 $0.0e+00;
	s31 =	sor.u32 $0x80, s25;
	v23 =	vadd.f32 v14, v28;
	v14 =	vld [tilespmem:s20+$0x0];
	v1 =	vadd.f32 v1, v2  }
0x61: {  	v63 =	vadd.f32 v27, v26;
	v36 =	vld [tilespmem:s31+$0x0];
	v21 =	vmul.f32 v4, v21;
	v24 =	vadd.f32 v30, v8  }
0x62: {  	v32 =	vld [tilespmem:s26+$0xFFFFE000];
	v10 =	vadd.f32 v9, v10;
	s20 =	sor.u32 $0x80, s19;
	v2 =	vadd.f32 v49, v54;
	[tilespmem:$0x1FF90] =	vst v1;
	v1 =	vmul.f32 v3, v6  }
0x63: {  	v43 =	vld [tilespmem:s20+$0x0];
	v9 =	vadd.f32 v21, v63;
	v49 =	vmul.f32 v16, v20;
	v3 =	vadd.f32 v59, v24  }
0x64: {  	s25 =	simm.s32 $0x20;
	v30 =	vld [tilespmem:s26+$0xFFFF9F70];
	v27 =	vmul.f32 v31, v25;
	v41 =	vmul.f32 v29, v25;
	v1 =	vadd.f32 v1, v61  }
0x65: {  	v19 =	vld [tilespmem:s26+$0xFFFFFFF0];
	s31 =	sand.u32 $0x60, s25;
	v35 =	vmul.f32 v58, v25;
	v26 =	vmul.f32 v13, v14;
	[tilespmem:$0x1FFA0] =	vst v3;
	v3 =	vadd.f32 v55, v23  }
0x66: {  	v46 =	vld [tilespmem:s26+$0xFFFFDF70];
	s1 =	sadd.s32 $0x30, s1;
	s0 =	sor.u32 s31, s0;
	v34 =	vmul.f32 v58, v36;
	v38 =	vmul.f32 v31, v36;
	v1 =	vadd.f32 v56, v1  }
0x67: {  	s1 =	sor.u32 $0x80, s1;
	v37 =	vld [tilespmem:s0+$0x0];
	v21 =	vimm.f32 $0.0e+00;
	v23 =	vmul.f32 v15, v25;
	v25 =	vmul.f32 v29, v36;
	[tilespmem:$0x1FFB0] =	vst v3  }
0x68: {  	v28 =	vld [tilespmem:s1+$0x0];
	v48 =	vmul.f32 v60, v43;
	v3 =	vadd.f32 v18, v10;
	[tilespmem:$0x1FFD0] =	vst v1;
	v1 =	vmul.f32 v60, v20  }
0x69: {  	s28 =	simm.s32 $0x2;
	s29 =	simm.s32 $0xF210;
	s30 =	simm.s32 $0x60;
	v31 =	vimm.f32 $0.0e+00;
	v29 =	vld [tilespmem:s26+$0x0];
	v24 =	vmul.f32 v30, v20;
	v33 =	vmul.f32 v30, v43  }
0x6a: {  	p0 =	por !p0, !p0;
	s25 =	simm.s32 $0x0;
	s26 =	simm.s32 $0x80;
	v30 =	vld [tilespmem:s0+$0x10];
	v18 =	vmul.f32 v19, v14;
	v10 =	vadd.f32 v62, v2;
	[tilespmem:$0x1FFC0] =	vst v3;
	v42 =	vadd.f32 v1, v21  }
.LBB2_5:
0x6b: {  	s0 =	simm.s32 $0x1  }
0x6c: {  	s1 =	sadd.s32 $0xFFFFFFE0, s30;
	v1 =	vld [tilespmem:s29+$0xFFFFFF70];
	s14 =	sand.u32 $0x60, s30;
	v2 =	vadd.f32 v24, v21;
	v21 =	vmul.f32 v13, v37;
	v24 =	vmul.f32 v19, v37;
	s0 =	simm.s32 @!p0 $0x0  }
0x6d: {  	s19 =	sand.u32 $0xF00, s26;
	v19 =	vadd.f32 v49, v47;
	v47 =	vmul.f32 v16, v43;
	v49 =	vmul.f32 v17, v37;
	s1 =	sand.u32 $0x40, s1;
	s0 =	sshll.u32 s0, $0x6;
	v13 =	vld [tilespmem:s29+$0xFFFFDFF0]  }
0x6e: {  	s31 =	sor.u32 s14, s19;
	v45 =	vadd.f32 v48, v45;
	s1 =	sor.u32 s1, s19;
	v3 =	vmul.f32 v46, v20;
	v20 =	vmul.f32 v46, v43;
	s20 =	sadd.s32 s0, s26;
	v50 =	vld [tilespmem:s29+$0xFFFFC000]  }
0x6f: {  	v36 =	vmul.f32 v15, v36;
	s14 =	sand.u32 $0x3, s28;
	v2 =	vadd.f32 v41, v2;
	v41 =	vmul.f32 v32, v28;
	s0 =	sor.u32 $0x80, s20;
	s19 =	sadd.s32 $0x10, s20;
	v43 =	vld [tilespmem:s29+$0xFFFFA000]  }
0x70: {  	s25 =	sadd.s32 $0x2, s25;
	v48 =	vmul.f32 v11, v28;
	s20 =	sshll.u32 s14, $0x5;
	v40 =	vadd.f32 v3, v40;
	v20 =	vadd.f32 v20, v44;
	s14 =	sor.u32 $0x80, s19;
	v46 =	vld [tilespmem:s29+$0xFFFF9FF0]  }
0x71: {  	v37 =	vmul.f32 v22, v37;
	v51 =	vmul.f32 v12, v28;
	p1 =	slt.u32 s25, $0x3E;
	v23 =	vadd.f32 v23, v19;
	s19 =	sadd.s32 s20, s26;
	v16 =	vmovc v1;
	v44 =	vld [tilespmem:s29+$0xFFFFBFF0]  }
0x72: {  	v2 =	vadd.f32 v49, v2;
	s20 =	sadd.s32 $0x20, s19;
	s19 =	sadd.s32 $0x30, s19;
	v1 =	vadd.f32 v27, v40;
	v27 =	vmul.f32 v11, v30;
	v15 =	vld [tilespmem:s29+$0xFFFFFF80]  }
0x73: {  	v35 =	vadd.f32 v35, v42;
	v39 =	vadd.f32 v47, v39;
	v28 =	vmul.f32 v29, v28;
	s20 =	sor.u32 $0x80, s20;
	v49 =	vld [tilespmem:s29+$0xFFFFDF80]  }
0x74: {  	v20 =	vadd.f32 v38, v20;
	v38 =	vmul.f32 v17, v14;
	v1 =	vadd.f32 v21, v1;
	v19 =	vld [tilespmem:s29+$0xFFFFFFF0];
	v11 =	vmovc v43  }
0x75: {  	v34 =	vadd.f32 v34, v45;
	v36 =	vadd.f32 v36, v39;
	v14 =	vmul.f32 v22, v14;
	v42 =	vld [tilespmem:s29+$0xFFFF9F80];
	v17 =	vmovc v46  }
0x76: {  	v21 =	vadd.f32 v27, v2;
	v2 =	vmul.f32 v32, v30;
	v20 =	vadd.f32 v26, v20;
	v46 =	vld [tilespmem:s1+$0x10];
	v22 =	vmovc v44  }
0x77: {  	v29 =	vmul.f32 v29, v30;
	v26 =	vadd.f32 v33, v31;
	v27 =	vadd.f32 v14, v34;
	v32 =	vld [tilespmem:s29+$0xFFFFBF80]  }
0x78: {  	s19 =	sor.u32 $0x80, s19;
	v30 =	vmul.f32 v12, v30;
	v12 =	vmovc v50;
	v40 =	vadd.f32 v2, v1;
	v1 =	vadd.f32 v24, v23;
	v52 =	vld [tilespmem:s29+$0xFFFFBF70]  }
0x79: {  	v2 =	vadd.f32 v25, v26;
	v45 =	vadd.f32 v51, v27;
	v14 =	vld [tilespmem:s20+$0x0]  }
0x7a: {  	v18 =	vadd.f32 v18, v36;
	v24 =	vadd.f32 v37, v35;
	v33 =	vld [tilespmem:s29+$0xFFFF9F70]  }
0x7b: {  	v44 =	vadd.f32 v41, v20;
	v2 =	vadd.f32 v38, v2;
	v36 =	vld [tilespmem:s14+$0x0];
	v23 =	vmul.f32 v15, v46  }
0x7c: {  	v39 =	vadd.f32 v28, v18;
	v30 =	vadd.f32 v30, v24;
	v27 =	vmul.f32 v49, v46;
	v20 =	vld [tilespmem:s1+$0x0]  }
0x7d: {  	v47 =	vadd.f32 v29, v1;
	v31 =	vadd.f32 v48, v2;
	v28 =	vld [tilespmem:s19+$0x0]  }
0x7e: {  	v41 =	vmul.f32 v42, v46;
	v35 =	vmul.f32 v32, v46;
	v43 =	vld [tilespmem:s0+$0x0]  }
.Ltmp1:
0x7f: {  	v26 =	vmul.f32 v13, v14;
	v18 =	vmul.f32 v19, v14;
	v37 =	vld [tilespmem:s31+$0x0];
	(pc) =	sbr.rel @p1 .LBB2_5-.Ltmp1, $4  }
0x80: {  	v25 =	vmul.f32 v42, v36;
	v34 =	vmul.f32 v32, v36;
	v32 =	vld [tilespmem:s29+$0xFFFFE000]  }
0x81: {  	v24 =	vmul.f32 v33, v20;
	v1 =	vmul.f32 v52, v20;
	v46 =	vld [tilespmem:s29+$0xFFFFDF70]  }
0x82: {  	s28 =	sadd.s32 $0x2, s28;
	s26 =	sadd.s32 $0x80, s26;
	v38 =	vmul.f32 v49, v36;
	v49 =	vmul.f32 v16, v20;
	v29 =	vld [tilespmem:s29+$0x0]  }
0x83: {  	s30 =	sadd.s32 $0x40, s30;
	p0 =	por !p0, !p0;
	s29 =	sadd.s32 $0x100, s29;
	v33 =	vmul.f32 v33, v43;
	v42 =	vadd.f32 v1, v30;
	v48 =	vmul.f32 v52, v43;
	v30 =	vld [tilespmem:s31+$0x10]  }
0x84: {  	_ =	swait.ge [sflag:s16], $0x8000  }
0x85: {  	s0 =	sadd.s32 s24, s9;
	[sflag:s16] =	ssyncset.done $0x0  }
0x86: {  	s1 =	simm.s32 $0x0;
	s25 =	simm.s32 $0x7110;
	[sflag:s16] =	ssyncadd.s32 $0xFFFF8000  }
0x87: {  	[tilespmem:s17], [sflag:$0x2] =	stream.linear.gather [hbm4b:s0+s1], $0x8000, $0x38;
	[tilespmem:$0x11180] =	vst v63  }
0x88: {  	v1 =	vadd.f32 v24, v21;
	v2 =	vmul.f32 v13, v37;
	v13 =	vmul.f32 v19, v37;
	v24 =	vld [tilespmem:s25+$0xFFFFFF70]  }
0x89: {  	v16 =	vmul.f32 v16, v43;
	v19 =	vmul.f32 v46, v20;
	v21 =	vld [tilespmem:s25+$0xFFFFDFF0]  }
0x8a: {  	v47 =	vadd.f32 v49, v47;
	v51 =	vmul.f32 v17, v37;
	v15 =	vmul.f32 v15, v36;
	v20 =	vld [tilespmem:s25+$0xFFFFC000]  }
0x8b: {  	v56 =	vmul.f32 v11, v28;
	v58 =	vmul.f32 v22, v37;
	v40 =	vadd.f32 v19, v40;
	v19 =	vld [tilespmem:s25+$0xFFFFA000]  }
0x8c: {  	v45 =	vadd.f32 v48, v45;
	v54 =	vmul.f32 v32, v28;
	v53 =	vadd.f32 v23, v47;
	v23 =	vld [tilespmem:s25+$0xFFFFFF80]  }
0x8d: {  	v35 =	vadd.f32 v35, v42;
	v50 =	vmul.f32 v46, v43;
	v1 =	vadd.f32 v41, v1;
	v55 =	vld [tilespmem:s25+$0xFFFFDF80]  }
0x8e: {  	p0 =	por $0x0, $0x0;
	s19 =	simm.s32 $0x1;
	v16 =	vadd.f32 v16, v39;
	v47 =	vimm.f32 $0.0e+00;
	v34 =	vadd.f32 v34, v45;
	v57 =	vld [tilespmem:s25+$0xFFFF9F80]  }
0x8f: {  	s30 =	simm.s32 $0x0;
	s19 =	simm.s32 @!p0 $0x0;
	v46 =	vimm.f32 $0.0e+00;
	v52 =	vadd.f32 v50, v44;
	v1 =	vadd.f32 v51, v1;
	v60 =	vld [tilespmem:s25+$0xFFFFBF80]  }
0x90: {  	s14 =	sand.u32 $0x40, s30;
	s19 =	sshll.u32 s19, $0x6;
	s0 =	sand.u32 $0xF00, s1;
	v11 =	vmul.f32 v11, v30;
	v39 =	vadd.f32 v15, v16;
	v16 =	vmul.f32 v22, v14;
	v62 =	vld [tilespmem:s25+$0xFFFFBF70]  }
0x91: {  	s19 =	sadd.s32 $0x0, s19;
	s14 =	sor.u32 s14, s0;
	v63 =	vld [tilespmem:s25+$0xFFFF9F70];
	v51 =	vmul.f32 v29, v30;
	v40 =	vadd.f32 v27, v40;
	v36 =	vadd.f32 v38, v52  }
0x92: {  	s26 =	sor.u32 $0x80, s19;
	v59 =	vld [tilespmem:s14+$0x10];
	v15 =	vadd.f32 v11, v1;
	v1 =	vmul.f32 v32, v30;
	v11 =	vmul.f32 v12, v28  }
0x93: {  	s31 =	sadd.s32 $0x10, s19;
	v50 =	vld [tilespmem:s26+$0x0];
	v18 =	vadd.f32 v18, v39;
	v52 =	vimm.f32 $0.0e+00;
	v2 =	vadd.f32 v2, v40  }
0x94: {  	s30 =	simm.s32 $0x20;
	s1 =	sand.u32 $0x3, s1;
	s24 =	sor.u32 $0x80, s31;
	v27 =	vld [tilespmem:s25+$0xFFFFFFF0];
	v38 =	vimm.f32 $0.0e+00;
	v61 =	vadd.f32 v26, v36;
	v26 =	vadd.f32 v33, v31  }
0x95: {  	s1 =	sshll.u32 s1, $0x5;
	s31 =	sand.u32 $0x60, s30;
	v43 =	vld [tilespmem:s24+$0x0];
	v31 =	vmul.f32 v29, v28;
	v28 =	vadd.f32 v16, v34;
	v16 =	vadd.f32 v1, v2  }
0x96: {  	s1 =	sadd.s32 $0x0, s1;
	s0 =	sor.u32 s31, s0;
	v39 =	vld [tilespmem:s25+$0xFFFFE000];
	v1 =	vmul.f32 v17, v14;
	v2 =	vadd.f32 v13, v53;
	v13 =	vadd.f32 v25, v26  }
0x97: {  	s20 =	sadd.s32 $0x20, s1;
	v44 =	vld [tilespmem:s0+$0x0];
	v11 =	vadd.f32 v11, v28;
	v17 =	vmul.f32 v12, v30;
	v30 =	vmul.f32 v23, v59  }
0x98: {  	s20 =	sor.u32 $0x80, s20;
	v14 =	vadd.f32 v58, v35;
	v26 =	vld [tilespmem:s14+$0x0];
	v34 =	vmul.f32 v55, v59;
	v48 =	vmul.f32 v57, v59  }
0x99: {  	v22 =	vld [tilespmem:s20+$0x0];
	v12 =	vadd.f32 v54, v61;
	v42 =	vmul.f32 v60, v59;
	v40 =	vmul.f32 v63, v50  }
0x9a: {  	v37 =	vld [tilespmem:s0+$0x10];
	v54 =	vimm.f32 $0.0e+00;
	v32 =	vmul.f32 v57, v43;
	v41 =	vmul.f32 v60, v43  }
0x9b: {  	v36 =	vld [tilespmem:s25+$0x0];
	v45 =	vmul.f32 v55, v43;
	v1 =	vadd.f32 v1, v13;
	v17 =	vadd.f32 v17, v14  }
0x9c: {  	v28 =	vld [tilespmem:s25+$0xFFFF9FF0];
	v55 =	vmul.f32 v62, v50;
	v13 =	vadd.f32 v31, v18;
	v18 =	vadd.f32 v51, v2  }
0x9d: {  	s28 =	simm.s32 $0x7210;
	s1 =	sadd.s32 $0x30, s1;
	v25 =	vld [tilespmem:s25+$0xFFFFBFF0];
	v31 =	vimm.f32 $0.0e+00;
	v14 =	vadd.f32 v56, v1;
	v1 =	vmul.f32 v62, v26  }
0x9e: {  	s29 =	simm.s32 $0x60;
	p0 =	por !p0, !p0;
	s1 =	sor.u32 $0x80, s1;
	v53 =	vld [tilespmem:s25+$0xFFFFDF70];
	v51 =	vimm.f32 $0.0e+00;
	v33 =	vmul.f32 v21, v22;
	v29 =	vmul.f32 v27, v22  }
0x9f: {  	s26 =	simm.s32 $0x2;
	s24 =	simm.s32 $0x0;
	v35 =	vld [tilespmem:s1+$0x0];
	s25 =	simm.s32 $0x80;
	v57 =	vmul.f32 v63, v26;
	v56 =	vmul.f32 v24, v26;
	v49 =	vadd.f32 v1, v31  }
.LBB2_7:
0xa0: {  	s0 =	simm.s32 $0x1  }
0xa1: {  	s1 =	sadd.s32 $0xFFFFFFE0, s29;
	v1 =	vld [tilespmem:s28+$0xFFFFFF70];
	s14 =	sand.u32 $0x60, s29;
	v2 =	vadd.f32 v57, v31;
	v31 =	vmul.f32 v21, v44;
	v57 =	vmul.f32 v27, v44;
	s0 =	simm.s32 @!p0 $0x0  }
0xa2: {  	s19 =	sand.u32 $0xF00, s25;
	v27 =	vadd.f32 v56, v54;
	v54 =	vmul.f32 v24, v50;
	v56 =	vmul.f32 v28, v44;
	s1 =	sand.u32 $0x40, s1;
	s0 =	sshll.u32 s0, $0x6;
	v21 =	vld [tilespmem:s28+$0xFFFFDFF0]  }
0xa3: {  	s30 =	sor.u32 s14, s19;
	v52 =	vadd.f32 v55, v52;
	s1 =	sor.u32 s1, s19;
	v3 =	vmul.f32 v53, v26;
	v26 =	vmul.f32 v53, v50;
	s20 =	sadd.s32 s0, s25;
	v58 =	vld [tilespmem:s28+$0xFFFFC000]  }
0xa4: {  	v43 =	vmul.f32 v23, v43;
	s14 =	sand.u32 $0x3, s26;
	v2 =	vadd.f32 v48, v2;
	v48 =	vmul.f32 v39, v35;
	s0 =	sor.u32 $0x80, s20;
	s19 =	sadd.s32 $0x10, s20;
	v50 =	vld [tilespmem:s28+$0xFFFFA000]  }
0xa5: {  	s24 =	sadd.s32 $0x2, s24;
	v55 =	vmul.f32 v19, v35;
	s20 =	sshll.u32 s14, $0x5;
	v47 =	vadd.f32 v3, v47;
	v26 =	vadd.f32 v26, v51;
	s14 =	sor.u32 $0x80, s19;
	v53 =	vld [tilespmem:s28+$0xFFFF9FF0]  }
0xa6: {  	v44 =	vmul.f32 v25, v44;
	v59 =	vmul.f32 v20, v35;
	p1 =	slt.u32 s24, $0x3E;
	v30 =	vadd.f32 v30, v27;
	s19 =	sadd.s32 s20, s25;
	v24 =	vmovc v1;
	v51 =	vld [tilespmem:s28+$0xFFFFBFF0]  }
0xa7: {  	v2 =	vadd.f32 v56, v2;
	s20 =	sadd.s32 $0x20, s19;
	s19 =	sadd.s32 $0x30, s19;
	v1 =	vadd.f32 v34, v47;
	v34 =	vmul.f32 v19, v37;
	v23 =	vld [tilespmem:s28+$0xFFFFFF80]  }
0xa8: {  	v42 =	vadd.f32 v42, v49;
	v46 =	vadd.f32 v54, v46;
	v35 =	vmul.f32 v36, v35;
	s20 =	sor.u32 $0x80, s20;
	v56 =	vld [tilespmem:s28+$0xFFFFDF80]  }
0xa9: {  	v26 =	vadd.f32 v45, v26;
	v45 =	vmul.f32 v28, v22;
	v1 =	vadd.f32 v31, v1;
	v27 =	vld [tilespmem:s28+$0xFFFFFFF0];
	v19 =	vmovc v50  }
0xaa: {  	v41 =	vadd.f32 v41, v52;
	v43 =	vadd.f32 v43, v46;
	v22 =	vmul.f32 v25, v22;
	v49 =	vld [tilespmem:s28+$0xFFFF9F80];
	v28 =	vmovc v53  }
0xab: {  	v31 =	vadd.f32 v34, v2;
	v2 =	vmul.f32 v39, v37;
	v26 =	vadd.f32 v33, v26;
	v53 =	vld [tilespmem:s1+$0x10];
	v25 =	vmovc v51  }
0xac: {  	v36 =	vmul.f32 v36, v37;
	v33 =	vadd.f32 v40, v38;
	v34 =	vadd.f32 v22, v41;
	v39 =	vld [tilespmem:s28+$0xFFFFBF80]  }
0xad: {  	s19 =	sor.u32 $0x80, s19;
	v37 =	vmul.f32 v20, v37;
	v20 =	vmovc v58;
	v47 =	vadd.f32 v2, v1;
	v1 =	vadd.f32 v57, v30;
	v60 =	vld [tilespmem:s28+$0xFFFFBF70]  }
0xae: {  	v2 =	vadd.f32 v32, v33;
	v52 =	vadd.f32 v59, v34;
	v22 =	vld [tilespmem:s20+$0x0]  }
0xaf: {  	v29 =	vadd.f32 v29, v43;
	v32 =	vadd.f32 v44, v42;
	v40 =	vld [tilespmem:s28+$0xFFFF9F70]  }
0xb0: {  	v51 =	vadd.f32 v48, v26;
	v2 =	vadd.f32 v45, v2;
	v43 =	vld [tilespmem:s14+$0x0];
	v30 =	vmul.f32 v23, v53  }
0xb1: {  	v46 =	vadd.f32 v35, v29;
	v37 =	vadd.f32 v37, v32;
	v34 =	vmul.f32 v56, v53;
	v26 =	vld [tilespmem:s1+$0x0]  }
0xb2: {  	v54 =	vadd.f32 v36, v1;
	v38 =	vadd.f32 v55, v2;
	v35 =	vld [tilespmem:s19+$0x0]  }
0xb3: {  	v48 =	vmul.f32 v49, v53;
	v42 =	vmul.f32 v39, v53;
	v50 =	vld [tilespmem:s0+$0x0]  }
.Ltmp2:
0xb4: {  	v33 =	vmul.f32 v21, v22;
	v29 =	vmul.f32 v27, v22;
	v44 =	vld [tilespmem:s30+$0x0];
	(pc) =	sbr.rel @p1 .LBB2_7-.Ltmp2, $4  }
0xb5: {  	v32 =	vmul.f32 v49, v43;
	v41 =	vmul.f32 v39, v43;
	v39 =	vld [tilespmem:s28+$0xFFFFE000]  }
0xb6: {  	v57 =	vmul.f32 v40, v26;
	v1 =	vmul.f32 v60, v26;
	v53 =	vld [tilespmem:s28+$0xFFFFDF70]  }
0xb7: {  	s26 =	sadd.s32 $0x2, s26;
	s25 =	sadd.s32 $0x80, s25;
	v45 =	vmul.f32 v56, v43;
	v56 =	vmul.f32 v24, v26;
	v36 =	vld [tilespmem:s28+$0x0]  }
0xb8: {  	s29 =	sadd.s32 $0x40, s29;
	p0 =	por !p0, !p0;
	s28 =	sadd.s32 $0x100, s28;
	v40 =	vmul.f32 v40, v50;
	v49 =	vadd.f32 v1, v37;
	v55 =	vmul.f32 v60, v50;
	v37 =	vld [tilespmem:s30+$0x10]  }
0xb9: {  	_ =	swait.ge [sflag:s18], $0x8000;
	s0 =	sadd.s32 $0x4000, s23  }
0xba: {  	s1 =	simm.s32 $0x0;
	[sflag:s18] =	ssyncset.done $0x0;
	s0 =	sand.u32 $0xC000, s0  }
0xbb: {  	s24 =	simm.s32 $0xF110;
	[sflag:s18] =	ssyncadd.s32 $0xFFFF8000;
	s0 =	sadd.s32 s0, s6  }
0xbc: {  	[tilespmem:s15], [sflag:$0x1] =	stream.linear.gather [hbm4b:s0+s1], $0x8000, $0x38;
	[tilespmem:$0x11180] =	vst v63  }
0xbd: {  	v1 =	vadd.f32 v57, v31;
	v2 =	vmul.f32 v21, v44;
	v21 =	vmul.f32 v27, v44;
	v31 =	vld [tilespmem:s24+$0xFFFFFF70]  }
0xbe: {  	v6 =	vmul.f32 v24, v50;
	v26 =	vmul.f32 v53, v26;
	v27 =	vld [tilespmem:s24+$0xFFFFDFF0]  }
0xbf: {  	v54 =	vadd.f32 v56, v54;
	v57 =	vmul.f32 v28, v44;
	v23 =	vmul.f32 v23, v43;
	v24 =	vld [tilespmem:s24+$0xFFFFC000]  }
0xc0: {  	v52 =	vadd.f32 v55, v52;
	v7 =	vmul.f32 v53, v50;
	v47 =	vadd.f32 v26, v47;
	v26 =	vld [tilespmem:s24+$0xFFFFA000]  }
0xc1: {  	v44 =	vmul.f32 v25, v44;
	v42 =	vadd.f32 v42, v49;
	v59 =	vadd.f32 v30, v54;
	v30 =	vld [tilespmem:s24+$0xFFFFFF80]  }
0xc2: {  	v25 =	vmul.f32 v25, v22;
	v38 =	vadd.f32 v40, v38;
	v58 =	vadd.f32 v7, v51;
	v51 =	vld [tilespmem:s24+$0xFFFFDF80]  }
0xc3: {  	v1 =	vadd.f32 v48, v1;
	v50 =	vmul.f32 v39, v35;
	v41 =	vadd.f32 v41, v52;
	v49 =	vld [tilespmem:s24+$0xFFFF9F80]  }
0xc4: {  	p0 =	por $0x0, $0x0;
	s23 =	simm.s32 $0x0;
	v54 =	vmul.f32 v19, v35;
	v46 =	vadd.f32 v6, v46;
	v5 =	vmul.f32 v36, v35;
	v61 =	vld [tilespmem:s24+$0xFFFFBF80]  }
0xc5: {  	s19 =	simm.s32 $0x1;
	s14 =	sand.u32 $0x40, s23;
	s0 =	sand.u32 $0xF00, s1;
	v1 =	vadd.f32 v57, v1;
	v19 =	vmul.f32 v19, v37;
	v4 =	vld [tilespmem:s24+$0xFFFFBF70];
	v6 =	vadd.f32 v25, v41  }
0xc6: {  	s19 =	simm.s32 @!p0 $0x0;
	v52 =	vimm.f32 $0.0e+00;
	s14 =	sor.u32 s14, s0;
	v7 =	vld [tilespmem:s24+$0xFFFF9F70];
	v47 =	vadd.f32 v34, v47;
	v43 =	vadd.f32 v45, v58  }
0xc7: {  	s19 =	sshll.u32 s19, $0x6;
	s1 =	sand.u32 $0x3, s1;
	v60 =	vld [tilespmem:s14+$0x10];
	v45 =	vadd.f32 v23, v46;
	v23 =	vadd.f32 v19, v1;
	v19 =	vmul.f32 v20, v35  }
0xc8: {  	s19 =	sadd.s32 $0x0, s19;
	s1 =	sshll.u32 s1, $0x5;
	v63 =	vmul.f32 v36, v37;
	v40 =	vld [tilespmem:s24+$0xFFFFE000];
	v1 =	vmul.f32 v39, v37;
	v2 =	vadd.f32 v2, v47  }
0xc9: {  	s29 =	sor.u32 $0x80, s19;
	v57 =	vimm.f32 $0.0e+00;
	s1 =	sadd.s32 $0x0, s1;
	v53 =	vld [tilespmem:s14+$0x0];
	v62 =	vadd.f32 v33, v43;
	v19 =	vadd.f32 v19, v6  }
0xca: {  	v56 =	vld [tilespmem:s29+$0x0];
	s20 =	sadd.s32 $0x20, s1;
	v29 =	vadd.f32 v29, v45;
	v43 =	vimm.f32 $0.0e+00;
	v25 =	vadd.f32 v1, v2  }
0xcb: {  	v34 =	vld [tilespmem:s24+$0xFFFFFFF0];
	s20 =	sor.u32 $0x80, s20;
	v1 =	vmul.f32 v28, v22;
	v2 =	vadd.f32 v21, v59;
	v21 =	vadd.f32 v32, v38  }
0xcc: {  	s25 =	sadd.s32 $0x10, s19;
	v33 =	vld [tilespmem:s20+$0x0];
	v22 =	vadd.f32 v44, v42;
	v28 =	vmul.f32 v20, v37;
	v45 =	vmul.f32 v30, v60  }
0xcd: {  	s30 =	simm.s32 $0x20;
	s26 =	sor.u32 $0x80, s25;
	v41 =	vld [tilespmem:s24+$0x0];
	v20 =	vadd.f32 v50, v62;
	v42 =	vmul.f32 v51, v60;
	v55 =	vmul.f32 v49, v60  }
0xce: {  	s31 =	sand.u32 $0x60, s30;
	v44 =	vld [tilespmem:s26+$0x0];
	v47 =	vmul.f32 v61, v60;
	v62 =	vimm.f32 $0.0e+00;
	v1 =	vadd.f32 v1, v21  }
0xcf: {  	s0 =	sor.u32 s31, s0;
	v35 =	vld [tilespmem:s24+$0xFFFFBFF0];
	v60 =	vimm.f32 $0.0e+00;
	v28 =	vadd.f32 v28, v22;
	v21 =	vadd.f32 v5, v29  }
0xd0: {  	v46 =	vld [tilespmem:s0+$0x10];
	v29 =	vadd.f32 v63, v2;
	v63 =	vmul.f32 v7, v53;
	v2 =	vmul.f32 v4, v53  }
0xd1: {  	v50 =	vld [tilespmem:s0+$0x0];
	v39 =	vmul.f32 v27, v33;
	v36 =	vmul.f32 v34, v33;
	v22 =	vadd.f32 v54, v1  }
0xd2: {  	s28 =	simm.s32 $0x60;
	s1 =	sadd.s32 $0x30, s1;
	v32 =	vld [tilespmem:s24+$0xFFFF9FF0];
	v1 =	vmul.f32 v31, v53;
	v58 =	vadd.f32 v2, v57;
	v2 =	vmul.f32 v4, v56  }
0xd3: {  	s23 =	simm.s32 $0x0;
	p0 =	por !p0, !p0;
	s1 =	sor.u32 $0x80, s1;
	v59 =	vimm.f32 $0.0e+00;
	v37 =	vmul.f32 v49, v44;
	v48 =	vmul.f32 v61, v44;
	v61 =	vld [tilespmem:s24+$0xFFFFDF70]  }
0xd4: {  	s25 =	simm.s32 $0x2;
	v38 =	vld [tilespmem:s1+$0x0];
	s26 =	simm.s32 $0xF210;
	v54 =	vimm.f32 $0.0e+00;
	v51 =	vmul.f32 v51, v44;
	v49 =	vmul.f32 v7, v56;
	s24 =	simm.s32 $0x80  }
.LBB2_9:
0xd5: {  	s0 =	simm.s32 $0x1  }
0xd6: {  	s1 =	sadd.s32 $0xFFFFFFE0, s28;
	v3 =	vld [tilespmem:s26+$0xFFFFFF70];
	s14 =	sand.u32 $0x60, s28;
	v57 =	vadd.f32 v63, v57;
	v63 =	vmul.f32 v27, v50;
	v4 =	vmul.f32 v34, v50;
	s0 =	simm.s32 @!p0 $0x0  }
0xd7: {  	s19 =	sand.u32 $0xF00, s24;
	v1 =	vadd.f32 v1, v62;
	v34 =	vmul.f32 v31, v56;
	v62 =	vmul.f32 v32, v50;
	s1 =	sand.u32 $0x40, s1;
	s0 =	sshll.u32 s0, $0x6;
	v27 =	vld [tilespmem:s26+$0xFFFFDFF0]  }
0xd8: {  	s29 =	sor.u32 s14, s19;
	v2 =	vadd.f32 v2, v60;
	s1 =	sor.u32 s1, s19;
	v7 =	vmul.f32 v61, v53;
	v53 =	vmul.f32 v61, v56;
	s20 =	sadd.s32 s0, s24;
	v5 =	vld [tilespmem:s26+$0xFFFFC000]  }
0xd9: {  	v44 =	vmul.f32 v30, v44;
	s14 =	sand.u32 $0x3, s25;
	v55 =	vadd.f32 v55, v57;
	v61 =	vmul.f32 v40, v38;
	s0 =	sor.u32 $0x80, s20;
	s19 =	sadd.s32 $0x10, s20;
	v56 =	vld [tilespmem:s26+$0xFFFFA000]  }
0xda: {  	s23 =	sadd.s32 $0x2, s23;
	v6 =	vmul.f32 v26, v38;
	s20 =	sshll.u32 s14, $0x5;
	v54 =	vadd.f32 v7, v54;
	v53 =	vadd.f32 v53, v59;
	s14 =	sor.u32 $0x80, s19;
	v57 =	vld [tilespmem:s26+$0xFFFF9FF0]  }
0xdb: {  	p1 =	slt.u32 s23, $0x3E;
	v1 =	vadd.f32 v45, v1;
	v45 =	vmul.f32 v35, v50;
	v50 =	vmul.f32 v24, v38;
	s19 =	sadd.s32 s20, s24;
	v31 =	vmovc v3;
	v59 =	vld [tilespmem:s26+$0xFFFFBFF0]  }
0xdc: {  	s20 =	sadd.s32 $0x20, s19;
	s19 =	sadd.s32 $0x30, s19;
	v3 =	vadd.f32 v42, v54;
	v42 =	vadd.f32 v62, v55;
	v54 =	vmul.f32 v26, v46;
	v30 =	vld [tilespmem:s26+$0xFFFFFF80]  }
0xdd: {  	v47 =	vadd.f32 v47, v58;
	v52 =	vadd.f32 v34, v52;
	v38 =	vmul.f32 v41, v38;
	s20 =	sor.u32 $0x80, s20;
	v7 =	vld [tilespmem:s26+$0xFFFFDF80]  }
0xde: {  	v51 =	vadd.f32 v51, v53;
	v53 =	vmul.f32 v32, v33;
	v3 =	vadd.f32 v63, v3;
	v34 =	vld [tilespmem:s26+$0xFFFFFFF0];
	v26 =	vmovc v56  }
0xdf: {  	v2 =	vadd.f32 v48, v2;
	v44 =	vadd.f32 v44, v52;
	v33 =	vmul.f32 v35, v33;
	v58 =	vld [tilespmem:s26+$0xFFFF9F80];
	v32 =	vmovc v57  }
0xe0: {  	v40 =	vmul.f32 v40, v46;
	v39 =	vadd.f32 v39, v51;
	v57 =	vadd.f32 v54, v42;
	v48 =	vld [tilespmem:s1+$0x10];
	v35 =	vmovc v59  }
0xe1: {  	v41 =	vmul.f32 v41, v46;
	v2 =	vadd.f32 v33, v2;
	v42 =	vadd.f32 v49, v43;
	v51 =	vld [tilespmem:s26+$0xFFFFBF80]  }
0xe2: {  	v1 =	vadd.f32 v4, v1;
	s19 =	sor.u32 $0x80, s19;
	v43 =	vmul.f32 v24, v46;
	v54 =	vadd.f32 v40, v3;
	v24 =	vmovc v5;
	v8 =	vld [tilespmem:s26+$0xFFFFBF70]  }
0xe3: {  	v60 =	vadd.f32 v50, v2;
	v3 =	vadd.f32 v37, v42;
	v33 =	vld [tilespmem:s20+$0x0]  }
0xe4: {  	v4 =	vadd.f32 v45, v47;
	v5 =	vadd.f32 v36, v44;
	v2 =	vld [tilespmem:s26+$0xFFFF9F70]  }
0xe5: {  	v59 =	vadd.f32 v61, v39;
	v3 =	vadd.f32 v53, v3;
	v44 =	vld [tilespmem:s14+$0x0];
	v45 =	vmul.f32 v30, v48  }
0xe6: {  	v4 =	vadd.f32 v43, v4;
	v52 =	vadd.f32 v38, v5;
	v42 =	vmul.f32 v7, v48;
	v53 =	vld [tilespmem:s1+$0x0]  }
0xe7: {  	v62 =	vadd.f32 v41, v1;
	v43 =	vadd.f32 v6, v3;
	v38 =	vld [tilespmem:s19+$0x0]  }
0xe8: {  	v55 =	vmul.f32 v58, v48;
	v47 =	vmul.f32 v51, v48;
	v56 =	vld [tilespmem:s0+$0x0]  }
.Ltmp3:
0xe9: {  	v39 =	vmul.f32 v27, v33;
	v36 =	vmul.f32 v34, v33;
	v50 =	vld [tilespmem:s29+$0x0];
	(pc) =	sbr.rel @p1 .LBB2_9-.Ltmp3, $4  }
0xea: {  	v37 =	vmul.f32 v58, v44;
	v48 =	vmul.f32 v51, v44;
	v40 =	vld [tilespmem:s26+$0xFFFFE000]  }
0xeb: {  	v63 =	vmul.f32 v2, v53;
	v3 =	vmul.f32 v8, v53;
	v61 =	vld [tilespmem:s26+$0xFFFFDF70]  }
0xec: {  	s25 =	sadd.s32 $0x2, s25;
	s24 =	sadd.s32 $0x80, s24;
	v51 =	vmul.f32 v7, v44;
	v1 =	vmul.f32 v31, v53;
	v41 =	vld [tilespmem:s26+$0x0]  }
0xed: {  	s28 =	sadd.s32 $0x40, s28;
	p0 =	por !p0, !p0;
	s26 =	sadd.s32 $0x100, s26;
	v49 =	vmul.f32 v2, v56;
	v58 =	vadd.f32 v3, v4;
	v2 =	vmul.f32 v8, v56;
	v46 =	vld [tilespmem:s29+$0x10]  }
0xee: {  	v3 =	vadd.f32 v63, v57;
	v6 =	vmul.f32 v32, v50  }
0xef: {  	v1 =	vadd.f32 v1, v62;
	v7 =	vmul.f32 v31, v56;
	v57 =	vmul.f32 v32, v33  }
0xf0: {  	v2 =	vadd.f32 v2, v60;
	v8 =	vadd.f32 v47, v58;
	v47 =	vmul.f32 v30, v44  }
0xf1: {  	v58 =	vadd.f32 v49, v43;
	v44 =	vperm.xlane v15, v0;
	v4 =	vmul.f32 v61, v53  }
0xf2: {  	v5 =	vmul.f32 v61, v56;
	v3 =	vadd.f32 v55, v3;
	v1 =	vadd.f32 v45, v1  }
0xf3: {  	v45 =	vmul.f32 v27, v50;
	v7 =	vadd.f32 v7, v52;
	v52 =	vmul.f32 v34, v50  }
0xf4: {  	v55 =	vmul.f32 v35, v33;
	v61 =	vmul.f32 v40, v38;
	v2 =	vadd.f32 v48, v2  }
0xf5: {  	v33 =	vmul.f32 v26, v38;
	v60 =	vadd.f32 v37, v58;
	v4 =	vadd.f32 v4, v54  }
0xf6: {  	v5 =	vadd.f32 v5, v59;
	v3 =	vadd.f32 v6, v3;
	v53 =	vmul.f32 v26, v46  }
0xf7: {  	v7 =	vadd.f32 v47, v7;
	v54 =	vmul.f32 v35, v50;
	v56 =	vmul.f32 v40, v46  }
0xf8: {  	v1 =	vadd.f32 v52, v1;
	v59 =	vmul.f32 v24, v38;
	v62 =	vmul.f32 v41, v46  }
0xf9: {  	v63 =	vmul.f32 v24, v46;
	v24 =	vor.u32 $0x1, v0;
	v46 =	vperm.xlane v17, v0  }
0xfa: {  	v2 =	vadd.f32 v55, v2;
	v43 =	vperm.xlane v10, v24;
	v47 =	vperm.xlane v17, v24  }
0xfb: {  	v30 =	vadd.f32 v57, v60;
	v52 =	vperm.xlane v16, v24;
	v55 =	vperm.xlane v23, v0  }
0xfc: {  	v57 =	vperm.xlane v28, v0;
	v58 =	vperm.xlane v28, v24;
	v4 =	vadd.f32 v42, v4  }
0xfd: {  	v60 =	vperm.xlane v25, v24;
	v5 =	vadd.f32 v51, v5;
	v3 =	vadd.f32 v53, v3  }
0xfe: {  	v8 =	vadd.f32 v54, v8;
	v42 =	vperm.xlane v10, v0;
	v51 =	vperm.xlane v16, v0  }
0xff: {  	v7 =	vadd.f32 v36, v7;
	v53 =	vperm.xlane v18, v0;
	v54 =	vperm.xlane v18, v24  }
0x100: {  	v40 =	vld [tilespmem:$0x1FF90];
	v1 =	vadd.f32 v62, v1;
	v62 =	vperm.xlane v29, v24;
	v18 =	vperm.xlane v12, v0  }
0x101: {  	v26 =	vadd.f32 v59, v2;
	v2 =	vmul.f32 v41, v38;
	v38 =	vperm.xlane v9, v0  }
0x102: {  	v50 =	vadd.f32 v47, v46;
	v59 =	vperm.xlane v25, v0;
	v16 =	vadd.f32 v58, v57  }
0x103: {  	v4 =	vadd.f32 v45, v4;
	v5 =	vadd.f32 v39, v5;
	v39 =	vperm.xlane v9, v24  }
0x104: {  	v45 =	vperm.xlane v15, v24;
	v15 =	vadd.f32 v52, v51;
	v28 =	vperm.xlane v3, v0  }
0x105: {  	v36 =	vld [tilespmem:$0x1FF80];
	v17 =	vadd.f32 v54, v53;
	v3 =	vperm.xlane v3, v24;
	v41 =	vperm.xlane v40, v0  }
0x106: {  	v32 =	vperm.xlane v40, v24;
	v4 =	vadd.f32 v56, v4;
	v27 =	vadd.f32 v61, v5  }
0x107: {  	v5 =	vadd.f32 v63, v8;
	v6 =	vadd.f32 v39, v38;
	v56 =	vperm.xlane v23, v24  }
0x108: {  	v57 =	vld [tilespmem:$0x1FFC0];
	v61 =	vperm.xlane v29, v0;
	v63 =	vadd.f32 v60, v59;
	v59 =	vperm.xlane v14, v0  }
0x109: {  	v15 =	vsel vm0, v15, v17;
	v60 =	vperm.xlane v14, v24;
	v23 =	vperm.xlane v12, v24  }
0x10a: {  	v3 =	vadd.f32 v3, v28;
	v28 =	vperm.xlane v13, v24;
	v37 =	vperm.xlane v36, v0  }
0x10b: {  	v49 =	vadd.f32 v45, v44;
	v31 =	vperm.xlane v36, v24;
	v39 =	vperm.xlane v15, v0  }
0x10c: {  	v48 =	vadd.f32 v43, v42;
	v15 =	vperm.xlane v15, v24;
	v29 =	vperm.xlane v5, v0  }
0x10d: {  	v51 =	vld [tilespmem:$0x1FFD0];
	v9 =	vsel vm0, v49, v50;
	v5 =	vperm.xlane v5, v24;
	v58 =	vperm.xlane v57, v0  }
0x10e: {  	v53 =	vld [tilespmem:$0x1FFA0];
	v25 =	vadd.f32 v62, v61;
	v61 =	vperm.xlane v11, v0;
	v62 =	vperm.xlane v11, v24  }
0x10f: {  	v49 =	vadd.f32 v33, v30;
	v30 =	vperm.xlane v22, v24;
	v33 =	vperm.xlane v20, v0  }
0x110: {  	v8 =	vadd.f32 v31, v37;
	v31 =	vadd.f32 v32, v41;
	v32 =	vperm.xlane v1, v0  }
0x111: {  	v10 =	vadd.f32 v56, v55;
	v1 =	vperm.xlane v1, v24;
	v38 =	vperm.xlane v9, v0  }
0x112: {  	v2 =	vadd.f32 v2, v7;
	v9 =	vperm.xlane v9, v24;
	v52 =	vperm.xlane v51, v0  }
0x113: {  	v54 =	vperm.xlane v53, v0;
	v10 =	vsel vm0, v10, v16;
	v17 =	vsel vm0, v63, v25  }
0x114: {  	v5 =	vadd.f32 v5, v29;
	v16 =	vperm.xlane v57, v24;
	v25 =	vperm.xlane v13, v0  }
0x115: {  	v29 =	vperm.xlane v22, v0;
	v7 =	vperm.xlane v49, v24;
	v6 =	vsel vm0, v8, v6  }
0x116: {  	v8 =	vsel vm0, v31, v48;
	v31 =	vperm.xlane v4, v0;
	v4 =	vperm.xlane v4, v24  }
0x117: {  	v40 =	vperm.xlane v10, v0;
	v10 =	vperm.xlane v10, v24  }
0x118: {  	v55 =	vld [tilespmem:$0x1FFB0];
	v11 =	vadd.f32 v23, v18;
	v41 =	vperm.xlane v17, v0;
	v42 =	vperm.xlane v17, v24  }
0x119: {  	v1 =	vadd.f32 v1, v32;
	v32 =	vperm.xlane v19, v24;
	v34 =	vperm.xlane v6, v0  }
0x11a: {  	v17 =	vadd.f32 v62, v61;
	v6 =	vperm.xlane v6, v24;
	v35 =	vperm.xlane v8, v0  }
0x11b: {  	v8 =	vperm.xlane v8, v24;
	v3 =	vsel vm0, v3, v5;
	v63 =	vadd.f32 v16, v58  }
0x11c: {  	v4 =	vadd.f32 v4, v31;
	v43 =	vperm.xlane v3, v0;
	v3 =	vperm.xlane v3, v24  }
0x11d: {  	v45 =	vadd.f32 v42, v41;
	v56 =	vperm.xlane v55, v0;
	v31 =	vperm.xlane v19, v0  }
0x11e: {  	v41 =	vperm.xlane v26, v0;
	v42 =	vperm.xlane v26, v24;
	v36 =	vadd.f32 v6, v34  }
0x11f: {  	v37 =	vadd.f32 v8, v35;
	v8 =	vadd.f32 v9, v38;
	v9 =	vperm.xlane v51, v24  }
0x120: {  	v6 =	vadd.f32 v10, v40;
	v10 =	vperm.xlane v53, v24;
	v34 =	vperm.xlane v20, v24  }
0x121: {  	v16 =	vadd.f32 v60, v59;
	v35 =	vperm.xlane v21, v0;
	v40 =	vperm.xlane v49, v0  }
0x122: {  	v1 =	vsel vm0, v4, v1;
	v4 =	vadd.f32 v15, v39;
	v3 =	vadd.f32 v3, v43  }
0x123: {  	v15 =	vperm.xlane v55, v24;
	v43 =	vperm.xlane v27, v0;
	v5 =	vsel vm0, v36, v37  }
0x124: {  	v44 =	vperm.xlane v1, v0;
	v1 =	vperm.xlane v1, v24;
	v6 =	vsel vm0, v6, v45  }
0x125: {  	v36 =	vperm.xlane v21, v24;
	v37 =	vadd.f32 v32, v31;
	v38 =	vadd.f32 v34, v33  }
0x126: {  	v7 =	vadd.f32 v7, v40;
	v45 =	vperm.xlane v2, v0;
	v2 =	vperm.xlane v2, v24  }
0x127: {  	v4 =	vsel vm0, v8, v4;
	v46 =	vperm.xlane v5, v0;
	v5 =	vperm.xlane v5, v24  }
0x128: {  	v48 =	vperm.xlane v6, v0;
	v6 =	vperm.xlane v6, v24;
	v1 =	vadd.f32 v1, v44  }
0x129: {  	v47 =	vperm.xlane v4, v0;
	v4 =	vperm.xlane v4, v24;
	v39 =	vadd.f32 v36, v35  }
0x12a: {  	v2 =	vadd.f32 v2, v45;
	v1 =	vsel vm0, v3, v1;
	v3 =	vadd.f32 v5, v46  }
0x12b: {  	v44 =	vperm.xlane v27, v24;
	v4 =	vadd.f32 v4, v47;
	v5 =	vadd.f32 v6, v48  }
0x12c: {  	v6 =	vadd.f32 v10, v54;
	v10 =	vadd.f32 v30, v29;
	v12 =	vsel vm0, v38, v39  }
0x12d: {  	v13 =	vadd.f32 v44, v43;
	v50 =	vperm.xlane v1, v0;
	v1 =	vperm.xlane v1, v24  }
0x12e: {  	v51 =	vperm.xlane v12, v0;
	v12 =	vperm.xlane v12, v24;
	v3 =	vsel vm0, v3, v4  }
0x12f: {  	v4 =	vadd.f32 v9, v52;
	v9 =	vsel vm0, v16, v17;
	v10 =	vsel vm0, v10, v37  }
0x130: {  	v2 =	vsel vm0, v13, v2;
	v48 =	vperm.xlane v9, v0;
	v9 =	vperm.xlane v9, v24  }
0x131: {  	v1 =	vadd.f32 v1, v50;
	v50 =	vperm.xlane v10, v0;
	v10 =	vperm.xlane v10, v24  }
0x132: {  	v8 =	vadd.f32 v15, v56;
	v53 =	vperm.xlane v2, v0;
	v2 =	vperm.xlane v2, v24  }
0x133: {  	v54 =	vadd.f32 v12, v51;
	v60 =	vperm.xlane v3, v0;
	v4 =	vsel vm0, v4, v6  }
0x134: {  	v3 =	vperm.xlane v3, v24;
	v6 =	vsel vm0, v8, v63;
	v46 =	vperm.xlane v4, v0  }
0x135: {  	v8 =	vadd.f32 v28, v25;
	v4 =	vperm.xlane v4, v24;
	v47 =	vperm.xlane v6, v0  }
0x136: {  	v6 =	vperm.xlane v6, v24;
	v9 =	vadd.f32 v9, v48;
	v2 =	vadd.f32 v2, v53  }
0x137: {  	v1 =	vsel vm0, v5, v1;
	v8 =	vsel vm0, v11, v8;
	v11 =	vadd.f32 v42, v41  }
0x138: {  	v61 =	vperm.xlane v1, v0;
	v4 =	vadd.f32 v4, v46;
	v6 =	vadd.f32 v6, v47  }
0x139: {  	v3 =	vadd.f32 v3, v60;
	v49 =	vperm.xlane v8, v0;
	v8 =	vperm.xlane v8, v24  }
0x13a: {  	v1 =	vperm.xlane v1, v24;
	v7 =	vsel vm0, v7, v11;
	v4 =	vsel vm0, v4, v6  }
0x13b: {  	v8 =	vadd.f32 v8, v49;
	v52 =	vperm.xlane v7, v0;
	v7 =	vperm.xlane v7, v24  }
0x13c: {  	v1 =	vadd.f32 v1, v61;
	v6 =	vadd.f32 v10, v50;
	v55 =	vperm.xlane v4, v0  }
0x13d: {  	v4 =	vperm.xlane v4, v24;
	v8 =	vsel vm0, v9, v8;
	v7 =	vadd.f32 v7, v52  }
0x13e: {  	v6 =	vsel vm0, v6, v54;
	v56 =	vperm.xlane v8, v0;
	v8 =	vperm.xlane v8, v24  }
0x13f: {  	v57 =	vperm.xlane v6, v0;
	v6 =	vperm.xlane v6, v24;
	v2 =	vsel vm0, v7, v2  }
0x140: {  	v1 =	vsel vm0, v3, v1;
	v3 =	vld [tilespmem:$0x1FFE0];
	v58 =	vperm.xlane v2, v0;
	v2 =	vperm.xlane v2, v24  }
0x141: {  	v4 =	vadd.f32 v4, v55;
	v59 =	vadd.f32 v8, v56  }
0x142: {  	v6 =	vadd.f32 v6, v57;
	v2 =	vadd.f32 v2, v58  }
0x143: {  	v4 =	vsel vm0, v4, v59  }
0x144: {  	v62 =	vperm.xlane v4, v0;
	v4 =	vperm.xlane v4, v24;
	v2 =	vsel vm0, v6, v2  }
0x145: {  	v1 =	vadd.f32 v1, v3;
	v3 =	vld [tilespmem:$0x1FFF0];
	v63 =	vperm.xlane v2, v24;
	v2 =	vperm.xlane v2, v0  }
0x146: {  	s0 =	sshll.u32 s22, $0x4;
	s22 =	sadd.s32 $0x1, s22  }
0x147: {  	p0 =	sne.s32 s22, $0x4;
	v4 =	vadd.f32 v4, v62;
	v2 =	vadd.f32 v63, v2  }
.Ltmp4:
0x148: {  	_ = 	snop;
	(pc) =	sbr.rel @p0 .LBB2_2-.Ltmp4, $4  }
0x149: {  	v2 =	vsel vm0, v4, v2  }
0x14a: {  	v2 =	vadd.f32 v2, v3  }
0x14b: {  	[tilespmem:s0+$0x11080] =	vst v1  }
0x14c: {  	[tilespmem:s0+$0x11100] =	vst v2  }
0x14d: {  	_ =	swait.ge [sflag:s16], $0x8000  }
0x14e: {  	[sflag:s16] =	ssyncset.done $0x0  }
0x14f: {  	s0 =	simm.s32 $0x11080;
	[sflag:s16] =	ssyncadd.s32 $0xFFFF8000  }
0x150: {  	[hbm4b:s10+s2] =	stream.linear.scatter [tilespmem:s0], [sflag:$0x3], $0x40, $0x38;
	[tilespmem:$0x11180] =	vst v63  }
0x151: {  	s21 =	sadd.s32 $0x1, s21;
	_ =	swait.ge [sflag:s13], $0x40  }
0x152: {  	p0 =	sne.s32 s21, s12;
	[sflag:s13] =	ssyncset.done $0x0  }
.Ltmp5:
0x153: {  	s31 =	simm.s32 $0x11100;
	[sflag:s13] =	ssyncadd.s32 $0xFFFFFFC0;
	(pc) =	sbr.rel @p0 .LBB2_1-.Ltmp5, $4  }
0x154: {  	[hbm4b:s11+s2] =	stream.linear.scatter [tilespmem:s31], [sflag:$0x3], $0x40, $0x38;
	[tilespmem:$0x11180] =	vst v63  }
0x155: {  	_ =	swait.ge [sflag:s13], $0x40  }
0x156: {  	[sflag:s13] =	ssyncset.done $0x0  }
0x157: {  	[sflag:s13] =	ssyncadd.s32 $0xFFFFFFC0  }
0x158: {  	_ =	sfence.sel $0x180000  }
0x159: {  	[bflag:$0x0] =	sbarrier.arrive $0xFFFF  }
0x15a: {  	_ =	strace $0x90000047  }
0x15b: {  	s0 =	stileid.u32;
	[bflag:$0x2] =	sbarrier.arrive $0xFFFF  }
0x15c: {  	p0 =	sne.s32 s0, $0x0;
	s0 =	rddreg [dreg:$0x1]  }
0x15d: {  	s0 =	sadd.s32 @!p0 $0x100000, s0  }
0x15e: {  	[sflag:s0] =	ssyncadd.tile.s32 @!p0 $0x1;
	_ =	shalt  }
.Lfunc_end2:
_tile_overlayer_lowered:
.L_overlay_start_2:
0x15f: {  	(tag) =	ssettag $0x2  }
0x160: {  	s0 =	rddreg [dreg:$0x0];
	s2 =	stileid.u32  }
0x161: {  	s1 =	rddreg [dreg:$0x1];
	p0 =	sne.s32 s2, $0x0  }
0x162: {  	s3 =	rddreg [dreg:$0x2];
	[bflag:$0x3] =	sbarrier.arrive $0xFFFF;
	s2 =	simm.s32 @!p0 $0x1C03  }
0x163: {  	[timem:s3], [sflag:s2] =	dma.local @!p0 [hbm:s0], s1  }
0x164: {  	s0 =	simm.s32 @!p0 $0x3  }
0x165: {  	_ =	swait.ge @!p0 [sflag:s0], s1  }
0x166: {  	s1 =	ssub.s32 @!p0 $0x0, s1;
	[sflag:s0] =	ssyncset.done @!p0 $0x0  }
0x167: {  	[sflag:s0] =	ssyncadd.s32 @!p0 s1  }
0x168: {  	[bflag:$0x3] =	sbarrier.arrive $0xFFFF  }
0x169: {  	_ =	shalt  }

// kernel: kernel.9.cloned.1.call-start
scs
__scs_entry_jumppad:
0x0: {  	(pc) =	sbr.rel $0x88, $3  }
0x1: {  	(tag) =	ssettag $0x0;
	lr =	simm.s32 $0x1  }
0x2: {  	[smem:$0x3F95] =	sst lr;
	_ =	strace $0xD0000000  }
0x3: {  	_ = 	snop  }
0x4: {  	_ = 	snop  }
0x5: {  	_ = 	snop  }
0x6: {  	_ = 	snop  }
0x7: {  	_ = 	snop  }
__scs_overlays_trampoline_lowered:
0x8: {  	[smem:$0x3FA4] =	sst s0  }
0x9: {  	[smem:$0x3FA5] =	sst s1  }
0xa: {  	[smem:$0x3FA6] =	sst s2  }
0xb: {  	[smem:$0x3FA7] =	sst s3  }
0xc: {  	[smem:$0x3FA8] =	sst s4  }
0xd: {  	[smem:$0x3FA9] =	sst s5  }
0xe: {  	[smem:$0x3FAA] =	sst s6  }
0xf: {  	[smem:$0x3FAB] =	sst s7  }
0x10: {  	[smem:$0x3FAC] =	sst s8  }
0x11: {  	[smem:$0x3FAD] =	sst s9;
	s0 =	simm.s32 @!p0 $0x0  }
0x12: {  	s1 =	sld [smem:$0x3F93];
	s0 =	simm.s32 @p0 $0x1  }
0x13: {  	[smem:$0x3FAE] =	sst s0;
	s0 =	simm.s32 @!p1 $0x0  }
0x14: {  	s2 =	sld [smem:$0x3F92];
	s0 =	simm.s32 @p1 $0x1  }
0x15: {  	[smem:$0x3FAF] =	sst s0;
	s0 =	simm.s32 @!p2 $0x0  }
0x16: {  	s3 =	sld [smem:$0x3FDB];
	s0 =	simm.s32 @p2 $0x1  }
0x17: {  	s4 =	simm.s32 $0x1BF5;
	[smem:$0x3FB1] =	sst s0  }
0x18: {  	s0 =	sld [smem:$0x3F94];
	_ =	swait.ge [sflag:s4], $0x0  }
0x19: {  	s7 =	sld [smem:$0x3F95]  }
0x1a: {  	s8 =	sadd.s32 $0xFFFFE003, lr  }
0x1b: {  	s9 =	sadd.s32 $0xFFFFFEF7, lr;
	s5 =	simm.s32 $0xFFFFFFFF;
	p2 =	slt.u32 s8, $0xFFFFF086  }
0x1c: {  	p1 =	slt.u32 s9, $0xF7A;
	s5 =	simm.s32 @!p2 $0x0  }
0x1d: {  	s5 =	simm.s32 @p1 $0x1;
	p0 =	seq.s32 s7, s2  }
0x1e: {  	s7 =	smul.u32 @!p0 $0xF7A, s2;
	p2 =	seq.s32 @!p0 s5, $0x0  }
0x1f: {  	s9 =	smul.u32 $0xF7A, s1;
	s8 =	simm.s32 @!p0 $0x1BF5;
	p2 =	por !p2, p0  }
0x20: {  	[sflag:s8] =	ssyncset.s32 @!p0 $0xFFFFF086;
	s6 =	sadd.s32 @!p0 s3, s7;
	s7 =	simm.s32 @!p0 $0x108  }
0x21: {  	s3 =	sadd.s32 s3, s9;
	s6 =	sadd.s32 @!p0 $0x88, s6;
	s7 =	simm.s32 @p2 $0x1082  }
0x22: {  	[simem:s7], [sflag:s8] =	dma.local @!p0 [hbm:s6], $0xF7A  }
0x23: {  	s9 =	sor.u32 $0xD0000000, s2;
	s6 =	simm.s32 $0x108;
	_ =	swait.ge @!p0 [sflag:s8], $0x0  }
0x24: {  	s3 =	sadd.s32 $0x88, s3;
	s6 =	simm.s32 @!p1 $0x1082;
	[sflag:s4] =	ssyncset.s32 $0xFFFFF086  }
0x25: {  	[simem:s6], [sflag:s4] =	dma.local [hbm:s3], $0xF7A  }
0x26: {  	[smem:$0x3F95] =	sst s1;
	(tag) =	ssettag s2;
	_ =	strace s9  }
0x27: {  	s1 =	sld [smem:$0x3FA5]  }
0x28: {  	s2 =	sld [smem:$0x3FA6]  }
0x29: {  	s4 =	sld [smem:$0x3FA8]  }
0x2a: {  	p0 =	seq.s32 s5, $0x0;
	s5 =	sld [smem:$0x3FA9]  }
0x2b: {  	s6 =	sld [smem:$0x3FAA]  }
0x2c: {  	s7 =	sld [smem:$0x3FAB]  }
0x2d: {  	s3 =	simm.s32 $0x108;
	s8 =	sld [smem:$0x3FAC]  }
0x2e: {  	s3 =	simm.s32 @!p0 $0x1082;
	s9 =	sld [smem:$0x3FAD]  }
0x2f: {  	lr =	sadd.s32 s0, s3;
	s0 =	sld [smem:$0x3FA4]  }
0x30: {  	s3 =	sld [smem:$0x3FA7]  }
0x31: {  	[smem:$0x3FB0] =	sst s10  }
0x32: {  	s10 =	sld [smem:$0x3FAE];
	_ =	sdelay $0x3  }
0x33: {  	p0 =	seq.s32 s10, $0x1;
	s10 =	sld [smem:$0x3FB0];
	_ =	sdelay $0x3  }
0x34: {  	[smem:$0x3FB0] =	sst s10  }
0x35: {  	s10 =	sld [smem:$0x3FAF];
	_ =	sdelay $0x3  }
0x36: {  	p1 =	seq.s32 s10, $0x1;
	s10 =	sld [smem:$0x3FB0];
	_ =	sdelay $0x3  }
0x37: {  	[smem:$0x3FB0] =	sst s10  }
0x38: {  	s10 =	sld [smem:$0x3FB1]  }
0x39: {  	_ = 	snop;
	(pc) =	sbr.ind lr, $3  }
0x3a: {  	_ = 	snop  }
0x3b: {  	_ = 	snop  }
0x3c: {  	p2 =	seq.s32 s10, $0x1;
	s10 =	sld [smem:$0x3FB0]  }
0x3d: {  	_ =	shalt  }
0x3e: {  	_ =	shalt  }
0x3f: {  	_ =	shalt  }
0x40: {  	_ =	shalt  }
0x41: {  	_ =	shalt  }
0x42: {  	_ =	shalt  }
0x43: {  	_ =	shalt  }
0x44: {  	_ =	shalt  }
0x45: {  	_ =	shalt  }
0x46: {  	_ =	shalt  }
0x47: {  	_ =	shalt  }
0x48: {  	_ =	shalt  }
0x49: {  	_ =	shalt  }
0x4a: {  	_ =	shalt  }
0x4b: {  	_ =	shalt  }
0x4c: {  	_ =	shalt  }
0x4d: {  	_ =	shalt  }
0x4e: {  	_ =	shalt  }
0x4f: {  	_ =	shalt  }
0x50: {  	_ =	shalt  }
0x51: {  	_ =	shalt  }
0x52: {  	_ =	shalt  }
0x53: {  	_ =	shalt  }
0x54: {  	_ =	shalt  }
0x55: {  	_ =	shalt  }
0x56: {  	_ =	shalt  }
0x57: {  	_ =	shalt  }
0x58: {  	_ =	shalt  }
0x59: {  	_ =	shalt  }
0x5a: {  	_ =	shalt  }
0x5b: {  	_ =	shalt  }
0x5c: {  	_ =	shalt  }
0x5d: {  	_ =	shalt  }
0x5e: {  	_ =	shalt  }
0x5f: {  	_ =	shalt  }
0x60: {  	_ =	shalt  }
0x61: {  	_ =	shalt  }
0x62: {  	_ =	shalt  }
0x63: {  	_ =	shalt  }
0x64: {  	_ =	shalt  }
0x65: {  	_ =	shalt  }
0x66: {  	_ =	shalt  }
0x67: {  	_ =	shalt  }
0x68: {  	_ =	shalt  }
0x69: {  	_ =	shalt  }
0x6a: {  	_ =	shalt  }
0x6b: {  	_ =	shalt  }
0x6c: {  	_ =	shalt  }
0x6d: {  	_ =	shalt  }
0x6e: {  	_ =	shalt  }
0x6f: {  	_ =	shalt  }
0x70: {  	_ =	shalt  }
0x71: {  	_ =	shalt  }
0x72: {  	_ =	shalt  }
0x73: {  	_ =	shalt  }
0x74: {  	_ =	shalt  }
0x75: {  	_ =	shalt  }
0x76: {  	_ =	shalt  }
0x77: {  	_ =	shalt  }
0x78: {  	_ =	shalt  }
0x79: {  	_ =	shalt  }
0x7a: {  	_ =	shalt  }
0x7b: {  	_ =	shalt  }
0x7c: {  	_ =	shalt  }
0x7d: {  	_ =	shalt  }
0x7e: {  	_ =	shalt  }
0x7f: {  	_ =	shalt  }
0x80: {  	_ =	shalt  }
0x81: {  	_ =	shalt  }
0x82: {  	_ =	shalt  }
0x83: {  	_ =	shalt  }
0x84: {  	_ =	shalt  }
0x85: {  	_ =	shalt  }
0x86: {  	_ =	shalt  }
0x87: {  	_ =	shalt  }
.Lfunc_end0:
.L_simem_size_0:
called_computation.1_lowered:
.L_overlay_start_0:
0x88: {  	s2 =	sld [smem:$0x3FD9]  }
0x89: {  	s3 =	sld [smem:$0x3FFE];
	_ =	sdelay $0x1  }
0x8a: {  	s1 =	srdreg.scid  }
0x8b: {  	s0 =	sand.u32 $0x1, s1  }
0x8c: {  	s17 =	sshll.u32 s0, $0xA;
	s2 =	sadd.s32 s3, s2  }
0x8d: {  	s2 =	sadd.s32 s2, s17  }
0x8e: {  	[smem:$0x3FBC] =	sst s2  }
0x8f: {  	_ = 	snop  }
0x90: {  	s18 =	sld [smem:$0x3FD0];
	(tm) =	ssettm $0x1  }
0x91: {  	s19 =	sld [smem:$0x3FFB];
	_ =	sdelay $0x3  }
0x92: {  	_ =	strace s19  }
0x93: {  	s2 =	sld [smem:$0x3FFC];
	_ =	sdelay $0x3  }
0x94: {  	_ =	strace s2  }
0x95: {  	s2 =	sld [smem:$0x3FFD];
	_ =	sdelay $0x3  }
0x96: {  	_ =	strace s2  }
0x97: {  	_ =	strace $0x8FFFFFFF  }
0x98: {  	s20 =	sld [smem:$0x3FDB];
	_ =	sdelay $0x1  }
0x99: {  	s4 =	simm.s32 $_scs_section_size  }
0x9a: {  	s5 =	simm.s32 $_size__tile_overlayer_lowered;
	s6 =	simm.s32 $_tile_overlayer_lowered  }
0x9b: {  	s7 =	simm.s32 $0x1BFF;
	s21 =	sshll.u32 s6, $0x1;
	s4 =	sadd.s32 s4, s20  }
0x9c: {  	s22 =	simm.s32 $0x0;
	s5 =	sshll.u32 s5, $0x1;
	s6 =	sadd.s32 s21, s4  }
0x9d: {  	[timem:s22], [sflag:s7] =	dma.local [hbm:s6], s5  }
0x9e: {  	_ =	swait.ge [sflag:s7], s5  }
0x9f: {  	s5 =	ssub.s32 $0x0, s5;
	[sflag:s7] =	ssyncset.done $0x0  }
0xa0: {  	[sflag:s7] =	ssyncadd.s32 s5;
	_ =	sdelay $0x1  }
0xa1: {  	s23 =	simm.s32 $0x1B8B  }
0xa2: {  	_ =	swait.ge [sflag:s23], $0x1  }
0xa3: {  	[sflag:s23] =	ssyncset.done $0x0  }
0xa4: {  	[sflag:s23] =	ssyncadd.s32 $0xFFFFFFFF  }
0xa5: {  	s5 =	sld [smem:$0x0]  }
0xa6: {  	s6 =	sand.u32 $0xFFFFFFFE, s1  }
0xa7: {  	p0 =	sne.s32 s1, s6  }
0xa8: {  	s6 =	sshll.u32 @p0 s6, $0xE  }
0xa9: {  	s6 =	sadd.s32 @p0 $0x11B8D, s6;
	s7 =	sshll.u32 @p0 s5, $0x11  }
0xaa: {  	s6 =	sor.u32 @p0 s7, s6  }
0xab: {  	[sflag:s6] =	ssyncadd.remote.s32 @p0 $0x1;
	_ =	sdelay $0x1  }
0xac: {  	s6 =	simm.s32 @p0 $0x1B8D  }
0xad: {  	_ =	swait.eq @p0 [sflag:s6], $0x1  }
0xae: {  	[sflag:s6] =	ssyncadd.s32 @p0 $0xFFFFFFFF  }
0xaf: {  	s7 =	sshll.u32 @!p0 s1, $0xE  }
0xb0: {  	s7 =	sor.u32 @!p0 $0x4000, s7;
	s6 =	simm.s32 @!p0 $0x1B8D  }
0xb1: {  	s5 =	sshll.u32 @!p0 s5, $0x11;
	s7 =	sadd.s32 @!p0 $0x11B8D, s7;
	_ =	swait.eq @!p0 [sflag:s6], $0x1  }
0xb2: {  	s5 =	sor.u32 @!p0 s5, s7;
	[sflag:s6] =	ssyncadd.s32 @!p0 $0xFFFFFFFF  }
0xb3: {  	s25 =	simm.s32 $0x1B8E;
	s24 =	sld [smem:$0x3FFE];
	[sflag:s5] =	ssyncadd.remote.s32 @!p0 $0x1  }
0xb4: {  	s26 =	simm.s32 $execute0_lowered;
	[smem:$0x3FD2] =	sst s25  }
0xb5: {  	s6 =	sshll.u32 s26, $0x1;
	_ =	strace $0x80000049;
	[dreg:$0x1] =	wrdreg $0xFFFFFFFF  }
0xb6: {  	s28 =	simm.s32 $_size_execute0_lowered;
	s4 =	sadd.s32 s4, s6;
	[dreg:$0x0] =	wrdreg $0x0  }
0xb7: {  	s6 =	sshll.u32 s28, $0x1;
	[dreg:$0x2] =	wrdreg s4  }
0xb8: {  	[dreg:$0x3] =	wrdreg s6  }
0xb9: {  	[dreg:$0x4] =	wrdreg $0xC0  }
0xba: {  	_ =	task [dreg:s22], $0x5FFFF  }
0xbb: {  	[dreg:$0x1] =	wrdreg $0xFFFFFFFF  }
0xbc: {  	[dreg:$0x0] =	wrdreg $0x60  }
0xbd: {  	[dreg:$0x2] =	wrdreg s24  }
0xbe: {  	[dreg:$0x3] =	wrdreg s18  }
0xbf: {  	[dreg:$0x4] =	wrdreg $0xA  }
0xc0: {  	_ =	task.clear_ibuf [dreg:s22], $0x5FFFF;
	_ =	strace $0x90000049  }
0xc1: {  	s29 =	simm.s32 $0xA;
	_ =	strace $0x8000004B  }
0xc2: {  	_ =	swait.ge [sflag:s29], $0x1  }
0xc3: {  	[sflag:s29] =	ssyncadd.s32 $0xFFFFFFFF  }
0xc4: {  	_ =	strace $0x9000004B  }
0xc5: {  	_ =	sfence  }
0xc6: {  	s30 =	sld [smem:$0x0];
	_ =	sdelay $0x2  }
0xc7: {  	s31 =	sshll.u32 s1, $0xD;
	s1 =	sshrl.u32 s1, $0x2  }
0xc8: {  	s4 =	sand.u32 $0x4000, s31;
	s1 =	sadd.s32 s1, s30  }
0xc9: {  	s0 =	sor.u32 s4, s0;
	s1 =	sshll.u32 s1, $0x11  }
0xca: {  	s0 =	sor.u32 s1, s0  }
0xcb: {  	s0 =	sadd.s32 $0x8F2B, s0  }
0xcc: {  	[sflag:s0] =	ssyncadd.remote.s32 $0x1  }
0xcd: {  	_ =	sfence.sel $0xFFFF  }
0xce: {  	[dreg:$0x0] =	wrdreg $0xFFFFFFFF;
	(pc) =	sbr.abs _section_cstart, $3  }
0xcf: {  	[dreg:$0x1] =	wrdreg $0xFFFFFFFF  }
0xd0: {  	_ =	task.clear_ibuf [dreg:s22], $0x2FFFF;
	_ =	strace $0x9FFFFFFF  }
0xd1: {  	(tm) =	ssettm $0x7FFFFFFF  }
tec
execute0_lowered:
.L_overlay_start_1:
0x0: {  	(tag) =	ssettag $0x1  }
0x1: {  	s0 =	rddreg [dreg:$0x0]  }
0x2: {  	s1 =	rddreg [dreg:$0x1]  }
0x3: {  	s3 =	srdreg.scid;
	s2 =	simm.s32 $0x0;
	s5 =	stileid.u32  }
0x4: {  	s11 =	simm.s32 $0x3;
	s13 =	simm.s32 $0x1080;
	s14 =	simm.s32 $0x1  }
0x5: {  	s15 =	simm.s32 $0x9080;
	s16 =	simm.s32 $0x2;
	s19 =	simm.s32 $0x0  }
0x6: {  	s4 =	sand.u32 $0x1, s3;
	[smem:$0x7FF] =	sst s2;
	s30 =	sadd.s32 $0x1C00, s0  }
0x7: {  	s31 =	sadd.s32 $0x1001E00, s0;
	s3 =	sshll.u32 s4, $0x4;
	_ =	strace $0x8000004A  }
0x8: {  	v0 =	vlaneseq.u32;
	[dreg:$0x3] =	wrdreg s30;
	s4 =	ssub.s32 $0x2, s4;
	s7 =	sor.u32 s5, s3  }
0x9: {  	v0 =	vand.u32 $0x7, v0;
	[dreg:$0x4] =	wrdreg s31;
	s9 =	sshrl.u32 s4, $0x1;
	s8 =	smul.u32 $0x38, s7  }
0xa: {  	v0 =	vmul.u32 $0x2, v0;
	s3 =	sadd.s32 $0x1382400, s0;
	s6 =	smul.u32 $0x1C000, s7;
	s4 =	ssub.s32 s4, s9  }
0xb: {  	s7 =	smul.u32 $0xE0000, s7;
	s10 =	smax.u32 s4, $0x1;
	s0 =	sadd.s32 s8, s0  }
0xc: {  	vm0 =	vmmov $0xff;
	[tilespmem:$0x1FFF0] =	vst v0;
	s6 =	sadd.s32 s3, s6;
	s8 =	sadd.s32 s1, s8;
	s9 =	sadd.s32 $0x1002400, s0  }
.LBB2_1:
0xd: {  	s0 =	rddreg [dreg:$0x3]  }
0xe: {  	[tilespmem:s2], [sflag:$0x3] =	stream.linear.gather [hbm4b:s0+s2], $0x1000, $0x38;
	[tilespmem:$0x11480] =	vst v63  }
0xf: {  	_ =	swait.ge [sflag:s11], $0x1000  }
0x10: {  	[sflag:s11] =	ssyncset.done $0x0  }
0x11: {  	s1 =	simm.s32 $0x1000;
	s31 =	rddreg [dreg:$0x4];
	[sflag:s11] =	ssyncadd.s32 $0xFFFFF000  }
0x12: {  	[tilespmem:s1], [sflag:$0x3] =	stream.linear.gather [hbm4b:s31+s2], $0x80, $0x38;
	[tilespmem:$0x11480] =	vst v63  }
0x13: {  	_ =	swait.ge [sflag:s11], $0x80  }
0x14: {  	[sflag:s11] =	ssyncset.done $0x0  }
0x15: {  	[sflag:s11] =	ssyncadd.s32 $0xFFFFFF80  }
0x16: {  	v2 =	vld [tilespmem:$0x1000];
	_ =	sdelay $0x4  }
0x17: {  	v0 =	vbroadcast v2, $0x0  }
0x18: {  	[tilespmem:s13], [sflag:$0x1] =	stream.linear.gather [hbm4b:s6+s2], $0x8000, $0x38;
	v63 =	vbroadcast v2, $0x1;
	[tilespmem:$0x11480] =	vst v63  }
0x19: {  	[tilespmem:$0x1FFD0] =	vst v0  }
0x1a: {  	s20 =	simm.s32 $0x0;
	[tilespmem:$0x1FFE0] =	vst v63  }
.LBB2_2:
0x1b: {  	s21 =	sshllo.u32 s20, $0x1;
	_ =	swait.ge [sflag:s14], $0x8000  }
0x1c: {  	s26 =	simm.s32 $0x0;
	s4 =	simm.s32 $0x0;
	s0 =	sshll.u32 s21, $0xF  }
0x1d: {  	s1 =	simm.s32 $0x0;
	[sflag:s14] =	ssyncset.done $0x0;
	s0 =	sadd.s32 s7, s0  }
0x1e: {  	s24 =	sand.u32 $0x60, s26;
	s18 =	sand.u32 $0xFFFFFF00, s4;
	s0 =	sshrl.u32 s0, $0x3  }
0x1f: {  	[sflag:s14] =	ssyncadd.s32 $0xFFFF8000;
	s23 =	sor.u32 $0x10, s24;
	s0 =	sadd.s32 s3, s0  }
0x20: {  	[tilespmem:s15], [sflag:$0x2] =	stream.linear.gather [hbm4b:s0+s26], $0x8000, $0x38;
	[tilespmem:$0x11480] =	vst v63  }
0x21: {  	s25 =	sand.u32 $0x3FFFFC00, s1;
	s0 =	sor.u32 s23, s18  }
0x22: {  	s22 =	sadd.s32 $0x1080, s25;
	v3 =	vld [tilespmem:s0+$0x0]  }
0x23: {  	s5 =	sor.u32 s23, s22;
	v6 =	vld [tilespmem:s0+$0x80]  }
0x24: {  	v4 =	vld [tilespmem:s5+$0x0]  }
0x25: {  	v5 =	vld [tilespmem:s5+$0x80]  }
0x26: {  	v7 =	vld [tilespmem:s5+$0x100]  }
0x27: {  	v8 =	vld [tilespmem:s5+$0x180]  }
0x28: {  	v9 =	vld [tilespmem:s5+$0x200]  }
0x29: {  	v10 =	vld [tilespmem:s5+$0x280]  }
0x2a: {  	s17 =	sadd.s32 $0x5080, s25;
	v11 =	vld [tilespmem:s5+$0x300]  }
0x2b: {  	s4 =	sadd.s32 $0x5100, s25;
	s12 =	sor.u32 s23, s17;
	v12 =	vld [tilespmem:s5+$0x380]  }
0x2c: {  	s1 =	sadd.s32 $0x5180, s25;
	s31 =	sor.u32 s23, s4;
	v15 =	vld [tilespmem:s12+$0x0]  }
0x2d: {  	s28 =	sor.u32 s23, s1;
	v17 =	vld [tilespmem:s31+$0x0]  }
0x2e: {  	s18 =	sor.u32 s24, s18;
	v19 =	vld [tilespmem:s28+$0x0]  }
0x2f: {  	v21 =	vld [tilespmem:s18+$0x0];
	v13 =	vmul.f32 v4, v3;
	v4 =	vmul.f32 v4, v6  }
0x30: {  	s22 =	sor.u32 s24, s22;
	v20 =	vld [tilespmem:s18+$0x80];
	v14 =	vmul.f32 v5, v3;
	v5 =	vmul.f32 v5, v6  }
0x31: {  	v29 =	vld [tilespmem:s22+$0x180];
	v16 =	vmul.f32 v7, v3;
	v7 =	vmul.f32 v7, v6  }
0x32: {  	v34 =	vld [tilespmem:s22+$0x200];
	v18 =	vmul.f32 v8, v3;
	v8 =	vmul.f32 v8, v6  }
0x33: {  	s12 =	sadd.s32 $0x5200, s25;
	v36 =	vld [tilespmem:s22+$0x280];
	v26 =	vmul.f32 v9, v3;
	v9 =	vmul.f32 v9, v6  }
0x34: {  	s5 =	sadd.s32 $0x5280, s25;
	v59 =	vld [tilespmem:s22+$0x380];
	s28 =	sor.u32 s23, s12;
	v27 =	vmul.f32 v10, v3;
	v10 =	vmul.f32 v10, v6  }
0x35: {  	s29 =	sadd.s32 $0x5300, s25;
	s30 =	sor.u32 s23, s5;
	v22 =	vld [tilespmem:s28+$0x0];
	v28 =	vmul.f32 v11, v3;
	v11 =	vmul.f32 v11, v6  }
0x36: {  	v23 =	vld [tilespmem:s30+$0x0];
	s30 =	sor.u32 s23, s29;
	v53 =	vmul.f32 v12, v3;
	v54 =	vmul.f32 v12, v6  }
0x37: {  	s28 =	sadd.s32 $0x5380, s25;
	v25 =	vld [tilespmem:s30+$0x0];
	v49 =	vmul.f32 v15, v3;
	v50 =	vmul.f32 v15, v6  }
0x38: {  	s30 =	sor.u32 s23, s28;
	v47 =	vmul.f32 v17, v3;
	v48 =	vmul.f32 v17, v6;
	v15 =	vld [tilespmem:s22+$0x0]  }
0x39: {  	v12 =	vld [tilespmem:s30+$0x0];
	v42 =	vmul.f32 v19, v3;
	v43 =	vmul.f32 v19, v6  }
0x3a: {  	v37 =	vmul.f32 v29, v21;
	v56 =	vmul.f32 v34, v21  }
0x3b: {  	v34 =	vmul.f32 v34, v20;
	v38 =	vmul.f32 v36, v21  }
0x3c: {  	v17 =	vld [tilespmem:s22+$0x80];
	v52 =	vmul.f32 v59, v21;
	v40 =	vmul.f32 v22, v3  }
0x3d: {  	v41 =	vmul.f32 v22, v6;
	v32 =	vmul.f32 v15, v21  }
0x3e: {  	v19 =	vld [tilespmem:s22+$0x100];
	v22 =	vmul.f32 v12, v3;
	v0 =	vmul.f32 v12, v6;
	v12 =	vimm.f32 $0.0e+00  }
0x3f: {  	v30 =	vmul.f32 v23, v3;
	v15 =	vmul.f32 v15, v20;
	v32 =	vadd.f32 v32, v12  }
0x40: {  	v31 =	vmul.f32 v23, v6;
	v24 =	vmul.f32 v25, v3  }
0x41: {  	v33 =	vmul.f32 v17, v21;
	[tilespmem:$0x1FF30] =	vst v0;
	v15 =	vadd.f32 v15, v12;
	v0 =	vadd.f32 v13, v32  }
0x42: {  	v39 =	vimm.f32 $0.0e+00;
	v25 =	vmul.f32 v25, v6;
	v17 =	vmul.f32 v17, v20  }
0x43: {  	v35 =	vmul.f32 v19, v21;
	v33 =	vadd.f32 v33, v12;
	[tilespmem:$0x1FF40] =	vst v0;
	v0 =	vadd.f32 v4, v15  }
0x44: {  	v57 =	vadd.f32 v37, v12;
	v44 =	vadd.f32 v34, v12;
	v15 =	vmul.f32 v29, v20;
	v29 =	vld [tilespmem:s22+$0x300]  }
0x45: {  	v19 =	vmul.f32 v19, v20;
	v17 =	vadd.f32 v17, v12;
	[tilespmem:$0x1FF50] =	vst v0;
	v0 =	vadd.f32 v14, v33  }
0x46: {  	s4 =	sor.u32 s24, s4;
	v46 =	vadd.f32 v38, v12;
	v38 =	vimm.f32 $0.0e+00;
	v37 =	vimm.f32 $0.0e+00  }
0x47: {  	v55 =	vld [tilespmem:s4+$0x0];
	v34 =	vimm.f32 $0.0e+00;
	[tilespmem:$0x1FF60] =	vst v0;
	v0 =	vadd.f32 v5, v17;
	v17 =	vadd.f32 v35, v12  }
0x48: {  	v19 =	vadd.f32 v19, v12;
	v62 =	vadd.f32 v9, v44;
	v44 =	vimm.f32 $0.0e+00  }
0x49: {  	v58 =	vadd.f32 v15, v12;
	v45 =	vmul.f32 v29, v21;
	[tilespmem:$0x1FF70] =	vst v0;
	v0 =	vadd.f32 v16, v17  }
0x4a: {  	v32 =	vimm.f32 $0.0e+00;
	v29 =	vmul.f32 v29, v20;
	v17 =	vmul.f32 v36, v20  }
0x4b: {  	s17 =	sor.u32 s24, s17;
	v33 =	vimm.f32 $0.0e+00;
	v61 =	vadd.f32 v8, v58;
	[tilespmem:$0x1FF80] =	vst v0;
	v0 =	vadd.f32 v7, v19  }
0x4c: {  	v58 =	vmul.f32 v55, v21;
	v29 =	vadd.f32 v29, v12;
	v19 =	vld [tilespmem:s17+$0x0];
	v51 =	vadd.f32 v17, v12  }
0x4d: {  	v35 =	vimm.f32 $0.0e+00;
	[tilespmem:$0x1FF90] =	vst v0;
	v0 =	vadd.f32 v18, v57;
	v18 =	vadd.f32 v56, v12  }
0x4e: {  	v36 =	vimm.f32 $0.0e+00;
	v63 =	vadd.f32 v10, v51;
	v51 =	vadd.f32 v52, v12  }
0x4f: {  	[tilespmem:$0x1FFA0] =	vst v0;
	v18 =	vadd.f32 v26, v18;
	v26 =	vmul.f32 v59, v20;
	v0 =	vadd.f32 v27, v46  }
0x50: {  	v27 =	vadd.f32 v45, v12;
	v46 =	vimm.f32 $0.0e+00;
	v45 =	vimm.f32 $0.0e+00  }
0x51: {  	s1 =	sor.u32 s24, s1;
	v59 =	vmul.f32 v19, v21;
	v60 =	vmul.f32 v19, v20;
	[tilespmem:$0x1FFB0] =	vst v0;
	v0 =	vadd.f32 v11, v29  }
0x52: {  	s31 =	sor.u32 s24, s12;
	v56 =	vld [tilespmem:s1+$0x0];
	v52 =	vadd.f32 v26, v12;
	v19 =	vadd.f32 v28, v27;
	v28 =	vimm.f32 $0.0e+00  }
0x53: {  	s0 =	sor.u32 s24, s5;
	s30 =	simm.s32 $0x0;
	s22 =	sshll.u32 s20, $0x1;
	v57 =	vld [tilespmem:s31+$0x0];
	v29 =	vimm.f32 $0.0e+00;
	v26 =	vimm.f32 $0.0e+00;
	v27 =	vimm.f32 $0.0e+00;
	[tilespmem:$0x1FFC0] =	vst v0  }
.LBB2_3:
0x54: {  	v55 =	vmul.f32 v55, v20  }
0x55: {  	[tilespmem:$0x1FF10] =	vst v61;
	v61 =	vld [tilespmem:s0+$0x0];
	s1 =	sor.u32 s24, s29;
	s5 =	sadd.s32 $0x5400, s25  }
0x56: {  	s30 =	sadd.s32 $0x2, s30;
	s31 =	sor.u32 s24, s28;
	v46 =	vadd.f32 v60, v46;
	s28 =	sor.u32 s24, s5;
	v45 =	vadd.f32 v55, v45;
	v55 =	vld [tilespmem:s1+$0x0]  }
0x57: {  	s26 =	sadd.s32 $0x20, s26;
	v0 =	vadd.f32 v53, v51;
	s0 =	sshll.u32 s30, $0x7;
	v53 =	vld [tilespmem:s28+$0x0]  }
0x58: {  	s4 =	sand.u32 $0x60, s26;
	s12 =	sshra.s32 s0, $0x2;
	v46 =	vadd.f32 v50, v46;
	v50 =	vld [tilespmem:s31+$0x0]  }
0x59: {  	v44 =	vadd.f32 v58, v44;
	s1 =	sor.u32 $0x10, s4;
	[tilespmem:$0x1FF20] =	vst v0;
	s17 =	sand.u32 $0xFFFFFF00, s12;
	s31 =	sor.u32 s23, s5;
	v0 =	vld [tilespmem:$0x1FF30]  }
0x5a: {  	s25 =	sand.u32 $0x3FFFFC00, s0;
	s18 =	sor.u32 s1, s17;
	v58 =	vld [tilespmem:s31+$0x0]  }
0x5b: {  	s24 =	smov.u32 s4;
	v44 =	vadd.f32 v47, v44;
	s4 =	sadd.s32 $0x1080, s25;
	s23 =	smov.u32 s1;
	v9 =	vmul.f32 v56, v21;
	v10 =	vmul.f32 v56, v20;
	v47 =	vld [tilespmem:s18+$0x0]  }
0x5c: {  	v52 =	vadd.f32 v54, v52;
	v23 =	vadd.f32 v59, v12;
	v11 =	vmul.f32 v57, v21;
	s1 =	sor.u32 s23, s4;
	v54 =	vld [tilespmem:s18+$0x80]  }
0x5d: {  	v60 =	vmul.f32 v57, v20;
	v59 =	vld [tilespmem:s1+$0x0];
	v38 =	vadd.f32 v9, v38;
	v39 =	vadd.f32 v10, v39  }
0x5e: {  	v12 =	vld [tilespmem:s1+$0x380];
	v9 =	vmul.f32 v61, v21;
	v36 =	vadd.f32 v11, v36;
	v10 =	vmul.f32 v61, v20  }
0x5f: {  	v37 =	vadd.f32 v60, v37;
	v61 =	vld [tilespmem:s1+$0x80];
	v11 =	vmul.f32 v55, v21;
	v57 =	vmul.f32 v55, v20  }
0x60: {  	v28 =	vadd.f32 v9, v28;
	v29 =	vadd.f32 v10, v29;
	v60 =	vmul.f32 v50, v21;
	v10 =	vld [tilespmem:s1+$0x100]  }
0x61: {  	v9 =	vmul.f32 v50, v20;
	v21 =	vmul.f32 v53, v21;
	v50 =	vld [tilespmem:s1+$0x280];
	v32 =	vadd.f32 v11, v32  }
0x62: {  	v20 =	vmul.f32 v53, v20;
	v53 =	vld [tilespmem:s1+$0x300];
	v33 =	vadd.f32 v57, v33;
	v28 =	vadd.f32 v30, v28  }
0x63: {  	s4 =	sor.u32 s24, s4;
	v29 =	vadd.f32 v31, v29;
	v30 =	vld [tilespmem:s1+$0x180];
	v31 =	vadd.f32 v9, v34  }
0x64: {  	s18 =	sadd.s32 $0x5080, s25;
	v20 =	vadd.f32 v20, v27;
	v27 =	vmul.f32 v58, v6;
	v9 =	vld [tilespmem:s4+$0x80];
	v32 =	vadd.f32 v24, v32  }
0x65: {  	s12 =	sadd.s32 $0x5100, s25;
	s5 =	sor.u32 s23, s18;
	v33 =	vadd.f32 v25, v33;
	v24 =	vld [tilespmem:s1+$0x200];
	v25 =	vadd.f32 v60, v26  }
0x66: {  	s28 =	sor.u32 s23, s12;
	s31 =	sadd.s32 $0x5280, s25;
	v27 =	vadd.f32 v27, v20;
	v20 =	vld [tilespmem:s5+$0x0]  }
0x67: {  	s1 =	sadd.s32 $0x5180, s25;
	s5 =	sor.u32 s23, s31;
	v26 =	vadd.f32 v22, v25;
	v22 =	vld [tilespmem:s28+$0x0]  }
0x68: {  	s0 =	sadd.s32 $0x5200, s25;
	v34 =	vadd.f32 v0, v31;
	s28 =	sor.u32 s23, s1;
	v31 =	vld [tilespmem:s5+$0x0]  }
0x69: {  	s29 =	sadd.s32 $0x5300, s25;
	v11 =	vmul.f32 v58, v3;
	v3 =	vmov v47;
	v6 =	vmov v54;
	v25 =	vld [tilespmem:s28+$0x0];
	s28 =	sor.u32 s23, s0  }
0x6a: {  	v51 =	vadd.f32 v49, v23;
	v23 =	vmovc v19;
	s5 =	sor.u32 s23, s29;
	v19 =	vmul.f32 v24, v3;
	v1 =	vmul.f32 v24, v6;
	v24 =	vld [tilespmem:s28+$0x0];
	s28 =	sadd.s32 $0x5380, s25  }
0x6b: {  	v21 =	vadd.f32 v21, v35;
	v54 =	vmul.f32 v12, v6;
	v4 =	vmul.f32 v53, v3;
	v7 =	vld [tilespmem:s5+$0x0];
	s5 =	sor.u32 s23, s28  }
0x6c: {  	s17 =	sor.u32 s24, s17;
	v5 =	vmul.f32 v53, v6;
	v53 =	vmul.f32 v12, v3;
	v12 =	vld [tilespmem:s5+$0x0]  }
0x6d: {  	v35 =	vadd.f32 v11, v21;
	v21 =	vld [tilespmem:s17+$0x0]  }
0x6e: {  	v15 =	vld [tilespmem:$0x1FF60];
	v2 =	vmul.f32 v50, v3  }
0x6f: {  	v8 =	vld [tilespmem:s4+$0x0];
	v0 =	vmul.f32 v50, v6;
	v49 =	vmul.f32 v20, v3  }
0x70: {  	v50 =	vmul.f32 v20, v6;
	v47 =	vmul.f32 v22, v3  }
0x71: {  	v14 =	vld [tilespmem:$0x1FF40];
	v45 =	vadd.f32 v48, v45;
	v48 =	vmul.f32 v22, v6;
	v22 =	vmul.f32 v12, v3  }
0x72: {  	v20 =	vld [tilespmem:s17+$0x80];
	v11 =	vmul.f32 v12, v6;
	v12 =	vmul.f32 v9, v21  }
0x73: {  	v38 =	vadd.f32 v42, v38;
	v55 =	vmul.f32 v59, v3  }
0x74: {  	v56 =	vmul.f32 v59, v6;
	[tilespmem:$0x1FF30] =	vst v11;
	v11 =	vmul.f32 v8, v21;
	v12 =	vadd.f32 v12, v15;
	v15 =	vld [tilespmem:$0x1FF70]  }
0x75: {  	v39 =	vadd.f32 v43, v39;
	v59 =	vmul.f32 v10, v3;
	v60 =	vmul.f32 v10, v6;
	v10 =	vld [tilespmem:s4+$0x100]  }
0x76: {  	v57 =	vmul.f32 v61, v3;
	v58 =	vmul.f32 v61, v6;
	v11 =	vadd.f32 v11, v14;
	v14 =	vld [tilespmem:$0x1FF50]  }
0x77: {  	v36 =	vadd.f32 v40, v36;
	v42 =	vmul.f32 v25, v3;
	v9 =	vmul.f32 v9, v20  }
0x78: {  	v43 =	vmul.f32 v25, v6;
	v25 =	vmul.f32 v7, v6;
	v11 =	vadd.f32 v55, v11;
	v55 =	vld [tilespmem:$0x1FF80]  }
0x79: {  	v40 =	vmul.f32 v24, v3;
	v8 =	vmul.f32 v8, v20;
	v9 =	vadd.f32 v9, v15  }
0x7a: {  	v37 =	vadd.f32 v41, v37;
	v41 =	vmul.f32 v24, v6;
	v24 =	vmul.f32 v7, v3;
	v7 =	vld [tilespmem:s4+$0x180]  }
0x7b: {  	v13 =	vld [tilespmem:s4+$0x200];
	v8 =	vadd.f32 v8, v14;
	v14 =	vmul.f32 v10, v21;
	v9 =	vadd.f32 v58, v9  }
0x7c: {  	v57 =	vadd.f32 v57, v12;
	v12 =	vld [tilespmem:$0x1FFA0]  }
0x7d: {  	[tilespmem:$0x1FF70] =	vst v9;
	v9 =	vadd.f32 v14, v55;
	v14 =	vld [tilespmem:$0x1FF10];
	_ =	sdelay $0x1  }
0x7e: {  	v16 =	vmul.f32 v7, v21  }
0x7f: {  	v7 =	vmul.f32 v7, v20  }
0x80: {  	v17 =	vmovc v62;
	v61 =	vmul.f32 v30, v3;
	v62 =	vmul.f32 v30, v6;
	v12 =	vadd.f32 v16, v12  }
0x81: {  	[tilespmem:$0x1FF60] =	vst v57;
	v57 =	vmul.f32 v13, v21;
	v13 =	vmul.f32 v13, v20;
	v15 =	vld [tilespmem:s4+$0x280];
	v7 =	vadd.f32 v7, v14  }
0x82: {  	v12 =	vadd.f32 v61, v12  }
0x83: {  	v61 =	vadd.f32 v62, v7;
	v62 =	vadd.f32 v13, v17;
	v13 =	vld [tilespmem:$0x1FFB0];
	_ =	sdelay $0x2  }
0x84: {  	v16 =	vmul.f32 v15, v21;
	_ =	sdelay $0x1  }
0x85: {  	v8 =	vadd.f32 v56, v8;
	v56 =	vld [tilespmem:$0x1FF90];
	v13 =	vadd.f32 v16, v13;
	_ =	sdelay $0x1  }
0x86: {  	[tilespmem:$0x1FF50] =	vst v8;
	v8 =	vld [tilespmem:s4+$0x300];
	v2 =	vadd.f32 v2, v13  }
0x87: {  	v10 =	vmul.f32 v10, v20  }
0x88: {  	v9 =	vadd.f32 v59, v9;
	v59 =	vmul.f32 v15, v20;
	[tilespmem:$0x1FFB0] =	vst v2;
	v2 =	vld [tilespmem:$0x1FFC0]  }
0x89: {  	s17 =	sor.u32 s24, s18;
	s18 =	sor.u32 s24, s12;
	v10 =	vadd.f32 v10, v56;
	v14 =	vld [tilespmem:s4+$0x380]  }
0x8a: {  	v55 =	vld [tilespmem:s18+$0x0];
	[tilespmem:$0x1FF80] =	vst v9;
	v9 =	vadd.f32 v59, v63;
	v7 =	vadd.f32 v57, v18  }
0x8b: {  	[tilespmem:$0x1FFA0] =	vst v12;
	v58 =	vadd.f32 v60, v10;
	v10 =	vld [tilespmem:s17+$0x0];
	v12 =	vmul.f32 v8, v21;
	v8 =	vmul.f32 v8, v20  }
0x8c: {  	p0 =	slt.u32 s30, $0x7E;
	v63 =	vadd.f32 v0, v9;
	v18 =	vadd.f32 v19, v7;
	v7 =	vld [tilespmem:$0x1FF20]  }
.Ltmp0:
0x8d: {  	v30 =	vmul.f32 v31, v3;
	v0 =	vadd.f32 v12, v23;
	v2 =	vadd.f32 v8, v2;
	(pc) =	sbr.rel @p0 .LBB2_3-.Ltmp0, $4  }
0x8e: {  	v31 =	vmul.f32 v31, v6;
	v62 =	vadd.f32 v1, v62;
	v15 =	vmul.f32 v14, v21  }
0x8f: {  	s1 =	sor.u32 s24, s1;
	[tilespmem:$0x1FF40] =	vst v11;
	v1 =	vmul.f32 v14, v20;
	v19 =	vadd.f32 v4, v0;
	v0 =	vadd.f32 v5, v2  }
0x90: {  	s0 =	sor.u32 s24, s0;
	v56 =	vld [tilespmem:s1+$0x0];
	[tilespmem:$0x1FF90] =	vst v58;
	v58 =	vmul.f32 v55, v21;
	v12 =	vmov v51;
	v59 =	vmul.f32 v10, v21  }
0x91: {  	v57 =	vld [tilespmem:s0+$0x0];
	s0 =	sor.u32 s24, s31;
	v52 =	vadd.f32 v1, v52;
	v60 =	vmul.f32 v10, v20;
	v51 =	vadd.f32 v15, v7;
	[tilespmem:$0x1FFC0] =	vst v0  }
0x92: {  	_ =	sdelay $0x1  }
0x93: {  	v5 =	vadd.f32 v60, v46;
	_ =	sdelay $0x1  }
0x94: {  	v4 =	vadd.f32 v59, v12;
	v23 =	vadd.f32 v50, v5;
	v5 =	vmul.f32 v57, v20  }
0x95: {  	v0 =	vmul.f32 v55, v20;
	v1 =	vld [tilespmem:s0+$0x0];
	s17 =	sor.u32 s24, s29;
	v8 =	vadd.f32 v58, v44;
	v2 =	vadd.f32 v53, v51  }
0x96: {  	s18 =	sor.u32 s24, s28;
	s25 =	sadd.s32 $0x5400, s25;
	v51 =	vadd.f32 v54, v52;
	v10 =	vld [tilespmem:s17+$0x0];
	v5 =	vadd.f32 v5, v37  }
0x97: {  	v60 =	vld [tilespmem:s18+$0x0];
	s0 =	sor.u32 s23, s25;
	v0 =	vadd.f32 v0, v45;
	v4 =	vadd.f32 v49, v4  }
0x98: {  	v7 =	vmul.f32 v56, v21;
	v9 =	vmul.f32 v56, v20;
	v37 =	vadd.f32 v41, v5;
	v5 =	vld [tilespmem:s0+$0x0]  }
0x99: {  	s1 =	sor.u32 s24, s25;
	v8 =	vadd.f32 v47, v8;
	v11 =	vmul.f32 v57, v21;
	v44 =	vadd.f32 v48, v0  }
0x9a: {  	v13 =	vld [tilespmem:s1+$0x0];
	v45 =	vadd.f32 v7, v38;
	v7 =	vadd.f32 v9, v39  }
0x9b: {  	v55 =	vld [tilespmem:$0x1FF40];
	v46 =	vmul.f32 v1, v21;
	v1 =	vmul.f32 v1, v20;
	v11 =	vadd.f32 v11, v36  }
0x9c: {  	v17 =	vld [tilespmem:$0x1FF60];
	v14 =	vmul.f32 v10, v21;
	v36 =	vadd.f32 v43, v7;
	v7 =	vmul.f32 v10, v20  }
0x9d: {  	v12 =	vmul.f32 v60, v20;
	v0 =	vadd.f32 v42, v45;
	v53 =	vmul.f32 v5, v3;
	v3 =	vld [tilespmem:$0x1FFF0]  }
0x9e: {  	v48 =	vmul.f32 v60, v21;
	v9 =	vadd.f32 v46, v28;
	v7 =	vadd.f32 v7, v33  }
0x9f: {  	v15 =	vmul.f32 v13, v21;
	v14 =	vadd.f32 v14, v32;
	v52 =	vadd.f32 v12, v34  }
0xa0: {  	v49 =	vmul.f32 v13, v20;
	v20 =	vadd.f32 v25, v7;
	v7 =	vadd.f32 v48, v26  }
0xa1: {  	v9 =	vadd.f32 v30, v9;
	v54 =	vadd.f32 v15, v35;
	v5 =	vmul.f32 v5, v6  }
0xa2: {  	v7 =	vadd.f32 v22, v7;
	v6 =	vperm.xlane v55, v3;
	v16 =	vperm.xlane v17, v3  }
0xa3: {  	v12 =	vadd.f32 v53, v54;
	v58 =	vperm.xlane v2, v3;
	v59 =	vperm.xlane v0, v3  }
0xa4: {  	v26 =	vor.u32 $0x1, v3;
	v60 =	vperm.xlane v9, v3;
	v32 =	vperm.xlane v7, v3  }
0xa5: {  	v1 =	vadd.f32 v1, v29;
	v33 =	vperm.xlane v12, v3;
	v22 =	vperm.xlane v17, v26;
	v17 =	vld [tilespmem:$0x1FF80]  }
0xa6: {  	v47 =	vadd.f32 v40, v11;
	v54 =	vperm.xlane v62, v3;
	v15 =	vperm.xlane v55, v26  }
0xa7: {  	v50 =	vadd.f32 v24, v14;
	v2 =	vperm.xlane v2, v26;
	v0 =	vperm.xlane v0, v26  }
0xa8: {  	v10 =	vperm.xlane v47, v26;
	v9 =	vperm.xlane v9, v26  }
0xa9: {  	v21 =	vadd.f32 v31, v1;
	v13 =	vperm.xlane v50, v26;
	v7 =	vperm.xlane v7, v26  }
0xaa: {  	v1 =	vadd.f32 v49, v27;
	v56 =	vperm.xlane v17, v3;
	v24 =	vperm.xlane v17, v26;
	v17 =	vld [tilespmem:$0x1FFA0]  }
0xab: {  	v12 =	vperm.xlane v12, v26;
	v53 =	vperm.xlane v61, v26  }
0xac: {  	v1 =	vadd.f32 v5, v1;
	v55 =	vperm.xlane v62, v26;
	v62 =	vperm.xlane v23, v3  }
0xad: {  	v6 =	vadd.f32 v15, v6;
	v16 =	vadd.f32 v22, v16;
	v22 =	vperm.xlane v18, v3  }
0xae: {  	v0 =	vadd.f32 v0, v59;
	v7 =	vadd.f32 v7, v32;
	v32 =	vperm.xlane v44, v3  }
0xaf: {  	v38 =	vadd.f32 v12, v33;
	v59 =	vld [tilespmem:$0x1FFC0];
	v33 =	vperm.xlane v44, v26;
	v57 =	vperm.xlane v17, v3  }
0xb0: {  	v6 =	vsel vm0, v6, v16;
	v25 =	vperm.xlane v17, v26;
	v17 =	vperm.xlane v18, v26;
	v18 =	vld [tilespmem:$0x1FFB0]  }
0xb1: {  	v7 =	vsel vm0, v7, v38;
	v34 =	vperm.xlane v6, v3;
	v6 =	vperm.xlane v6, v26  }
0xb2: {  	v9 =	vadd.f32 v9, v60;
	v46 =	vperm.xlane v7, v3;
	v7 =	vperm.xlane v7, v26  }
0xb3: {  	v14 =	vadd.f32 v24, v56;
	v6 =	vadd.f32 v6, v34;
	v56 =	vperm.xlane v63, v3  }
0xb4: {  	v60 =	vperm.xlane v59, v3;
	v34 =	vperm.xlane v36, v3;
	v15 =	vadd.f32 v25, v57  }
0xb5: {  	v2 =	vadd.f32 v2, v58;
	v24 =	vperm.xlane v18, v3;
	v18 =	vperm.xlane v18, v26  }
0xb6: {  	v16 =	vadd.f32 v17, v22;
	v57 =	vperm.xlane v63, v26;
	v14 =	vsel vm0, v14, v15  }
0xb7: {  	v63 =	vperm.xlane v23, v26;
	v35 =	vperm.xlane v14, v3;
	v17 =	vadd.f32 v18, v24  }
0xb8: {  	v7 =	vadd.f32 v7, v46;
	v18 =	vperm.xlane v19, v3;
	v19 =	vperm.xlane v19, v26  }
0xb9: {  	v14 =	vperm.xlane v14, v26;
	v16 =	vsel vm0, v16, v17;
	v17 =	vperm.xlane v4, v3  }
0xba: {  	v4 =	vperm.xlane v4, v26;
	v18 =	vadd.f32 v19, v18;
	v19 =	vperm.xlane v8, v3  }
0xbb: {  	v58 =	vadd.f32 v57, v56;
	v8 =	vperm.xlane v8, v26;
	v39 =	vperm.xlane v16, v3  }
0xbc: {  	v40 =	vperm.xlane v16, v26;
	v16 =	vperm.xlane v36, v26;
	v4 =	vadd.f32 v4, v17  }
0xbd: {  	v17 =	vperm.xlane v47, v3;
	v2 =	vsel vm0, v18, v2;
	v8 =	vadd.f32 v8, v19  }
0xbe: {  	v41 =	vperm.xlane v2, v3;
	v2 =	vperm.xlane v2, v26;
	v12 =	vadd.f32 v40, v39  }
0xbf: {  	v39 =	vperm.xlane v21, v3;
	v40 =	vperm.xlane v21, v26;
	v10 =	vadd.f32 v10, v17  }
0xc0: {  	v4 =	vsel vm0, v4, v8;
	v8 =	vperm.xlane v50, v3;
	v17 =	vperm.xlane v37, v26  }
0xc1: {  	v36 =	vadd.f32 v33, v32;
	v42 =	vperm.xlane v4, v3;
	v4 =	vperm.xlane v4, v26  }
0xc2: {  	v48 =	vld [tilespmem:$0x1FF30];
	v2 =	vadd.f32 v2, v41;
	v41 =	vperm.xlane v20, v3;
	v0 =	vsel vm0, v0, v10  }
0xc3: {  	v8 =	vadd.f32 v13, v8;
	v10 =	vadd.f32 v14, v35;
	v35 =	vperm.xlane v37, v3  }
0xc4: {  	v50 =	vld [tilespmem:$0x1FF70];
	v37 =	vadd.f32 v16, v34;
	v16 =	vperm.xlane v20, v26;
	v43 =	vperm.xlane v0, v3  }
0xc5: {  	v0 =	vperm.xlane v0, v26;
	v4 =	vadd.f32 v4, v42;
	v2 =	vsel vm0, v12, v2  }
0xc6: {  	v8 =	vsel vm0, v9, v8;
	v6 =	vsel vm0, v6, v10;
	v49 =	vperm.xlane v2, v3  }
0xc7: {  	v10 =	vadd.f32 v48, v52;
	v45 =	vperm.xlane v8, v3;
	v8 =	vperm.xlane v8, v26  }
0xc8: {  	v2 =	vperm.xlane v2, v26;
	v0 =	vadd.f32 v0, v43;
	v47 =	vperm.xlane v6, v3  }
0xc9: {  	v52 =	vld [tilespmem:$0x1FF90];
	v6 =	vperm.xlane v6, v26;
	v9 =	vperm.xlane v50, v26;
	v8 =	vadd.f32 v8, v45  }
0xca: {  	v14 =	vadd.f32 v40, v39;
	v43 =	vperm.xlane v1, v3;
	v1 =	vperm.xlane v1, v26  }
0xcb: {  	v2 =	vadd.f32 v2, v49;
	v0 =	vsel vm0, v4, v0;
	v4 =	vsel vm0, v8, v7;
	v8 =	vld [tilespmem:$0x1FF50]  }
0xcc: {  	v42 =	vperm.xlane v10, v3;
	v10 =	vperm.xlane v10, v26;
	v6 =	vadd.f32 v6, v47  }
0xcd: {  	v1 =	vadd.f32 v1, v43;
	v7 =	vperm.xlane v0, v3;
	v0 =	vperm.xlane v0, v26  }
0xce: {  	v10 =	vadd.f32 v10, v42;
	v11 =	vperm.xlane v52, v26;
	v5 =	vperm.xlane v4, v3  }
0xcf: {  	v4 =	vperm.xlane v4, v26;
	v0 =	vadd.f32 v0, v7;
	v7 =	vperm.xlane v50, v3  }
0xd0: {  	v2 =	vsel vm0, v6, v2;
	v6 =	vperm.xlane v8, v3;
	v8 =	vperm.xlane v8, v26  }
0xd1: {  	v1 =	vsel vm0, v10, v1;
	v4 =	vadd.f32 v4, v5;
	v5 =	vperm.xlane v52, v3  }
0xd2: {  	v7 =	vadd.f32 v9, v7;
	v6 =	vadd.f32 v8, v6;
	v8 =	vperm.xlane v61, v3  }
0xd3: {  	v12 =	vperm.xlane v59, v26;
	v38 =	vadd.f32 v17, v35;
	v49 =	vperm.xlane v1, v3  }
0xd4: {  	v5 =	vadd.f32 v11, v5;
	v6 =	vsel vm0, v6, v7;
	v7 =	vadd.f32 v53, v8  }
0xd5: {  	v1 =	vperm.xlane v1, v26;
	v9 =	vadd.f32 v63, v62;
	v11 =	vadd.f32 v12, v60  }
0xd6: {  	v61 =	vperm.xlane v51, v26;
	v5 =	vsel vm0, v5, v7;
	v7 =	vperm.xlane v51, v3  }
0xd7: {  	v12 =	vsel vm0, v37, v38;
	v9 =	vsel vm0, v9, v36;
	v8 =	vadd.f32 v55, v54  }
0xd8: {  	v47 =	vperm.xlane v12, v3;
	v12 =	vperm.xlane v12, v26;
	v7 =	vadd.f32 v61, v7  }
0xd9: {  	v8 =	vsel vm0, v8, v58;
	v44 =	vperm.xlane v5, v3;
	v5 =	vperm.xlane v5, v26  }
0xda: {  	v45 =	vperm.xlane v8, v3;
	v8 =	vperm.xlane v8, v26;
	v7 =	vsel vm0, v11, v7  }
0xdb: {  	v11 =	vadd.f32 v16, v41;
	v16 =	vperm.xlane v6, v3;
	v6 =	vperm.xlane v6, v26  }
0xdc: {  	v5 =	vadd.f32 v5, v44;
	v46 =	vperm.xlane v7, v3;
	v7 =	vperm.xlane v7, v26  }
0xdd: {  	v8 =	vadd.f32 v8, v45;
	v11 =	vsel vm0, v14, v11;
	v6 =	vadd.f32 v6, v16  }
0xde: {  	v7 =	vadd.f32 v7, v46;
	v48 =	vperm.xlane v11, v3;
	v11 =	vperm.xlane v11, v26  }
0xdf: {  	v5 =	vsel vm0, v6, v5;
	v6 =	vperm.xlane v9, v3;
	v9 =	vperm.xlane v9, v26  }
0xe0: {  	v1 =	vadd.f32 v1, v49;
	v10 =	vadd.f32 v11, v48  }
0xe1: {  	v7 =	vsel vm0, v8, v7;
	v8 =	vadd.f32 v12, v47;
	v6 =	vadd.f32 v9, v6  }
0xe2: {  	v50 =	vperm.xlane v5, v3;
	v5 =	vperm.xlane v5, v26;
	v1 =	vsel vm0, v10, v1  }
0xe3: {  	v6 =	vsel vm0, v6, v8;
	v8 =	vperm.xlane v7, v3;
	v7 =	vperm.xlane v7, v26  }
0xe4: {  	v0 =	vsel vm0, v0, v4;
	v4 =	vperm.xlane v1, v3;
	v1 =	vperm.xlane v1, v26  }
0xe5: {  	v51 =	vperm.xlane v6, v3;
	v6 =	vperm.xlane v6, v26  }
0xe6: {  	v52 =	vperm.xlane v2, v3;
	v5 =	vadd.f32 v5, v50;
	v7 =	vadd.f32 v7, v8  }
0xe7: {  	v2 =	vperm.xlane v2, v26;
	v1 =	vadd.f32 v1, v4;
	v6 =	vadd.f32 v6, v51  }
0xe8: {  	v4 =	vperm.xlane v0, v3;
	v0 =	vperm.xlane v0, v26;
	v5 =	vsel vm0, v5, v7  }
0xe9: {  	v53 =	vld [tilespmem:$0x1FFD0];
	v1 =	vsel vm0, v6, v1;
	v6 =	vperm.xlane v5, v3;
	v5 =	vperm.xlane v5, v26  }
0xea: {  	v54 =	vld [tilespmem:$0x1FFE0];
	v7 =	vperm.xlane v1, v3;
	v1 =	vperm.xlane v1, v26  }
0xeb: {  	v2 =	vadd.f32 v2, v52;
	v0 =	vadd.f32 v0, v4  }
0xec: {  	v4 =	vadd.f32 v5, v6;
	v1 =	vadd.f32 v1, v7  }
0xed: {  	v0 =	vsel vm0, v2, v0  }
0xee: {  	v0 =	vadd.f32 v0, v53;
	v1 =	vsel vm0, v4, v1  }
0xef: {  	s26 =	sshll.u32 s20, $0x5;
	s30 =	sadd.s32 $0x2, s22;
	[tilespmem:$0x1FE40] =	vst v26;
	v1 =	vadd.f32 v1, v54  }
0xf0: {  	p0 =	seq.s32 s30, $0x1C;
	s25 =	simm.s32 $0x0;
	s1 =	sshll.u32 s30, $0xF;
	[tilespmem:s26+$0x11080] =	vst v0  }
0xf1: {  	s4 =	simm.s32 $0x0;
	s23 =	sand.u32 $0x60, s25;
	s1 =	simm.s32 @p0 $0x0;
	[tilespmem:s26+$0x11280] =	vst v1  }
0xf2: {  	s22 =	sor.u32 $0x10, s23;
	s31 =	sadd.s32 s7, s1;
	_ =	swait.ge [sflag:s16], $0x8000  }
0xf3: {  	s1 =	simm.s32 $0x0;
	s0 =	sshrl.u32 s31, $0x3;
	[sflag:s16] =	ssyncset.done $0x0  }
0xf4: {  	s5 =	sand.u32 $0xFFFFFF00, s1;
	s0 =	sadd.s32 s3, s0;
	[sflag:s16] =	ssyncadd.s32 $0xFFFF8000  }
0xf5: {  	[tilespmem:s13], [sflag:$0x1] =	stream.linear.gather [hbm4b:s0+s25], $0x8000, $0x38;
	[tilespmem:$0x11480] =	vst v63  }
0xf6: {  	s24 =	sand.u32 $0x3FFFFC00, s4;
	s0 =	sor.u32 s22, s5  }
0xf7: {  	s18 =	sadd.s32 $0x9080, s24;
	v6 =	vld [tilespmem:s0+$0x0]  }
0xf8: {  	s12 =	sor.u32 s22, s18;
	v7 =	vld [tilespmem:s0+$0x80]  }
0xf9: {  	v55 =	vld [tilespmem:s12+$0x0]  }
0xfa: {  	v56 =	vld [tilespmem:s12+$0x80]  }
0xfb: {  	v57 =	vld [tilespmem:s12+$0x100]  }
0xfc: {  	v4 =	vld [tilespmem:s12+$0x180]  }
0xfd: {  	v5 =	vld [tilespmem:s12+$0x200]  }
0xfe: {  	v8 =	vld [tilespmem:s12+$0x280]  }
0xff: {  	s17 =	sadd.s32 $0xD080, s24;
	v58 =	vld [tilespmem:s12+$0x300]  }
0x100: {  	s4 =	sadd.s32 $0xD100, s24;
	s26 =	sor.u32 s22, s17;
	v59 =	vld [tilespmem:s12+$0x380]  }
0x101: {  	s30 =	sor.u32 s22, s4;
	v60 =	vld [tilespmem:s26+$0x0];
	v10 =	vmul.f32 v55, v6;
	v0 =	vmul.f32 v55, v7  }
0x102: {  	s5 =	sor.u32 s23, s5;
	v61 =	vld [tilespmem:s30+$0x0];
	v12 =	vmul.f32 v56, v6;
	v1 =	vmul.f32 v56, v7  }
0x103: {  	v22 =	vld [tilespmem:s5+$0x0];
	v16 =	vmul.f32 v57, v6;
	v2 =	vmul.f32 v57, v7  }
0x104: {  	s18 =	sor.u32 s23, s18;
	v21 =	vld [tilespmem:s5+$0x80];
	v17 =	vmul.f32 v4, v6;
	v18 =	vmul.f32 v4, v7  }
0x105: {  	v52 =	vld [tilespmem:s18+$0x0];
	v19 =	vmul.f32 v5, v6;
	v39 =	vmul.f32 v5, v7  }
0x106: {  	s1 =	sadd.s32 $0xD180, s24;
	v31 =	vld [tilespmem:s18+$0x200];
	v25 =	vmul.f32 v8, v6;
	v28 =	vmul.f32 v8, v7  }
0x107: {  	s12 =	sadd.s32 $0xD200, s24;
	s26 =	sor.u32 s22, s1;
	v46 =	vld [tilespmem:s18+$0x300];
	v29 =	vmul.f32 v58, v6;
	v30 =	vmul.f32 v58, v7  }
0x108: {  	s0 =	sadd.s32 $0xD280, s24;
	s31 =	sor.u32 s22, s12;
	v4 =	vld [tilespmem:s26+$0x0];
	v54 =	vmul.f32 v59, v6;
	v55 =	vmul.f32 v59, v7  }
0x109: {  	s28 =	sadd.s32 $0xD300, s24;
	s29 =	sor.u32 s22, s0;
	v5 =	vld [tilespmem:s31+$0x0];
	v50 =	vmul.f32 v60, v6;
	v51 =	vmul.f32 v60, v7  }
0x10a: {  	s26 =	sadd.s32 $0xD380, s24;
	v8 =	vld [tilespmem:s29+$0x0];
	s29 =	sor.u32 s22, s28;
	v48 =	vmul.f32 v61, v6;
	v49 =	vmul.f32 v61, v7  }
0x10b: {  	v56 =	vmul.f32 v52, v22;
	v57 =	vmul.f32 v52, v21;
	v62 =	vld [tilespmem:s29+$0x0];
	s29 =	sor.u32 s22, s26  }
0x10c: {  	v37 =	vmul.f32 v46, v22;
	v38 =	vmul.f32 v46, v21;
	v63 =	vld [tilespmem:s29+$0x0]  }
0x10d: {  	v43 =	vmul.f32 v4, v6;
	v44 =	vmul.f32 v4, v7;
	v4 =	vld [tilespmem:s18+$0x80]  }
0x10e: {  	v33 =	vimm.f32 $0.0e+00;
	v41 =	vmul.f32 v5, v6;
	v42 =	vmul.f32 v5, v7;
	v5 =	vld [tilespmem:s18+$0x100]  }
0x10f: {  	v20 =	vimm.f32 $0.0e+00;
	v35 =	vmul.f32 v8, v6;
	v36 =	vmul.f32 v8, v7;
	v8 =	vld [tilespmem:s18+$0x180]  }
0x110: {  	v11 =	vadd.f32 v57, v20;
	v57 =	vmul.f32 v31, v21;
	v26 =	vmul.f32 v62, v6  }
0x111: {  	v9 =	vadd.f32 v56, v20;
	v27 =	vmul.f32 v62, v7;
	v24 =	vmul.f32 v63, v6  }
0x112: {  	v46 =	vadd.f32 v37, v20;
	v53 =	vmul.f32 v63, v7;
	v58 =	vmul.f32 v4, v22  }
0x113: {  	v40 =	vadd.f32 v10, v9;
	v4 =	vmul.f32 v4, v21;
	v59 =	vmul.f32 v5, v22  }
0x114: {  	v0 =	vadd.f32 v0, v11;
	v63 =	vld [tilespmem:s18+$0x280];
	v62 =	vmul.f32 v5, v21;
	v14 =	vmul.f32 v8, v22  }
0x115: {  	v45 =	vmul.f32 v8, v21;
	v60 =	vadd.f32 v58, v20;
	v61 =	vadd.f32 v4, v20  }
0x116: {  	[tilespmem:$0x1FE50] =	vst v53;
	v53 =	vmul.f32 v31, v22;
	v31 =	vld [tilespmem:s18+$0x380];
	v52 =	vadd.f32 v59, v20;
	v8 =	vadd.f32 v62, v20  }
0x117: {  	v34 =	vimm.f32 $0.0e+00;
	[tilespmem:$0x1FE70] =	vst v0;
	v56 =	vadd.f32 v14, v20;
	v0 =	vadd.f32 v45, v20  }
0x118: {  	v37 =	vimm.f32 $0.0e+00;
	v62 =	vadd.f32 v53, v20;
	v47 =	vadd.f32 v12, v60  }
0x119: {  	v58 =	vmul.f32 v63, v22;
	v1 =	vadd.f32 v1, v61;
	v59 =	vadd.f32 v2, v8  }
0x11a: {  	v60 =	vmul.f32 v63, v21;
	v61 =	vadd.f32 v17, v56;
	v0 =	vadd.f32 v18, v0  }
0x11b: {  	[tilespmem:$0x1FE60] =	vst v40;
	v63 =	vadd.f32 v57, v20;
	v32 =	vadd.f32 v58, v20;
	v40 =	vmul.f32 v31, v22  }
0x11c: {  	v45 =	vmul.f32 v31, v21;
	v57 =	vadd.f32 v29, v46;
	[tilespmem:$0x1FE90] =	vst v1;
	v1 =	vadd.f32 v16, v52  }
0x11d: {  	s30 =	sor.u32 s23, s17;
	v46 =	vimm.f32 $0.0e+00;
	[tilespmem:$0x1FED0] =	vst v0;
	v0 =	vadd.f32 v19, v62;
	v62 =	vadd.f32 v39, v63  }
0x11e: {  	s4 =	sor.u32 s23, s4;
	v2 =	vld [tilespmem:s30+$0x0];
	v29 =	vimm.f32 $0.0e+00;
	[tilespmem:$0x1FE80] =	vst v47;
	v19 =	vadd.f32 v25, v32;
	v47 =	vadd.f32 v38, v20  }
0x11f: {  	v56 =	vld [tilespmem:s4+$0x0];
	v31 =	vimm.f32 $0.0e+00;
	[tilespmem:$0x1FEB0] =	vst v59;
	v52 =	vadd.f32 v40, v20;
	v53 =	vadd.f32 v45, v20  }
0x120: {  	[tilespmem:$0x1FEC0] =	vst v61;
	v45 =	vimm.f32 $0.0e+00;
	v39 =	vimm.f32 $0.0e+00;
	v40 =	vimm.f32 $0.0e+00  }
0x121: {  	[tilespmem:$0x1FEF0] =	vst v57;
	v38 =	vimm.f32 $0.0e+00;
	v25 =	vimm.f32 $0.0e+00;
	v32 =	vimm.f32 $0.0e+00  }
0x122: {  	s1 =	sor.u32 s23, s1;
	[tilespmem:$0x1FEA0] =	vst v1;
	v1 =	vadd.f32 v60, v20;
	v58 =	vadd.f32 v30, v47;
	v47 =	vimm.f32 $0.0e+00  }
0x123: {  	s31 =	sor.u32 s23, s12;
	v57 =	vld [tilespmem:s1+$0x0];
	[tilespmem:$0x1FEE0] =	vst v0;
	v30 =	vimm.f32 $0.0e+00;
	v60 =	vmul.f32 v2, v22;
	v61 =	vmul.f32 v2, v21  }
0x124: {  	s0 =	sor.u32 s23, s0;
	s29 =	simm.s32 $0x0;
	v59 =	vmul.f32 v56, v22;
	v63 =	vadd.f32 v28, v1;
	[tilespmem:$0x1FF00] =	vst v58;
	v58 =	vld [tilespmem:s31+$0x0];
	v28 =	vimm.f32 $0.0e+00  }
.LBB2_5:
0x125: {  	s29 =	sadd.s32 $0x2, s29;
	v1 =	vld [tilespmem:s0+$0x0];
	s1 =	sor.u32 s23, s28  }
0x126: {  	s25 =	sadd.s32 $0x20, s25;
	s30 =	sor.u32 s23, s26;
	v3 =	vld [tilespmem:$0x1FE50];
	s0 =	sshll.u32 s29, $0x7  }
0x127: {  	s31 =	sadd.s32 $0xD400, s24;
	s4 =	sand.u32 $0x60, s25;
	v14 =	vld [tilespmem:s1+$0x0];
	s5 =	sshra.s32 s0, $0x2  }
0x128: {  	v47 =	vadd.f32 v61, v47;
	v61 =	vld [tilespmem:s30+$0x0];
	s18 =	sor.u32 s23, s31;
	s1 =	sor.u32 $0x10, s4;
	s17 =	sand.u32 $0xFFFFFF00, s5  }
0x129: {  	s23 =	smov.u32 s4;
	s24 =	sand.u32 $0x3FFFFC00, s0;
	v10 =	vld [tilespmem:s18+$0x0];
	v12 =	vmul.f32 v57, v22;
	s12 =	sor.u32 s1, s17  }
0x12a: {  	v2 =	vadd.f32 v60, v20;
	s18 =	sor.u32 s22, s31;
	s4 =	sadd.s32 $0x9080, s24;
	s22 =	smov.u32 s1;
	v15 =	vmul.f32 v58, v22;
	v60 =	vmul.f32 v58, v21;
	v58 =	vld [tilespmem:s12+$0x0]  }
0x12b: {  	v45 =	vadd.f32 v59, v45;
	v13 =	vmul.f32 v57, v21;
	s1 =	sor.u32 s22, s4;
	v11 =	vld [tilespmem:s12+$0x80]  }
0x12c: {  	v0 =	vmul.f32 v56, v21;
	v20 =	vadd.f32 v50, v2;
	v50 =	vld [tilespmem:s1+$0x180];
	v39 =	vadd.f32 v12, v39  }
0x12d: {  	v40 =	vadd.f32 v13, v40;
	v12 =	vmul.f32 v14, v22;
	v13 =	vmul.f32 v14, v21;
	v14 =	vld [tilespmem:s18+$0x0]  }
0x12e: {  	v9 =	vmul.f32 v1, v22;
	v1 =	vmul.f32 v1, v21;
	v37 =	vadd.f32 v15, v37;
	v15 =	vld [tilespmem:s1+$0x0]  }
0x12f: {  	v2 =	vadd.f32 v60, v38;
	v59 =	vmul.f32 v61, v22;
	v60 =	vmul.f32 v61, v21;
	v61 =	vld [tilespmem:s1+$0x100]  }
0x130: {  	v53 =	vadd.f32 v55, v53;
	v22 =	vmul.f32 v10, v22;
	v21 =	vmul.f32 v10, v21;
	v10 =	vld [tilespmem:s1+$0x280]  }
0x131: {  	v40 =	vadd.f32 v44, v40;
	v44 =	vld [tilespmem:s1+$0x80];
	v33 =	vadd.f32 v12, v33  }
0x132: {  	s12 =	sadd.s32 $0xD100, s24;
	v34 =	vadd.f32 v13, v34;
	v25 =	vadd.f32 v59, v25;
	v13 =	vld [tilespmem:s1+$0x380]  }
0x133: {  	s30 =	sor.u32 s22, s12;
	v38 =	vadd.f32 v42, v2;
	v33 =	vadd.f32 v26, v33;
	v26 =	vld [tilespmem:s1+$0x200]  }
0x134: {  	s18 =	sadd.s32 $0xD080, s24;
	v21 =	vadd.f32 v21, v28;
	v25 =	vadd.f32 v24, v25;
	v24 =	vld [tilespmem:s30+$0x0];
	v2 =	vmul.f32 v14, v7  }
0x135: {  	s26 =	sor.u32 s22, s18;
	v34 =	vadd.f32 v27, v34;
	v27 =	vadd.f32 v60, v31;
	v7 =	vmov v11;
	v11 =	vld [tilespmem:s1+$0x300];
	s1 =	sadd.s32 $0xD180, s24  }
0x136: {  	v52 =	vadd.f32 v54, v52;
	s30 =	sadd.s32 $0xD280, s24;
	s31 =	sor.u32 s22, s1;
	v28 =	vadd.f32 v2, v21;
	v21 =	vld [tilespmem:s26+$0x0]  }
0x137: {  	s0 =	sadd.s32 $0xD200, s24;
	v29 =	vadd.f32 v9, v29;
	v9 =	vmul.f32 v14, v6;
	v6 =	vmovc v58;
	v31 =	vadd.f32 v3, v27;
	v27 =	vld [tilespmem:s31+$0x0];
	s31 =	sor.u32 s22, s30  }
0x138: {  	s28 =	sadd.s32 $0xD300, s24;
	v22 =	vadd.f32 v22, v32;
	v56 =	vmul.f32 v15, v6;
	v57 =	vmul.f32 v15, v7;
	s26 =	sor.u32 s22, s0;
	v4 =	vld [tilespmem:s31+$0x0]  }
0x139: {  	v1 =	vadd.f32 v1, v30;
	s31 =	sor.u32 s22, s28;
	v18 =	vmul.f32 v26, v6;
	v23 =	vmul.f32 v26, v7;
	v26 =	vld [tilespmem:s26+$0x0];
	s26 =	sadd.s32 $0xD380, s24  }
0x13a: {  	v59 =	vmul.f32 v61, v6;
	v60 =	vmul.f32 v61, v7;
	v32 =	vadd.f32 v9, v22;
	v9 =	vld [tilespmem:s31+$0x0];
	s31 =	sor.u32 s22, s26  }
0x13b: {  	v0 =	vadd.f32 v0, v46;
	v54 =	vmul.f32 v13, v6;
	v55 =	vmul.f32 v13, v7;
	v13 =	vld [tilespmem:s31+$0x0]  }
0x13c: {  	v30 =	vadd.f32 v36, v1;
	v61 =	vmul.f32 v50, v6;
	v1 =	vmul.f32 v50, v7  }
0x13d: {  	v46 =	vadd.f32 v49, v0;
	v3 =	vmul.f32 v10, v6;
	v0 =	vmul.f32 v10, v7  }
0x13e: {  	s4 =	sor.u32 s23, s4;
	v2 =	vmul.f32 v44, v6;
	v58 =	vmul.f32 v44, v7  }
0x13f: {  	v45 =	vadd.f32 v48, v45;
	s17 =	sor.u32 s23, s17;
	v10 =	vld [tilespmem:s4+$0x0];
	v48 =	vmul.f32 v24, v6;
	v49 =	vmul.f32 v24, v7  }
0x140: {  	v22 =	vld [tilespmem:s17+$0x0];
	v5 =	vmul.f32 v11, v6;
	v15 =	vmul.f32 v13, v7  }
0x141: {  	v47 =	vadd.f32 v51, v47;
	v8 =	vmul.f32 v11, v7;
	v11 =	vld [tilespmem:s4+$0x80];
	v50 =	vmul.f32 v21, v6  }
0x142: {  	v39 =	vadd.f32 v43, v39;
	v51 =	vmul.f32 v21, v7;
	v43 =	vmul.f32 v27, v6;
	[tilespmem:$0x1FE50] =	vst v15;
	v15 =	vld [tilespmem:$0x1FE60]  }
0x143: {  	v16 =	vld [tilespmem:$0x1FE80];
	v37 =	vadd.f32 v41, v37;
	v44 =	vmul.f32 v27, v7;
	v41 =	vmul.f32 v26, v6  }
0x144: {  	v42 =	vmul.f32 v26, v7;
	v26 =	vmul.f32 v9, v6  }
0x145: {  	v21 =	vld [tilespmem:s17+$0x80];
	v27 =	vmul.f32 v9, v7;
	v9 =	vmul.f32 v10, v22  }
0x146: {  	v24 =	vmul.f32 v13, v6;
	v13 =	vmul.f32 v11, v22  }
0x147: {  	v9 =	vadd.f32 v9, v15;
	v15 =	vld [tilespmem:$0x1FE70]  }
0x148: {  	v13 =	vadd.f32 v13, v16;
	v16 =	vld [tilespmem:$0x1FE90];
	_ =	sdelay $0x1  }
0x149: {  	v10 =	vmul.f32 v10, v21  }
0x14a: {  	v11 =	vmul.f32 v11, v21  }
0x14b: {  	v12 =	vld [tilespmem:s4+$0x100];
	v29 =	vadd.f32 v35, v29;
	v10 =	vadd.f32 v10, v15  }
0x14c: {  	v35 =	vmul.f32 v4, v6;
	v36 =	vmul.f32 v4, v7;
	v4 =	vld [tilespmem:s4+$0x180];
	v11 =	vadd.f32 v11, v16  }
0x14d: {  	v9 =	vadd.f32 v56, v9;
	v56 =	vld [tilespmem:$0x1FEA0];
	v57 =	vadd.f32 v57, v10  }
0x14e: {  	v2 =	vadd.f32 v2, v13;
	v13 =	vadd.f32 v58, v11;
	v58 =	vld [tilespmem:$0x1FEC0]  }
0x14f: {  	[tilespmem:$0x1FE70] =	vst v57;
	v57 =	vld [tilespmem:$0x1FEB0];
	_ =	sdelay $0x1  }
0x150: {  	v15 =	vmul.f32 v12, v22  }
0x151: {  	v17 =	vmul.f32 v4, v22;
	v12 =	vmul.f32 v12, v21  }
0x152: {  	v14 =	vld [tilespmem:s4+$0x200];
	[tilespmem:$0x1FE80] =	vst v2;
	v2 =	vadd.f32 v15, v56  }
0x153: {  	v56 =	vld [tilespmem:$0x1FED0];
	v10 =	vadd.f32 v12, v57;
	v12 =	vadd.f32 v17, v58;
	_ =	sdelay $0x1  }
0x154: {  	v16 =	vld [tilespmem:s4+$0x280];
	v12 =	vadd.f32 v61, v12  }
0x155: {  	v4 =	vmul.f32 v4, v21  }
0x156: {  	[tilespmem:$0x1FEC0] =	vst v12;
	v12 =	vld [tilespmem:$0x1FEE0]  }
0x157: {  	v11 =	vmul.f32 v14, v22;
	v4 =	vadd.f32 v4, v56;
	v57 =	vmul.f32 v14, v21;
	v14 =	vld [tilespmem:s4+$0x380];
	_ =	sdelay $0x1  }
0x158: {  	v58 =	vmul.f32 v16, v22;
	v1 =	vadd.f32 v1, v4  }
0x159: {  	[tilespmem:$0x1FE60] =	vst v9;
	v9 =	vld [tilespmem:s4+$0x300]  }
0x15a: {  	[tilespmem:$0x1FED0] =	vst v1;
	v1 =	vadd.f32 v11, v12;
	v12 =	vadd.f32 v58, v19  }
0x15b: {  	[tilespmem:$0x1FE90] =	vst v13;
	v2 =	vadd.f32 v59, v2;
	v13 =	vmul.f32 v14, v22;
	v15 =	vmul.f32 v14, v21;
	v14 =	vld [tilespmem:$0x1FF00]  }
0x15c: {  	v59 =	vadd.f32 v60, v10;
	v60 =	vmul.f32 v16, v21;
	v19 =	vadd.f32 v3, v12;
	v12 =	vld [tilespmem:$0x1FEF0];
	_ =	sdelay $0x1  }
0x15d: {  	s31 =	sor.u32 s23, s12;
	[tilespmem:$0x1FEA0] =	vst v2;
	v2 =	vadd.f32 v60, v63;
	v11 =	vmul.f32 v9, v22;
	v9 =	vmul.f32 v9, v21  }
0x15e: {  	s18 =	sor.u32 s23, s18;
	v56 =	vld [tilespmem:s31+$0x0];
	v4 =	vadd.f32 v57, v62  }
0x15f: {  	p0 =	slt.u32 s29, $0x7E;
	v10 =	vld [tilespmem:s18+$0x0];
	v63 =	vadd.f32 v0, v2;
	v2 =	vadd.f32 v9, v14  }
.Ltmp1:
0x160: {  	v1 =	vadd.f32 v18, v1;
	v0 =	vadd.f32 v11, v12;
	(pc) =	sbr.rel @p0 .LBB2_5-.Ltmp1, $4  }
0x161: {  	[tilespmem:$0x1FEB0] =	vst v59;
	v53 =	vadd.f32 v15, v53;
	v15 =	vadd.f32 v8, v2  }
0x162: {  	s1 =	sor.u32 s23, s1;
	[tilespmem:$0x1FEE0] =	vst v1;
	v0 =	vadd.f32 v5, v0  }
0x163: {  	s0 =	sor.u32 s23, s0;
	v57 =	vld [tilespmem:s1+$0x0];
	v62 =	vadd.f32 v23, v4;
	v59 =	vmul.f32 v56, v22;
	[tilespmem:$0x1FF00] =	vst v15  }
0x164: {  	v60 =	vmul.f32 v10, v22;
	v52 =	vadd.f32 v13, v52;
	v61 =	vmul.f32 v10, v21;
	v58 =	vld [tilespmem:s0+$0x0];
	s0 =	sor.u32 s23, s30;
	[tilespmem:$0x1FEF0] =	vst v0  }
0x165: {  	_ = 	snop  }
0x166: {  	v1 =	vld [tilespmem:s0+$0x0];
	s28 =	sor.u32 s23, s28  }
0x167: {  	s29 =	sor.u32 s23, s26;
	v10 =	vld [tilespmem:s28+$0x0]  }
0x168: {  	v0 =	vmul.f32 v56, v21;
	v8 =	vadd.f32 v59, v45;
	v18 =	vld [tilespmem:s29+$0x0]  }
0x169: {  	v3 =	vadd.f32 v60, v20;
	v5 =	vmul.f32 v57, v22;
	v11 =	vmul.f32 v58, v22  }
0x16a: {  	s30 =	sadd.s32 $0xD400, s24;
	v4 =	vadd.f32 v61, v47;
	v0 =	vadd.f32 v0, v46;
	v9 =	vmul.f32 v57, v21  }
0x16b: {  	s1 =	sor.u32 s23, s30;
	v5 =	vadd.f32 v5, v39;
	v11 =	vadd.f32 v11, v37  }
0x16c: {  	s0 =	sor.u32 s22, s30;
	v13 =	vld [tilespmem:s1+$0x0];
	v9 =	vadd.f32 v9, v40;
	v12 =	vmul.f32 v1, v22;
	v14 =	vmul.f32 v10, v22  }
0x16d: {  	v39 =	vld [tilespmem:s0+$0x0];
	v20 =	vmul.f32 v10, v21;
	v10 =	vadd.f32 v41, v11;
	v41 =	vmul.f32 v18, v22  }
0x16e: {  	v37 =	vadd.f32 v44, v9;
	v44 =	vld [tilespmem:$0x1FE60];
	v14 =	vadd.f32 v14, v33  }
0x16f: {  	v17 =	vmul.f32 v58, v21;
	v40 =	vadd.f32 v12, v29;
	v12 =	vadd.f32 v41, v25;
	v25 =	vld [tilespmem:$0x1FFF0]  }
0x170: {  	v23 =	vadd.f32 v51, v4;
	v14 =	vadd.f32 v26, v14;
	v26 =	vld [tilespmem:$0x1FE40]  }
0x171: {  	v16 =	vld [tilespmem:$0x1FE80];
	v45 =	vadd.f32 v49, v0;
	v4 =	vadd.f32 v17, v38  }
0x172: {  	v1 =	vmul.f32 v1, v21;
	v0 =	vmul.f32 v18, v21;
	v17 =	vld [tilespmem:$0x1FEA0];
	v5 =	vadd.f32 v43, v5  }
0x173: {  	v43 =	vmul.f32 v13, v21;
	v38 =	vadd.f32 v42, v4;
	v42 =	vmul.f32 v13, v22;
	v18 =	vld [tilespmem:$0x1FEC0]  }
0x174: {  	v3 =	vadd.f32 v50, v3;
	v50 =	vld [tilespmem:$0x1FEE0];
	v6 =	vmul.f32 v39, v6;
	v4 =	vmul.f32 v39, v7  }
0x175: {  	v2 =	vadd.f32 v54, v52;
	v46 =	vperm.xlane v44, v25;
	v13 =	vperm.xlane v44, v26  }
0x176: {  	v52 =	vadd.f32 v55, v53;
	v58 =	vld [tilespmem:$0x1FEF0];
	v15 =	vperm.xlane v16, v25;
	v16 =	vperm.xlane v16, v26  }
0x177: {  	v8 =	vadd.f32 v48, v8;
	v47 =	vperm.xlane v17, v25;
	v17 =	vperm.xlane v17, v26  }
0x178: {  	v1 =	vadd.f32 v1, v30;
	v48 =	vperm.xlane v18, v25;
	v49 =	vperm.xlane v18, v26  }
0x179: {  	v9 =	vadd.f32 v20, v34;
	v51 =	vperm.xlane v50, v25;
	v53 =	vperm.xlane v50, v26  }
0x17a: {  	v0 =	vadd.f32 v0, v31;
	v54 =	vperm.xlane v19, v25;
	v55 =	vperm.xlane v19, v26  }
0x17b: {  	v11 =	vadd.f32 v35, v40;
	v59 =	vperm.xlane v58, v25;
	v18 =	vperm.xlane v58, v26  }
0x17c: {  	v29 =	vadd.f32 v36, v1;
	v60 =	vperm.xlane v2, v25;
	v2 =	vperm.xlane v2, v26  }
0x17d: {  	v22 =	vadd.f32 v27, v9;
	v61 =	vperm.xlane v3, v25;
	v3 =	vperm.xlane v3, v26  }
0x17e: {  	v1 =	vadd.f32 v42, v32;
	v21 =	vperm.xlane v8, v25;
	v8 =	vperm.xlane v8, v26  }
0x17f: {  	v12 =	vadd.f32 v24, v12;
	v24 =	vperm.xlane v5, v25;
	v5 =	vperm.xlane v5, v26  }
0x180: {  	v7 =	vadd.f32 v43, v28;
	v27 =	vperm.xlane v10, v25;
	v10 =	vperm.xlane v10, v26  }
0x181: {  	v1 =	vadd.f32 v6, v1;
	v28 =	vperm.xlane v11, v25;
	v11 =	vperm.xlane v11, v26  }
0x182: {  	v4 =	vadd.f32 v4, v7;
	v30 =	vperm.xlane v14, v25;
	v14 =	vperm.xlane v14, v26  }
0x183: {  	v31 =	vperm.xlane v12, v25;
	v9 =	vadd.f32 v13, v46;
	v15 =	vadd.f32 v16, v15  }
0x184: {  	v20 =	vld [tilespmem:$0x1FF00];
	v12 =	vperm.xlane v12, v26;
	v6 =	vadd.f32 v17, v47;
	v13 =	vadd.f32 v49, v48  }
0x185: {  	v32 =	vperm.xlane v1, v25;
	v56 =	vadd.f32 v53, v51;
	v57 =	vadd.f32 v55, v54  }
0x186: {  	v1 =	vperm.xlane v1, v26;
	v17 =	vadd.f32 v18, v59;
	v2 =	vadd.f32 v2, v60  }
0x187: {  	v3 =	vadd.f32 v3, v61;
	v8 =	vadd.f32 v8, v21;
	v60 =	vperm.xlane v62, v25  }
0x188: {  	v5 =	vadd.f32 v5, v24;
	v61 =	vperm.xlane v62, v26;
	v62 =	vperm.xlane v63, v25  }
0x189: {  	v10 =	vadd.f32 v10, v27;
	v16 =	vperm.xlane v63, v26;
	v21 =	vperm.xlane v20, v25  }
0x18a: {  	v11 =	vadd.f32 v11, v28;
	v24 =	vperm.xlane v52, v25;
	v27 =	vperm.xlane v52, v26  }
0x18b: {  	v1 =	vadd.f32 v1, v32;
	v28 =	vperm.xlane v23, v25;
	v32 =	vperm.xlane v45, v26  }
0x18c: {  	v3 =	vsel vm0, v3, v8;
	v5 =	vsel vm0, v5, v10;
	v8 =	vadd.f32 v14, v30  }
0x18d: {  	v10 =	vadd.f32 v12, v31;
	v30 =	vperm.xlane v23, v26;
	v31 =	vperm.xlane v45, v25  }
0x18e: {  	v9 =	vsel vm0, v9, v15;
	v45 =	vperm.xlane v4, v25;
	v4 =	vperm.xlane v4, v26  }
0x18f: {  	v6 =	vsel vm0, v6, v13;
	v33 =	vperm.xlane v9, v25;
	v9 =	vperm.xlane v9, v26  }
0x190: {  	v58 =	vld [tilespmem:$0x1FED0];
	v15 =	vsel vm0, v56, v57;
	v34 =	vperm.xlane v6, v25;
	v6 =	vperm.xlane v6, v26  }
0x191: {  	v2 =	vsel vm0, v17, v2;
	v35 =	vperm.xlane v15, v25;
	v36 =	vperm.xlane v15, v26  }
0x192: {  	v39 =	vperm.xlane v2, v25;
	v2 =	vperm.xlane v2, v26  }
0x193: {  	v51 =	vld [tilespmem:$0x1FE70];
	v18 =	vadd.f32 v61, v60;
	v40 =	vperm.xlane v3, v25;
	v3 =	vperm.xlane v3, v26  }
0x194: {  	v54 =	vld [tilespmem:$0x1FE90];
	v19 =	vadd.f32 v16, v62;
	v41 =	vperm.xlane v5, v25;
	v5 =	vperm.xlane v5, v26  }
0x195: {  	v59 =	vperm.xlane v58, v25;
	v8 =	vsel vm0, v11, v8;
	v4 =	vadd.f32 v4, v45  }
0x196: {  	v46 =	vld [tilespmem:$0x1FE50];
	v1 =	vsel vm0, v10, v1;
	v9 =	vadd.f32 v9, v33;
	v6 =	vadd.f32 v6, v34  }
0x197: {  	v11 =	vadd.f32 v36, v35;
	v42 =	vperm.xlane v8, v25;
	v8 =	vperm.xlane v8, v26  }
0x198: {  	v2 =	vadd.f32 v2, v39;
	v43 =	vperm.xlane v1, v25;
	v1 =	vperm.xlane v1, v26  }
0x199: {  	v56 =	vld [tilespmem:$0x1FEB0];
	v3 =	vadd.f32 v3, v40;
	v53 =	vperm.xlane v51, v25;
	v55 =	vperm.xlane v54, v25  }
0x19a: {  	v5 =	vadd.f32 v5, v41;
	v33 =	vperm.xlane v37, v25;
	v34 =	vperm.xlane v37, v26  }
0x19b: {  	v0 =	vadd.f32 v46, v0;
	v35 =	vperm.xlane v38, v25;
	v36 =	vperm.xlane v38, v26  }
0x19c: {  	v37 =	vadd.f32 v32, v31;
	v40 =	vperm.xlane v29, v25;
	v41 =	vperm.xlane v29, v26  }
0x19d: {  	v6 =	vsel vm0, v9, v6;
	v2 =	vsel vm0, v11, v2;
	v8 =	vadd.f32 v8, v42  }
0x19e: {  	v1 =	vadd.f32 v1, v43;
	v9 =	vperm.xlane v54, v26;
	v57 =	vperm.xlane v56, v25  }
0x19f: {  	v3 =	vsel vm0, v3, v5;
	v10 =	vperm.xlane v56, v26;
	v11 =	vperm.xlane v58, v26  }
0x1a0: {  	v38 =	vadd.f32 v34, v33;
	v42 =	vperm.xlane v22, v25;
	v43 =	vperm.xlane v22, v26  }
0x1a1: {  	v39 =	vadd.f32 v36, v35;
	v44 =	vperm.xlane v6, v25;
	v6 =	vperm.xlane v6, v26  }
0x1a2: {  	v13 =	vadd.f32 v41, v40;
	v47 =	vperm.xlane v2, v25;
	v2 =	vperm.xlane v2, v26  }
0x1a3: {  	v49 =	vperm.xlane v3, v25;
	v3 =	vperm.xlane v3, v26;
	v1 =	vsel vm0, v8, v1  }
0x1a4: {  	v8 =	vperm.xlane v51, v26;
	v7 =	vadd.f32 v10, v57;
	v17 =	vadd.f32 v11, v59  }
0x1a5: {  	v11 =	vperm.xlane v20, v26;
	v48 =	vadd.f32 v6, v44;
	v2 =	vadd.f32 v2, v47  }
0x1a6: {  	v50 =	vperm.xlane v1, v25;
	v1 =	vperm.xlane v1, v26;
	v3 =	vadd.f32 v3, v49  }
0x1a7: {  	v6 =	vadd.f32 v9, v55;
	v9 =	vadd.f32 v30, v28;
	v44 =	vperm.xlane v0, v25  }
0x1a8: {  	v0 =	vperm.xlane v0, v26;
	v5 =	vadd.f32 v8, v53;
	v8 =	vsel vm0, v18, v19  }
0x1a9: {  	v10 =	vadd.f32 v11, v21;
	v11 =	vsel vm0, v38, v39;
	v2 =	vsel vm0, v48, v2  }
0x1aa: {  	v1 =	vadd.f32 v1, v50;
	v9 =	vsel vm0, v9, v37;
	v48 =	vperm.xlane v8, v25  }
0x1ab: {  	v0 =	vadd.f32 v0, v44;
	v8 =	vperm.xlane v8, v26;
	v51 =	vperm.xlane v11, v25  }
0x1ac: {  	v11 =	vperm.xlane v11, v26;
	v5 =	vsel vm0, v5, v6;
	v50 =	vperm.xlane v9, v25  }
0x1ad: {  	v6 =	vsel vm0, v7, v17;
	v9 =	vperm.xlane v9, v26;
	v59 =	vperm.xlane v2, v25  }
0x1ae: {  	v7 =	vadd.f32 v27, v24;
	v46 =	vperm.xlane v5, v25;
	v5 =	vperm.xlane v5, v26  }
0x1af: {  	v47 =	vperm.xlane v6, v25;
	v6 =	vperm.xlane v6, v26;
	v0 =	vsel vm0, v0, v4  }
0x1b0: {  	v8 =	vadd.f32 v8, v48;
	v7 =	vsel vm0, v10, v7;
	v10 =	vadd.f32 v43, v42  }
0x1b1: {  	v53 =	vperm.xlane v0, v25;
	v5 =	vadd.f32 v5, v46;
	v6 =	vadd.f32 v6, v47  }
0x1b2: {  	v54 =	vadd.f32 v11, v51;
	v49 =	vperm.xlane v7, v25;
	v7 =	vperm.xlane v7, v26  }
0x1b3: {  	v0 =	vperm.xlane v0, v26;
	v10 =	vsel vm0, v13, v10;
	v5 =	vsel vm0, v5, v6  }
0x1b4: {  	v4 =	vadd.f32 v7, v49;
	v52 =	vperm.xlane v10, v25;
	v10 =	vperm.xlane v10, v26  }
0x1b5: {  	v0 =	vadd.f32 v0, v53;
	v6 =	vadd.f32 v9, v50;
	v55 =	vperm.xlane v5, v25  }
0x1b6: {  	v5 =	vperm.xlane v5, v26;
	v4 =	vsel vm0, v8, v4;
	v7 =	vadd.f32 v10, v52  }
0x1b7: {  	v6 =	vsel vm0, v6, v54;
	v56 =	vperm.xlane v4, v25;
	v4 =	vperm.xlane v4, v26  }
0x1b8: {  	v57 =	vperm.xlane v6, v25;
	v6 =	vperm.xlane v6, v26;
	v0 =	vsel vm0, v7, v0  }
0x1b9: {  	v58 =	vperm.xlane v0, v25;
	v0 =	vperm.xlane v0, v26  }
0x1ba: {  	v2 =	vperm.xlane v2, v26;
	v5 =	vadd.f32 v5, v55;
	v4 =	vadd.f32 v4, v56  }
0x1bb: {  	v1 =	vsel vm0, v3, v1;
	v6 =	vadd.f32 v6, v57;
	v0 =	vadd.f32 v0, v58  }
0x1bc: {  	v60 =	vperm.xlane v1, v25;
	v1 =	vperm.xlane v1, v26;
	v4 =	vsel vm0, v5, v4  }
0x1bd: {  	v62 =	vld [tilespmem:$0x1FFD0];
	v5 =	vperm.xlane v4, v25;
	v4 =	vperm.xlane v4, v26;
	v0 =	vsel vm0, v6, v0  }
0x1be: {  	v63 =	vld [tilespmem:$0x1FFE0];
	v6 =	vperm.xlane v0, v25;
	v0 =	vperm.xlane v0, v26  }
0x1bf: {  	s20 =	sadd.s32 $0x1, s20;
	v2 =	vadd.f32 v2, v59;
	v1 =	vadd.f32 v1, v60  }
0x1c0: {  	p0 =	sne.s32 s20, $0xE;
	v61 =	vadd.f32 v4, v5;
	v0 =	vadd.f32 v0, v6  }
.Ltmp2:
0x1c1: {  	v1 =	vsel vm0, v2, v1;
	(pc) =	sbr.rel @p0 .LBB2_2-.Ltmp2, $4  }
0x1c2: {  	v1 =	vadd.f32 v1, v62;
	v0 =	vsel vm0, v61, v0  }
0x1c3: {  	s31 =	sshll.u32 s21, $0x4;
	v0 =	vadd.f32 v0, v63  }
0x1c4: {  	[tilespmem:s31+$0x11080] =	vst v1  }
0x1c5: {  	[tilespmem:s31+$0x11280] =	vst v0  }
0x1c6: {  	_ =	swait.ge [sflag:s14], $0x8000  }
0x1c7: {  	[sflag:s14] =	ssyncset.done $0x0  }
0x1c8: {  	s0 =	simm.s32 $0x11080;
	[sflag:s14] =	ssyncadd.s32 $0xFFFF8000  }
0x1c9: {  	[hbm4b:s8+s2] =	stream.linear.scatter [tilespmem:s0], [sflag:$0x3], $0x1C0, $0x38;
	[tilespmem:$0x11480] =	vst v63  }
0x1ca: {  	s19 =	sadd.s32 $0x1, s19;
	_ =	swait.ge [sflag:s11], $0x1C0  }
0x1cb: {  	p0 =	sne.s32 s19, s10;
	[sflag:s11] =	ssyncset.done $0x0  }
.Ltmp3:
0x1cc: {  	s31 =	simm.s32 $0x11280;
	[sflag:s11] =	ssyncadd.s32 $0xFFFFFE40;
	(pc) =	sbr.rel @p0 .LBB2_1-.Ltmp3, $4  }
0x1cd: {  	[hbm4b:s9+s2] =	stream.linear.scatter [tilespmem:s31], [sflag:$0x3], $0x1C0, $0x38;
	[tilespmem:$0x11480] =	vst v63  }
0x1ce: {  	_ =	swait.ge [sflag:s11], $0x1C0  }
0x1cf: {  	[sflag:s11] =	ssyncset.done $0x0  }
0x1d0: {  	[sflag:s11] =	ssyncadd.s32 $0xFFFFFE40  }
0x1d1: {  	_ =	sfence.sel $0x180000  }
0x1d2: {  	[bflag:$0x0] =	sbarrier.arrive $0xFFFF  }
0x1d3: {  	_ =	strace $0x9000004A  }
0x1d4: {  	s0 =	stileid.u32;
	[bflag:$0x2] =	sbarrier.arrive $0xFFFF  }
0x1d5: {  	p0 =	sne.s32 s0, $0x0;
	s0 =	rddreg [dreg:$0x2]  }
0x1d6: {  	s0 =	sadd.s32 @!p0 $0x100000, s0  }
0x1d7: {  	[sflag:s0] =	ssyncadd.tile.s32 @!p0 $0x1;
	_ =	shalt  }
.Lfunc_end2:
_tile_overlayer_lowered:
.L_overlay_start_2:
0x1d8: {  	(tag) =	ssettag $0x2  }
0x1d9: {  	s0 =	rddreg [dreg:$0x0];
	s2 =	stileid.u32  }
0x1da: {  	s1 =	rddreg [dreg:$0x1];
	p0 =	sne.s32 s2, $0x0  }
0x1db: {  	s3 =	rddreg [dreg:$0x2];
	[bflag:$0x3] =	sbarrier.arrive $0xFFFF;
	s2 =	simm.s32 @!p0 $0x1C03  }
0x1dc: {  	[timem:s3], [sflag:s2] =	dma.local @!p0 [hbm:s0], s1  }
0x1dd: {  	s0 =	simm.s32 @!p0 $0x3  }
0x1de: {  	_ =	swait.ge @!p0 [sflag:s0], s1  }
0x1df: {  	s1 =	ssub.s32 @!p0 $0x0, s1;
	[sflag:s0] =	ssyncset.done @!p0 $0x0  }
0x1e0: {  	[sflag:s0] =	ssyncadd.s32 @!p0 s1  }
0x1e1: {  	[bflag:$0x3] =	sbarrier.arrive $0xFFFF  }
0x1e2: {  	_ =	shalt  }

</sc_bundles>
